<compile_context>
chip_gen: v7x
topology: tpu7x:2x2x1
jax: 0.10.2.dev20260603
libtpu: 0.0.44.dev20260713+nightly
codegen_flags: <defaults>
</compile_context>

<pallas_src>
import functools

import jax
import jax.numpy as jnp
from jax import lax
from jax.experimental import pallas as pl
from jax.experimental.pallas import tpu as pltpu
from jax.experimental.pallas import tpu_sc as plsc

_NC = 2
_NS = 16
_NW = _NC * _NS
_LANES = 16

_GCHUNK = 128


def _pool_kernel_body(B, L, E, CB, U, x_hbm, table_hbm, pooled_hbm,
                      idx_v, rows_v, pooled_v, sem0, sem1):
  b_per_w = B // _NW
  n_chunks = b_per_w // CB
  n_idx = CB * L
  sizes = []
  off = 0
  while off < L:
    sizes.append(min(_GCHUNK, L - off))
    off += _GCHUNK
  sems = (sem0, sem1)

  wid = lax.axis_index("s") * _NC + lax.axis_index("c")
  base_row = wid * b_per_w

  def load_idx(c, buf):
    pltpu.sync_copy(x_hbm.at[pl.ds(base_row + c * CB, CB)],
                    idx_v.at[buf])

  def fire(buf):
    for e in range(CB):
      o = 0
      for sz in sizes:
        pltpu.async_copy(
            table_hbm.at[idx_v.at[buf, e, pl.ds(o, sz)]],
            rows_v.at[buf, pl.ds(e * L + o, sz)],
            sems[buf],
        )
        o += sz

  def wait(buf):
    pltpu.make_async_copy(
        table_hbm.at[pl.ds(0, n_idx)], rows_v.at[buf], sems[buf]).wait()

  def accumulate(buf, c):
    for e in range(CB):
      row0 = e * L

      def acc_body(i, acc):
        a0, a1, c0, c1 = acc
        r = row0 + i * U
        for u in range(0, U, 2):
          a0 = a0 + rows_v[buf, r + u, pl.ds(0, _LANES)]
          a1 = a1 + rows_v[buf, r + u, pl.ds(_LANES, _LANES)]
          c0 = c0 + rows_v[buf, r + u + 1, pl.ds(0, _LANES)]
          c1 = c1 + rows_v[buf, r + u + 1, pl.ds(_LANES, _LANES)]
        return a0, a1, c0, c1

      z = jnp.zeros((_LANES,), jnp.float32)
      a0, a1, c0, c1 = lax.fori_loop(0, L // U, acc_body, (z, z, z, z))
      pout = c * CB + e
      pooled_v[pout, pl.ds(0, _LANES)] = a0 + c0
      pooled_v[pout, pl.ds(_LANES, _LANES)] = a1 + c1

  n2 = n_chunks // 2
  load_idx(0, 0)
  fire(0)

  def body2(i, carry):
    load_idx(2 * i + 1, 1)
    fire(1)
    wait(0)
    accumulate(0, 2 * i)

    @pl.when(i < n2 - 1)
    def _():
      load_idx(2 * i + 2, 0)
      fire(0)

    wait(1)
    accumulate(1, 2 * i + 1)
    return carry

  lax.fori_loop(0, n2, body2, 0)
  pltpu.sync_copy(pooled_v, pooled_hbm.at[pl.ds(base_row, b_per_w)])


def _make_pool_kernel(B, L, E, CB=8, U=8):
  b_per_w = B // _NW
  mesh = plsc.VectorSubcoreMesh(
      core_axis_name="c", subcore_axis_name="s",
      num_cores=_NC, num_subcores=_NS)
  return pl.kernel(
      functools.partial(_pool_kernel_body, B, L, E, CB, U),
      out_type=jax.ShapeDtypeStruct((B, E), jnp.float32),
      mesh=mesh,
      scratch_types=[
          pltpu.VMEM((2, CB, L), jnp.int32),
          pltpu.VMEM((2, CB * L, E), jnp.float32),
          pltpu.VMEM((b_per_w, E), jnp.float32),
          pltpu.SemaphoreType.DMA,
          pltpu.SemaphoreType.DMA,
      ],
      compiler_params=pltpu.CompilerParams(use_tc_tiling_on_sc=False),
      name="sc_embed_pool",
  )


def _mlp_body(inv_l, p_ref, w1_ref, b1_ref, w2_ref, b2_ref, o_ref):
  p = p_ref[...] * inv_l
  h = jnp.maximum(
      jnp.dot(p, w1_ref[...], preferred_element_type=jnp.float32)
      + b1_ref[...], 0.0)
  o_ref[...] = (
      jnp.dot(h, w2_ref[...], preferred_element_type=jnp.float32)
      + b2_ref[...])


def kernel(x, table, W1, b1, W2, b2):
  B, L = x.shape
  H = W1.shape[1]
  O = W2.shape[1]
  E = table.shape[1]

  pooled = _make_pool_kernel(B, L, E)(x, table)

  mlp = pl.pallas_call(
      functools.partial(_mlp_body, 1.0 / L),
      out_shape=jax.ShapeDtypeStruct((B, O), jnp.float32),
  )
  return mlp(pooled, W1, b1.reshape(1, H), W2, b2.reshape(1, O))

# --- scband reference (transcript-rebuilt; emitter-appended) ---
"""Pipeline reference for scband-embedding-model-90950227460497 (READ-ONLY COPY).

The authoritative reference and input builder live on the scoring server;
editing this copy changes nothing except your own understanding.
"""

import jax, jax.numpy as jnp
import numpy as np

VOCAB = 1000000
EMBED = 32
HIDDEN = 64
OUT = 1
BATCH = 16384
HIST = 200

def setup_inputs(seed: int = 0) -> dict:
    key = jax.random.key(seed)
    k_idx, k_tab, k_w1, k_b1, k_w2, k_b2 = jax.random.split(key, 6)
    x = jax.random.randint(k_idx, (BATCH, HIST), 0, VOCAB, dtype=jnp.int64 if jax.config.jax_enable_x64 else jnp.int32)
    table = jax.random.normal(k_tab, (VOCAB, EMBED), dtype=jnp.float32)
    W1 = jax.random.normal(k_w1, (EMBED, HIDDEN), dtype=jnp.float32) * (1.0 / np.sqrt(EMBED))
    b1 = jax.random.normal(k_b1, (HIDDEN,), dtype=jnp.float32) * 0.01
    W2 = jax.random.normal(k_w2, (HIDDEN, OUT), dtype=jnp.float32) * (1.0 / np.sqrt(HIDDEN))
    b2 = jax.random.normal(k_b2, (OUT,), dtype=jnp.float32) * 0.01
    return {"x": x, "table": table, "W1": W1, "b1": b1, "W2": W2, "b2": b2}

def reference(x, table, W1, b1, W2, b2):
    # embedding lookup (gather)
    emb = jnp.take(table, x, axis=0)            # [B, L, E]
    pooled = jnp.mean(emb, axis=1)              # [B, E]
    h = jax.nn.relu(pooled @ W1 + b1)           # [B, H]
    out = h @ W2 + b2                           # [B, O]
    return out

if __name__ == "__main__":
    import jax
    _d = setup_inputs()
    print(jax.jit(kernel)(*tuple(_d.values())))

</pallas_src>

<mosaic_0001>
#map = affine_map<(d0, d1) -> (0, 0)>
module attributes {stable_mosaic.version = 14 : i64} {
  func.func @sc_embed_pool(%arg0: i32, %arg1: i32, %arg2: memref<16384x200xi32, #tpu.memory_space<hbm>>, %arg3: memref<1000000x32xf32, #tpu.memory_space<hbm>>, %arg4: memref<16384x32xf32, #tpu.memory_space<hbm>>, %arg5: memref<2x8x200xi32, #tpu.memory_space<vmem>>, %arg6: memref<2x1600x32xf32, #tpu.memory_space<vmem>>, %arg7: memref<512x32xf32, #tpu.memory_space<vmem>>, %arg8: memref<!tpu.dma_semaphore, #tpu.memory_space<semaphore_mem>>, %arg9: memref<!tpu.dma_semaphore, #tpu.memory_space<semaphore_mem>>) attributes {dimension_semantics = [#tpu.dimension_semantics<core_parallel>, #tpu.dimension_semantics<subcore_parallel>], iteration_bounds = array<i64: 2, 16>, scalar_prefetch = 0 : i64, scratch_operands = 5 : i64, tpu.core_type = #tpu.core_type<sc_vector_subcore>, window_params = [{transform_indices = #map}, {transform_indices = #map}, {transform_indices = #map}]} {
    %mul3A = arith.constant 2 : i32
    %mul3A_0 = arith.muli %arg1, %mul3A : i32
    %add3A = arith.addi %mul3A_0, %arg0 : i32
    %mul3A_1 = arith.constant 512 : i32
    %mul3A_2 = arith.muli %add3A, %mul3A_1 : i32
    %add3A_3 = arith.constant 0 : i32
    %add3A_4 = arith.addi %mul3A_2, %add3A_3 : i32
    %run_scoped3A = arith.constant 0 : i32
    "tpu.region"() ({
      %run_scoped3A_217 = tpu.sem_alloc : memref<!tpu.dma_semaphore, #tpu.memory_space<semaphore_mem>>
      %dma_start3A_218 = arith.constant 0 : i32
      %dma_start3A_219 = arith.constant 0 : i32
      %dma_start3A_220 = tpu.memref_slice %arg5[%run_scoped3A, %dma_start3A_218, %dma_start3A_219] : memref<2x8x200xi32, #tpu.memory_space<vmem>> -> memref<1x8x200xi32, #tpu.memory_space<vmem>>
      %dma_start3A_221 = tpu.memref_squeeze %dma_start3A_220 : memref<1x8x200xi32, #tpu.memory_space<vmem>> -> memref<8x200xi32, #tpu.memory_space<vmem>>
      %dma_start3A_222 = arith.constant 0 : i32
      %dma_start3A_223 = tpu.memref_slice %arg2[%add3A_4, %dma_start3A_222] : memref<16384x200xi32, #tpu.memory_space<hbm>> -> memref<8x200xi32, #tpu.memory_space<hbm>>
      %dma_start3A_224 = arith.constant 0 : i32
      %dma_start3A_225 = arith.constant 0 : i32
      %dma_start3A_226 = tpu.memref_slice %arg5[%run_scoped3A, %dma_start3A_224, %dma_start3A_225] : memref<2x8x200xi32, #tpu.memory_space<vmem>> -> memref<1x8x200xi32, #tpu.memory_space<vmem>>
      %dma_start3A_227 = tpu.memref_squeeze %dma_start3A_226 : memref<1x8x200xi32, #tpu.memory_space<vmem>> -> memref<8x200xi32, #tpu.memory_space<vmem>>
      %dma_start3A_228 = arith.constant 0 : i32
      %dma_start3A_229 = tpu.memref_slice %arg2[%add3A_4, %dma_start3A_228] : memref<16384x200xi32, #tpu.memory_space<hbm>> -> memref<8x200xi32, #tpu.memory_space<hbm>>
      tpu.enqueue_dma source(%dma_start3A_229 : memref<8x200xi32, #tpu.memory_space<hbm>>) target(%dma_start3A_227 : memref<8x200xi32, #tpu.memory_space<vmem>>) target_semaphore(%run_scoped3A_217 : memref<!tpu.dma_semaphore, #tpu.memory_space<semaphore_mem>>)
      %dma_wait3A = arith.constant 0 : i32
      %dma_wait3A_230 = arith.constant 0 : i32
      %dma_wait3A_231 = tpu.memref_slice %arg5[%run_scoped3A, %dma_wait3A, %dma_wait3A_230] : memref<2x8x200xi32, #tpu.memory_space<vmem>> -> memref<1x8x200xi32, #tpu.memory_space<vmem>>
      %dma_wait3A_232 = tpu.memref_squeeze %dma_wait3A_231 : memref<1x8x200xi32, #tpu.memory_space<vmem>> -> memref<8x200xi32, #tpu.memory_space<vmem>>
      %dma_wait3A_233 = arith.constant 0 : i32
      %dma_wait3A_234 = tpu.memref_slice %arg2[%add3A_4, %dma_wait3A_233] : memref<16384x200xi32, #tpu.memory_space<hbm>> -> memref<8x200xi32, #tpu.memory_space<hbm>>
      %dma_wait3A_235 = arith.constant 0 : i32
      %dma_wait3A_236 = arith.constant 0 : i32
      %dma_wait3A_237 = tpu.memref_slice %arg5[%run_scoped3A, %dma_wait3A_235, %dma_wait3A_236] : memref<2x8x200xi32, #tpu.memory_space<vmem>> -> memref<1x8x200xi32, #tpu.memory_space<vmem>>
      %dma_wait3A_238 = tpu.memref_squeeze %dma_wait3A_237 : memref<1x8x200xi32, #tpu.memory_space<vmem>> -> memref<8x200xi32, #tpu.memory_space<vmem>>
      %dma_wait3A_239 = arith.constant 0 : i32
      %dma_wait3A_240 = tpu.memref_slice %arg2[%add3A_4, %dma_wait3A_239] : memref<16384x200xi32, #tpu.memory_space<hbm>> -> memref<8x200xi32, #tpu.memory_space<hbm>>
      tpu.wait_dma2 semaphore(%run_scoped3A_217 : memref<!tpu.dma_semaphore, #tpu.memory_space<semaphore_mem>>) src(%dma_wait3A_240 : memref<8x200xi32, #tpu.memory_space<hbm>>) dst(%dma_wait3A_238 : memref<8x200xi32, #tpu.memory_space<vmem>>)
      tpu.yield
    }) : () -> ()
    %dma_start3A = arith.constant 0 : i32
    %dma_start3A_5 = arith.constant 0 : i32
    %dma_start3A_6 = arith.constant 0 : i32
    %dma_start3A_7 = arith.constant 0 : i32
    %dma_start3A_8 = arith.constant 0 : i32
    %dma_start3A_9 = tpu.memref_slice %arg6[%dma_start3A_6, %dma_start3A_7, %dma_start3A_8] : memref<2x1600x32xf32, #tpu.memory_space<vmem>> -> memref<1x128x32xf32, #tpu.memory_space<vmem>>
    %dma_start3A_10 = tpu.memref_squeeze %dma_start3A_9 : memref<1x128x32xf32, #tpu.memory_space<vmem>> -> memref<128x32xf32, #tpu.memory_space<vmem>>
    %dma_start3A_11 = arith.constant 0 : i32
    %dma_start3A_12 = tpu.memref_slice %arg5[%dma_start3A, %dma_start3A_5, %dma_start3A_11] : memref<2x8x200xi32, #tpu.memory_space<vmem>> -> memref<1x1x128xi32, #tpu.memory_space<vmem>>
    %dma_start3A_13 = tpu.memref_squeeze %dma_start3A_12 : memref<1x1x128xi32, #tpu.memory_space<vmem>> -> memref<128xi32, #tpu.memory_space<vmem>>
    %dma_start3A_14 = arith.constant 0 : i32
    %dma_start3A_15 = arith.constant 0 : i32
    %dma_start3A_16 = tpu.memref_slice %arg3[%dma_start3A_14, %dma_start3A_15] : memref<1000000x32xf32, #tpu.memory_space<hbm>> -> memref<1000000x32xf32, #tpu.memory_space<hbm>>
    tpu.enqueue_indirect_dma source(%dma_start3A_16 : memref<1000000x32xf32, #tpu.memory_space<hbm>>) target(%dma_start3A_10 : memref<128x32xf32, #tpu.memory_space<vmem>>) offsets(%dma_start3A_13 : memref<128xi32, #tpu.memory_space<vmem>>) semaphore(%arg8 : memref<!tpu.dma_semaphore, #tpu.memory_space<semaphore_mem>>)
    %dma_start3A_17 = arith.constant 0 : i32
    %dma_start3A_18 = arith.constant 0 : i32
    %dma_start3A_19 = arith.constant 0 : i32
    %dma_start3A_20 = arith.constant 128 : i32
    %dma_start3A_21 = arith.constant 0 : i32
    %dma_start3A_22 = tpu.memref_slice %arg6[%dma_start3A_19, %dma_start3A_20, %dma_start3A_21] : memref<2x1600x32xf32, #tpu.memory_space<vmem>> -> memref<1x72x32xf32, #tpu.memory_space<vmem>>
    %dma_start3A_23 = tpu.memref_squeeze %dma_start3A_22 : memref<1x72x32xf32, #tpu.memory_space<vmem>> -> memref<72x32xf32, #tpu.memory_space<vmem>>
    %dma_start3A_24 = arith.constant 128 : i32
    %dma_start3A_25 = tpu.memref_slice %arg5[%dma_start3A_17, %dma_start3A_18, %dma_start3A_24] : memref<2x8x200xi32, #tpu.memory_space<vmem>> -> memref<1x1x72xi32, #tpu.memory_space<vmem>>
    %dma_start3A_26 = tpu.memref_squeeze %dma_start3A_25 : memref<1x1x72xi32, #tpu.memory_space<vmem>> -> memref<72xi32, #tpu.memory_space<vmem>>
    %dma_start3A_27 = arith.constant 0 : i32
    %dma_start3A_28 = arith.constant 0 : i32
    %dma_start3A_29 = tpu.memref_slice %arg3[%dma_start3A_27, %dma_start3A_28] : memref<1000000x32xf32, #tpu.memory_space<hbm>> -> memref<1000000x32xf32, #tpu.memory_space<hbm>>
    tpu.enqueue_indirect_dma source(%dma_start3A_29 : memref<1000000x32xf32, #tpu.memory_space<hbm>>) target(%dma_start3A_23 : memref<72x32xf32, #tpu.memory_space<vmem>>) offsets(%dma_start3A_26 : memref<72xi32, #tpu.memory_space<vmem>>) semaphore(%arg8 : memref<!tpu.dma_semaphore, #tpu.memory_space<semaphore_mem>>)
    %dma_start3A_30 = arith.constant 0 : i32
    %dma_start3A_31 = arith.constant 1 : i32
    %dma_start3A_32 = arith.constant 0 : i32
    %dma_start3A_33 = arith.constant 200 : i32
    %dma_start3A_34 = arith.constant 0 : i32
    %dma_start3A_35 = tpu.memref_slice %arg6[%dma_start3A_32, %dma_start3A_33, %dma_start3A_34] : memref<2x1600x32xf32, #tpu.memory_space<vmem>> -> memref<1x128x32xf32, #tpu.memory_space<vmem>>
    %dma_start3A_36 = tpu.memref_squeeze %dma_start3A_35 : memref<1x128x32xf32, #tpu.memory_space<vmem>> -> memref<128x32xf32, #tpu.memory_space<vmem>>
    %dma_start3A_37 = arith.constant 0 : i32
    %dma_start3A_38 = tpu.memref_slice %arg5[%dma_start3A_30, %dma_start3A_31, %dma_start3A_37] : memref<2x8x200xi32, #tpu.memory_space<vmem>> -> memref<1x1x128xi32, #tpu.memory_space<vmem>>
    %dma_start3A_39 = tpu.memref_squeeze %dma_start3A_38 : memref<1x1x128xi32, #tpu.memory_space<vmem>> -> memref<128xi32, #tpu.memory_space<vmem>>
    %dma_start3A_40 = arith.constant 0 : i32
    %dma_start3A_41 = arith.constant 0 : i32
    %dma_start3A_42 = tpu.memref_slice %arg3[%dma_start3A_40, %dma_start3A_41] : memref<1000000x32xf32, #tpu.memory_space<hbm>> -> memref<1000000x32xf32, #tpu.memory_space<hbm>>
    tpu.enqueue_indirect_dma source(%dma_start3A_42 : memref<1000000x32xf32, #tpu.memory_space<hbm>>) target(%dma_start3A_36 : memref<128x32xf32, #tpu.memory_space<vmem>>) offsets(%dma_start3A_39 : memref<128xi32, #tpu.memory_space<vmem>>) semaphore(%arg8 : memref<!tpu.dma_semaphore, #tpu.memory_space<semaphore_mem>>)
    %dma_start3A_43 = arith.constant 0 : i32
    %dma_start3A_44 = arith.constant 1 : i32
    %dma_start3A_45 = arith.constant 0 : i32
    %dma_start3A_46 = arith.constant 328 : i32
    %dma_start3A_47 = arith.constant 0 : i32
    %dma_start3A_48 = tpu.memref_slice %arg6[%dma_start3A_45, %dma_start3A_46, %dma_start3A_47] : memref<2x1600x32xf32, #tpu.memory_space<vmem>> -> memref<1x72x32xf32, #tpu.memory_space<vmem>>
    %dma_start3A_49 = tpu.memref_squeeze %dma_start3A_48 : memref<1x72x32xf32, #tpu.memory_space<vmem>> -> memref<72x32xf32, #tpu.memory_space<vmem>>
    %dma_start3A_50 = arith.constant 128 : i32
    %dma_start3A_51 = tpu.memref_slice %arg5[%dma_start3A_43, %dma_start3A_44, %dma_start3A_50] : memref<2x8x200xi32, #tpu.memory_space<vmem>> -> memref<1x1x72xi32, #tpu.memory_space<vmem>>
    %dma_start3A_52 = tpu.memref_squeeze %dma_start3A_51 : memref<1x1x72xi32, #tpu.memory_space<vmem>> -> memref<72xi32, #tpu.memory_space<vmem>>
    %dma_start3A_53 = arith.constant 0 : i32
    %dma_start3A_54 = arith.constant 0 : i32
    %dma_start3A_55 = tpu.memref_slice %arg3[%dma_start3A_53, %dma_start3A_54] : memref<1000000x32xf32, #tpu.memory_space<hbm>> -> memref<1000000x32xf32, #tpu.memory_space<hbm>>
    tpu.enqueue_indirect_dma source(%dma_start3A_55 : memref<1000000x32xf32, #tpu.memory_space<hbm>>) target(%dma_start3A_49 : memref<72x32xf32, #tpu.memory_space<vmem>>) offsets(%dma_start3A_52 : memref<72xi32, #tpu.memory_space<vmem>>) semaphore(%arg8 : memref<!tpu.dma_semaphore, #tpu.memory_space<semaphore_mem>>)
    %dma_start3A_56 = arith.constant 0 : i32
    %dma_start3A_57 = arith.constant 2 : i32
    %dma_start3A_58 = arith.constant 0 : i32
    %dma_start3A_59 = arith.constant 400 : i32
    %dma_start3A_60 = arith.constant 0 : i32
    %dma_start3A_61 = tpu.memref_slice %arg6[%dma_start3A_58, %dma_start3A_59, %dma_start3A_60] : memref<2x1600x32xf32, #tpu.memory_space<vmem>> -> memref<1x128x32xf32, #tpu.memory_space<vmem>>
    %dma_start3A_62 = tpu.memref_squeeze %dma_start3A_61 : memref<1x128x32xf32, #tpu.memory_space<vmem>> -> memref<128x32xf32, #tpu.memory_space<vmem>>
    %dma_start3A_63 = arith.constant 0 : i32
    %dma_start3A_64 = tpu.memref_slice %arg5[%dma_start3A_56, %dma_start3A_57, %dma_start3A_63] : memref<2x8x200xi32, #tpu.memory_space<vmem>> -> memref<1x1x128xi32, #tpu.memory_space<vmem>>
    %dma_start3A_65 = tpu.memref_squeeze %dma_start3A_64 : memref<1x1x128xi32, #tpu.memory_space<vmem>> -> memref<128xi32, #tpu.memory_space<vmem>>
    %dma_start3A_66 = arith.constant 0 : i32
    %dma_start3A_67 = arith.constant 0 : i32
    %dma_start3A_68 = tpu.memref_slice %arg3[%dma_start3A_66, %dma_start3A_67] : memref<1000000x32xf32, #tpu.memory_space<hbm>> -> memref<1000000x32xf32, #tpu.memory_space<hbm>>
    tpu.enqueue_indirect_dma source(%dma_start3A_68 : memref<1000000x32xf32, #tpu.memory_space<hbm>>) target(%dma_start3A_62 : memref<128x32xf32, #tpu.memory_space<vmem>>) offsets(%dma_start3A_65 : memref<128xi32, #tpu.memory_space<vmem>>) semaphore(%arg8 : memref<!tpu.dma_semaphore, #tpu.memory_space<semaphore_mem>>)
    %dma_start3A_69 = arith.constant 0 : i32
    %dma_start3A_70 = arith.constant 2 : i32
    %dma_start3A_71 = arith.constant 0 : i32
    %dma_start3A_72 = arith.constant 528 : i32
    %dma_start3A_73 = arith.constant 0 : i32
    %dma_start3A_74 = tpu.memref_slice %arg6[%dma_start3A_71, %dma_start3A_72, %dma_start3A_73] : memref<2x1600x32xf32, #tpu.memory_space<vmem>> -> memref<1x72x32xf32, #tpu.memory_space<vmem>>
    %dma_start3A_75 = tpu.memref_squeeze %dma_start3A_74 : memref<1x72x32xf32, #tpu.memory_space<vmem>> -> memref<72x32xf32, #tpu.memory_space<vmem>>
    %dma_start3A_76 = arith.constant 128 : i32
    %dma_start3A_77 = tpu.memref_slice %arg5[%dma_start3A_69, %dma_start3A_70, %dma_start3A_76] : memref<2x8x200xi32, #tpu.memory_space<vmem>> -> memref<1x1x72xi32, #tpu.memory_space<vmem>>
    %dma_start3A_78 = tpu.memref_squeeze %dma_start3A_77 : memref<1x1x72xi32, #tpu.memory_space<vmem>> -> memref<72xi32, #tpu.memory_space<vmem>>
    %dma_start3A_79 = arith.constant 0 : i32
    %dma_start3A_80 = arith.constant 0 : i32
    %dma_start3A_81 = tpu.memref_slice %arg3[%dma_start3A_79, %dma_start3A_80] : memref<1000000x32xf32, #tpu.memory_space<hbm>> -> memref<1000000x32xf32, #tpu.memory_space<hbm>>
    tpu.enqueue_indirect_dma source(%dma_start3A_81 : memref<1000000x32xf32, #tpu.memory_space<hbm>>) target(%dma_start3A_75 : memref<72x32xf32, #tpu.memory_space<vmem>>) offsets(%dma_start3A_78 : memref<72xi32, #tpu.memory_space<vmem>>) semaphore(%arg8 : memref<!tpu.dma_semaphore, #tpu.memory_space<semaphore_mem>>)
    %dma_start3A_82 = arith.constant 0 : i32
    %dma_start3A_83 = arith.constant 3 : i32
    %dma_start3A_84 = arith.constant 0 : i32
    %dma_start3A_85 = arith.constant 600 : i32
    %dma_start3A_86 = arith.constant 0 : i32
    %dma_start3A_87 = tpu.memref_slice %arg6[%dma_start3A_84, %dma_start3A_85, %dma_start3A_86] : memref<2x1600x32xf32, #tpu.memory_space<vmem>> -> memref<1x128x32xf32, #tpu.memory_space<vmem>>
    %dma_start3A_88 = tpu.memref_squeeze %dma_start3A_87 : memref<1x128x32xf32, #tpu.memory_space<vmem>> -> memref<128x32xf32, #tpu.memory_space<vmem>>
    %dma_start3A_89 = arith.constant 0 : i32
    %dma_start3A_90 = tpu.memref_slice %arg5[%dma_start3A_82, %dma_start3A_83, %dma_start3A_89] : memref<2x8x200xi32, #tpu.memory_space<vmem>> -> memref<1x1x128xi32, #tpu.memory_space<vmem>>
    %dma_start3A_91 = tpu.memref_squeeze %dma_start3A_90 : memref<1x1x128xi32, #tpu.memory_space<vmem>> -> memref<128xi32, #tpu.memory_space<vmem>>
    %dma_start3A_92 = arith.constant 0 : i32
    %dma_start3A_93 = arith.constant 0 : i32
    %dma_start3A_94 = tpu.memref_slice %arg3[%dma_start3A_92, %dma_start3A_93] : memref<1000000x32xf32, #tpu.memory_space<hbm>> -> memref<1000000x32xf32, #tpu.memory_space<hbm>>
    tpu.enqueue_indirect_dma source(%dma_start3A_94 : memref<1000000x32xf32, #tpu.memory_space<hbm>>) target(%dma_start3A_88 : memref<128x32xf32, #tpu.memory_space<vmem>>) offsets(%dma_start3A_91 : memref<128xi32, #tpu.memory_space<vmem>>) semaphore(%arg8 : memref<!tpu.dma_semaphore, #tpu.memory_space<semaphore_mem>>)
    %dma_start3A_95 = arith.constant 0 : i32
    %dma_start3A_96 = arith.constant 3 : i32
    %dma_start3A_97 = arith.constant 0 : i32
    %dma_start3A_98 = arith.constant 728 : i32
    %dma_start3A_99 = arith.constant 0 : i32
    %dma_start3A_100 = tpu.memref_slice %arg6[%dma_start3A_97, %dma_start3A_98, %dma_start3A_99] : memref<2x1600x32xf32, #tpu.memory_space<vmem>> -> memref<1x72x32xf32, #tpu.memory_space<vmem>>
    %dma_start3A_101 = tpu.memref_squeeze %dma_start3A_100 : memref<1x72x32xf32, #tpu.memory_space<vmem>> -> memref<72x32xf32, #tpu.memory_space<vmem>>
    %dma_start3A_102 = arith.constant 128 : i32
    %dma_start3A_103 = tpu.memref_slice %arg5[%dma_start3A_95, %dma_start3A_96, %dma_start3A_102] : memref<2x8x200xi32, #tpu.memory_space<vmem>> -> memref<1x1x72xi32, #tpu.memory_space<vmem>>
    %dma_start3A_104 = tpu.memref_squeeze %dma_start3A_103 : memref<1x1x72xi32, #tpu.memory_space<vmem>> -> memref<72xi32, #tpu.memory_space<vmem>>
    %dma_start3A_105 = arith.constant 0 : i32
    %dma_start3A_106 = arith.constant 0 : i32
    %dma_start3A_107 = tpu.memref_slice %arg3[%dma_start3A_105, %dma_start3A_106] : memref<1000000x32xf32, #tpu.memory_space<hbm>> -> memref<1000000x32xf32, #tpu.memory_space<hbm>>
    tpu.enqueue_indirect_dma source(%dma_start3A_107 : memref<1000000x32xf32, #tpu.memory_space<hbm>>) target(%dma_start3A_101 : memref<72x32xf32, #tpu.memory_space<vmem>>) offsets(%dma_start3A_104 : memref<72xi32, #tpu.memory_space<vmem>>) semaphore(%arg8 : memref<!tpu.dma_semaphore, #tpu.memory_space<semaphore_mem>>)
    %dma_start3A_108 = arith.constant 0 : i32
    %dma_start3A_109 = arith.constant 4 : i32
    %dma_start3A_110 = arith.constant 0 : i32
    %dma_start3A_111 = arith.constant 800 : i32
    %dma_start3A_112 = arith.constant 0 : i32
    %dma_start3A_113 = tpu.memref_slice %arg6[%dma_start3A_110, %dma_start3A_111, %dma_start3A_112] : memref<2x1600x32xf32, #tpu.memory_space<vmem>> -> memref<1x128x32xf32, #tpu.memory_space<vmem>>
    %dma_start3A_114 = tpu.memref_squeeze %dma_start3A_113 : memref<1x128x32xf32, #tpu.memory_space<vmem>> -> memref<128x32xf32, #tpu.memory_space<vmem>>
    %dma_start3A_115 = arith.constant 0 : i32
    %dma_start3A_116 = tpu.memref_slice %arg5[%dma_start3A_108, %dma_start3A_109, %dma_start3A_115] : memref<2x8x200xi32, #tpu.memory_space<vmem>> -> memref<1x1x128xi32, #tpu.memory_space<vmem>>
    %dma_start3A_117 = tpu.memref_squeeze %dma_start3A_116 : memref<1x1x128xi32, #tpu.memory_space<vmem>> -> memref<128xi32, #tpu.memory_space<vmem>>
    %dma_start3A_118 = arith.constant 0 : i32
    %dma_start3A_119 = arith.constant 0 : i32
    %dma_start3A_120 = tpu.memref_slice %arg3[%dma_start3A_118, %dma_start3A_119] : memref<1000000x32xf32, #tpu.memory_space<hbm>> -> memref<1000000x32xf32, #tpu.memory_space<hbm>>
    tpu.enqueue_indirect_dma source(%dma_start3A_120 : memref<1000000x32xf32, #tpu.memory_space<hbm>>) target(%dma_start3A_114 : memref<128x32xf32, #tpu.memory_space<vmem>>) offsets(%dma_start3A_117 : memref<128xi32, #tpu.memory_space<vmem>>) semaphore(%arg8 : memref<!tpu.dma_semaphore, #tpu.memory_space<semaphore_mem>>)
    %dma_start3A_121 = arith.constant 0 : i32
    %dma_start3A_122 = arith.constant 4 : i32
    %dma_start3A_123 = arith.constant 0 : i32
    %dma_start3A_124 = arith.constant 928 : i32
    %dma_start3A_125 = arith.constant 0 : i32
    %dma_start3A_126 = tpu.memref_slice %arg6[%dma_start3A_123, %dma_start3A_124, %dma_start3A_125] : memref<2x1600x32xf32, #tpu.memory_space<vmem>> -> memref<1x72x32xf32, #tpu.memory_space<vmem>>
    %dma_start3A_127 = tpu.memref_squeeze %dma_start3A_126 : memref<1x72x32xf32, #tpu.memory_space<vmem>> -> memref<72x32xf32, #tpu.memory_space<vmem>>
    %dma_start3A_128 = arith.constant 128 : i32
    %dma_start3A_129 = tpu.memref_slice %arg5[%dma_start3A_121, %dma_start3A_122, %dma_start3A_128] : memref<2x8x200xi32, #tpu.memory_space<vmem>> -> memref<1x1x72xi32, #tpu.memory_space<vmem>>
    %dma_start3A_130 = tpu.memref_squeeze %dma_start3A_129 : memref<1x1x72xi32, #tpu.memory_space<vmem>> -> memref<72xi32, #tpu.memory_space<vmem>>
    %dma_start3A_131 = arith.constant 0 : i32
    %dma_start3A_132 = arith.constant 0 : i32
    %dma_start3A_133 = tpu.memref_slice %arg3[%dma_start3A_131, %dma_start3A_132] : memref<1000000x32xf32, #tpu.memory_space<hbm>> -> memref<1000000x32xf32, #tpu.memory_space<hbm>>
    tpu.enqueue_indirect_dma source(%dma_start3A_133 : memref<1000000x32xf32, #tpu.memory_space<hbm>>) target(%dma_start3A_127 : memref<72x32xf32, #tpu.memory_space<vmem>>) offsets(%dma_start3A_130 : memref<72xi32, #tpu.memory_space<vmem>>) semaphore(%arg8 : memref<!tpu.dma_semaphore, #tpu.memory_space<semaphore_mem>>)
    %dma_start3A_134 = arith.constant 0 : i32
    %dma_start3A_135 = arith.constant 5 : i32
    %dma_start3A_136 = arith.constant 0 : i32
    %dma_start3A_137 = arith.constant 1000 : i32
    %dma_start3A_138 = arith.constant 0 : i32
    %dma_start3A_139 = tpu.memref_slice %arg6[%dma_start3A_136, %dma_start3A_137, %dma_start3A_138] : memref<2x1600x32xf32, #tpu.memory_space<vmem>> -> memref<1x128x32xf32, #tpu.memory_space<vmem>>
    %dma_start3A_140 = tpu.memref_squeeze %dma_start3A_139 : memref<1x128x32xf32, #tpu.memory_space<vmem>> -> memref<128x32xf32, #tpu.memory_space<vmem>>
    %dma_start3A_141 = arith.constant 0 : i32
    %dma_start3A_142 = tpu.memref_slice %arg5[%dma_start3A_134, %dma_start3A_135, %dma_start3A_141] : memref<2x8x200xi32, #tpu.memory_space<vmem>> -> memref<1x1x128xi32, #tpu.memory_space<vmem>>
    %dma_start3A_143 = tpu.memref_squeeze %dma_start3A_142 : memref<1x1x128xi32, #tpu.memory_space<vmem>> -> memref<128xi32, #tpu.memory_space<vmem>>
    %dma_start3A_144 = arith.constant 0 : i32
    %dma_start3A_145 = arith.constant 0 : i32
    %dma_start3A_146 = tpu.memref_slice %arg3[%dma_start3A_144, %dma_start3A_145] : memref<1000000x32xf32, #tpu.memory_space<hbm>> -> memref<1000000x32xf32, #tpu.memory_space<hbm>>
    tpu.enqueue_indirect_dma source(%dma_start3A_146 : memref<1000000x32xf32, #tpu.memory_space<hbm>>) target(%dma_start3A_140 : memref<128x32xf32, #tpu.memory_space<vmem>>) offsets(%dma_start3A_143 : memref<128xi32, #tpu.memory_space<vmem>>) semaphore(%arg8 : memref<!tpu.dma_semaphore, #tpu.memory_space<semaphore_mem>>)
    %dma_start3A_147 = arith.constant 0 : i32
    %dma_start3A_148 = arith.constant 5 : i32
    %dma_start3A_149 = arith.constant 0 : i32
    %dma_start3A_150 = arith.constant 1128 : i32
    %dma_start3A_151 = arith.constant 0 : i32
    %dma_start3A_152 = tpu.memref_slice %arg6[%dma_start3A_149, %dma_start3A_150, %dma_start3A_151] : memref<2x1600x32xf32, #tpu.memory_space<vmem>> -> memref<1x72x32xf32, #tpu.memory_space<vmem>>
    %dma_start3A_153 = tpu.memref_squeeze %dma_start3A_152 : memref<1x72x32xf32, #tpu.memory_space<vmem>> -> memref<72x32xf32, #tpu.memory_space<vmem>>
    %dma_start3A_154 = arith.constant 128 : i32
    %dma_start3A_155 = tpu.memref_slice %arg5[%dma_start3A_147, %dma_start3A_148, %dma_start3A_154] : memref<2x8x200xi32, #tpu.memory_space<vmem>> -> memref<1x1x72xi32, #tpu.memory_space<vmem>>
    %dma_start3A_156 = tpu.memref_squeeze %dma_start3A_155 : memref<1x1x72xi32, #tpu.memory_space<vmem>> -> memref<72xi32, #tpu.memory_space<vmem>>
    %dma_start3A_157 = arith.constant 0 : i32
    %dma_start3A_158 = arith.constant 0 : i32
    %dma_start3A_159 = tpu.memref_slice %arg3[%dma_start3A_157, %dma_start3A_158] : memref<1000000x32xf32, #tpu.memory_space<hbm>> -> memref<1000000x32xf32, #tpu.memory_space<hbm>>
    tpu.enqueue_indirect_dma source(%dma_start3A_159 : memref<1000000x32xf32, #tpu.memory_space<hbm>>) target(%dma_start3A_153 : memref<72x32xf32, #tpu.memory_space<vmem>>) offsets(%dma_start3A_156 : memref<72xi32, #tpu.memory_space<vmem>>) semaphore(%arg8 : memref<!tpu.dma_semaphore, #tpu.memory_space<semaphore_mem>>)
    %dma_start3A_160 = arith.constant 0 : i32
    %dma_start3A_161 = arith.constant 6 : i32
    %dma_start3A_162 = arith.constant 0 : i32
    %dma_start3A_163 = arith.constant 1200 : i32
    %dma_start3A_164 = arith.constant 0 : i32
    %dma_start3A_165 = tpu.memref_slice %arg6[%dma_start3A_162, %dma_start3A_163, %dma_start3A_164] : memref<2x1600x32xf32, #tpu.memory_space<vmem>> -> memref<1x128x32xf32, #tpu.memory_space<vmem>>
    %dma_start3A_166 = tpu.memref_squeeze %dma_start3A_165 : memref<1x128x32xf32, #tpu.memory_space<vmem>> -> memref<128x32xf32, #tpu.memory_space<vmem>>
    %dma_start3A_167 = arith.constant 0 : i32
    %dma_start3A_168 = tpu.memref_slice %arg5[%dma_start3A_160, %dma_start3A_161, %dma_start3A_167] : memref<2x8x200xi32, #tpu.memory_space<vmem>> -> memref<1x1x128xi32, #tpu.memory_space<vmem>>
    %dma_start3A_169 = tpu.memref_squeeze %dma_start3A_168 : memref<1x1x128xi32, #tpu.memory_space<vmem>> -> memref<128xi32, #tpu.memory_space<vmem>>
    %dma_start3A_170 = arith.constant 0 : i32
    %dma_start3A_171 = arith.constant 0 : i32
    %dma_start3A_172 = tpu.memref_slice %arg3[%dma_start3A_170, %dma_start3A_171] : memref<1000000x32xf32, #tpu.memory_space<hbm>> -> memref<1000000x32xf32, #tpu.memory_space<hbm>>
    tpu.enqueue_indirect_dma source(%dma_start3A_172 : memref<1000000x32xf32, #tpu.memory_space<hbm>>) target(%dma_start3A_166 : memref<128x32xf32, #tpu.memory_space<vmem>>) offsets(%dma_start3A_169 : memref<128xi32, #tpu.memory_space<vmem>>) semaphore(%arg8 : memref<!tpu.dma_semaphore, #tpu.memory_space<semaphore_mem>>)
    %dma_start3A_173 = arith.constant 0 : i32
    %dma_start3A_174 = arith.constant 6 : i32
    %dma_start3A_175 = arith.constant 0 : i32
    %dma_start3A_176 = arith.constant 1328 : i32
    %dma_start3A_177 = arith.constant 0 : i32
    %dma_start3A_178 = tpu.memref_slice %arg6[%dma_start3A_175, %dma_start3A_176, %dma_start3A_177] : memref<2x1600x32xf32, #tpu.memory_space<vmem>> -> memref<1x72x32xf32, #tpu.memory_space<vmem>>
    %dma_start3A_179 = tpu.memref_squeeze %dma_start3A_178 : memref<1x72x32xf32, #tpu.memory_space<vmem>> -> memref<72x32xf32, #tpu.memory_space<vmem>>
    %dma_start3A_180 = arith.constant 128 : i32
    %dma_start3A_181 = tpu.memref_slice %arg5[%dma_start3A_173, %dma_start3A_174, %dma_start3A_180] : memref<2x8x200xi32, #tpu.memory_space<vmem>> -> memref<1x1x72xi32, #tpu.memory_space<vmem>>
    %dma_start3A_182 = tpu.memref_squeeze %dma_start3A_181 : memref<1x1x72xi32, #tpu.memory_space<vmem>> -> memref<72xi32, #tpu.memory_space<vmem>>
    %dma_start3A_183 = arith.constant 0 : i32
    %dma_start3A_184 = arith.constant 0 : i32
    %dma_start3A_185 = tpu.memref_slice %arg3[%dma_start3A_183, %dma_start3A_184] : memref<1000000x32xf32, #tpu.memory_space<hbm>> -> memref<1000000x32xf32, #tpu.memory_space<hbm>>
    tpu.enqueue_indirect_dma source(%dma_start3A_185 : memref<1000000x32xf32, #tpu.memory_space<hbm>>) target(%dma_start3A_179 : memref<72x32xf32, #tpu.memory_space<vmem>>) offsets(%dma_start3A_182 : memref<72xi32, #tpu.memory_space<vmem>>) semaphore(%arg8 : memref<!tpu.dma_semaphore, #tpu.memory_space<semaphore_mem>>)
    %dma_start3A_186 = arith.constant 0 : i32
    %dma_start3A_187 = arith.constant 7 : i32
    %dma_start3A_188 = arith.constant 0 : i32
    %dma_start3A_189 = arith.constant 1400 : i32
    %dma_start3A_190 = arith.constant 0 : i32
    %dma_start3A_191 = tpu.memref_slice %arg6[%dma_start3A_188, %dma_start3A_189, %dma_start3A_190] : memref<2x1600x32xf32, #tpu.memory_space<vmem>> -> memref<1x128x32xf32, #tpu.memory_space<vmem>>
    %dma_start3A_192 = tpu.memref_squeeze %dma_start3A_191 : memref<1x128x32xf32, #tpu.memory_space<vmem>> -> memref<128x32xf32, #tpu.memory_space<vmem>>
    %dma_start3A_193 = arith.constant 0 : i32
    %dma_start3A_194 = tpu.memref_slice %arg5[%dma_start3A_186, %dma_start3A_187, %dma_start3A_193] : memref<2x8x200xi32, #tpu.memory_space<vmem>> -> memref<1x1x128xi32, #tpu.memory_space<vmem>>
    %dma_start3A_195 = tpu.memref_squeeze %dma_start3A_194 : memref<1x1x128xi32, #tpu.memory_space<vmem>> -> memref<128xi32, #tpu.memory_space<vmem>>
    %dma_start3A_196 = arith.constant 0 : i32
    %dma_start3A_197 = arith.constant 0 : i32
    %dma_start3A_198 = tpu.memref_slice %arg3[%dma_start3A_196, %dma_start3A_197] : memref<1000000x32xf32, #tpu.memory_space<hbm>> -> memref<1000000x32xf32, #tpu.memory_space<hbm>>
    tpu.enqueue_indirect_dma source(%dma_start3A_198 : memref<1000000x32xf32, #tpu.memory_space<hbm>>) target(%dma_start3A_192 : memref<128x32xf32, #tpu.memory_space<vmem>>) offsets(%dma_start3A_195 : memref<128xi32, #tpu.memory_space<vmem>>) semaphore(%arg8 : memref<!tpu.dma_semaphore, #tpu.memory_space<semaphore_mem>>)
    %dma_start3A_199 = arith.constant 0 : i32
    %dma_start3A_200 = arith.constant 7 : i32
    %dma_start3A_201 = arith.constant 0 : i32
    %dma_start3A_202 = arith.constant 1528 : i32
    %dma_start3A_203 = arith.constant 0 : i32
    %dma_start3A_204 = tpu.memref_slice %arg6[%dma_start3A_201, %dma_start3A_202, %dma_start3A_203] : memref<2x1600x32xf32, #tpu.memory_space<vmem>> -> memref<1x72x32xf32, #tpu.memory_space<vmem>>
    %dma_start3A_205 = tpu.memref_squeeze %dma_start3A_204 : memref<1x72x32xf32, #tpu.memory_space<vmem>> -> memref<72x32xf32, #tpu.memory_space<vmem>>
    %dma_start3A_206 = arith.constant 128 : i32
    %dma_start3A_207 = tpu.memref_slice %arg5[%dma_start3A_199, %dma_start3A_200, %dma_start3A_206] : memref<2x8x200xi32, #tpu.memory_space<vmem>> -> memref<1x1x72xi32, #tpu.memory_space<vmem>>
    %dma_start3A_208 = tpu.memref_squeeze %dma_start3A_207 : memref<1x1x72xi32, #tpu.memory_space<vmem>> -> memref<72xi32, #tpu.memory_space<vmem>>
    %dma_start3A_209 = arith.constant 0 : i32
    %dma_start3A_210 = arith.constant 0 : i32
    %dma_start3A_211 = tpu.memref_slice %arg3[%dma_start3A_209, %dma_start3A_210] : memref<1000000x32xf32, #tpu.memory_space<hbm>> -> memref<1000000x32xf32, #tpu.memory_space<hbm>>
    tpu.enqueue_indirect_dma source(%dma_start3A_211 : memref<1000000x32xf32, #tpu.memory_space<hbm>>) target(%dma_start3A_205 : memref<72x32xf32, #tpu.memory_space<vmem>>) offsets(%dma_start3A_208 : memref<72xi32, #tpu.memory_space<vmem>>) semaphore(%arg8 : memref<!tpu.dma_semaphore, #tpu.memory_space<semaphore_mem>>)
    %scan3A = arith.constant 0 : i32
    %scan3A_212 = arith.constant 0 : i32
    %scan3A_213 = arith.constant 32 : i32
    %scan3A_214 = arith.addi %scan3A_212, %scan3A_213 : i32
    %scan3A_215 = arith.constant 1 : i32
    scf.for %scan3A_217 = %scan3A_212 to %scan3A_214 step %scan3A_215  : i32 {
      %mul3A_218 = arith.constant 2 : i32
      %mul3A_219 = arith.muli %mul3A_218, %scan3A_217 : i32
      %add3A_220 = arith.constant 1 : i32
      %add3A_221 = arith.addi %mul3A_219, %add3A_220 : i32
      %mul3A_222 = arith.constant 8 : i32
      %mul3A_223 = arith.muli %add3A_221, %mul3A_222 : i32
      %add3A_224 = arith.addi %mul3A_2, %mul3A_223 : i32
      %run_scoped3A_225 = arith.constant 1 : i32
      "tpu.region"() ({
        %run_scoped3A_853 = tpu.sem_alloc : memref<!tpu.dma_semaphore, #tpu.memory_space<semaphore_mem>>
        %dma_start3A_854 = arith.constant 0 : i32
        %dma_start3A_855 = arith.constant 0 : i32
        %dma_start3A_856 = tpu.memref_slice %arg5[%run_scoped3A_225, %dma_start3A_854, %dma_start3A_855] : memref<2x8x200xi32, #tpu.memory_space<vmem>> -> memref<1x8x200xi32, #tpu.memory_space<vmem>>
        %dma_start3A_857 = tpu.memref_squeeze %dma_start3A_856 : memref<1x8x200xi32, #tpu.memory_space<vmem>> -> memref<8x200xi32, #tpu.memory_space<vmem>>
        %dma_start3A_858 = arith.constant 0 : i32
        %dma_start3A_859 = tpu.memref_slice %arg2[%add3A_224, %dma_start3A_858] : memref<16384x200xi32, #tpu.memory_space<hbm>> -> memref<8x200xi32, #tpu.memory_space<hbm>>
        %dma_start3A_860 = arith.constant 0 : i32
        %dma_start3A_861 = arith.constant 0 : i32
        %dma_start3A_862 = tpu.memref_slice %arg5[%run_scoped3A_225, %dma_start3A_860, %dma_start3A_861] : memref<2x8x200xi32, #tpu.memory_space<vmem>> -> memref<1x8x200xi32, #tpu.memory_space<vmem>>
        %dma_start3A_863 = tpu.memref_squeeze %dma_start3A_862 : memref<1x8x200xi32, #tpu.memory_space<vmem>> -> memref<8x200xi32, #tpu.memory_space<vmem>>
        %dma_start3A_864 = arith.constant 0 : i32
        %dma_start3A_865 = tpu.memref_slice %arg2[%add3A_224, %dma_start3A_864] : memref<16384x200xi32, #tpu.memory_space<hbm>> -> memref<8x200xi32, #tpu.memory_space<hbm>>
        tpu.enqueue_dma source(%dma_start3A_865 : memref<8x200xi32, #tpu.memory_space<hbm>>) target(%dma_start3A_863 : memref<8x200xi32, #tpu.memory_space<vmem>>) target_semaphore(%run_scoped3A_853 : memref<!tpu.dma_semaphore, #tpu.memory_space<semaphore_mem>>)
        %dma_wait3A_866 = arith.constant 0 : i32
        %dma_wait3A_867 = arith.constant 0 : i32
        %dma_wait3A_868 = tpu.memref_slice %arg5[%run_scoped3A_225, %dma_wait3A_866, %dma_wait3A_867] : memref<2x8x200xi32, #tpu.memory_space<vmem>> -> memref<1x8x200xi32, #tpu.memory_space<vmem>>
        %dma_wait3A_869 = tpu.memref_squeeze %dma_wait3A_868 : memref<1x8x200xi32, #tpu.memory_space<vmem>> -> memref<8x200xi32, #tpu.memory_space<vmem>>
        %dma_wait3A_870 = arith.constant 0 : i32
        %dma_wait3A_871 = tpu.memref_slice %arg2[%add3A_224, %dma_wait3A_870] : memref<16384x200xi32, #tpu.memory_space<hbm>> -> memref<8x200xi32, #tpu.memory_space<hbm>>
        %dma_wait3A_872 = arith.constant 0 : i32
        %dma_wait3A_873 = arith.constant 0 : i32
        %dma_wait3A_874 = tpu.memref_slice %arg5[%run_scoped3A_225, %dma_wait3A_872, %dma_wait3A_873] : memref<2x8x200xi32, #tpu.memory_space<vmem>> -> memref<1x8x200xi32, #tpu.memory_space<vmem>>
        %dma_wait3A_875 = tpu.memref_squeeze %dma_wait3A_874 : memref<1x8x200xi32, #tpu.memory_space<vmem>> -> memref<8x200xi32, #tpu.memory_space<vmem>>
        %dma_wait3A_876 = arith.constant 0 : i32
        %dma_wait3A_877 = tpu.memref_slice %arg2[%add3A_224, %dma_wait3A_876] : memref<16384x200xi32, #tpu.memory_space<hbm>> -> memref<8x200xi32, #tpu.memory_space<hbm>>
        tpu.wait_dma2 semaphore(%run_scoped3A_853 : memref<!tpu.dma_semaphore, #tpu.memory_space<semaphore_mem>>) src(%dma_wait3A_877 : memref<8x200xi32, #tpu.memory_space<hbm>>) dst(%dma_wait3A_875 : memref<8x200xi32, #tpu.memory_space<vmem>>)
        tpu.yield
      }) : () -> ()
      %dma_start3A_226 = arith.constant 1 : i32
      %dma_start3A_227 = arith.constant 0 : i32
      %dma_start3A_228 = arith.constant 1 : i32
      %dma_start3A_229 = arith.constant 0 : i32
      %dma_start3A_230 = arith.constant 0 : i32
      %dma_start3A_231 = tpu.memref_slice %arg6[%dma_start3A_228, %dma_start3A_229, %dma_start3A_230] : memref<2x1600x32xf32, #tpu.memory_space<vmem>> -> memref<1x128x32xf32, #tpu.memory_space<vmem>>
      %dma_start3A_232 = tpu.memref_squeeze %dma_start3A_231 : memref<1x128x32xf32, #tpu.memory_space<vmem>> -> memref<128x32xf32, #tpu.memory_space<vmem>>
      %dma_start3A_233 = arith.constant 0 : i32
      %dma_start3A_234 = tpu.memref_slice %arg5[%dma_start3A_226, %dma_start3A_227, %dma_start3A_233] : memref<2x8x200xi32, #tpu.memory_space<vmem>> -> memref<1x1x128xi32, #tpu.memory_space<vmem>>
      %dma_start3A_235 = tpu.memref_squeeze %dma_start3A_234 : memref<1x1x128xi32, #tpu.memory_space<vmem>> -> memref<128xi32, #tpu.memory_space<vmem>>
      %dma_start3A_236 = arith.constant 0 : i32
      %dma_start3A_237 = arith.constant 0 : i32
      %dma_start3A_238 = tpu.memref_slice %arg3[%dma_start3A_236, %dma_start3A_237] : memref<1000000x32xf32, #tpu.memory_space<hbm>> -> memref<1000000x32xf32, #tpu.memory_space<hbm>>
      tpu.enqueue_indirect_dma source(%dma_start3A_238 : memref<1000000x32xf32, #tpu.memory_space<hbm>>) target(%dma_start3A_232 : memref<128x32xf32, #tpu.memory_space<vmem>>) offsets(%dma_start3A_235 : memref<128xi32, #tpu.memory_space<vmem>>) semaphore(%arg9 : memref<!tpu.dma_semaphore, #tpu.memory_space<semaphore_mem>>)
      %dma_start3A_239 = arith.constant 1 : i32
      %dma_start3A_240 = arith.constant 0 : i32
      %dma_start3A_241 = arith.constant 1 : i32
      %dma_start3A_242 = arith.constant 128 : i32
      %dma_start3A_243 = arith.constant 0 : i32
      %dma_start3A_244 = tpu.memref_slice %arg6[%dma_start3A_241, %dma_start3A_242, %dma_start3A_243] : memref<2x1600x32xf32, #tpu.memory_space<vmem>> -> memref<1x72x32xf32, #tpu.memory_space<vmem>>
      %dma_start3A_245 = tpu.memref_squeeze %dma_start3A_244 : memref<1x72x32xf32, #tpu.memory_space<vmem>> -> memref<72x32xf32, #tpu.memory_space<vmem>>
      %dma_start3A_246 = arith.constant 128 : i32
      %dma_start3A_247 = tpu.memref_slice %arg5[%dma_start3A_239, %dma_start3A_240, %dma_start3A_246] : memref<2x8x200xi32, #tpu.memory_space<vmem>> -> memref<1x1x72xi32, #tpu.memory_space<vmem>>
      %dma_start3A_248 = tpu.memref_squeeze %dma_start3A_247 : memref<1x1x72xi32, #tpu.memory_space<vmem>> -> memref<72xi32, #tpu.memory_space<vmem>>
      %dma_start3A_249 = arith.constant 0 : i32
      %dma_start3A_250 = arith.constant 0 : i32
      %dma_start3A_251 = tpu.memref_slice %arg3[%dma_start3A_249, %dma_start3A_250] : memref<1000000x32xf32, #tpu.memory_space<hbm>> -> memref<1000000x32xf32, #tpu.memory_space<hbm>>
      tpu.enqueue_indirect_dma source(%dma_start3A_251 : memref<1000000x32xf32, #tpu.memory_space<hbm>>) target(%dma_start3A_245 : memref<72x32xf32, #tpu.memory_space<vmem>>) offsets(%dma_start3A_248 : memref<72xi32, #tpu.memory_space<vmem>>) semaphore(%arg9 : memref<!tpu.dma_semaphore, #tpu.memory_space<semaphore_mem>>)
      %dma_start3A_252 = arith.constant 1 : i32
      %dma_start3A_253 = arith.constant 1 : i32
      %dma_start3A_254 = arith.constant 1 : i32
      %dma_start3A_255 = arith.constant 200 : i32
      %dma_start3A_256 = arith.constant 0 : i32
      %dma_start3A_257 = tpu.memref_slice %arg6[%dma_start3A_254, %dma_start3A_255, %dma_start3A_256] : memref<2x1600x32xf32, #tpu.memory_space<vmem>> -> memref<1x128x32xf32, #tpu.memory_space<vmem>>
      %dma_start3A_258 = tpu.memref_squeeze %dma_start3A_257 : memref<1x128x32xf32, #tpu.memory_space<vmem>> -> memref<128x32xf32, #tpu.memory_space<vmem>>
      %dma_start3A_259 = arith.constant 0 : i32
      %dma_start3A_260 = tpu.memref_slice %arg5[%dma_start3A_252, %dma_start3A_253, %dma_start3A_259] : memref<2x8x200xi32, #tpu.memory_space<vmem>> -> memref<1x1x128xi32, #tpu.memory_space<vmem>>
      %dma_start3A_261 = tpu.memref_squeeze %dma_start3A_260 : memref<1x1x128xi32, #tpu.memory_space<vmem>> -> memref<128xi32, #tpu.memory_space<vmem>>
      %dma_start3A_262 = arith.constant 0 : i32
      %dma_start3A_263 = arith.constant 0 : i32
      %dma_start3A_264 = tpu.memref_slice %arg3[%dma_start3A_262, %dma_start3A_263] : memref<1000000x32xf32, #tpu.memory_space<hbm>> -> memref<1000000x32xf32, #tpu.memory_space<hbm>>
      tpu.enqueue_indirect_dma source(%dma_start3A_264 : memref<1000000x32xf32, #tpu.memory_space<hbm>>) target(%dma_start3A_258 : memref<128x32xf32, #tpu.memory_space<vmem>>) offsets(%dma_start3A_261 : memref<128xi32, #tpu.memory_space<vmem>>) semaphore(%arg9 : memref<!tpu.dma_semaphore, #tpu.memory_space<semaphore_mem>>)
      %dma_start3A_265 = arith.constant 1 : i32
      %dma_start3A_266 = arith.constant 1 : i32
      %dma_start3A_267 = arith.constant 1 : i32
      %dma_start3A_268 = arith.constant 328 : i32
      %dma_start3A_269 = arith.constant 0 : i32
      %dma_start3A_270 = tpu.memref_slice %arg6[%dma_start3A_267, %dma_start3A_268, %dma_start3A_269] : memref<2x1600x32xf32, #tpu.memory_space<vmem>> -> memref<1x72x32xf32, #tpu.memory_space<vmem>>
      %dma_start3A_271 = tpu.memref_squeeze %dma_start3A_270 : memref<1x72x32xf32, #tpu.memory_space<vmem>> -> memref<72x32xf32, #tpu.memory_space<vmem>>
      %dma_start3A_272 = arith.constant 128 : i32
      %dma_start3A_273 = tpu.memref_slice %arg5[%dma_start3A_265, %dma_start3A_266, %dma_start3A_272] : memref<2x8x200xi32, #tpu.memory_space<vmem>> -> memref<1x1x72xi32, #tpu.memory_space<vmem>>
      %dma_start3A_274 = tpu.memref_squeeze %dma_start3A_273 : memref<1x1x72xi32, #tpu.memory_space<vmem>> -> memref<72xi32, #tpu.memory_space<vmem>>
      %dma_start3A_275 = arith.constant 0 : i32
      %dma_start3A_276 = arith.constant 0 : i32
      %dma_start3A_277 = tpu.memref_slice %arg3[%dma_start3A_275, %dma_start3A_276] : memref<1000000x32xf32, #tpu.memory_space<hbm>> -> memref<1000000x32xf32, #tpu.memory_space<hbm>>
      tpu.enqueue_indirect_dma source(%dma_start3A_277 : memref<1000000x32xf32, #tpu.memory_space<hbm>>) target(%dma_start3A_271 : memref<72x32xf32, #tpu.memory_space<vmem>>) offsets(%dma_start3A_274 : memref<72xi32, #tpu.memory_space<vmem>>) semaphore(%arg9 : memref<!tpu.dma_semaphore, #tpu.memory_space<semaphore_mem>>)
      %dma_start3A_278 = arith.constant 1 : i32
      %dma_start3A_279 = arith.constant 2 : i32
      %dma_start3A_280 = arith.constant 1 : i32
      %dma_start3A_281 = arith.constant 400 : i32
      %dma_start3A_282 = arith.constant 0 : i32
      %dma_start3A_283 = tpu.memref_slice %arg6[%dma_start3A_280, %dma_start3A_281, %dma_start3A_282] : memref<2x1600x32xf32, #tpu.memory_space<vmem>> -> memref<1x128x32xf32, #tpu.memory_space<vmem>>
      %dma_start3A_284 = tpu.memref_squeeze %dma_start3A_283 : memref<1x128x32xf32, #tpu.memory_space<vmem>> -> memref<128x32xf32, #tpu.memory_space<vmem>>
      %dma_start3A_285 = arith.constant 0 : i32
      %dma_start3A_286 = tpu.memref_slice %arg5[%dma_start3A_278, %dma_start3A_279, %dma_start3A_285] : memref<2x8x200xi32, #tpu.memory_space<vmem>> -> memref<1x1x128xi32, #tpu.memory_space<vmem>>
      %dma_start3A_287 = tpu.memref_squeeze %dma_start3A_286 : memref<1x1x128xi32, #tpu.memory_space<vmem>> -> memref<128xi32, #tpu.memory_space<vmem>>
      %dma_start3A_288 = arith.constant 0 : i32
      %dma_start3A_289 = arith.constant 0 : i32
      %dma_start3A_290 = tpu.memref_slice %arg3[%dma_start3A_288, %dma_start3A_289] : memref<1000000x32xf32, #tpu.memory_space<hbm>> -> memref<1000000x32xf32, #tpu.memory_space<hbm>>
      tpu.enqueue_indirect_dma source(%dma_start3A_290 : memref<1000000x32xf32, #tpu.memory_space<hbm>>) target(%dma_start3A_284 : memref<128x32xf32, #tpu.memory_space<vmem>>) offsets(%dma_start3A_287 : memref<128xi32, #tpu.memory_space<vmem>>) semaphore(%arg9 : memref<!tpu.dma_semaphore, #tpu.memory_space<semaphore_mem>>)
      %dma_start3A_291 = arith.constant 1 : i32
      %dma_start3A_292 = arith.constant 2 : i32
      %dma_start3A_293 = arith.constant 1 : i32
      %dma_start3A_294 = arith.constant 528 : i32
      %dma_start3A_295 = arith.constant 0 : i32
      %dma_start3A_296 = tpu.memref_slice %arg6[%dma_start3A_293, %dma_start3A_294, %dma_start3A_295] : memref<2x1600x32xf32, #tpu.memory_space<vmem>> -> memref<1x72x32xf32, #tpu.memory_space<vmem>>
      %dma_start3A_297 = tpu.memref_squeeze %dma_start3A_296 : memref<1x72x32xf32, #tpu.memory_space<vmem>> -> memref<72x32xf32, #tpu.memory_space<vmem>>
      %dma_start3A_298 = arith.constant 128 : i32
      %dma_start3A_299 = tpu.memref_slice %arg5[%dma_start3A_291, %dma_start3A_292, %dma_start3A_298] : memref<2x8x200xi32, #tpu.memory_space<vmem>> -> memref<1x1x72xi32, #tpu.memory_space<vmem>>
      %dma_start3A_300 = tpu.memref_squeeze %dma_start3A_299 : memref<1x1x72xi32, #tpu.memory_space<vmem>> -> memref<72xi32, #tpu.memory_space<vmem>>
      %dma_start3A_301 = arith.constant 0 : i32
      %dma_start3A_302 = arith.constant 0 : i32
      %dma_start3A_303 = tpu.memref_slice %arg3[%dma_start3A_301, %dma_start3A_302] : memref<1000000x32xf32, #tpu.memory_space<hbm>> -> memref<1000000x32xf32, #tpu.memory_space<hbm>>
      tpu.enqueue_indirect_dma source(%dma_start3A_303 : memref<1000000x32xf32, #tpu.memory_space<hbm>>) target(%dma_start3A_297 : memref<72x32xf32, #tpu.memory_space<vmem>>) offsets(%dma_start3A_300 : memref<72xi32, #tpu.memory_space<vmem>>) semaphore(%arg9 : memref<!tpu.dma_semaphore, #tpu.memory_space<semaphore_mem>>)
      %dma_start3A_304 = arith.constant 1 : i32
      %dma_start3A_305 = arith.constant 3 : i32
      %dma_start3A_306 = arith.constant 1 : i32
      %dma_start3A_307 = arith.constant 600 : i32
      %dma_start3A_308 = arith.constant 0 : i32
      %dma_start3A_309 = tpu.memref_slice %arg6[%dma_start3A_306, %dma_start3A_307, %dma_start3A_308] : memref<2x1600x32xf32, #tpu.memory_space<vmem>> -> memref<1x128x32xf32, #tpu.memory_space<vmem>>
      %dma_start3A_310 = tpu.memref_squeeze %dma_start3A_309 : memref<1x128x32xf32, #tpu.memory_space<vmem>> -> memref<128x32xf32, #tpu.memory_space<vmem>>
      %dma_start3A_311 = arith.constant 0 : i32
      %dma_start3A_312 = tpu.memref_slice %arg5[%dma_start3A_304, %dma_start3A_305, %dma_start3A_311] : memref<2x8x200xi32, #tpu.memory_space<vmem>> -> memref<1x1x128xi32, #tpu.memory_space<vmem>>
      %dma_start3A_313 = tpu.memref_squeeze %dma_start3A_312 : memref<1x1x128xi32, #tpu.memory_space<vmem>> -> memref<128xi32, #tpu.memory_space<vmem>>
      %dma_start3A_314 = arith.constant 0 : i32
      %dma_start3A_315 = arith.constant 0 : i32
      %dma_start3A_316 = tpu.memref_slice %arg3[%dma_start3A_314, %dma_start3A_315] : memref<1000000x32xf32, #tpu.memory_space<hbm>> -> memref<1000000x32xf32, #tpu.memory_space<hbm>>
      tpu.enqueue_indirect_dma source(%dma_start3A_316 : memref<1000000x32xf32, #tpu.memory_space<hbm>>) target(%dma_start3A_310 : memref<128x32xf32, #tpu.memory_space<vmem>>) offsets(%dma_start3A_313 : memref<128xi32, #tpu.memory_space<vmem>>) semaphore(%arg9 : memref<!tpu.dma_semaphore, #tpu.memory_space<semaphore_mem>>)
      %dma_start3A_317 = arith.constant 1 : i32
      %dma_start3A_318 = arith.constant 3 : i32
      %dma_start3A_319 = arith.constant 1 : i32
      %dma_start3A_320 = arith.constant 728 : i32
      %dma_start3A_321 = arith.constant 0 : i32
      %dma_start3A_322 = tpu.memref_slice %arg6[%dma_start3A_319, %dma_start3A_320, %dma_start3A_321] : memref<2x1600x32xf32, #tpu.memory_space<vmem>> -> memref<1x72x32xf32, #tpu.memory_space<vmem>>
      %dma_start3A_323 = tpu.memref_squeeze %dma_start3A_322 : memref<1x72x32xf32, #tpu.memory_space<vmem>> -> memref<72x32xf32, #tpu.memory_space<vmem>>
      %dma_start3A_324 = arith.constant 128 : i32
      %dma_start3A_325 = tpu.memref_slice %arg5[%dma_start3A_317, %dma_start3A_318, %dma_start3A_324] : memref<2x8x200xi32, #tpu.memory_space<vmem>> -> memref<1x1x72xi32, #tpu.memory_space<vmem>>
      %dma_start3A_326 = tpu.memref_squeeze %dma_start3A_325 : memref<1x1x72xi32, #tpu.memory_space<vmem>> -> memref<72xi32, #tpu.memory_space<vmem>>
      %dma_start3A_327 = arith.constant 0 : i32
      %dma_start3A_328 = arith.constant 0 : i32
      %dma_start3A_329 = tpu.memref_slice %arg3[%dma_start3A_327, %dma_start3A_328] : memref<1000000x32xf32, #tpu.memory_space<hbm>> -> memref<1000000x32xf32, #tpu.memory_space<hbm>>
      tpu.enqueue_indirect_dma source(%dma_start3A_329 : memref<1000000x32xf32, #tpu.memory_space<hbm>>) target(%dma_start3A_323 : memref<72x32xf32, #tpu.memory_space<vmem>>) offsets(%dma_start3A_326 : memref<72xi32, #tpu.memory_space<vmem>>) semaphore(%arg9 : memref<!tpu.dma_semaphore, #tpu.memory_space<semaphore_mem>>)
      %dma_start3A_330 = arith.constant 1 : i32
      %dma_start3A_331 = arith.constant 4 : i32
      %dma_start3A_332 = arith.constant 1 : i32
      %dma_start3A_333 = arith.constant 800 : i32
      %dma_start3A_334 = arith.constant 0 : i32
      %dma_start3A_335 = tpu.memref_slice %arg6[%dma_start3A_332, %dma_start3A_333, %dma_start3A_334] : memref<2x1600x32xf32, #tpu.memory_space<vmem>> -> memref<1x128x32xf32, #tpu.memory_space<vmem>>
      %dma_start3A_336 = tpu.memref_squeeze %dma_start3A_335 : memref<1x128x32xf32, #tpu.memory_space<vmem>> -> memref<128x32xf32, #tpu.memory_space<vmem>>
      %dma_start3A_337 = arith.constant 0 : i32
      %dma_start3A_338 = tpu.memref_slice %arg5[%dma_start3A_330, %dma_start3A_331, %dma_start3A_337] : memref<2x8x200xi32, #tpu.memory_space<vmem>> -> memref<1x1x128xi32, #tpu.memory_space<vmem>>
      %dma_start3A_339 = tpu.memref_squeeze %dma_start3A_338 : memref<1x1x128xi32, #tpu.memory_space<vmem>> -> memref<128xi32, #tpu.memory_space<vmem>>
      %dma_start3A_340 = arith.constant 0 : i32
      %dma_start3A_341 = arith.constant 0 : i32
      %dma_start3A_342 = tpu.memref_slice %arg3[%dma_start3A_340, %dma_start3A_341] : memref<1000000x32xf32, #tpu.memory_space<hbm>> -> memref<1000000x32xf32, #tpu.memory_space<hbm>>
      tpu.enqueue_indirect_dma source(%dma_start3A_342 : memref<1000000x32xf32, #tpu.memory_space<hbm>>) target(%dma_start3A_336 : memref<128x32xf32, #tpu.memory_space<vmem>>) offsets(%dma_start3A_339 : memref<128xi32, #tpu.memory_space<vmem>>) semaphore(%arg9 : memref<!tpu.dma_semaphore, #tpu.memory_space<semaphore_mem>>)
      %dma_start3A_343 = arith.constant 1 : i32
      %dma_start3A_344 = arith.constant 4 : i32
      %dma_start3A_345 = arith.constant 1 : i32
      %dma_start3A_346 = arith.constant 928 : i32
      %dma_start3A_347 = arith.constant 0 : i32
      %dma_start3A_348 = tpu.memref_slice %arg6[%dma_start3A_345, %dma_start3A_346, %dma_start3A_347] : memref<2x1600x32xf32, #tpu.memory_space<vmem>> -> memref<1x72x32xf32, #tpu.memory_space<vmem>>
      %dma_start3A_349 = tpu.memref_squeeze %dma_start3A_348 : memref<1x72x32xf32, #tpu.memory_space<vmem>> -> memref<72x32xf32, #tpu.memory_space<vmem>>
      %dma_start3A_350 = arith.constant 128 : i32
      %dma_start3A_351 = tpu.memref_slice %arg5[%dma_start3A_343, %dma_start3A_344, %dma_start3A_350] : memref<2x8x200xi32, #tpu.memory_space<vmem>> -> memref<1x1x72xi32, #tpu.memory_space<vmem>>
      %dma_start3A_352 = tpu.memref_squeeze %dma_start3A_351 : memref<1x1x72xi32, #tpu.memory_space<vmem>> -> memref<72xi32, #tpu.memory_space<vmem>>
      %dma_start3A_353 = arith.constant 0 : i32
      %dma_start3A_354 = arith.constant 0 : i32
      %dma_start3A_355 = tpu.memref_slice %arg3[%dma_start3A_353, %dma_start3A_354] : memref<1000000x32xf32, #tpu.memory_space<hbm>> -> memref<1000000x32xf32, #tpu.memory_space<hbm>>
      tpu.enqueue_indirect_dma source(%dma_start3A_355 : memref<1000000x32xf32, #tpu.memory_space<hbm>>) target(%dma_start3A_349 : memref<72x32xf32, #tpu.memory_space<vmem>>) offsets(%dma_start3A_352 : memref<72xi32, #tpu.memory_space<vmem>>) semaphore(%arg9 : memref<!tpu.dma_semaphore, #tpu.memory_space<semaphore_mem>>)
      %dma_start3A_356 = arith.constant 1 : i32
      %dma_start3A_357 = arith.constant 5 : i32
      %dma_start3A_358 = arith.constant 1 : i32
      %dma_start3A_359 = arith.constant 1000 : i32
      %dma_start3A_360 = arith.constant 0 : i32
      %dma_start3A_361 = tpu.memref_slice %arg6[%dma_start3A_358, %dma_start3A_359, %dma_start3A_360] : memref<2x1600x32xf32, #tpu.memory_space<vmem>> -> memref<1x128x32xf32, #tpu.memory_space<vmem>>
      %dma_start3A_362 = tpu.memref_squeeze %dma_start3A_361 : memref<1x128x32xf32, #tpu.memory_space<vmem>> -> memref<128x32xf32, #tpu.memory_space<vmem>>
      %dma_start3A_363 = arith.constant 0 : i32
      %dma_start3A_364 = tpu.memref_slice %arg5[%dma_start3A_356, %dma_start3A_357, %dma_start3A_363] : memref<2x8x200xi32, #tpu.memory_space<vmem>> -> memref<1x1x128xi32, #tpu.memory_space<vmem>>
      %dma_start3A_365 = tpu.memref_squeeze %dma_start3A_364 : memref<1x1x128xi32, #tpu.memory_space<vmem>> -> memref<128xi32, #tpu.memory_space<vmem>>
      %dma_start3A_366 = arith.constant 0 : i32
      %dma_start3A_367 = arith.constant 0 : i32
      %dma_start3A_368 = tpu.memref_slice %arg3[%dma_start3A_366, %dma_start3A_367] : memref<1000000x32xf32, #tpu.memory_space<hbm>> -> memref<1000000x32xf32, #tpu.memory_space<hbm>>
      tpu.enqueue_indirect_dma source(%dma_start3A_368 : memref<1000000x32xf32, #tpu.memory_space<hbm>>) target(%dma_start3A_362 : memref<128x32xf32, #tpu.memory_space<vmem>>) offsets(%dma_start3A_365 : memref<128xi32, #tpu.memory_space<vmem>>) semaphore(%arg9 : memref<!tpu.dma_semaphore, #tpu.memory_space<semaphore_mem>>)
      %dma_start3A_369 = arith.constant 1 : i32
      %dma_start3A_370 = arith.constant 5 : i32
      %dma_start3A_371 = arith.constant 1 : i32
      %dma_start3A_372 = arith.constant 1128 : i32
      %dma_start3A_373 = arith.constant 0 : i32
      %dma_start3A_374 = tpu.memref_slice %arg6[%dma_start3A_371, %dma_start3A_372, %dma_start3A_373] : memref<2x1600x32xf32, #tpu.memory_space<vmem>> -> memref<1x72x32xf32, #tpu.memory_space<vmem>>
      %dma_start3A_375 = tpu.memref_squeeze %dma_start3A_374 : memref<1x72x32xf32, #tpu.memory_space<vmem>> -> memref<72x32xf32, #tpu.memory_space<vmem>>
      %dma_start3A_376 = arith.constant 128 : i32
      %dma_start3A_377 = tpu.memref_slice %arg5[%dma_start3A_369, %dma_start3A_370, %dma_start3A_376] : memref<2x8x200xi32, #tpu.memory_space<vmem>> -> memref<1x1x72xi32, #tpu.memory_space<vmem>>
      %dma_start3A_378 = tpu.memref_squeeze %dma_start3A_377 : memref<1x1x72xi32, #tpu.memory_space<vmem>> -> memref<72xi32, #tpu.memory_space<vmem>>
      %dma_start3A_379 = arith.constant 0 : i32
      %dma_start3A_380 = arith.constant 0 : i32
      %dma_start3A_381 = tpu.memref_slice %arg3[%dma_start3A_379, %dma_start3A_380] : memref<1000000x32xf32, #tpu.memory_space<hbm>> -> memref<1000000x32xf32, #tpu.memory_space<hbm>>
      tpu.enqueue_indirect_dma source(%dma_start3A_381 : memref<1000000x32xf32, #tpu.memory_space<hbm>>) target(%dma_start3A_375 : memref<72x32xf32, #tpu.memory_space<vmem>>) offsets(%dma_start3A_378 : memref<72xi32, #tpu.memory_space<vmem>>) semaphore(%arg9 : memref<!tpu.dma_semaphore, #tpu.memory_space<semaphore_mem>>)
      %dma_start3A_382 = arith.constant 1 : i32
      %dma_start3A_383 = arith.constant 6 : i32
      %dma_start3A_384 = arith.constant 1 : i32
      %dma_start3A_385 = arith.constant 1200 : i32
      %dma_start3A_386 = arith.constant 0 : i32
      %dma_start3A_387 = tpu.memref_slice %arg6[%dma_start3A_384, %dma_start3A_385, %dma_start3A_386] : memref<2x1600x32xf32, #tpu.memory_space<vmem>> -> memref<1x128x32xf32, #tpu.memory_space<vmem>>
      %dma_start3A_388 = tpu.memref_squeeze %dma_start3A_387 : memref<1x128x32xf32, #tpu.memory_space<vmem>> -> memref<128x32xf32, #tpu.memory_space<vmem>>
      %dma_start3A_389 = arith.constant 0 : i32
      %dma_start3A_390 = tpu.memref_slice %arg5[%dma_start3A_382, %dma_start3A_383, %dma_start3A_389] : memref<2x8x200xi32, #tpu.memory_space<vmem>> -> memref<1x1x128xi32, #tpu.memory_space<vmem>>
      %dma_start3A_391 = tpu.memref_squeeze %dma_start3A_390 : memref<1x1x128xi32, #tpu.memory_space<vmem>> -> memref<128xi32, #tpu.memory_space<vmem>>
      %dma_start3A_392 = arith.constant 0 : i32
      %dma_start3A_393 = arith.constant 0 : i32
      %dma_start3A_394 = tpu.memref_slice %arg3[%dma_start3A_392, %dma_start3A_393] : memref<1000000x32xf32, #tpu.memory_space<hbm>> -> memref<1000000x32xf32, #tpu.memory_space<hbm>>
      tpu.enqueue_indirect_dma source(%dma_start3A_394 : memref<1000000x32xf32, #tpu.memory_space<hbm>>) target(%dma_start3A_388 : memref<128x32xf32, #tpu.memory_space<vmem>>) offsets(%dma_start3A_391 : memref<128xi32, #tpu.memory_space<vmem>>) semaphore(%arg9 : memref<!tpu.dma_semaphore, #tpu.memory_space<semaphore_mem>>)
      %dma_start3A_395 = arith.constant 1 : i32
      %dma_start3A_396 = arith.constant 6 : i32
      %dma_start3A_397 = arith.constant 1 : i32
      %dma_start3A_398 = arith.constant 1328 : i32
      %dma_start3A_399 = arith.constant 0 : i32
      %dma_start3A_400 = tpu.memref_slice %arg6[%dma_start3A_397, %dma_start3A_398, %dma_start3A_399] : memref<2x1600x32xf32, #tpu.memory_space<vmem>> -> memref<1x72x32xf32, #tpu.memory_space<vmem>>
      %dma_start3A_401 = tpu.memref_squeeze %dma_start3A_400 : memref<1x72x32xf32, #tpu.memory_space<vmem>> -> memref<72x32xf32, #tpu.memory_space<vmem>>
      %dma_start3A_402 = arith.constant 128 : i32
      %dma_start3A_403 = tpu.memref_slice %arg5[%dma_start3A_395, %dma_start3A_396, %dma_start3A_402] : memref<2x8x200xi32, #tpu.memory_space<vmem>> -> memref<1x1x72xi32, #tpu.memory_space<vmem>>
      %dma_start3A_404 = tpu.memref_squeeze %dma_start3A_403 : memref<1x1x72xi32, #tpu.memory_space<vmem>> -> memref<72xi32, #tpu.memory_space<vmem>>
      %dma_start3A_405 = arith.constant 0 : i32
      %dma_start3A_406 = arith.constant 0 : i32
      %dma_start3A_407 = tpu.memref_slice %arg3[%dma_start3A_405, %dma_start3A_406] : memref<1000000x32xf32, #tpu.memory_space<hbm>> -> memref<1000000x32xf32, #tpu.memory_space<hbm>>
      tpu.enqueue_indirect_dma source(%dma_start3A_407 : memref<1000000x32xf32, #tpu.memory_space<hbm>>) target(%dma_start3A_401 : memref<72x32xf32, #tpu.memory_space<vmem>>) offsets(%dma_start3A_404 : memref<72xi32, #tpu.memory_space<vmem>>) semaphore(%arg9 : memref<!tpu.dma_semaphore, #tpu.memory_space<semaphore_mem>>)
      %dma_start3A_408 = arith.constant 1 : i32
      %dma_start3A_409 = arith.constant 7 : i32
      %dma_start3A_410 = arith.constant 1 : i32
      %dma_start3A_411 = arith.constant 1400 : i32
      %dma_start3A_412 = arith.constant 0 : i32
      %dma_start3A_413 = tpu.memref_slice %arg6[%dma_start3A_410, %dma_start3A_411, %dma_start3A_412] : memref<2x1600x32xf32, #tpu.memory_space<vmem>> -> memref<1x128x32xf32, #tpu.memory_space<vmem>>
      %dma_start3A_414 = tpu.memref_squeeze %dma_start3A_413 : memref<1x128x32xf32, #tpu.memory_space<vmem>> -> memref<128x32xf32, #tpu.memory_space<vmem>>
      %dma_start3A_415 = arith.constant 0 : i32
      %dma_start3A_416 = tpu.memref_slice %arg5[%dma_start3A_408, %dma_start3A_409, %dma_start3A_415] : memref<2x8x200xi32, #tpu.memory_space<vmem>> -> memref<1x1x128xi32, #tpu.memory_space<vmem>>
      %dma_start3A_417 = tpu.memref_squeeze %dma_start3A_416 : memref<1x1x128xi32, #tpu.memory_space<vmem>> -> memref<128xi32, #tpu.memory_space<vmem>>
      %dma_start3A_418 = arith.constant 0 : i32
      %dma_start3A_419 = arith.constant 0 : i32
      %dma_start3A_420 = tpu.memref_slice %arg3[%dma_start3A_418, %dma_start3A_419] : memref<1000000x32xf32, #tpu.memory_space<hbm>> -> memref<1000000x32xf32, #tpu.memory_space<hbm>>
      tpu.enqueue_indirect_dma source(%dma_start3A_420 : memref<1000000x32xf32, #tpu.memory_space<hbm>>) target(%dma_start3A_414 : memref<128x32xf32, #tpu.memory_space<vmem>>) offsets(%dma_start3A_417 : memref<128xi32, #tpu.memory_space<vmem>>) semaphore(%arg9 : memref<!tpu.dma_semaphore, #tpu.memory_space<semaphore_mem>>)
      %dma_start3A_421 = arith.constant 1 : i32
      %dma_start3A_422 = arith.constant 7 : i32
      %dma_start3A_423 = arith.constant 1 : i32
      %dma_start3A_424 = arith.constant 1528 : i32
      %dma_start3A_425 = arith.constant 0 : i32
      %dma_start3A_426 = tpu.memref_slice %arg6[%dma_start3A_423, %dma_start3A_424, %dma_start3A_425] : memref<2x1600x32xf32, #tpu.memory_space<vmem>> -> memref<1x72x32xf32, #tpu.memory_space<vmem>>
      %dma_start3A_427 = tpu.memref_squeeze %dma_start3A_426 : memref<1x72x32xf32, #tpu.memory_space<vmem>> -> memref<72x32xf32, #tpu.memory_space<vmem>>
      %dma_start3A_428 = arith.constant 128 : i32
      %dma_start3A_429 = tpu.memref_slice %arg5[%dma_start3A_421, %dma_start3A_422, %dma_start3A_428] : memref<2x8x200xi32, #tpu.memory_space<vmem>> -> memref<1x1x72xi32, #tpu.memory_space<vmem>>
      %dma_start3A_430 = tpu.memref_squeeze %dma_start3A_429 : memref<1x1x72xi32, #tpu.memory_space<vmem>> -> memref<72xi32, #tpu.memory_space<vmem>>
      %dma_start3A_431 = arith.constant 0 : i32
      %dma_start3A_432 = arith.constant 0 : i32
      %dma_start3A_433 = tpu.memref_slice %arg3[%dma_start3A_431, %dma_start3A_432] : memref<1000000x32xf32, #tpu.memory_space<hbm>> -> memref<1000000x32xf32, #tpu.memory_space<hbm>>
      tpu.enqueue_indirect_dma source(%dma_start3A_433 : memref<1000000x32xf32, #tpu.memory_space<hbm>>) target(%dma_start3A_427 : memref<72x32xf32, #tpu.memory_space<vmem>>) offsets(%dma_start3A_430 : memref<72xi32, #tpu.memory_space<vmem>>) semaphore(%arg9 : memref<!tpu.dma_semaphore, #tpu.memory_space<semaphore_mem>>)
      %dma_wait3A = arith.constant 0 : i32
      %dma_wait3A_434 = arith.constant 0 : i32
      %dma_wait3A_435 = arith.constant 0 : i32
      %dma_wait3A_436 = tpu.memref_slice %arg6[%dma_wait3A, %dma_wait3A_434, %dma_wait3A_435] : memref<2x1600x32xf32, #tpu.memory_space<vmem>> -> memref<1x1600x32xf32, #tpu.memory_space<vmem>>
      %dma_wait3A_437 = tpu.memref_squeeze %dma_wait3A_436 : memref<1x1600x32xf32, #tpu.memory_space<vmem>> -> memref<1600x32xf32, #tpu.memory_space<vmem>>
      %dma_wait3A_438 = arith.constant 0 : i32
      %dma_wait3A_439 = arith.constant 0 : i32
      %dma_wait3A_440 = tpu.memref_slice %arg3[%dma_wait3A_438, %dma_wait3A_439] : memref<1000000x32xf32, #tpu.memory_space<hbm>> -> memref<1600x32xf32, #tpu.memory_space<hbm>>
      %dma_wait3A_441 = arith.constant 0 : i32
      %dma_wait3A_442 = arith.constant 0 : i32
      %dma_wait3A_443 = tpu.memref_slice %arg6[%dma_wait3A, %dma_wait3A_441, %dma_wait3A_442] : memref<2x1600x32xf32, #tpu.memory_space<vmem>> -> memref<1x1600x32xf32, #tpu.memory_space<vmem>>
      %dma_wait3A_444 = tpu.memref_squeeze %dma_wait3A_443 : memref<1x1600x32xf32, #tpu.memory_space<vmem>> -> memref<1600x32xf32, #tpu.memory_space<vmem>>
      %dma_wait3A_445 = arith.constant 0 : i32
      %dma_wait3A_446 = arith.constant 0 : i32
      %dma_wait3A_447 = tpu.memref_slice %arg3[%dma_wait3A_445, %dma_wait3A_446] : memref<1000000x32xf32, #tpu.memory_space<hbm>> -> memref<1600x32xf32, #tpu.memory_space<hbm>>
      tpu.wait_dma2 semaphore(%arg8 : memref<!tpu.dma_semaphore, #tpu.memory_space<semaphore_mem>>) src(%dma_wait3A_447 : memref<1600x32xf32, #tpu.memory_space<hbm>>) dst(%dma_wait3A_444 : memref<1600x32xf32, #tpu.memory_space<vmem>>)
      %mul3A_448 = arith.constant 2 : i32
      %mul3A_449 = arith.muli %mul3A_448, %scan3A_217 : i32
      %broadcast_in_dim3A = arith.constant 0.000000e+00 : f32
      %broadcast_in_dim3A_450 = vector.broadcast %broadcast_in_dim3A : f32 to vector<16xf32>
      %scan3A_451 = arith.constant 0 : i32
      %scan3A_452 = arith.constant 25 : i32
      %scan3A_453 = arith.addi %scan3A_451, %scan3A_452 : i32
      %scan3A_454 = arith.constant 1 : i32
      %scan3A_455:4 = scf.for %scan3A_853 = %scan3A_451 to %scan3A_453 step %scan3A_454 iter_args(%scan3A_854 = %broadcast_in_dim3A_450, %scan3A_855 = %broadcast_in_dim3A_450, %scan3A_856 = %broadcast_in_dim3A_450, %scan3A_857 = %broadcast_in_dim3A_450) -> (vector<16xf32>, vector<16xf32>, vector<16xf32>, vector<16xf32>)  : i32 {
        %mul3A_858 = arith.constant 8 : i32
        %mul3A_859 = arith.muli %scan3A_853, %mul3A_858 : i32
        %add3A_860 = arith.constant 0 : i32
        %add3A_861 = arith.addi %add3A_860, %mul3A_859 : i32
        %add3A_862 = arith.constant 0 : i32
        %add3A_863 = arith.addi %add3A_861, %add3A_862 : i32
        %get3A = arith.constant 0 : i32
        %get3A_864 = arith.index_cast %get3A : i32 to index
        %get3A_865 = arith.index_cast %add3A_863 : i32 to index
        %get3A_866 = arith.constant 0 : index
        %get3A_867 = tpu.vector_load %arg6[%get3A_864, %get3A_865, %get3A_866] {strides = array<i32>} : memref<2x1600x32xf32, #tpu.memory_space<vmem>>, vector<1x1x16xf32>,
        %get3A_868 = vector.shape_cast %get3A_867 : vector<1x1x16xf32> to vector<16xf32>
        %add3A_869 = arith.addf %scan3A_854, %get3A_868 : vector<16xf32>
        %add3A_870 = arith.constant 0 : i32
        %add3A_871 = arith.addi %add3A_861, %add3A_870 : i32
        %get3A_872 = arith.constant 0 : i32
        %get3A_873 = arith.index_cast %get3A_872 : i32 to index
        %get3A_874 = arith.index_cast %add3A_871 : i32 to index
        %get3A_875 = arith.constant 16 : index
        %get3A_876 = tpu.vector_load %arg6[%get3A_873, %get3A_874, %get3A_875] {strides = array<i32>} : memref<2x1600x32xf32, #tpu.memory_space<vmem>>, vector<1x1x16xf32>,
        %get3A_877 = vector.shape_cast %get3A_876 : vector<1x1x16xf32> to vector<16xf32>
        %add3A_878 = arith.addf %scan3A_855, %get3A_877 : vector<16xf32>
        %add3A_879 = arith.constant 0 : i32
        %add3A_880 = arith.addi %add3A_861, %add3A_879 : i32
        %add3A_881 = arith.constant 1 : i32
        %add3A_882 = arith.addi %add3A_880, %add3A_881 : i32
        %get3A_883 = arith.constant 0 : i32
        %get3A_884 = arith.index_cast %get3A_883 : i32 to index
        %get3A_885 = arith.index_cast %add3A_882 : i32 to index
        %get3A_886 = arith.constant 0 : index
        %get3A_887 = tpu.vector_load %arg6[%get3A_884, %get3A_885, %get3A_886] {strides = array<i32>} : memref<2x1600x32xf32, #tpu.memory_space<vmem>>, vector<1x1x16xf32>,
        %get3A_888 = vector.shape_cast %get3A_887 : vector<1x1x16xf32> to vector<16xf32>
        %add3A_889 = arith.addf %scan3A_856, %get3A_888 : vector<16xf32>
        %add3A_890 = arith.constant 0 : i32
        %add3A_891 = arith.addi %add3A_861, %add3A_890 : i32
        %add3A_892 = arith.constant 1 : i32
        %add3A_893 = arith.addi %add3A_891, %add3A_892 : i32
        %get3A_894 = arith.constant 0 : i32
        %get3A_895 = arith.index_cast %get3A_894 : i32 to index
        %get3A_896 = arith.index_cast %add3A_893 : i32 to index
        %get3A_897 = arith.constant 16 : index
        %get3A_898 = tpu.vector_load %arg6[%get3A_895, %get3A_896, %get3A_897] {strides = array<i32>} : memref<2x1600x32xf32, #tpu.memory_space<vmem>>, vector<1x1x16xf32>,
        %get3A_899 = vector.shape_cast %get3A_898 : vector<1x1x16xf32> to vector<16xf32>
        %add3A_900 = arith.addf %scan3A_857, %get3A_899 : vector<16xf32>
        %add3A_901 = arith.constant 2 : i32
        %add3A_902 = arith.addi %add3A_861, %add3A_901 : i32
        %get3A_903 = arith.constant 0 : i32
        %get3A_904 = arith.index_cast %get3A_903 : i32 to index
        %get3A_905 = arith.index_cast %add3A_902 : i32 to index
        %get3A_906 = arith.constant 0 : index
        %get3A_907 = tpu.vector_load %arg6[%get3A_904, %get3A_905, %get3A_906] {strides = array<i32>} : memref<2x1600x32xf32, #tpu.memory_space<vmem>>, vector<1x1x16xf32>,
        %get3A_908 = vector.shape_cast %get3A_907 : vector<1x1x16xf32> to vector<16xf32>
        %add3A_909 = arith.addf %add3A_869, %get3A_908 : vector<16xf32>
        %add3A_910 = arith.constant 2 : i32
        %add3A_911 = arith.addi %add3A_861, %add3A_910 : i32
        %get3A_912 = arith.constant 0 : i32
        %get3A_913 = arith.index_cast %get3A_912 : i32 to index
        %get3A_914 = arith.index_cast %add3A_911 : i32 to index
        %get3A_915 = arith.constant 16 : index
        %get3A_916 = tpu.vector_load %arg6[%get3A_913, %get3A_914, %get3A_915] {strides = array<i32>} : memref<2x1600x32xf32, #tpu.memory_space<vmem>>, vector<1x1x16xf32>,
        %get3A_917 = vector.shape_cast %get3A_916 : vector<1x1x16xf32> to vector<16xf32>
        %add3A_918 = arith.addf %add3A_878, %get3A_917 : vector<16xf32>
        %add3A_919 = arith.constant 2 : i32
        %add3A_920 = arith.addi %add3A_861, %add3A_919 : i32
        %add3A_921 = arith.constant 1 : i32
        %add3A_922 = arith.addi %add3A_920, %add3A_921 : i32
        %get3A_923 = arith.constant 0 : i32
        %get3A_924 = arith.index_cast %get3A_923 : i32 to index
        %get3A_925 = arith.index_cast %add3A_922 : i32 to index
        %get3A_926 = arith.constant 0 : index
        %get3A_927 = tpu.vector_load %arg6[%get3A_924, %get3A_925, %get3A_926] {strides = array<i32>} : memref<2x1600x32xf32, #tpu.memory_space<vmem>>, vector<1x1x16xf32>,
        %get3A_928 = vector.shape_cast %get3A_927 : vector<1x1x16xf32> to vector<16xf32>
        %add3A_929 = arith.addf %add3A_889, %get3A_928 : vector<16xf32>
        %add3A_930 = arith.constant 2 : i32
        %add3A_931 = arith.addi %add3A_861, %add3A_930 : i32
        %add3A_932 = arith.constant 1 : i32
        %add3A_933 = arith.addi %add3A_931, %add3A_932 : i32
        %get3A_934 = arith.constant 0 : i32
        %get3A_935 = arith.index_cast %get3A_934 : i32 to index
        %get3A_936 = arith.index_cast %add3A_933 : i32 to index
        %get3A_937 = arith.constant 16 : index
        %get3A_938 = tpu.vector_load %arg6[%get3A_935, %get3A_936, %get3A_937] {strides = array<i32>} : memref<2x1600x32xf32, #tpu.memory_space<vmem>>, vector<1x1x16xf32>,
        %get3A_939 = vector.shape_cast %get3A_938 : vector<1x1x16xf32> to vector<16xf32>
        %add3A_940 = arith.addf %add3A_900, %get3A_939 : vector<16xf32>
        %add3A_941 = arith.constant 4 : i32
        %add3A_942 = arith.addi %add3A_861, %add3A_941 : i32
        %get3A_943 = arith.constant 0 : i32
        %get3A_944 = arith.index_cast %get3A_943 : i32 to index
        %get3A_945 = arith.index_cast %add3A_942 : i32 to index
        %get3A_946 = arith.constant 0 : index
        %get3A_947 = tpu.vector_load %arg6[%get3A_944, %get3A_945, %get3A_946] {strides = array<i32>} : memref<2x1600x32xf32, #tpu.memory_space<vmem>>, vector<1x1x16xf32>,
        %get3A_948 = vector.shape_cast %get3A_947 : vector<1x1x16xf32> to vector<16xf32>
        %add3A_949 = arith.addf %add3A_909, %get3A_948 : vector<16xf32>
        %add3A_950 = arith.constant 4 : i32
        %add3A_951 = arith.addi %add3A_861, %add3A_950 : i32
        %get3A_952 = arith.constant 0 : i32
        %get3A_953 = arith.index_cast %get3A_952 : i32 to index
        %get3A_954 = arith.index_cast %add3A_951 : i32 to index
        %get3A_955 = arith.constant 16 : index
        %get3A_956 = tpu.vector_load %arg6[%get3A_953, %get3A_954, %get3A_955] {strides = array<i32>} : memref<2x1600x32xf32, #tpu.memory_space<vmem>>, vector<1x1x16xf32>,
        %get3A_957 = vector.shape_cast %get3A_956 : vector<1x1x16xf32> to vector<16xf32>
        %add3A_958 = arith.addf %add3A_918, %get3A_957 : vector<16xf32>
        %add3A_959 = arith.constant 4 : i32
        %add3A_960 = arith.addi %add3A_861, %add3A_959 : i32
        %add3A_961 = arith.constant 1 : i32
        %add3A_962 = arith.addi %add3A_960, %add3A_961 : i32
        %get3A_963 = arith.constant 0 : i32
        %get3A_964 = arith.index_cast %get3A_963 : i32 to index
        %get3A_965 = arith.index_cast %add3A_962 : i32 to index
        %get3A_966 = arith.constant 0 : index
        %get3A_967 = tpu.vector_load %arg6[%get3A_964, %get3A_965, %get3A_966] {strides = array<i32>} : memref<2x1600x32xf32, #tpu.memory_space<vmem>>, vector<1x1x16xf32>,
        %get3A_968 = vector.shape_cast %get3A_967 : vector<1x1x16xf32> to vector<16xf32>
        %add3A_969 = arith.addf %add3A_929, %get3A_968 : vector<16xf32>
        %add3A_970 = arith.constant 4 : i32
        %add3A_971 = arith.addi %add3A_861, %add3A_970 : i32
        %add3A_972 = arith.constant 1 : i32
        %add3A_973 = arith.addi %add3A_971, %add3A_972 : i32
        %get3A_974 = arith.constant 0 : i32
        %get3A_975 = arith.index_cast %get3A_974 : i32 to index
        %get3A_976 = arith.index_cast %add3A_973 : i32 to index
        %get3A_977 = arith.constant 16 : index
        %get3A_978 = tpu.vector_load %arg6[%get3A_975, %get3A_976, %get3A_977] {strides = array<i32>} : memref<2x1600x32xf32, #tpu.memory_space<vmem>>, vector<1x1x16xf32>,
        %get3A_979 = vector.shape_cast %get3A_978 : vector<1x1x16xf32> to vector<16xf32>
        %add3A_980 = arith.addf %add3A_940, %get3A_979 : vector<16xf32>
        %add3A_981 = arith.constant 6 : i32
        %add3A_982 = arith.addi %add3A_861, %add3A_981 : i32
        %get3A_983 = arith.constant 0 : i32
        %get3A_984 = arith.index_cast %get3A_983 : i32 to index
        %get3A_985 = arith.index_cast %add3A_982 : i32 to index
        %get3A_986 = arith.constant 0 : index
        %get3A_987 = tpu.vector_load %arg6[%get3A_984, %get3A_985, %get3A_986] {strides = array<i32>} : memref<2x1600x32xf32, #tpu.memory_space<vmem>>, vector<1x1x16xf32>,
        %get3A_988 = vector.shape_cast %get3A_987 : vector<1x1x16xf32> to vector<16xf32>
        %add3A_989 = arith.addf %add3A_949, %get3A_988 : vector<16xf32>
        %add3A_990 = arith.constant 6 : i32
        %add3A_991 = arith.addi %add3A_861, %add3A_990 : i32
        %get3A_992 = arith.constant 0 : i32
        %get3A_993 = arith.index_cast %get3A_992 : i32 to index
        %get3A_994 = arith.index_cast %add3A_991 : i32 to index
        %get3A_995 = arith.constant 16 : index
        %get3A_996 = tpu.vector_load %arg6[%get3A_993, %get3A_994, %get3A_995] {strides = array<i32>} : memref<2x1600x32xf32, #tpu.memory_space<vmem>>, vector<1x1x16xf32>,
        %get3A_997 = vector.shape_cast %get3A_996 : vector<1x1x16xf32> to vector<16xf32>
        %add3A_998 = arith.addf %add3A_958, %get3A_997 : vector<16xf32>
        %add3A_999 = arith.constant 6 : i32
        %add3A_1000 = arith.addi %add3A_861, %add3A_999 : i32
        %add3A_1001 = arith.constant 1 : i32
        %add3A_1002 = arith.addi %add3A_1000, %add3A_1001 : i32
        %get3A_1003 = arith.constant 0 : i32
        %get3A_1004 = arith.index_cast %get3A_1003 : i32 to index
        %get3A_1005 = arith.index_cast %add3A_1002 : i32 to index
        %get3A_1006 = arith.constant 0 : index
        %get3A_1007 = tpu.vector_load %arg6[%get3A_1004, %get3A_1005, %get3A_1006] {strides = array<i32>} : memref<2x1600x32xf32, #tpu.memory_space<vmem>>, vector<1x1x16xf32>,
        %get3A_1008 = vector.shape_cast %get3A_1007 : vector<1x1x16xf32> to vector<16xf32>
        %add3A_1009 = arith.addf %add3A_969, %get3A_1008 : vector<16xf32>
        %add3A_1010 = arith.constant 6 : i32
        %add3A_1011 = arith.addi %add3A_861, %add3A_1010 : i32
        %add3A_1012 = arith.constant 1 : i32
        %add3A_1013 = arith.addi %add3A_1011, %add3A_1012 : i32
        %get3A_1014 = arith.constant 0 : i32
        %get3A_1015 = arith.index_cast %get3A_1014 : i32 to index
        %get3A_1016 = arith.index_cast %add3A_1013 : i32 to index
        %get3A_1017 = arith.constant 16 : index
        %get3A_1018 = tpu.vector_load %arg6[%get3A_1015, %get3A_1016, %get3A_1017] {strides = array<i32>} : memref<2x1600x32xf32, #tpu.memory_space<vmem>>, vector<1x1x16xf32>,
        %get3A_1019 = vector.shape_cast %get3A_1018 : vector<1x1x16xf32> to vector<16xf32>
        %add3A_1020 = arith.addf %add3A_980, %get3A_1019 : vector<16xf32>
        scf.yield %add3A_989, %add3A_998, %add3A_1009, %add3A_1020 : vector<16xf32>, vector<16xf32>, vector<16xf32>, vector<16xf32>
      }
      %scan3A_456 = arith.constant 25 : i32
      %mul3A_457 = arith.constant 8 : i32
      %mul3A_458 = arith.muli %mul3A_449, %mul3A_457 : i32
      %add3A_459 = arith.constant 0 : i32
      %add3A_460 = arith.addi %mul3A_458, %add3A_459 : i32
      %add3A_461 = arith.addf %scan3A_455#0, %scan3A_455#2 : vector<16xf32>
      %swap3A = arith.index_cast %add3A_460 : i32 to index
      %swap3A_462 = arith.constant 0 : index
      %swap3A_463 = tpu.vector_load %arg7[%swap3A, %swap3A_462] {strides = array<i32>} : memref<512x32xf32, #tpu.memory_space<vmem>>, vector<1x16xf32>,
      %swap3A_464 = vector.shape_cast %swap3A_463 : vector<1x16xf32> to vector<16xf32>
      %swap3A_465 = vector.shape_cast %add3A_461 : vector<16xf32> to vector<1x16xf32>
      tpu.vector_store %arg7[%swap3A, %swap3A_462], %swap3A_465 {strides = array<i32>} : memref<512x32xf32, #tpu.memory_space<vmem>>, vector<1x16xf32>,
      %add3A_466 = arith.addf %scan3A_455#1, %scan3A_455#3 : vector<16xf32>
      %swap3A_467 = arith.index_cast %add3A_460 : i32 to index
      %swap3A_468 = arith.constant 16 : index
      %swap3A_469 = tpu.vector_load %arg7[%swap3A_467, %swap3A_468] {strides = array<i32>} : memref<512x32xf32, #tpu.memory_space<vmem>>, vector<1x16xf32>,
      %swap3A_470 = vector.shape_cast %swap3A_469 : vector<1x16xf32> to vector<16xf32>
      %swap3A_471 = vector.shape_cast %add3A_466 : vector<16xf32> to vector<1x16xf32>
      tpu.vector_store %arg7[%swap3A_467, %swap3A_468], %swap3A_471 {strides = array<i32>} : memref<512x32xf32, #tpu.memory_space<vmem>>, vector<1x16xf32>,
      %broadcast_in_dim3A_472 = arith.constant 0.000000e+00 : f32
      %broadcast_in_dim3A_473 = vector.broadcast %broadcast_in_dim3A_472 : f32 to vector<16xf32>
      %scan3A_474 = arith.constant 0 : i32
      %scan3A_475 = arith.constant 25 : i32
      %scan3A_476 = arith.addi %scan3A_474, %scan3A_475 : i32
      %scan3A_477 = arith.constant 1 : i32
      %scan3A_478:4 = scf.for %scan3A_853 = %scan3A_474 to %scan3A_476 step %scan3A_477 iter_args(%scan3A_854 = %broadcast_in_dim3A_473, %scan3A_855 = %broadcast_in_dim3A_473, %scan3A_856 = %broadcast_in_dim3A_473, %scan3A_857 = %broadcast_in_dim3A_473) -> (vector<16xf32>, vector<16xf32>, vector<16xf32>, vector<16xf32>)  : i32 {
        %mul3A_858 = arith.constant 8 : i32
        %mul3A_859 = arith.muli %scan3A_853, %mul3A_858 : i32
        %add3A_860 = arith.constant 200 : i32
        %add3A_861 = arith.addi %add3A_860, %mul3A_859 : i32
        %add3A_862 = arith.constant 0 : i32
        %add3A_863 = arith.addi %add3A_861, %add3A_862 : i32
        %get3A = arith.constant 0 : i32
        %get3A_864 = arith.index_cast %get3A : i32 to index
        %get3A_865 = arith.index_cast %add3A_863 : i32 to index
        %get3A_866 = arith.constant 0 : index
        %get3A_867 = tpu.vector_load %arg6[%get3A_864, %get3A_865, %get3A_866] {strides = array<i32>} : memref<2x1600x32xf32, #tpu.memory_space<vmem>>, vector<1x1x16xf32>,
        %get3A_868 = vector.shape_cast %get3A_867 : vector<1x1x16xf32> to vector<16xf32>
        %add3A_869 = arith.addf %scan3A_854, %get3A_868 : vector<16xf32>
        %add3A_870 = arith.constant 0 : i32
        %add3A_871 = arith.addi %add3A_861, %add3A_870 : i32
        %get3A_872 = arith.constant 0 : i32
        %get3A_873 = arith.index_cast %get3A_872 : i32 to index
        %get3A_874 = arith.index_cast %add3A_871 : i32 to index
        %get3A_875 = arith.constant 16 : index
        %get3A_876 = tpu.vector_load %arg6[%get3A_873, %get3A_874, %get3A_875] {strides = array<i32>} : memref<2x1600x32xf32, #tpu.memory_space<vmem>>, vector<1x1x16xf32>,
        %get3A_877 = vector.shape_cast %get3A_876 : vector<1x1x16xf32> to vector<16xf32>
        %add3A_878 = arith.addf %scan3A_855, %get3A_877 : vector<16xf32>
        %add3A_879 = arith.constant 0 : i32
        %add3A_880 = arith.addi %add3A_861, %add3A_879 : i32
        %add3A_881 = arith.constant 1 : i32
        %add3A_882 = arith.addi %add3A_880, %add3A_881 : i32
        %get3A_883 = arith.constant 0 : i32
        %get3A_884 = arith.index_cast %get3A_883 : i32 to index
        %get3A_885 = arith.index_cast %add3A_882 : i32 to index
        %get3A_886 = arith.constant 0 : index
        %get3A_887 = tpu.vector_load %arg6[%get3A_884, %get3A_885, %get3A_886] {strides = array<i32>} : memref<2x1600x32xf32, #tpu.memory_space<vmem>>, vector<1x1x16xf32>,
        %get3A_888 = vector.shape_cast %get3A_887 : vector<1x1x16xf32> to vector<16xf32>
        %add3A_889 = arith.addf %scan3A_856, %get3A_888 : vector<16xf32>
        %add3A_890 = arith.constant 0 : i32
        %add3A_891 = arith.addi %add3A_861, %add3A_890 : i32
        %add3A_892 = arith.constant 1 : i32
        %add3A_893 = arith.addi %add3A_891, %add3A_892 : i32
        %get3A_894 = arith.constant 0 : i32
        %get3A_895 = arith.index_cast %get3A_894 : i32 to index
        %get3A_896 = arith.index_cast %add3A_893 : i32 to index
        %get3A_897 = arith.constant 16 : index
        %get3A_898 = tpu.vector_load %arg6[%get3A_895, %get3A_896, %get3A_897] {strides = array<i32>} : memref<2x1600x32xf32, #tpu.memory_space<vmem>>, vector<1x1x16xf32>,
        %get3A_899 = vector.shape_cast %get3A_898 : vector<1x1x16xf32> to vector<16xf32>
        %add3A_900 = arith.addf %scan3A_857, %get3A_899 : vector<16xf32>
        %add3A_901 = arith.constant 2 : i32
        %add3A_902 = arith.addi %add3A_861, %add3A_901 : i32
        %get3A_903 = arith.constant 0 : i32
        %get3A_904 = arith.index_cast %get3A_903 : i32 to index
        %get3A_905 = arith.index_cast %add3A_902 : i32 to index
        %get3A_906 = arith.constant 0 : index
        %get3A_907 = tpu.vector_load %arg6[%get3A_904, %get3A_905, %get3A_906] {strides = array<i32>} : memref<2x1600x32xf32, #tpu.memory_space<vmem>>, vector<1x1x16xf32>,
        %get3A_908 = vector.shape_cast %get3A_907 : vector<1x1x16xf32> to vector<16xf32>
        %add3A_909 = arith.addf %add3A_869, %get3A_908 : vector<16xf32>
        %add3A_910 = arith.constant 2 : i32
        %add3A_911 = arith.addi %add3A_861, %add3A_910 : i32
        %get3A_912 = arith.constant 0 : i32
        %get3A_913 = arith.index_cast %get3A_912 : i32 to index
        %get3A_914 = arith.index_cast %add3A_911 : i32 to index
        %get3A_915 = arith.constant 16 : index
        %get3A_916 = tpu.vector_load %arg6[%get3A_913, %get3A_914, %get3A_915] {strides = array<i32>} : memref<2x1600x32xf32, #tpu.memory_space<vmem>>, vector<1x1x16xf32>,
        %get3A_917 = vector.shape_cast %get3A_916 : vector<1x1x16xf32> to vector<16xf32>
        %add3A_918 = arith.addf %add3A_878, %get3A_917 : vector<16xf32>
        %add3A_919 = arith.constant 2 : i32
        %add3A_920 = arith.addi %add3A_861, %add3A_919 : i32
        %add3A_921 = arith.constant 1 : i32
        %add3A_922 = arith.addi %add3A_920, %add3A_921 : i32
        %get3A_923 = arith.constant 0 : i32
        %get3A_924 = arith.index_cast %get3A_923 : i32 to index
        %get3A_925 = arith.index_cast %add3A_922 : i32 to index
        %get3A_926 = arith.constant 0 : index
        %get3A_927 = tpu.vector_load %arg6[%get3A_924, %get3A_925, %get3A_926] {strides = array<i32>} : memref<2x1600x32xf32, #tpu.memory_space<vmem>>, vector<1x1x16xf32>,
        %get3A_928 = vector.shape_cast %get3A_927 : vector<1x1x16xf32> to vector<16xf32>
        %add3A_929 = arith.addf %add3A_889, %get3A_928 : vector<16xf32>
        %add3A_930 = arith.constant 2 : i32
        %add3A_931 = arith.addi %add3A_861, %add3A_930 : i32
        %add3A_932 = arith.constant 1 : i32
        %add3A_933 = arith.addi %add3A_931, %add3A_932 : i32
        %get3A_934 = arith.constant 0 : i32
        %get3A_935 = arith.index_cast %get3A_934 : i32 to index
        %get3A_936 = arith.index_cast %add3A_933 : i32 to index
        %get3A_937 = arith.constant 16 : index
        %get3A_938 = tpu.vector_load %arg6[%get3A_935, %get3A_936, %get3A_937] {strides = array<i32>} : memref<2x1600x32xf32, #tpu.memory_space<vmem>>, vector<1x1x16xf32>,
        %get3A_939 = vector.shape_cast %get3A_938 : vector<1x1x16xf32> to vector<16xf32>
        %add3A_940 = arith.addf %add3A_900, %get3A_939 : vector<16xf32>
        %add3A_941 = arith.constant 4 : i32
        %add3A_942 = arith.addi %add3A_861, %add3A_941 : i32
        %get3A_943 = arith.constant 0 : i32
        %get3A_944 = arith.index_cast %get3A_943 : i32 to index
        %get3A_945 = arith.index_cast %add3A_942 : i32 to index
        %get3A_946 = arith.constant 0 : index
        %get3A_947 = tpu.vector_load %arg6[%get3A_944, %get3A_945, %get3A_946] {strides = array<i32>} : memref<2x1600x32xf32, #tpu.memory_space<vmem>>, vector<1x1x16xf32>,
        %get3A_948 = vector.shape_cast %get3A_947 : vector<1x1x16xf32> to vector<16xf32>
        %add3A_949 = arith.addf %add3A_909, %get3A_948 : vector<16xf32>
        %add3A_950 = arith.constant 4 : i32
        %add3A_951 = arith.addi %add3A_861, %add3A_950 : i32
        %get3A_952 = arith.constant 0 : i32
        %get3A_953 = arith.index_cast %get3A_952 : i32 to index
        %get3A_954 = arith.index_cast %add3A_951 : i32 to index
        %get3A_955 = arith.constant 16 : index
        %get3A_956 = tpu.vector_load %arg6[%get3A_953, %get3A_954, %get3A_955] {strides = array<i32>} : memref<2x1600x32xf32, #tpu.memory_space<vmem>>, vector<1x1x16xf32>,
        %get3A_957 = vector.shape_cast %get3A_956 : vector<1x1x16xf32> to vector<16xf32>
        %add3A_958 = arith.addf %add3A_918, %get3A_957 : vector<16xf32>
        %add3A_959 = arith.constant 4 : i32
        %add3A_960 = arith.addi %add3A_861, %add3A_959 : i32
        %add3A_961 = arith.constant 1 : i32
        %add3A_962 = arith.addi %add3A_960, %add3A_961 : i32
        %get3A_963 = arith.constant 0 : i32
        %get3A_964 = arith.index_cast %get3A_963 : i32 to index
        %get3A_965 = arith.index_cast %add3A_962 : i32 to index
        %get3A_966 = arith.constant 0 : index
        %get3A_967 = tpu.vector_load %arg6[%get3A_964, %get3A_965, %get3A_966] {strides = array<i32>} : memref<2x1600x32xf32, #tpu.memory_space<vmem>>, vector<1x1x16xf32>,
        %get3A_968 = vector.shape_cast %get3A_967 : vector<1x1x16xf32> to vector<16xf32>
        %add3A_969 = arith.addf %add3A_929, %get3A_968 : vector<16xf32>
        %add3A_970 = arith.constant 4 : i32
        %add3A_971 = arith.addi %add3A_861, %add3A_970 : i32
        %add3A_972 = arith.constant 1 : i32
        %add3A_973 = arith.addi %add3A_971, %add3A_972 : i32
        %get3A_974 = arith.constant 0 : i32
        %get3A_975 = arith.index_cast %get3A_974 : i32 to index
        %get3A_976 = arith.index_cast %add3A_973 : i32 to index
        %get3A_977 = arith.constant 16 : index
        %get3A_978 = tpu.vector_load %arg6[%get3A_975, %get3A_976, %get3A_977] {strides = array<i32>} : memref<2x1600x32xf32, #tpu.memory_space<vmem>>, vector<1x1x16xf32>,
        %get3A_979 = vector.shape_cast %get3A_978 : vector<1x1x16xf32> to vector<16xf32>
        %add3A_980 = arith.addf %add3A_940, %get3A_979 : vector<16xf32>
        %add3A_981 = arith.constant 6 : i32
        %add3A_982 = arith.addi %add3A_861, %add3A_981 : i32
        %get3A_983 = arith.constant 0 : i32
        %get3A_984 = arith.index_cast %get3A_983 : i32 to index
        %get3A_985 = arith.index_cast %add3A_982 : i32 to index
        %get3A_986 = arith.constant 0 : index
        %get3A_987 = tpu.vector_load %arg6[%get3A_984, %get3A_985, %get3A_986] {strides = array<i32>} : memref<2x1600x32xf32, #tpu.memory_space<vmem>>, vector<1x1x16xf32>,
        %get3A_988 = vector.shape_cast %get3A_987 : vector<1x1x16xf32> to vector<16xf32>
        %add3A_989 = arith.addf %add3A_949, %get3A_988 : vector<16xf32>
        %add3A_990 = arith.constant 6 : i32
        %add3A_991 = arith.addi %add3A_861, %add3A_990 : i32
        %get3A_992 = arith.constant 0 : i32
        %get3A_993 = arith.index_cast %get3A_992 : i32 to index
        %get3A_994 = arith.index_cast %add3A_991 : i32 to index
        %get3A_995 = arith.constant 16 : index
        %get3A_996 = tpu.vector_load %arg6[%get3A_993, %get3A_994, %get3A_995] {strides = array<i32>} : memref<2x1600x32xf32, #tpu.memory_space<vmem>>, vector<1x1x16xf32>,
        %get3A_997 = vector.shape_cast %get3A_996 : vector<1x1x16xf32> to vector<16xf32>
        %add3A_998 = arith.addf %add3A_958, %get3A_997 : vector<16xf32>
        %add3A_999 = arith.constant 6 : i32
        %add3A_1000 = arith.addi %add3A_861, %add3A_999 : i32
        %add3A_1001 = arith.constant 1 : i32
        %add3A_1002 = arith.addi %add3A_1000, %add3A_1001 : i32
        %get3A_1003 = arith.constant 0 : i32
        %get3A_1004 = arith.index_cast %get3A_1003 : i32 to index
        %get3A_1005 = arith.index_cast %add3A_1002 : i32 to index
        %get3A_1006 = arith.constant 0 : index
        %get3A_1007 = tpu.vector_load %arg6[%get3A_1004, %get3A_1005, %get3A_1006] {strides = array<i32>} : memref<2x1600x32xf32, #tpu.memory_space<vmem>>, vector<1x1x16xf32>,
        %get3A_1008 = vector.shape_cast %get3A_1007 : vector<1x1x16xf32> to vector<16xf32>
        %add3A_1009 = arith.addf %add3A_969, %get3A_1008 : vector<16xf32>
        %add3A_1010 = arith.constant 6 : i32
        %add3A_1011 = arith.addi %add3A_861, %add3A_1010 : i32
        %add3A_1012 = arith.constant 1 : i32
        %add3A_1013 = arith.addi %add3A_1011, %add3A_1012 : i32
        %get3A_1014 = arith.constant 0 : i32
        %get3A_1015 = arith.index_cast %get3A_1014 : i32 to index
        %get3A_1016 = arith.index_cast %add3A_1013 : i32 to index
        %get3A_1017 = arith.constant 16 : index
        %get3A_1018 = tpu.vector_load %arg6[%get3A_1015, %get3A_1016, %get3A_1017] {strides = array<i32>} : memref<2x1600x32xf32, #tpu.memory_space<vmem>>, vector<1x1x16xf32>,
        %get3A_1019 = vector.shape_cast %get3A_1018 : vector<1x1x16xf32> to vector<16xf32>
        %add3A_1020 = arith.addf %add3A_980, %get3A_1019 : vector<16xf32>
        scf.yield %add3A_989, %add3A_998, %add3A_1009, %add3A_1020 : vector<16xf32>, vector<16xf32>, vector<16xf32>, vector<16xf32>
      }
      %scan3A_479 = arith.constant 25 : i32
      %mul3A_480 = arith.constant 8 : i32
      %mul3A_481 = arith.muli %mul3A_449, %mul3A_480 : i32
      %add3A_482 = arith.constant 1 : i32
      %add3A_483 = arith.addi %mul3A_481, %add3A_482 : i32
      %add3A_484 = arith.addf %scan3A_478#0, %scan3A_478#2 : vector<16xf32>
      %swap3A_485 = arith.index_cast %add3A_483 : i32 to index
      %swap3A_486 = arith.constant 0 : index
      %swap3A_487 = tpu.vector_load %arg7[%swap3A_485, %swap3A_486] {strides = array<i32>} : memref<512x32xf32, #tpu.memory_space<vmem>>, vector<1x16xf32>,
      %swap3A_488 = vector.shape_cast %swap3A_487 : vector<1x16xf32> to vector<16xf32>
      %swap3A_489 = vector.shape_cast %add3A_484 : vector<16xf32> to vector<1x16xf32>
      tpu.vector_store %arg7[%swap3A_485, %swap3A_486], %swap3A_489 {strides = array<i32>} : memref<512x32xf32, #tpu.memory_space<vmem>>, vector<1x16xf32>,
      %add3A_490 = arith.addf %scan3A_478#1, %scan3A_478#3 : vector<16xf32>
      %swap3A_491 = arith.index_cast %add3A_483 : i32 to index
      %swap3A_492 = arith.constant 16 : index
      %swap3A_493 = tpu.vector_load %arg7[%swap3A_491, %swap3A_492] {strides = array<i32>} : memref<512x32xf32, #tpu.memory_space<vmem>>, vector<1x16xf32>,
      %swap3A_494 = vector.shape_cast %swap3A_493 : vector<1x16xf32> to vector<16xf32>
      %swap3A_495 = vector.shape_cast %add3A_490 : vector<16xf32> to vector<1x16xf32>
      tpu.vector_store %arg7[%swap3A_491, %swap3A_492], %swap3A_495 {strides = array<i32>} : memref<512x32xf32, #tpu.memory_space<vmem>>, vector<1x16xf32>,
      %broadcast_in_dim3A_496 = arith.constant 0.000000e+00 : f32
      %broadcast_in_dim3A_497 = vector.broadcast %broadcast_in_dim3A_496 : f32 to vector<16xf32>
      %scan3A_498 = arith.constant 0 : i32
      %scan3A_499 = arith.constant 25 : i32
      %scan3A_500 = arith.addi %scan3A_498, %scan3A_499 : i32
      %scan3A_501 = arith.constant 1 : i32
      %scan3A_502:4 = scf.for %scan3A_853 = %scan3A_498 to %scan3A_500 step %scan3A_501 iter_args(%scan3A_854 = %broadcast_in_dim3A_497, %scan3A_855 = %broadcast_in_dim3A_497, %scan3A_856 = %broadcast_in_dim3A_497, %scan3A_857 = %broadcast_in_dim3A_497) -> (vector<16xf32>, vector<16xf32>, vector<16xf32>, vector<16xf32>)  : i32 {
        %mul3A_858 = arith.constant 8 : i32
        %mul3A_859 = arith.muli %scan3A_853, %mul3A_858 : i32
        %add3A_860 = arith.constant 400 : i32
        %add3A_861 = arith.addi %add3A_860, %mul3A_859 : i32
        %add3A_862 = arith.constant 0 : i32
        %add3A_863 = arith.addi %add3A_861, %add3A_862 : i32
        %get3A = arith.constant 0 : i32
        %get3A_864 = arith.index_cast %get3A : i32 to index
        %get3A_865 = arith.index_cast %add3A_863 : i32 to index
        %get3A_866 = arith.constant 0 : index
        %get3A_867 = tpu.vector_load %arg6[%get3A_864, %get3A_865, %get3A_866] {strides = array<i32>} : memref<2x1600x32xf32, #tpu.memory_space<vmem>>, vector<1x1x16xf32>,
        %get3A_868 = vector.shape_cast %get3A_867 : vector<1x1x16xf32> to vector<16xf32>
        %add3A_869 = arith.addf %scan3A_854, %get3A_868 : vector<16xf32>
        %add3A_870 = arith.constant 0 : i32
        %add3A_871 = arith.addi %add3A_861, %add3A_870 : i32
        %get3A_872 = arith.constant 0 : i32
        %get3A_873 = arith.index_cast %get3A_872 : i32 to index
        %get3A_874 = arith.index_cast %add3A_871 : i32 to index
        %get3A_875 = arith.constant 16 : index
        %get3A_876 = tpu.vector_load %arg6[%get3A_873, %get3A_874, %get3A_875] {strides = array<i32>} : memref<2x1600x32xf32, #tpu.memory_space<vmem>>, vector<1x1x16xf32>,
        %get3A_877 = vector.shape_cast %get3A_876 : vector<1x1x16xf32> to vector<16xf32>
        %add3A_878 = arith.addf %scan3A_855, %get3A_877 : vector<16xf32>
        %add3A_879 = arith.constant 0 : i32
        %add3A_880 = arith.addi %add3A_861, %add3A_879 : i32
        %add3A_881 = arith.constant 1 : i32
        %add3A_882 = arith.addi %add3A_880, %add3A_881 : i32
        %get3A_883 = arith.constant 0 : i32
        %get3A_884 = arith.index_cast %get3A_883 : i32 to index
        %get3A_885 = arith.index_cast %add3A_882 : i32 to index
        %get3A_886 = arith.constant 0 : index
        %get3A_887 = tpu.vector_load %arg6[%get3A_884, %get3A_885, %get3A_886] {strides = array<i32>} : memref<2x1600x32xf32, #tpu.memory_space<vmem>>, vector<1x1x16xf32>,
        %get3A_888 = vector.shape_cast %get3A_887 : vector<1x1x16xf32> to vector<16xf32>
        %add3A_889 = arith.addf %scan3A_856, %get3A_888 : vector<16xf32>
        %add3A_890 = arith.constant 0 : i32
        %add3A_891 = arith.addi %add3A_861, %add3A_890 : i32
        %add3A_892 = arith.constant 1 : i32
        %add3A_893 = arith.addi %add3A_891, %add3A_892 : i32
        %get3A_894 = arith.constant 0 : i32
        %get3A_895 = arith.index_cast %get3A_894 : i32 to index
        %get3A_896 = arith.index_cast %add3A_893 : i32 to index
        %get3A_897 = arith.constant 16 : index
        %get3A_898 = tpu.vector_load %arg6[%get3A_895, %get3A_896, %get3A_897] {strides = array<i32>} : memref<2x1600x32xf32, #tpu.memory_space<vmem>>, vector<1x1x16xf32>,
        %get3A_899 = vector.shape_cast %get3A_898 : vector<1x1x16xf32> to vector<16xf32>
        %add3A_900 = arith.addf %scan3A_857, %get3A_899 : vector<16xf32>
        %add3A_901 = arith.constant 2 : i32
        %add3A_902 = arith.addi %add3A_861, %add3A_901 : i32
        %get3A_903 = arith.constant 0 : i32
        %get3A_904 = arith.index_cast %get3A_903 : i32 to index
        %get3A_905 = arith.index_cast %add3A_902 : i32 to index
        %get3A_906 = arith.constant 0 : index
        %get3A_907 = tpu.vector_load %arg6[%get3A_904, %get3A_905, %get3A_906] {strides = array<i32>} : memref<2x1600x32xf32, #tpu.memory_space<vmem>>, vector<1x1x16xf32>,
        %get3A_908 = vector.shape_cast %get3A_907 : vector<1x1x16xf32> to vector<16xf32>
        %add3A_909 = arith.addf %add3A_869, %get3A_908 : vector<16xf32>
        %add3A_910 = arith.constant 2 : i32
        %add3A_911 = arith.addi %add3A_861, %add3A_910 : i32
        %get3A_912 = arith.constant 0 : i32
        %get3A_913 = arith.index_cast %get3A_912 : i32 to index
        %get3A_914 = arith.index_cast %add3A_911 : i32 to index
        %get3A_915 = arith.constant 16 : index
        %get3A_916 = tpu.vector_load %arg6[%get3A_913, %get3A_914, %get3A_915] {strides = array<i32>} : memref<2x1600x32xf32, #tpu.memory_space<vmem>>, vector<1x1x16xf32>,
        %get3A_917 = vector.shape_cast %get3A_916 : vector<1x1x16xf32> to vector<16xf32>
        %add3A_918 = arith.addf %add3A_878, %get3A_917 : vector<16xf32>
        %add3A_919 = arith.constant 2 : i32
        %add3A_920 = arith.addi %add3A_861, %add3A_919 : i32
        %add3A_921 = arith.constant 1 : i32
        %add3A_922 = arith.addi %add3A_920, %add3A_921 : i32
        %get3A_923 = arith.constant 0 : i32
        %get3A_924 = arith.index_cast %get3A_923 : i32 to index
        %get3A_925 = arith.index_cast %add3A_922 : i32 to index
        %get3A_926 = arith.constant 0 : index
        %get3A_927 = tpu.vector_load %arg6[%get3A_924, %get3A_925, %get3A_926] {strides = array<i32>} : memref<2x1600x32xf32, #tpu.memory_space<vmem>>, vector<1x1x16xf32>,
        %get3A_928 = vector.shape_cast %get3A_927 : vector<1x1x16xf32> to vector<16xf32>
        %add3A_929 = arith.addf %add3A_889, %get3A_928 : vector<16xf32>
        %add3A_930 = arith.constant 2 : i32
        %add3A_931 = arith.addi %add3A_861, %add3A_930 : i32
        %add3A_932 = arith.constant 1 : i32
        %add3A_933 = arith.addi %add3A_931, %add3A_932 : i32
        %get3A_934 = arith.constant 0 : i32
        %get3A_935 = arith.index_cast %get3A_934 : i32 to index
        %get3A_936 = arith.index_cast %add3A_933 : i32 to index
        %get3A_937 = arith.constant 16 : index
        %get3A_938 = tpu.vector_load %arg6[%get3A_935, %get3A_936, %get3A_937] {strides = array<i32>} : memref<2x1600x32xf32, #tpu.memory_space<vmem>>, vector<1x1x16xf32>,
        %get3A_939 = vector.shape_cast %get3A_938 : vector<1x1x16xf32> to vector<16xf32>
        %add3A_940 = arith.addf %add3A_900, %get3A_939 : vector<16xf32>
        %add3A_941 = arith.constant 4 : i32
        %add3A_942 = arith.addi %add3A_861, %add3A_941 : i32
        %get3A_943 = arith.constant 0 : i32
        %get3A_944 = arith.index_cast %get3A_943 : i32 to index
        %get3A_945 = arith.index_cast %add3A_942 : i32 to index
        %get3A_946 = arith.constant 0 : index
        %get3A_947 = tpu.vector_load %arg6[%get3A_944, %get3A_945, %get3A_946] {strides = array<i32>} : memref<2x1600x32xf32, #tpu.memory_space<vmem>>, vector<1x1x16xf32>,
        %get3A_948 = vector.shape_cast %get3A_947 : vector<1x1x16xf32> to vector<16xf32>
        %add3A_949 = arith.addf %add3A_909, %get3A_948 : vector<16xf32>
        %add3A_950 = arith.constant 4 : i32
        %add3A_951 = arith.addi %add3A_861, %add3A_950 : i32
        %get3A_952 = arith.constant 0 : i32
        %get3A_953 = arith.index_cast %get3A_952 : i32 to index
        %get3A_954 = arith.index_cast %add3A_951 : i32 to index
        %get3A_955 = arith.constant 16 : index
        %get3A_956 = tpu.vector_load %arg6[%get3A_953, %get3A_954, %get3A_955] {strides = array<i32>} : memref<2x1600x32xf32, #tpu.memory_space<vmem>>, vector<1x1x16xf32>,
        %get3A_957 = vector.shape_cast %get3A_956 : vector<1x1x16xf32> to vector<16xf32>
        %add3A_958 = arith.addf %add3A_918, %get3A_957 : vector<16xf32>
        %add3A_959 = arith.constant 4 : i32
        %add3A_960 = arith.addi %add3A_861, %add3A_959 : i32
        %add3A_961 = arith.constant 1 : i32
        %add3A_962 = arith.addi %add3A_960, %add3A_961 : i32
        %get3A_963 = arith.constant 0 : i32
        %get3A_964 = arith.index_cast %get3A_963 : i32 to index
        %get3A_965 = arith.index_cast %add3A_962 : i32 to index
        %get3A_966 = arith.constant 0 : index
        %get3A_967 = tpu.vector_load %arg6[%get3A_964, %get3A_965, %get3A_966] {strides = array<i32>} : memref<2x1600x32xf32, #tpu.memory_space<vmem>>, vector<1x1x16xf32>,
        %get3A_968 = vector.shape_cast %get3A_967 : vector<1x1x16xf32> to vector<16xf32>
        %add3A_969 = arith.addf %add3A_929, %get3A_968 : vector<16xf32>
        %add3A_970 = arith.constant 4 : i32
        %add3A_971 = arith.addi %add3A_861, %add3A_970 : i32
        %add3A_972 = arith.constant 1 : i32
        %add3A_973 = arith.addi %add3A_971, %add3A_972 : i32
        %get3A_974 = arith.constant 0 : i32
        %get3A_975 = arith.index_cast %get3A_974 : i32 to index
        %get3A_976 = arith.index_cast %add3A_973 : i32 to index
        %get3A_977 = arith.constant 16 : index
        %get3A_978 = tpu.vector_load %arg6[%get3A_975, %get3A_976, %get3A_977] {strides = array<i32>} : memref<2x1600x32xf32, #tpu.memory_space<vmem>>, vector<1x1x16xf32>,
        %get3A_979 = vector.shape_cast %get3A_978 : vector<1x1x16xf32> to vector<16xf32>
        %add3A_980 = arith.addf %add3A_940, %get3A_979 : vector<16xf32>
        %add3A_981 = arith.constant 6 : i32
        %add3A_982 = arith.addi %add3A_861, %add3A_981 : i32
        %get3A_983 = arith.constant 0 : i32
        %get3A_984 = arith.index_cast %get3A_983 : i32 to index
        %get3A_985 = arith.index_cast %add3A_982 : i32 to index
        %get3A_986 = arith.constant 0 : index
        %get3A_987 = tpu.vector_load %arg6[%get3A_984, %get3A_985, %get3A_986] {strides = array<i32>} : memref<2x1600x32xf32, #tpu.memory_space<vmem>>, vector<1x1x16xf32>,
        %get3A_988 = vector.shape_cast %get3A_987 : vector<1x1x16xf32> to vector<16xf32>
        %add3A_989 = arith.addf %add3A_949, %get3A_988 : vector<16xf32>
        %add3A_990 = arith.constant 6 : i32
        %add3A_991 = arith.addi %add3A_861, %add3A_990 : i32
        %get3A_992 = arith.constant 0 : i32
        %get3A_993 = arith.index_cast %get3A_992 : i32 to index
        %get3A_994 = arith.index_cast %add3A_991 : i32 to index
        %get3A_995 = arith.constant 16 : index
        %get3A_996 = tpu.vector_load %arg6[%get3A_993, %get3A_994, %get3A_995] {strides = array<i32>} : memref<2x1600x32xf32, #tpu.memory_space<vmem>>, vector<1x1x16xf32>,
        %get3A_997 = vector.shape_cast %get3A_996 : vector<1x1x16xf32> to vector<16xf32>
        %add3A_998 = arith.addf %add3A_958, %get3A_997 : vector<16xf32>
        %add3A_999 = arith.constant 6 : i32
        %add3A_1000 = arith.addi %add3A_861, %add3A_999 : i32
        %add3A_1001 = arith.constant 1 : i32
        %add3A_1002 = arith.addi %add3A_1000, %add3A_1001 : i32
        %get3A_1003 = arith.constant 0 : i32
        %get3A_1004 = arith.index_cast %get3A_1003 : i32 to index
        %get3A_1005 = arith.index_cast %add3A_1002 : i32 to index
        %get3A_1006 = arith.constant 0 : index
        %get3A_1007 = tpu.vector_load %arg6[%get3A_1004, %get3A_1005, %get3A_1006] {strides = array<i32>} : memref<2x1600x32xf32, #tpu.memory_space<vmem>>, vector<1x1x16xf32>,
        %get3A_1008 = vector.shape_cast %get3A_1007 : vector<1x1x16xf32> to vector<16xf32>
        %add3A_1009 = arith.addf %add3A_969, %get3A_1008 : vector<16xf32>
        %add3A_1010 = arith.constant 6 : i32
        %add3A_1011 = arith.addi %add3A_861, %add3A_1010 : i32
        %add3A_1012 = arith.constant 1 : i32
        %add3A_1013 = arith.addi %add3A_1011, %add3A_1012 : i32
        %get3A_1014 = arith.constant 0 : i32
        %get3A_1015 = arith.index_cast %get3A_1014 : i32 to index
        %get3A_1016 = arith.index_cast %add3A_1013 : i32 to index
        %get3A_1017 = arith.constant 16 : index
        %get3A_1018 = tpu.vector_load %arg6[%get3A_1015, %get3A_1016, %get3A_1017] {strides = array<i32>} : memref<2x1600x32xf32, #tpu.memory_space<vmem>>, vector<1x1x16xf32>,
        %get3A_1019 = vector.shape_cast %get3A_1018 : vector<1x1x16xf32> to vector<16xf32>
        %add3A_1020 = arith.addf %add3A_980, %get3A_1019 : vector<16xf32>
        scf.yield %add3A_989, %add3A_998, %add3A_1009, %add3A_1020 : vector<16xf32>, vector<16xf32>, vector<16xf32>, vector<16xf32>
      }
      %scan3A_503 = arith.constant 25 : i32
      %mul3A_504 = arith.constant 8 : i32
      %mul3A_505 = arith.muli %mul3A_449, %mul3A_504 : i32
      %add3A_506 = arith.constant 2 : i32
      %add3A_507 = arith.addi %mul3A_505, %add3A_506 : i32
      %add3A_508 = arith.addf %scan3A_502#0, %scan3A_502#2 : vector<16xf32>
      %swap3A_509 = arith.index_cast %add3A_507 : i32 to index
      %swap3A_510 = arith.constant 0 : index
      %swap3A_511 = tpu.vector_load %arg7[%swap3A_509, %swap3A_510] {strides = array<i32>} : memref<512x32xf32, #tpu.memory_space<vmem>>, vector<1x16xf32>,
      %swap3A_512 = vector.shape_cast %swap3A_511 : vector<1x16xf32> to vector<16xf32>
      %swap3A_513 = vector.shape_cast %add3A_508 : vector<16xf32> to vector<1x16xf32>
      tpu.vector_store %arg7[%swap3A_509, %swap3A_510], %swap3A_513 {strides = array<i32>} : memref<512x32xf32, #tpu.memory_space<vmem>>, vector<1x16xf32>,
      %add3A_514 = arith.addf %scan3A_502#1, %scan3A_502#3 : vector<16xf32>
      %swap3A_515 = arith.index_cast %add3A_507 : i32 to index
      %swap3A_516 = arith.constant 16 : index
      %swap3A_517 = tpu.vector_load %arg7[%swap3A_515, %swap3A_516] {strides = array<i32>} : memref<512x32xf32, #tpu.memory_space<vmem>>, vector<1x16xf32>,
      %swap3A_518 = vector.shape_cast %swap3A_517 : vector<1x16xf32> to vector<16xf32>
      %swap3A_519 = vector.shape_cast %add3A_514 : vector<16xf32> to vector<1x16xf32>
      tpu.vector_store %arg7[%swap3A_515, %swap3A_516], %swap3A_519 {strides = array<i32>} : memref<512x32xf32, #tpu.memory_space<vmem>>, vector<1x16xf32>,
      %broadcast_in_dim3A_520 = arith.constant 0.000000e+00 : f32
      %broadcast_in_dim3A_521 = vector.broadcast %broadcast_in_dim3A_520 : f32 to vector<16xf32>
      %scan3A_522 = arith.constant 0 : i32
      %scan3A_523 = arith.constant 25 : i32
      %scan3A_524 = arith.addi %scan3A_522, %scan3A_523 : i32
      %scan3A_525 = arith.constant 1 : i32
      %scan3A_526:4 = scf.for %scan3A_853 = %scan3A_522 to %scan3A_524 step %scan3A_525 iter_args(%scan3A_854 = %broadcast_in_dim3A_521, %scan3A_855 = %broadcast_in_dim3A_521, %scan3A_856 = %broadcast_in_dim3A_521, %scan3A_857 = %broadcast_in_dim3A_521) -> (vector<16xf32>, vector<16xf32>, vector<16xf32>, vector<16xf32>)  : i32 {
        %mul3A_858 = arith.constant 8 : i32
        %mul3A_859 = arith.muli %scan3A_853, %mul3A_858 : i32
        %add3A_860 = arith.constant 600 : i32
        %add3A_861 = arith.addi %add3A_860, %mul3A_859 : i32
        %add3A_862 = arith.constant 0 : i32
        %add3A_863 = arith.addi %add3A_861, %add3A_862 : i32
        %get3A = arith.constant 0 : i32
        %get3A_864 = arith.index_cast %get3A : i32 to index
        %get3A_865 = arith.index_cast %add3A_863 : i32 to index
        %get3A_866 = arith.constant 0 : index
        %get3A_867 = tpu.vector_load %arg6[%get3A_864, %get3A_865, %get3A_866] {strides = array<i32>} : memref<2x1600x32xf32, #tpu.memory_space<vmem>>, vector<1x1x16xf32>,
        %get3A_868 = vector.shape_cast %get3A_867 : vector<1x1x16xf32> to vector<16xf32>
        %add3A_869 = arith.addf %scan3A_854, %get3A_868 : vector<16xf32>
        %add3A_870 = arith.constant 0 : i32
        %add3A_871 = arith.addi %add3A_861, %add3A_870 : i32
        %get3A_872 = arith.constant 0 : i32
        %get3A_873 = arith.index_cast %get3A_872 : i32 to index
        %get3A_874 = arith.index_cast %add3A_871 : i32 to index
        %get3A_875 = arith.constant 16 : index
        %get3A_876 = tpu.vector_load %arg6[%get3A_873, %get3A_874, %get3A_875] {strides = array<i32>} : memref<2x1600x32xf32, #tpu.memory_space<vmem>>, vector<1x1x16xf32>,
        %get3A_877 = vector.shape_cast %get3A_876 : vector<1x1x16xf32> to vector<16xf32>
        %add3A_878 = arith.addf %scan3A_855, %get3A_877 : vector<16xf32>
        %add3A_879 = arith.constant 0 : i32
        %add3A_880 = arith.addi %add3A_861, %add3A_879 : i32
        %add3A_881 = arith.constant 1 : i32
        %add3A_882 = arith.addi %add3A_880, %add3A_881 : i32
        %get3A_883 = arith.constant 0 : i32
        %get3A_884 = arith.index_cast %get3A_883 : i32 to index
        %get3A_885 = arith.index_cast %add3A_882 : i32 to index
        %get3A_886 = arith.constant 0 : index
        %get3A_887 = tpu.vector_load %arg6[%get3A_884, %get3A_885, %get3A_886] {strides = array<i32>} : memref<2x1600x32xf32, #tpu.memory_space<vmem>>, vector<1x1x16xf32>,
        %get3A_888 = vector.shape_cast %get3A_887 : vector<1x1x16xf32> to vector<16xf32>
        %add3A_889 = arith.addf %scan3A_856, %get3A_888 : vector<16xf32>
        %add3A_890 = arith.constant 0 : i32
        %add3A_891 = arith.addi %add3A_861, %add3A_890 : i32
        %add3A_892 = arith.constant 1 : i32
        %add3A_893 = arith.addi %add3A_891, %add3A_892 : i32
        %get3A_894 = arith.constant 0 : i32
        %get3A_895 = arith.index_cast %get3A_894 : i32 to index
        %get3A_896 = arith.index_cast %add3A_893 : i32 to index
        %get3A_897 = arith.constant 16 : index
        %get3A_898 = tpu.vector_load %arg6[%get3A_895, %get3A_896, %get3A_897] {strides = array<i32>} : memref<2x1600x32xf32, #tpu.memory_space<vmem>>, vector<1x1x16xf32>,
        %get3A_899 = vector.shape_cast %get3A_898 : vector<1x1x16xf32> to vector<16xf32>
        %add3A_900 = arith.addf %scan3A_857, %get3A_899 : vector<16xf32>
        %add3A_901 = arith.constant 2 : i32
        %add3A_902 = arith.addi %add3A_861, %add3A_901 : i32
        %get3A_903 = arith.constant 0 : i32
        %get3A_904 = arith.index_cast %get3A_903 : i32 to index
        %get3A_905 = arith.index_cast %add3A_902 : i32 to index
        %get3A_906 = arith.constant 0 : index
        %get3A_907 = tpu.vector_load %arg6[%get3A_904, %get3A_905, %get3A_906] {strides = array<i32>} : memref<2x1600x32xf32, #tpu.memory_space<vmem>>, vector<1x1x16xf32>,
        %get3A_908 = vector.shape_cast %get3A_907 : vector<1x1x16xf32> to vector<16xf32>
        %add3A_909 = arith.addf %add3A_869, %get3A_908 : vector<16xf32>
        %add3A_910 = arith.constant 2 : i32
        %add3A_911 = arith.addi %add3A_861, %add3A_910 : i32
        %get3A_912 = arith.constant 0 : i32
        %get3A_913 = arith.index_cast %get3A_912 : i32 to index
        %get3A_914 = arith.index_cast %add3A_911 : i32 to index
        %get3A_915 = arith.constant 16 : index
        %get3A_916 = tpu.vector_load %arg6[%get3A_913, %get3A_914, %get3A_915] {strides = array<i32>} : memref<2x1600x32xf32, #tpu.memory_space<vmem>>, vector<1x1x16xf32>,
        %get3A_917 = vector.shape_cast %get3A_916 : vector<1x1x16xf32> to vector<16xf32>
        %add3A_918 = arith.addf %add3A_878, %get3A_917 : vector<16xf32>
        %add3A_919 = arith.constant 2 : i32
        %add3A_920 = arith.addi %add3A_861, %add3A_919 : i32
        %add3A_921 = arith.constant 1 : i32
        %add3A_922 = arith.addi %add3A_920, %add3A_921 : i32
        %get3A_923 = arith.constant 0 : i32
        %get3A_924 = arith.index_cast %get3A_923 : i32 to index
        %get3A_925 = arith.index_cast %add3A_922 : i32 to index
        %get3A_926 = arith.constant 0 : index
        %get3A_927 = tpu.vector_load %arg6[%get3A_924, %get3A_925, %get3A_926] {strides = array<i32>} : memref<2x1600x32xf32, #tpu.memory_space<vmem>>, vector<1x1x16xf32>,
        %get3A_928 = vector.shape_cast %get3A_927 : vector<1x1x16xf32> to vector<16xf32>
        %add3A_929 = arith.addf %add3A_889, %get3A_928 : vector<16xf32>
        %add3A_930 = arith.constant 2 : i32
        %add3A_931 = arith.addi %add3A_861, %add3A_930 : i32
        %add3A_932 = arith.constant 1 : i32
        %add3A_933 = arith.addi %add3A_931, %add3A_932 : i32
        %get3A_934 = arith.constant 0 : i32
        %get3A_935 = arith.index_cast %get3A_934 : i32 to index
        %get3A_936 = arith.index_cast %add3A_933 : i32 to index
        %get3A_937 = arith.constant 16 : index
        %get3A_938 = tpu.vector_load %arg6[%get3A_935, %get3A_936, %get3A_937] {strides = array<i32>} : memref<2x1600x32xf32, #tpu.memory_space<vmem>>, vector<1x1x16xf32>,
        %get3A_939 = vector.shape_cast %get3A_938 : vector<1x1x16xf32> to vector<16xf32>
        %add3A_940 = arith.addf %add3A_900, %get3A_939 : vector<16xf32>
        %add3A_941 = arith.constant 4 : i32
        %add3A_942 = arith.addi %add3A_861, %add3A_941 : i32
        %get3A_943 = arith.constant 0 : i32
        %get3A_944 = arith.index_cast %get3A_943 : i32 to index
        %get3A_945 = arith.index_cast %add3A_942 : i32 to index
        %get3A_946 = arith.constant 0 : index
        %get3A_947 = tpu.vector_load %arg6[%get3A_944, %get3A_945, %get3A_946] {strides = array<i32>} : memref<2x1600x32xf32, #tpu.memory_space<vmem>>, vector<1x1x16xf32>,
        %get3A_948 = vector.shape_cast %get3A_947 : vector<1x1x16xf32> to vector<16xf32>
        %add3A_949 = arith.addf %add3A_909, %get3A_948 : vector<16xf32>
        %add3A_950 = arith.constant 4 : i32
        %add3A_951 = arith.addi %add3A_861, %add3A_950 : i32
        %get3A_952 = arith.constant 0 : i32
        %get3A_953 = arith.index_cast %get3A_952 : i32 to index
        %get3A_954 = arith.index_cast %add3A_951 : i32 to index
        %get3A_955 = arith.constant 16 : index
        %get3A_956 = tpu.vector_load %arg6[%get3A_953, %get3A_954, %get3A_955] {strides = array<i32>} : memref<2x1600x32xf32, #tpu.memory_space<vmem>>, vector<1x1x16xf32>,
        %get3A_957 = vector.shape_cast %get3A_956 : vector<1x1x16xf32> to vector<16xf32>
        %add3A_958 = arith.addf %add3A_918, %get3A_957 : vector<16xf32>
        %add3A_959 = arith.constant 4 : i32
        %add3A_960 = arith.addi %add3A_861, %add3A_959 : i32
        %add3A_961 = arith.constant 1 : i32
        %add3A_962 = arith.addi %add3A_960, %add3A_961 : i32
        %get3A_963 = arith.constant 0 : i32
        %get3A_964 = arith.index_cast %get3A_963 : i32 to index
        %get3A_965 = arith.index_cast %add3A_962 : i32 to index
        %get3A_966 = arith.constant 0 : index
        %get3A_967 = tpu.vector_load %arg6[%get3A_964, %get3A_965, %get3A_966] {strides = array<i32>} : memref<2x1600x32xf32, #tpu.memory_space<vmem>>, vector<1x1x16xf32>,
        %get3A_968 = vector.shape_cast %get3A_967 : vector<1x1x16xf32> to vector<16xf32>
        %add3A_969 = arith.addf %add3A_929, %get3A_968 : vector<16xf32>
        %add3A_970 = arith.constant 4 : i32
        %add3A_971 = arith.addi %add3A_861, %add3A_970 : i32
        %add3A_972 = arith.constant 1 : i32
        %add3A_973 = arith.addi %add3A_971, %add3A_972 : i32
        %get3A_974 = arith.constant 0 : i32
        %get3A_975 = arith.index_cast %get3A_974 : i32 to index
        %get3A_976 = arith.index_cast %add3A_973 : i32 to index
        %get3A_977 = arith.constant 16 : index
        %get3A_978 = tpu.vector_load %arg6[%get3A_975, %get3A_976, %get3A_977] {strides = array<i32>} : memref<2x1600x32xf32, #tpu.memory_space<vmem>>, vector<1x1x16xf32>,
        %get3A_979 = vector.shape_cast %get3A_978 : vector<1x1x16xf32> to vector<16xf32>
        %add3A_980 = arith.addf %add3A_940, %get3A_979 : vector<16xf32>
        %add3A_981 = arith.constant 6 : i32
        %add3A_982 = arith.addi %add3A_861, %add3A_981 : i32
        %get3A_983 = arith.constant 0 : i32
        %get3A_984 = arith.index_cast %get3A_983 : i32 to index
        %get3A_985 = arith.index_cast %add3A_982 : i32 to index
        %get3A_986 = arith.constant 0 : index
        %get3A_987 = tpu.vector_load %arg6[%get3A_984, %get3A_985, %get3A_986] {strides = array<i32>} : memref<2x1600x32xf32, #tpu.memory_space<vmem>>, vector<1x1x16xf32>,
        %get3A_988 = vector.shape_cast %get3A_987 : vector<1x1x16xf32> to vector<16xf32>
        %add3A_989 = arith.addf %add3A_949, %get3A_988 : vector<16xf32>
        %add3A_990 = arith.constant 6 : i32
        %add3A_991 = arith.addi %add3A_861, %add3A_990 : i32
        %get3A_992 = arith.constant 0 : i32
        %get3A_993 = arith.index_cast %get3A_992 : i32 to index
        %get3A_994 = arith.index_cast %add3A_991 : i32 to index
        %get3A_995 = arith.constant 16 : index
        %get3A_996 = tpu.vector_load %arg6[%get3A_993, %get3A_994, %get3A_995] {strides = array<i32>} : memref<2x1600x32xf32, #tpu.memory_space<vmem>>, vector<1x1x16xf32>,
        %get3A_997 = vector.shape_cast %get3A_996 : vector<1x1x16xf32> to vector<16xf32>
        %add3A_998 = arith.addf %add3A_958, %get3A_997 : vector<16xf32>
        %add3A_999 = arith.constant 6 : i32
        %add3A_1000 = arith.addi %add3A_861, %add3A_999 : i32
        %add3A_1001 = arith.constant 1 : i32
        %add3A_1002 = arith.addi %add3A_1000, %add3A_1001 : i32
        %get3A_1003 = arith.constant 0 : i32
        %get3A_1004 = arith.index_cast %get3A_1003 : i32 to index
        %get3A_1005 = arith.index_cast %add3A_1002 : i32 to index
        %get3A_1006 = arith.constant 0 : index
        %get3A_1007 = tpu.vector_load %arg6[%get3A_1004, %get3A_1005, %get3A_1006] {strides = array<i32>} : memref<2x1600x32xf32, #tpu.memory_space<vmem>>, vector<1x1x16xf32>,
        %get3A_1008 = vector.shape_cast %get3A_1007 : vector<1x1x16xf32> to vector<16xf32>
        %add3A_1009 = arith.addf %add3A_969, %get3A_1008 : vector<16xf32>
        %add3A_1010 = arith.constant 6 : i32
        %add3A_1011 = arith.addi %add3A_861, %add3A_1010 : i32
        %add3A_1012 = arith.constant 1 : i32
        %add3A_1013 = arith.addi %add3A_1011, %add3A_1012 : i32
        %get3A_1014 = arith.constant 0 : i32
        %get3A_1015 = arith.index_cast %get3A_1014 : i32 to index
        %get3A_1016 = arith.index_cast %add3A_1013 : i32 to index
        %get3A_1017 = arith.constant 16 : index
        %get3A_1018 = tpu.vector_load %arg6[%get3A_1015, %get3A_1016, %get3A_1017] {strides = array<i32>} : memref<2x1600x32xf32, #tpu.memory_space<vmem>>, vector<1x1x16xf32>,
        %get3A_1019 = vector.shape_cast %get3A_1018 : vector<1x1x16xf32> to vector<16xf32>
        %add3A_1020 = arith.addf %add3A_980, %get3A_1019 : vector<16xf32>
        scf.yield %add3A_989, %add3A_998, %add3A_1009, %add3A_1020 : vector<16xf32>, vector<16xf32>, vector<16xf32>, vector<16xf32>
      }
      %scan3A_527 = arith.constant 25 : i32
      %mul3A_528 = arith.constant 8 : i32
      %mul3A_529 = arith.muli %mul3A_449, %mul3A_528 : i32
      %add3A_530 = arith.constant 3 : i32
      %add3A_531 = arith.addi %mul3A_529, %add3A_530 : i32
      %add3A_532 = arith.addf %scan3A_526#0, %scan3A_526#2 : vector<16xf32>
      %swap3A_533 = arith.index_cast %add3A_531 : i32 to index
      %swap3A_534 = arith.constant 0 : index
      %swap3A_535 = tpu.vector_load %arg7[%swap3A_533, %swap3A_534] {strides = array<i32>} : memref<512x32xf32, #tpu.memory_space<vmem>>, vector<1x16xf32>,
      %swap3A_536 = vector.shape_cast %swap3A_535 : vector<1x16xf32> to vector<16xf32>
      %swap3A_537 = vector.shape_cast %add3A_532 : vector<16xf32> to vector<1x16xf32>
      tpu.vector_store %arg7[%swap3A_533, %swap3A_534], %swap3A_537 {strides = array<i32>} : memref<512x32xf32, #tpu.memory_space<vmem>>, vector<1x16xf32>,
      %add3A_538 = arith.addf %scan3A_526#1, %scan3A_526#3 : vector<16xf32>
      %swap3A_539 = arith.index_cast %add3A_531 : i32 to index
      %swap3A_540 = arith.constant 16 : index
      %swap3A_541 = tpu.vector_load %arg7[%swap3A_539, %swap3A_540] {strides = array<i32>} : memref<512x32xf32, #tpu.memory_space<vmem>>, vector<1x16xf32>,
      %swap3A_542 = vector.shape_cast %swap3A_541 : vector<1x16xf32> to vector<16xf32>
      %swap3A_543 = vector.shape_cast %add3A_538 : vector<16xf32> to vector<1x16xf32>
      tpu.vector_store %arg7[%swap3A_539, %swap3A_540], %swap3A_543 {strides = array<i32>} : memref<512x32xf32, #tpu.memory_space<vmem>>, vector<1x16xf32>,
      %broadcast_in_dim3A_544 = arith.constant 0.000000e+00 : f32
      %broadcast_in_dim3A_545 = vector.broadcast %broadcast_in_dim3A_544 : f32 to vector<16xf32>
      %scan3A_546 = arith.constant 0 : i32
      %scan3A_547 = arith.constant 25 : i32
      %scan3A_548 = arith.addi %scan3A_546, %scan3A_547 : i32
      %scan3A_549 = arith.constant 1 : i32
      %scan3A_550:4 = scf.for %scan3A_853 = %scan3A_546 to %scan3A_548 step %scan3A_549 iter_args(%scan3A_854 = %broadcast_in_dim3A_545, %scan3A_855 = %broadcast_in_dim3A_545, %scan3A_856 = %broadcast_in_dim3A_545, %scan3A_857 = %broadcast_in_dim3A_545) -> (vector<16xf32>, vector<16xf32>, vector<16xf32>, vector<16xf32>)  : i32 {
        %mul3A_858 = arith.constant 8 : i32
        %mul3A_859 = arith.muli %scan3A_853, %mul3A_858 : i32
        %add3A_860 = arith.constant 800 : i32
        %add3A_861 = arith.addi %add3A_860, %mul3A_859 : i32
        %add3A_862 = arith.constant 0 : i32
        %add3A_863 = arith.addi %add3A_861, %add3A_862 : i32
        %get3A = arith.constant 0 : i32
        %get3A_864 = arith.index_cast %get3A : i32 to index
        %get3A_865 = arith.index_cast %add3A_863 : i32 to index
        %get3A_866 = arith.constant 0 : index
        %get3A_867 = tpu.vector_load %arg6[%get3A_864, %get3A_865, %get3A_866] {strides = array<i32>} : memref<2x1600x32xf32, #tpu.memory_space<vmem>>, vector<1x1x16xf32>,
        %get3A_868 = vector.shape_cast %get3A_867 : vector<1x1x16xf32> to vector<16xf32>
        %add3A_869 = arith.addf %scan3A_854, %get3A_868 : vector<16xf32>
        %add3A_870 = arith.constant 0 : i32
        %add3A_871 = arith.addi %add3A_861, %add3A_870 : i32
        %get3A_872 = arith.constant 0 : i32
        %get3A_873 = arith.index_cast %get3A_872 : i32 to index
        %get3A_874 = arith.index_cast %add3A_871 : i32 to index
        %get3A_875 = arith.constant 16 : index
        %get3A_876 = tpu.vector_load %arg6[%get3A_873, %get3A_874, %get3A_875] {strides = array<i32>} : memref<2x1600x32xf32, #tpu.memory_space<vmem>>, vector<1x1x16xf32>,
        %get3A_877 = vector.shape_cast %get3A_876 : vector<1x1x16xf32> to vector<16xf32>
        %add3A_878 = arith.addf %scan3A_855, %get3A_877 : vector<16xf32>
        %add3A_879 = arith.constant 0 : i32
        %add3A_880 = arith.addi %add3A_861, %add3A_879 : i32
        %add3A_881 = arith.constant 1 : i32
        %add3A_882 = arith.addi %add3A_880, %add3A_881 : i32
        %get3A_883 = arith.constant 0 : i32
        %get3A_884 = arith.index_cast %get3A_883 : i32 to index
        %get3A_885 = arith.index_cast %add3A_882 : i32 to index
        %get3A_886 = arith.constant 0 : index
        %get3A_887 = tpu.vector_load %arg6[%get3A_884, %get3A_885, %get3A_886] {strides = array<i32>} : memref<2x1600x32xf32, #tpu.memory_space<vmem>>, vector<1x1x16xf32>,
        %get3A_888 = vector.shape_cast %get3A_887 : vector<1x1x16xf32> to vector<16xf32>
        %add3A_889 = arith.addf %scan3A_856, %get3A_888 : vector<16xf32>
        %add3A_890 = arith.constant 0 : i32
        %add3A_891 = arith.addi %add3A_861, %add3A_890 : i32
        %add3A_892 = arith.constant 1 : i32
        %add3A_893 = arith.addi %add3A_891, %add3A_892 : i32
        %get3A_894 = arith.constant 0 : i32
        %get3A_895 = arith.index_cast %get3A_894 : i32 to index
        %get3A_896 = arith.index_cast %add3A_893 : i32 to index
        %get3A_897 = arith.constant 16 : index
        %get3A_898 = tpu.vector_load %arg6[%get3A_895, %get3A_896, %get3A_897] {strides = array<i32>} : memref<2x1600x32xf32, #tpu.memory_space<vmem>>, vector<1x1x16xf32>,
        %get3A_899 = vector.shape_cast %get3A_898 : vector<1x1x16xf32> to vector<16xf32>
        %add3A_900 = arith.addf %scan3A_857, %get3A_899 : vector<16xf32>
        %add3A_901 = arith.constant 2 : i32
        %add3A_902 = arith.addi %add3A_861, %add3A_901 : i32
        %get3A_903 = arith.constant 0 : i32
        %get3A_904 = arith.index_cast %get3A_903 : i32 to index
        %get3A_905 = arith.index_cast %add3A_902 : i32 to index
        %get3A_906 = arith.constant 0 : index
        %get3A_907 = tpu.vector_load %arg6[%get3A_904, %get3A_905, %get3A_906] {strides = array<i32>} : memref<2x1600x32xf32, #tpu.memory_space<vmem>>, vector<1x1x16xf32>,
        %get3A_908 = vector.shape_cast %get3A_907 : vector<1x1x16xf32> to vector<16xf32>
        %add3A_909 = arith.addf %add3A_869, %get3A_908 : vector<16xf32>
        %add3A_910 = arith.constant 2 : i32
        %add3A_911 = arith.addi %add3A_861, %add3A_910 : i32
        %get3A_912 = arith.constant 0 : i32
        %get3A_913 = arith.index_cast %get3A_912 : i32 to index
        %get3A_914 = arith.index_cast %add3A_911 : i32 to index
        %get3A_915 = arith.constant 16 : index
        %get3A_916 = tpu.vector_load %arg6[%get3A_913, %get3A_914, %get3A_915] {strides = array<i32>} : memref<2x1600x32xf32, #tpu.memory_space<vmem>>, vector<1x1x16xf32>,
        %get3A_917 = vector.shape_cast %get3A_916 : vector<1x1x16xf32> to vector<16xf32>
        %add3A_918 = arith.addf %add3A_878, %get3A_917 : vector<16xf32>
        %add3A_919 = arith.constant 2 : i32
        %add3A_920 = arith.addi %add3A_861, %add3A_919 : i32
        %add3A_921 = arith.constant 1 : i32
        %add3A_922 = arith.addi %add3A_920, %add3A_921 : i32
        %get3A_923 = arith.constant 0 : i32
        %get3A_924 = arith.index_cast %get3A_923 : i32 to index
        %get3A_925 = arith.index_cast %add3A_922 : i32 to index
        %get3A_926 = arith.constant 0 : index
        %get3A_927 = tpu.vector_load %arg6[%get3A_924, %get3A_925, %get3A_926] {strides = array<i32>} : memref<2x1600x32xf32, #tpu.memory_space<vmem>>, vector<1x1x16xf32>,
        %get3A_928 = vector.shape_cast %get3A_927 : vector<1x1x16xf32> to vector<16xf32>
        %add3A_929 = arith.addf %add3A_889, %get3A_928 : vector<16xf32>
        %add3A_930 = arith.constant 2 : i32
        %add3A_931 = arith.addi %add3A_861, %add3A_930 : i32
        %add3A_932 = arith.constant 1 : i32
        %add3A_933 = arith.addi %add3A_931, %add3A_932 : i32
        %get3A_934 = arith.constant 0 : i32
        %get3A_935 = arith.index_cast %get3A_934 : i32 to index
        %get3A_936 = arith.index_cast %add3A_933 : i32 to index
        %get3A_937 = arith.constant 16 : index
        %get3A_938 = tpu.vector_load %arg6[%get3A_935, %get3A_936, %get3A_937] {strides = array<i32>} : memref<2x1600x32xf32, #tpu.memory_space<vmem>>, vector<1x1x16xf32>,
        %get3A_939 = vector.shape_cast %get3A_938 : vector<1x1x16xf32> to vector<16xf32>
        %add3A_940 = arith.addf %add3A_900, %get3A_939 : vector<16xf32>
        %add3A_941 = arith.constant 4 : i32
        %add3A_942 = arith.addi %add3A_861, %add3A_941 : i32
        %get3A_943 = arith.constant 0 : i32
        %get3A_944 = arith.index_cast %get3A_943 : i32 to index
        %get3A_945 = arith.index_cast %add3A_942 : i32 to index
        %get3A_946 = arith.constant 0 : index
        %get3A_947 = tpu.vector_load %arg6[%get3A_944, %get3A_945, %get3A_946] {strides = array<i32>} : memref<2x1600x32xf32, #tpu.memory_space<vmem>>, vector<1x1x16xf32>,
        %get3A_948 = vector.shape_cast %get3A_947 : vector<1x1x16xf32> to vector<16xf32>
        %add3A_949 = arith.addf %add3A_909, %get3A_948 : vector<16xf32>
        %add3A_950 = arith.constant 4 : i32
        %add3A_951 = arith.addi %add3A_861, %add3A_950 : i32
        %get3A_952 = arith.constant 0 : i32
        %get3A_953 = arith.index_cast %get3A_952 : i32 to index
        %get3A_954 = arith.index_cast %add3A_951 : i32 to index
        %get3A_955 = arith.constant 16 : index
        %get3A_956 = tpu.vector_load %arg6[%get3A_953, %get3A_954, %get3A_955] {strides = array<i32>} : memref<2x1600x32xf32, #tpu.memory_space<vmem>>, vector<1x1x16xf32>,
        %get3A_957 = vector.shape_cast %get3A_956 : vector<1x1x16xf32> to vector<16xf32>
        %add3A_958 = arith.addf %add3A_918, %get3A_957 : vector<16xf32>
        %add3A_959 = arith.constant 4 : i32
        %add3A_960 = arith.addi %add3A_861, %add3A_959 : i32
        %add3A_961 = arith.constant 1 : i32
        %add3A_962 = arith.addi %add3A_960, %add3A_961 : i32
        %get3A_963 = arith.constant 0 : i32
        %get3A_964 = arith.index_cast %get3A_963 : i32 to index
        %get3A_965 = arith.index_cast %add3A_962 : i32 to index
        %get3A_966 = arith.constant 0 : index
        %get3A_967 = tpu.vector_load %arg6[%get3A_964, %get3A_965, %get3A_966] {strides = array<i32>} : memref<2x1600x32xf32, #tpu.memory_space<vmem>>, vector<1x1x16xf32>,
        %get3A_968 = vector.shape_cast %get3A_967 : vector<1x1x16xf32> to vector<16xf32>
        %add3A_969 = arith.addf %add3A_929, %get3A_968 : vector<16xf32>
        %add3A_970 = arith.constant 4 : i32
        %add3A_971 = arith.addi %add3A_861, %add3A_970 : i32
        %add3A_972 = arith.constant 1 : i32
        %add3A_973 = arith.addi %add3A_971, %add3A_972 : i32
        %get3A_974 = arith.constant 0 : i32
        %get3A_975 = arith.index_cast %get3A_974 : i32 to index
        %get3A_976 = arith.index_cast %add3A_973 : i32 to index
        %get3A_977 = arith.constant 16 : index
        %get3A_978 = tpu.vector_load %arg6[%get3A_975, %get3A_976, %get3A_977] {strides = array<i32>} : memref<2x1600x32xf32, #tpu.memory_space<vmem>>, vector<1x1x16xf32>,
        %get3A_979 = vector.shape_cast %get3A_978 : vector<1x1x16xf32> to vector<16xf32>
        %add3A_980 = arith.addf %add3A_940, %get3A_979 : vector<16xf32>
        %add3A_981 = arith.constant 6 : i32
        %add3A_982 = arith.addi %add3A_861, %add3A_981 : i32
        %get3A_983 = arith.constant 0 : i32
        %get3A_984 = arith.index_cast %get3A_983 : i32 to index
        %get3A_985 = arith.index_cast %add3A_982 : i32 to index
        %get3A_986 = arith.constant 0 : index
        %get3A_987 = tpu.vector_load %arg6[%get3A_984, %get3A_985, %get3A_986] {strides = array<i32>} : memref<2x1600x32xf32, #tpu.memory_space<vmem>>, vector<1x1x16xf32>,
        %get3A_988 = vector.shape_cast %get3A_987 : vector<1x1x16xf32> to vector<16xf32>
        %add3A_989 = arith.addf %add3A_949, %get3A_988 : vector<16xf32>
        %add3A_990 = arith.constant 6 : i32
        %add3A_991 = arith.addi %add3A_861, %add3A_990 : i32
        %get3A_992 = arith.constant 0 : i32
        %get3A_993 = arith.index_cast %get3A_992 : i32 to index
        %get3A_994 = arith.index_cast %add3A_991 : i32 to index
        %get3A_995 = arith.constant 16 : index
        %get3A_996 = tpu.vector_load %arg6[%get3A_993, %get3A_994, %get3A_995] {strides = array<i32>} : memref<2x1600x32xf32, #tpu.memory_space<vmem>>, vector<1x1x16xf32>,
        %get3A_997 = vector.shape_cast %get3A_996 : vector<1x1x16xf32> to vector<16xf32>
        %add3A_998 = arith.addf %add3A_958, %get3A_997 : vector<16xf32>
        %add3A_999 = arith.constant 6 : i32
        %add3A_1000 = arith.addi %add3A_861, %add3A_999 : i32
        %add3A_1001 = arith.constant 1 : i32
        %add3A_1002 = arith.addi %add3A_1000, %add3A_1001 : i32
        %get3A_1003 = arith.constant 0 : i32
        %get3A_1004 = arith.index_cast %get3A_1003 : i32 to index
        %get3A_1005 = arith.index_cast %add3A_1002 : i32 to index
        %get3A_1006 = arith.constant 0 : index
        %get3A_1007 = tpu.vector_load %arg6[%get3A_1004, %get3A_1005, %get3A_1006] {strides = array<i32>} : memref<2x1600x32xf32, #tpu.memory_space<vmem>>, vector<1x1x16xf32>,
        %get3A_1008 = vector.shape_cast %get3A_1007 : vector<1x1x16xf32> to vector<16xf32>
        %add3A_1009 = arith.addf %add3A_969, %get3A_1008 : vector<16xf32>
        %add3A_1010 = arith.constant 6 : i32
        %add3A_1011 = arith.addi %add3A_861, %add3A_1010 : i32
        %add3A_1012 = arith.constant 1 : i32
        %add3A_1013 = arith.addi %add3A_1011, %add3A_1012 : i32
        %get3A_1014 = arith.constant 0 : i32
        %get3A_1015 = arith.index_cast %get3A_1014 : i32 to index
        %get3A_1016 = arith.index_cast %add3A_1013 : i32 to index
        %get3A_1017 = arith.constant 16 : index
        %get3A_1018 = tpu.vector_load %arg6[%get3A_1015, %get3A_1016, %get3A_1017] {strides = array<i32>} : memref<2x1600x32xf32, #tpu.memory_space<vmem>>, vector<1x1x16xf32>,
        %get3A_1019 = vector.shape_cast %get3A_1018 : vector<1x1x16xf32> to vector<16xf32>
        %add3A_1020 = arith.addf %add3A_980, %get3A_1019 : vector<16xf32>
        scf.yield %add3A_989, %add3A_998, %add3A_1009, %add3A_1020 : vector<16xf32>, vector<16xf32>, vector<16xf32>, vector<16xf32>
      }
      %scan3A_551 = arith.constant 25 : i32
      %mul3A_552 = arith.constant 8 : i32
      %mul3A_553 = arith.muli %mul3A_449, %mul3A_552 : i32
      %add3A_554 = arith.constant 4 : i32
      %add3A_555 = arith.addi %mul3A_553, %add3A_554 : i32
      %add3A_556 = arith.addf %scan3A_550#0, %scan3A_550#2 : vector<16xf32>
      %swap3A_557 = arith.index_cast %add3A_555 : i32 to index
      %swap3A_558 = arith.constant 0 : index
      %swap3A_559 = tpu.vector_load %arg7[%swap3A_557, %swap3A_558] {strides = array<i32>} : memref<512x32xf32, #tpu.memory_space<vmem>>, vector<1x16xf32>,
      %swap3A_560 = vector.shape_cast %swap3A_559 : vector<1x16xf32> to vector<16xf32>
      %swap3A_561 = vector.shape_cast %add3A_556 : vector<16xf32> to vector<1x16xf32>
      tpu.vector_store %arg7[%swap3A_557, %swap3A_558], %swap3A_561 {strides = array<i32>} : memref<512x32xf32, #tpu.memory_space<vmem>>, vector<1x16xf32>,
      %add3A_562 = arith.addf %scan3A_550#1, %scan3A_550#3 : vector<16xf32>
      %swap3A_563 = arith.index_cast %add3A_555 : i32 to index
      %swap3A_564 = arith.constant 16 : index
      %swap3A_565 = tpu.vector_load %arg7[%swap3A_563, %swap3A_564] {strides = array<i32>} : memref<512x32xf32, #tpu.memory_space<vmem>>, vector<1x16xf32>,
      %swap3A_566 = vector.shape_cast %swap3A_565 : vector<1x16xf32> to vector<16xf32>
      %swap3A_567 = vector.shape_cast %add3A_562 : vector<16xf32> to vector<1x16xf32>
      tpu.vector_store %arg7[%swap3A_563, %swap3A_564], %swap3A_567 {strides = array<i32>} : memref<512x32xf32, #tpu.memory_space<vmem>>, vector<1x16xf32>,
      %broadcast_in_dim3A_568 = arith.constant 0.000000e+00 : f32
      %broadcast_in_dim3A_569 = vector.broadcast %broadcast_in_dim3A_568 : f32 to vector<16xf32>
      %scan3A_570 = arith.constant 0 : i32
      %scan3A_571 = arith.constant 25 : i32
      %scan3A_572 = arith.addi %scan3A_570, %scan3A_571 : i32
      %scan3A_573 = arith.constant 1 : i32
      %scan3A_574:4 = scf.for %scan3A_853 = %scan3A_570 to %scan3A_572 step %scan3A_573 iter_args(%scan3A_854 = %broadcast_in_dim3A_569, %scan3A_855 = %broadcast_in_dim3A_569, %scan3A_856 = %broadcast_in_dim3A_569, %scan3A_857 = %broadcast_in_dim3A_569) -> (vector<16xf32>, vector<16xf32>, vector<16xf32>, vector<16xf32>)  : i32 {
        %mul3A_858 = arith.constant 8 : i32
        %mul3A_859 = arith.muli %scan3A_853, %mul3A_858 : i32
        %add3A_860 = arith.constant 1000 : i32
        %add3A_861 = arith.addi %add3A_860, %mul3A_859 : i32
        %add3A_862 = arith.constant 0 : i32
        %add3A_863 = arith.addi %add3A_861, %add3A_862 : i32
        %get3A = arith.constant 0 : i32
        %get3A_864 = arith.index_cast %get3A : i32 to index
        %get3A_865 = arith.index_cast %add3A_863 : i32 to index
        %get3A_866 = arith.constant 0 : index
        %get3A_867 = tpu.vector_load %arg6[%get3A_864, %get3A_865, %get3A_866] {strides = array<i32>} : memref<2x1600x32xf32, #tpu.memory_space<vmem>>, vector<1x1x16xf32>,
        %get3A_868 = vector.shape_cast %get3A_867 : vector<1x1x16xf32> to vector<16xf32>
        %add3A_869 = arith.addf %scan3A_854, %get3A_868 : vector<16xf32>
        %add3A_870 = arith.constant 0 : i32
        %add3A_871 = arith.addi %add3A_861, %add3A_870 : i32
        %get3A_872 = arith.constant 0 : i32
        %get3A_873 = arith.index_cast %get3A_872 : i32 to index
        %get3A_874 = arith.index_cast %add3A_871 : i32 to index
        %get3A_875 = arith.constant 16 : index
        %get3A_876 = tpu.vector_load %arg6[%get3A_873, %get3A_874, %get3A_875] {strides = array<i32>} : memref<2x1600x32xf32, #tpu.memory_space<vmem>>, vector<1x1x16xf32>,
        %get3A_877 = vector.shape_cast %get3A_876 : vector<1x1x16xf32> to vector<16xf32>
        %add3A_878 = arith.addf %scan3A_855, %get3A_877 : vector<16xf32>
        %add3A_879 = arith.constant 0 : i32
        %add3A_880 = arith.addi %add3A_861, %add3A_879 : i32
        %add3A_881 = arith.constant 1 : i32
        %add3A_882 = arith.addi %add3A_880, %add3A_881 : i32
        %get3A_883 = arith.constant 0 : i32
        %get3A_884 = arith.index_cast %get3A_883 : i32 to index
        %get3A_885 = arith.index_cast %add3A_882 : i32 to index
        %get3A_886 = arith.constant 0 : index
        %get3A_887 = tpu.vector_load %arg6[%get3A_884, %get3A_885, %get3A_886] {strides = array<i32>} : memref<2x1600x32xf32, #tpu.memory_space<vmem>>, vector<1x1x16xf32>,
        %get3A_888 = vector.shape_cast %get3A_887 : vector<1x1x16xf32> to vector<16xf32>
        %add3A_889 = arith.addf %scan3A_856, %get3A_888 : vector<16xf32>
        %add3A_890 = arith.constant 0 : i32
        %add3A_891 = arith.addi %add3A_861, %add3A_890 : i32
        %add3A_892 = arith.constant 1 : i32
        %add3A_893 = arith.addi %add3A_891, %add3A_892 : i32
        %get3A_894 = arith.constant 0 : i32
        %get3A_895 = arith.index_cast %get3A_894 : i32 to index
        %get3A_896 = arith.index_cast %add3A_893 : i32 to index
        %get3A_897 = arith.constant 16 : index
        %get3A_898 = tpu.vector_load %arg6[%get3A_895, %get3A_896, %get3A_897] {strides = array<i32>} : memref<2x1600x32xf32, #tpu.memory_space<vmem>>, vector<1x1x16xf32>,
        %get3A_899 = vector.shape_cast %get3A_898 : vector<1x1x16xf32> to vector<16xf32>
        %add3A_900 = arith.addf %scan3A_857, %get3A_899 : vector<16xf32>
        %add3A_901 = arith.constant 2 : i32
        %add3A_902 = arith.addi %add3A_861, %add3A_901 : i32
        %get3A_903 = arith.constant 0 : i32
        %get3A_904 = arith.index_cast %get3A_903 : i32 to index
        %get3A_905 = arith.index_cast %add3A_902 : i32 to index
        %get3A_906 = arith.constant 0 : index
        %get3A_907 = tpu.vector_load %arg6[%get3A_904, %get3A_905, %get3A_906] {strides = array<i32>} : memref<2x1600x32xf32, #tpu.memory_space<vmem>>, vector<1x1x16xf32>,
        %get3A_908 = vector.shape_cast %get3A_907 : vector<1x1x16xf32> to vector<16xf32>
        %add3A_909 = arith.addf %add3A_869, %get3A_908 : vector<16xf32>
        %add3A_910 = arith.constant 2 : i32
        %add3A_911 = arith.addi %add3A_861, %add3A_910 : i32
        %get3A_912 = arith.constant 0 : i32
        %get3A_913 = arith.index_cast %get3A_912 : i32 to index
        %get3A_914 = arith.index_cast %add3A_911 : i32 to index
        %get3A_915 = arith.constant 16 : index
        %get3A_916 = tpu.vector_load %arg6[%get3A_913, %get3A_914, %get3A_915] {strides = array<i32>} : memref<2x1600x32xf32, #tpu.memory_space<vmem>>, vector<1x1x16xf32>,
        %get3A_917 = vector.shape_cast %get3A_916 : vector<1x1x16xf32> to vector<16xf32>
        %add3A_918 = arith.addf %add3A_878, %get3A_917 : vector<16xf32>
        %add3A_919 = arith.constant 2 : i32
        %add3A_920 = arith.addi %add3A_861, %add3A_919 : i32
        %add3A_921 = arith.constant 1 : i32
        %add3A_922 = arith.addi %add3A_920, %add3A_921 : i32
        %get3A_923 = arith.constant 0 : i32
        %get3A_924 = arith.index_cast %get3A_923 : i32 to index
        %get3A_925 = arith.index_cast %add3A_922 : i32 to index
        %get3A_926 = arith.constant 0 : index
        %get3A_927 = tpu.vector_load %arg6[%get3A_924, %get3A_925, %get3A_926] {strides = array<i32>} : memref<2x1600x32xf32, #tpu.memory_space<vmem>>, vector<1x1x16xf32>,
        %get3A_928 = vector.shape_cast %get3A_927 : vector<1x1x16xf32> to vector<16xf32>
        %add3A_929 = arith.addf %add3A_889, %get3A_928 : vector<16xf32>
        %add3A_930 = arith.constant 2 : i32
        %add3A_931 = arith.addi %add3A_861, %add3A_930 : i32
        %add3A_932 = arith.constant 1 : i32
        %add3A_933 = arith.addi %add3A_931, %add3A_932 : i32
        %get3A_934 = arith.constant 0 : i32
        %get3A_935 = arith.index_cast %get3A_934 : i32 to index
        %get3A_936 = arith.index_cast %add3A_933 : i32 to index
        %get3A_937 = arith.constant 16 : index
        %get3A_938 = tpu.vector_load %arg6[%get3A_935, %get3A_936, %get3A_937] {strides = array<i32>} : memref<2x1600x32xf32, #tpu.memory_space<vmem>>, vector<1x1x16xf32>,
        %get3A_939 = vector.shape_cast %get3A_938 : vector<1x1x16xf32> to vector<16xf32>
        %add3A_940 = arith.addf %add3A_900, %get3A_939 : vector<16xf32>
        %add3A_941 = arith.constant 4 : i32
        %add3A_942 = arith.addi %add3A_861, %add3A_941 : i32
        %get3A_943 = arith.constant 0 : i32
        %get3A_944 = arith.index_cast %get3A_943 : i32 to index
        %get3A_945 = arith.index_cast %add3A_942 : i32 to index
        %get3A_946 = arith.constant 0 : index
        %get3A_947 = tpu.vector_load %arg6[%get3A_944, %get3A_945, %get3A_946] {strides = array<i32>} : memref<2x1600x32xf32, #tpu.memory_space<vmem>>, vector<1x1x16xf32>,
        %get3A_948 = vector.shape_cast %get3A_947 : vector<1x1x16xf32> to vector<16xf32>
        %add3A_949 = arith.addf %add3A_909, %get3A_948 : vector<16xf32>
        %add3A_950 = arith.constant 4 : i32
        %add3A_951 = arith.addi %add3A_861, %add3A_950 : i32
        %get3A_952 = arith.constant 0 : i32
        %get3A_953 = arith.index_cast %get3A_952 : i32 to index
        %get3A_954 = arith.index_cast %add3A_951 : i32 to index
        %get3A_955 = arith.constant 16 : index
        %get3A_956 = tpu.vector_load %arg6[%get3A_953, %get3A_954, %get3A_955] {strides = array<i32>} : memref<2x1600x32xf32, #tpu.memory_space<vmem>>, vector<1x1x16xf32>,
        %get3A_957 = vector.shape_cast %get3A_956 : vector<1x1x16xf32> to vector<16xf32>
        %add3A_958 = arith.addf %add3A_918, %get3A_957 : vector<16xf32>
        %add3A_959 = arith.constant 4 : i32
        %add3A_960 = arith.addi %add3A_861, %add3A_959 : i32
        %add3A_961 = arith.constant 1 : i32
        %add3A_962 = arith.addi %add3A_960, %add3A_961 : i32
        %get3A_963 = arith.constant 0 : i32
        %get3A_964 = arith.index_cast %get3A_963 : i32 to index
        %get3A_965 = arith.index_cast %add3A_962 : i32 to index
        %get3A_966 = arith.constant 0 : index
        %get3A_967 = tpu.vector_load %arg6[%get3A_964, %get3A_965, %get3A_966] {strides = array<i32>} : memref<2x1600x32xf32, #tpu.memory_space<vmem>>, vector<1x1x16xf32>,
        %get3A_968 = vector.shape_cast %get3A_967 : vector<1x1x16xf32> to vector<16xf32>
        %add3A_969 = arith.addf %add3A_929, %get3A_968 : vector<16xf32>
        %add3A_970 = arith.constant 4 : i32
        %add3A_971 = arith.addi %add3A_861, %add3A_970 : i32
        %add3A_972 = arith.constant 1 : i32
        %add3A_973 = arith.addi %add3A_971, %add3A_972 : i32
        %get3A_974 = arith.constant 0 : i32
        %get3A_975 = arith.index_cast %get3A_974 : i32 to index
        %get3A_976 = arith.index_cast %add3A_973 : i32 to index
        %get3A_977 = arith.constant 16 : index
        %get3A_978 = tpu.vector_load %arg6[%get3A_975, %get3A_976, %get3A_977] {strides = array<i32>} : memref<2x1600x32xf32, #tpu.memory_space<vmem>>, vector<1x1x16xf32>,
        %get3A_979 = vector.shape_cast %get3A_978 : vector<1x1x16xf32> to vector<16xf32>
        %add3A_980 = arith.addf %add3A_940, %get3A_979 : vector<16xf32>
        %add3A_981 = arith.constant 6 : i32
        %add3A_982 = arith.addi %add3A_861, %add3A_981 : i32
        %get3A_983 = arith.constant 0 : i32
        %get3A_984 = arith.index_cast %get3A_983 : i32 to index
        %get3A_985 = arith.index_cast %add3A_982 : i32 to index
        %get3A_986 = arith.constant 0 : index
        %get3A_987 = tpu.vector_load %arg6[%get3A_984, %get3A_985, %get3A_986] {strides = array<i32>} : memref<2x1600x32xf32, #tpu.memory_space<vmem>>, vector<1x1x16xf32>,
        %get3A_988 = vector.shape_cast %get3A_987 : vector<1x1x16xf32> to vector<16xf32>
        %add3A_989 = arith.addf %add3A_949, %get3A_988 : vector<16xf32>
        %add3A_990 = arith.constant 6 : i32
        %add3A_991 = arith.addi %add3A_861, %add3A_990 : i32
        %get3A_992 = arith.constant 0 : i32
        %get3A_993 = arith.index_cast %get3A_992 : i32 to index
        %get3A_994 = arith.index_cast %add3A_991 : i32 to index
        %get3A_995 = arith.constant 16 : index
        %get3A_996 = tpu.vector_load %arg6[%get3A_993, %get3A_994, %get3A_995] {strides = array<i32>} : memref<2x1600x32xf32, #tpu.memory_space<vmem>>, vector<1x1x16xf32>,
        %get3A_997 = vector.shape_cast %get3A_996 : vector<1x1x16xf32> to vector<16xf32>
        %add3A_998 = arith.addf %add3A_958, %get3A_997 : vector<16xf32>
        %add3A_999 = arith.constant 6 : i32
        %add3A_1000 = arith.addi %add3A_861, %add3A_999 : i32
        %add3A_1001 = arith.constant 1 : i32
        %add3A_1002 = arith.addi %add3A_1000, %add3A_1001 : i32
        %get3A_1003 = arith.constant 0 : i32
        %get3A_1004 = arith.index_cast %get3A_1003 : i32 to index
        %get3A_1005 = arith.index_cast %add3A_1002 : i32 to index
        %get3A_1006 = arith.constant 0 : index
        %get3A_1007 = tpu.vector_load %arg6[%get3A_1004, %get3A_1005, %get3A_1006] {strides = array<i32>} : memref<2x1600x32xf32, #tpu.memory_space<vmem>>, vector<1x1x16xf32>,
        %get3A_1008 = vector.shape_cast %get3A_1007 : vector<1x1x16xf32> to vector<16xf32>
        %add3A_1009 = arith.addf %add3A_969, %get3A_1008 : vector<16xf32>
        %add3A_1010 = arith.constant 6 : i32
        %add3A_1011 = arith.addi %add3A_861, %add3A_1010 : i32
        %add3A_1012 = arith.constant 1 : i32
        %add3A_1013 = arith.addi %add3A_1011, %add3A_1012 : i32
        %get3A_1014 = arith.constant 0 : i32
        %get3A_1015 = arith.index_cast %get3A_1014 : i32 to index
        %get3A_1016 = arith.index_cast %add3A_1013 : i32 to index
        %get3A_1017 = arith.constant 16 : index
        %get3A_1018 = tpu.vector_load %arg6[%get3A_1015, %get3A_1016, %get3A_1017] {strides = array<i32>} : memref<2x1600x32xf32, #tpu.memory_space<vmem>>, vector<1x1x16xf32>,
        %get3A_1019 = vector.shape_cast %get3A_1018 : vector<1x1x16xf32> to vector<16xf32>
        %add3A_1020 = arith.addf %add3A_980, %get3A_1019 : vector<16xf32>
        scf.yield %add3A_989, %add3A_998, %add3A_1009, %add3A_1020 : vector<16xf32>, vector<16xf32>, vector<16xf32>, vector<16xf32>
      }
      %scan3A_575 = arith.constant 25 : i32
      %mul3A_576 = arith.constant 8 : i32
      %mul3A_577 = arith.muli %mul3A_449, %mul3A_576 : i32
      %add3A_578 = arith.constant 5 : i32
      %add3A_579 = arith.addi %mul3A_577, %add3A_578 : i32
      %add3A_580 = arith.addf %scan3A_574#0, %scan3A_574#2 : vector<16xf32>
      %swap3A_581 = arith.index_cast %add3A_579 : i32 to index
      %swap3A_582 = arith.constant 0 : index
      %swap3A_583 = tpu.vector_load %arg7[%swap3A_581, %swap3A_582] {strides = array<i32>} : memref<512x32xf32, #tpu.memory_space<vmem>>, vector<1x16xf32>,
      %swap3A_584 = vector.shape_cast %swap3A_583 : vector<1x16xf32> to vector<16xf32>
      %swap3A_585 = vector.shape_cast %add3A_580 : vector<16xf32> to vector<1x16xf32>
      tpu.vector_store %arg7[%swap3A_581, %swap3A_582], %swap3A_585 {strides = array<i32>} : memref<512x32xf32, #tpu.memory_space<vmem>>, vector<1x16xf32>,
      %add3A_586 = arith.addf %scan3A_574#1, %scan3A_574#3 : vector<16xf32>
      %swap3A_587 = arith.index_cast %add3A_579 : i32 to index
      %swap3A_588 = arith.constant 16 : index
      %swap3A_589 = tpu.vector_load %arg7[%swap3A_587, %swap3A_588] {strides = array<i32>} : memref<512x32xf32, #tpu.memory_space<vmem>>, vector<1x16xf32>,
      %swap3A_590 = vector.shape_cast %swap3A_589 : vector<1x16xf32> to vector<16xf32>
      %swap3A_591 = vector.shape_cast %add3A_586 : vector<16xf32> to vector<1x16xf32>
      tpu.vector_store %arg7[%swap3A_587, %swap3A_588], %swap3A_591 {strides = array<i32>} : memref<512x32xf32, #tpu.memory_space<vmem>>, vector<1x16xf32>,
      %broadcast_in_dim3A_592 = arith.constant 0.000000e+00 : f32
      %broadcast_in_dim3A_593 = vector.broadcast %broadcast_in_dim3A_592 : f32 to vector<16xf32>
      %scan3A_594 = arith.constant 0 : i32
      %scan3A_595 = arith.constant 25 : i32
      %scan3A_596 = arith.addi %scan3A_594, %scan3A_595 : i32
      %scan3A_597 = arith.constant 1 : i32
      %scan3A_598:4 = scf.for %scan3A_853 = %scan3A_594 to %scan3A_596 step %scan3A_597 iter_args(%scan3A_854 = %broadcast_in_dim3A_593, %scan3A_855 = %broadcast_in_dim3A_593, %scan3A_856 = %broadcast_in_dim3A_593, %scan3A_857 = %broadcast_in_dim3A_593) -> (vector<16xf32>, vector<16xf32>, vector<16xf32>, vector<16xf32>)  : i32 {
        %mul3A_858 = arith.constant 8 : i32
        %mul3A_859 = arith.muli %scan3A_853, %mul3A_858 : i32
        %add3A_860 = arith.constant 1200 : i32
        %add3A_861 = arith.addi %add3A_860, %mul3A_859 : i32
        %add3A_862 = arith.constant 0 : i32
        %add3A_863 = arith.addi %add3A_861, %add3A_862 : i32
        %get3A = arith.constant 0 : i32
        %get3A_864 = arith.index_cast %get3A : i32 to index
        %get3A_865 = arith.index_cast %add3A_863 : i32 to index
        %get3A_866 = arith.constant 0 : index
        %get3A_867 = tpu.vector_load %arg6[%get3A_864, %get3A_865, %get3A_866] {strides = array<i32>} : memref<2x1600x32xf32, #tpu.memory_space<vmem>>, vector<1x1x16xf32>,
        %get3A_868 = vector.shape_cast %get3A_867 : vector<1x1x16xf32> to vector<16xf32>
        %add3A_869 = arith.addf %scan3A_854, %get3A_868 : vector<16xf32>
        %add3A_870 = arith.constant 0 : i32
        %add3A_871 = arith.addi %add3A_861, %add3A_870 : i32
        %get3A_872 = arith.constant 0 : i32
        %get3A_873 = arith.index_cast %get3A_872 : i32 to index
        %get3A_874 = arith.index_cast %add3A_871 : i32 to index
        %get3A_875 = arith.constant 16 : index
        %get3A_876 = tpu.vector_load %arg6[%get3A_873, %get3A_874, %get3A_875] {strides = array<i32>} : memref<2x1600x32xf32, #tpu.memory_space<vmem>>, vector<1x1x16xf32>,
        %get3A_877 = vector.shape_cast %get3A_876 : vector<1x1x16xf32> to vector<16xf32>
        %add3A_878 = arith.addf %scan3A_855, %get3A_877 : vector<16xf32>
        %add3A_879 = arith.constant 0 : i32
        %add3A_880 = arith.addi %add3A_861, %add3A_879 : i32
        %add3A_881 = arith.constant 1 : i32
        %add3A_882 = arith.addi %add3A_880, %add3A_881 : i32
        %get3A_883 = arith.constant 0 : i32
        %get3A_884 = arith.index_cast %get3A_883 : i32 to index
        %get3A_885 = arith.index_cast %add3A_882 : i32 to index
        %get3A_886 = arith.constant 0 : index
        %get3A_887 = tpu.vector_load %arg6[%get3A_884, %get3A_885, %get3A_886] {strides = array<i32>} : memref<2x1600x32xf32, #tpu.memory_space<vmem>>, vector<1x1x16xf32>,
        %get3A_888 = vector.shape_cast %get3A_887 : vector<1x1x16xf32> to vector<16xf32>
        %add3A_889 = arith.addf %scan3A_856, %get3A_888 : vector<16xf32>
        %add3A_890 = arith.constant 0 : i32
        %add3A_891 = arith.addi %add3A_861, %add3A_890 : i32
        %add3A_892 = arith.constant 1 : i32
        %add3A_893 = arith.addi %add3A_891, %add3A_892 : i32
        %get3A_894 = arith.constant 0 : i32
        %get3A_895 = arith.index_cast %get3A_894 : i32 to index
        %get3A_896 = arith.index_cast %add3A_893 : i32 to index
        %get3A_897 = arith.constant 16 : index
        %get3A_898 = tpu.vector_load %arg6[%get3A_895, %get3A_896, %get3A_897] {strides = array<i32>} : memref<2x1600x32xf32, #tpu.memory_space<vmem>>, vector<1x1x16xf32>,
        %get3A_899 = vector.shape_cast %get3A_898 : vector<1x1x16xf32> to vector<16xf32>
        %add3A_900 = arith.addf %scan3A_857, %get3A_899 : vector<16xf32>
        %add3A_901 = arith.constant 2 : i32
        %add3A_902 = arith.addi %add3A_861, %add3A_901 : i32
        %get3A_903 = arith.constant 0 : i32
        %get3A_904 = arith.index_cast %get3A_903 : i32 to index
        %get3A_905 = arith.index_cast %add3A_902 : i32 to index
        %get3A_906 = arith.constant 0 : index
        %get3A_907 = tpu.vector_load %arg6[%get3A_904, %get3A_905, %get3A_906] {strides = array<i32>} : memref<2x1600x32xf32, #tpu.memory_space<vmem>>, vector<1x1x16xf32>,
        %get3A_908 = vector.shape_cast %get3A_907 : vector<1x1x16xf32> to vector<16xf32>
        %add3A_909 = arith.addf %add3A_869, %get3A_908 : vector<16xf32>
        %add3A_910 = arith.constant 2 : i32
        %add3A_911 = arith.addi %add3A_861, %add3A_910 : i32
        %get3A_912 = arith.constant 0 : i32
        %get3A_913 = arith.index_cast %get3A_912 : i32 to index
        %get3A_914 = arith.index_cast %add3A_911 : i32 to index
        %get3A_915 = arith.constant 16 : index
        %get3A_916 = tpu.vector_load %arg6[%get3A_913, %get3A_914, %get3A_915] {strides = array<i32>} : memref<2x1600x32xf32, #tpu.memory_space<vmem>>, vector<1x1x16xf32>,
        %get3A_917 = vector.shape_cast %get3A_916 : vector<1x1x16xf32> to vector<16xf32>
        %add3A_918 = arith.addf %add3A_878, %get3A_917 : vector<16xf32>
        %add3A_919 = arith.constant 2 : i32
        %add3A_920 = arith.addi %add3A_861, %add3A_919 : i32
        %add3A_921 = arith.constant 1 : i32
        %add3A_922 = arith.addi %add3A_920, %add3A_921 : i32
        %get3A_923 = arith.constant 0 : i32
        %get3A_924 = arith.index_cast %get3A_923 : i32 to index
        %get3A_925 = arith.index_cast %add3A_922 : i32 to index
        %get3A_926 = arith.constant 0 : index
        %get3A_927 = tpu.vector_load %arg6[%get3A_924, %get3A_925, %get3A_926] {strides = array<i32>} : memref<2x1600x32xf32, #tpu.memory_space<vmem>>, vector<1x1x16xf32>,
        %get3A_928 = vector.shape_cast %get3A_927 : vector<1x1x16xf32> to vector<16xf32>
        %add3A_929 = arith.addf %add3A_889, %get3A_928 : vector<16xf32>
        %add3A_930 = arith.constant 2 : i32
        %add3A_931 = arith.addi %add3A_861, %add3A_930 : i32
        %add3A_932 = arith.constant 1 : i32
        %add3A_933 = arith.addi %add3A_931, %add3A_932 : i32
        %get3A_934 = arith.constant 0 : i32
        %get3A_935 = arith.index_cast %get3A_934 : i32 to index
        %get3A_936 = arith.index_cast %add3A_933 : i32 to index
        %get3A_937 = arith.constant 16 : index
        %get3A_938 = tpu.vector_load %arg6[%get3A_935, %get3A_936, %get3A_937] {strides = array<i32>} : memref<2x1600x32xf32, #tpu.memory_space<vmem>>, vector<1x1x16xf32>,
        %get3A_939 = vector.shape_cast %get3A_938 : vector<1x1x16xf32> to vector<16xf32>
        %add3A_940 = arith.addf %add3A_900, %get3A_939 : vector<16xf32>
        %add3A_941 = arith.constant 4 : i32
        %add3A_942 = arith.addi %add3A_861, %add3A_941 : i32
        %get3A_943 = arith.constant 0 : i32
        %get3A_944 = arith.index_cast %get3A_943 : i32 to index
        %get3A_945 = arith.index_cast %add3A_942 : i32 to index
        %get3A_946 = arith.constant 0 : index
        %get3A_947 = tpu.vector_load %arg6[%get3A_944, %get3A_945, %get3A_946] {strides = array<i32>} : memref<2x1600x32xf32, #tpu.memory_space<vmem>>, vector<1x1x16xf32>,
        %get3A_948 = vector.shape_cast %get3A_947 : vector<1x1x16xf32> to vector<16xf32>
        %add3A_949 = arith.addf %add3A_909, %get3A_948 : vector<16xf32>
        %add3A_950 = arith.constant 4 : i32
        %add3A_951 = arith.addi %add3A_861, %add3A_950 : i32
        %get3A_952 = arith.constant 0 : i32
        %get3A_953 = arith.index_cast %get3A_952 : i32 to index
        %get3A_954 = arith.index_cast %add3A_951 : i32 to index
        %get3A_955 = arith.constant 16 : index
        %get3A_956 = tpu.vector_load %arg6[%get3A_953, %get3A_954, %get3A_955] {strides = array<i32>} : memref<2x1600x32xf32, #tpu.memory_space<vmem>>, vector<1x1x16xf32>,
        %get3A_957 = vector.shape_cast %get3A_956 : vector<1x1x16xf32> to vector<16xf32>
        %add3A_958 = arith.addf %add3A_918, %get3A_957 : vector<16xf32>
        %add3A_959 = arith.constant 4 : i32
        %add3A_960 = arith.addi %add3A_861, %add3A_959 : i32
        %add3A_961 = arith.constant 1 : i32
        %add3A_962 = arith.addi %add3A_960, %add3A_961 : i32
        %get3A_963 = arith.constant 0 : i32
        %get3A_964 = arith.index_cast %get3A_963 : i32 to index
        %get3A_965 = arith.index_cast %add3A_962 : i32 to index
        %get3A_966 = arith.constant 0 : index
        %get3A_967 = tpu.vector_load %arg6[%get3A_964, %get3A_965, %get3A_966] {strides = array<i32>} : memref<2x1600x32xf32, #tpu.memory_space<vmem>>, vector<1x1x16xf32>,
        %get3A_968 = vector.shape_cast %get3A_967 : vector<1x1x16xf32> to vector<16xf32>
        %add3A_969 = arith.addf %add3A_929, %get3A_968 : vector<16xf32>
        %add3A_970 = arith.constant 4 : i32
        %add3A_971 = arith.addi %add3A_861, %add3A_970 : i32
        %add3A_972 = arith.constant 1 : i32
        %add3A_973 = arith.addi %add3A_971, %add3A_972 : i32
        %get3A_974 = arith.constant 0 : i32
        %get3A_975 = arith.index_cast %get3A_974 : i32 to index
        %get3A_976 = arith.index_cast %add3A_973 : i32 to index
        %get3A_977 = arith.constant 16 : index
        %get3A_978 = tpu.vector_load %arg6[%get3A_975, %get3A_976, %get3A_977] {strides = array<i32>} : memref<2x1600x32xf32, #tpu.memory_space<vmem>>, vector<1x1x16xf32>,
        %get3A_979 = vector.shape_cast %get3A_978 : vector<1x1x16xf32> to vector<16xf32>
        %add3A_980 = arith.addf %add3A_940, %get3A_979 : vector<16xf32>
        %add3A_981 = arith.constant 6 : i32
        %add3A_982 = arith.addi %add3A_861, %add3A_981 : i32
        %get3A_983 = arith.constant 0 : i32
        %get3A_984 = arith.index_cast %get3A_983 : i32 to index
        %get3A_985 = arith.index_cast %add3A_982 : i32 to index
        %get3A_986 = arith.constant 0 : index
        %get3A_987 = tpu.vector_load %arg6[%get3A_984, %get3A_985, %get3A_986] {strides = array<i32>} : memref<2x1600x32xf32, #tpu.memory_space<vmem>>, vector<1x1x16xf32>,
        %get3A_988 = vector.shape_cast %get3A_987 : vector<1x1x16xf32> to vector<16xf32>
        %add3A_989 = arith.addf %add3A_949, %get3A_988 : vector<16xf32>
        %add3A_990 = arith.constant 6 : i32
        %add3A_991 = arith.addi %add3A_861, %add3A_990 : i32
        %get3A_992 = arith.constant 0 : i32
        %get3A_993 = arith.index_cast %get3A_992 : i32 to index
        %get3A_994 = arith.index_cast %add3A_991 : i32 to index
        %get3A_995 = arith.constant 16 : index
        %get3A_996 = tpu.vector_load %arg6[%get3A_993, %get3A_994, %get3A_995] {strides = array<i32>} : memref<2x1600x32xf32, #tpu.memory_space<vmem>>, vector<1x1x16xf32>,
        %get3A_997 = vector.shape_cast %get3A_996 : vector<1x1x16xf32> to vector<16xf32>
        %add3A_998 = arith.addf %add3A_958, %get3A_997 : vector<16xf32>
        %add3A_999 = arith.constant 6 : i32
        %add3A_1000 = arith.addi %add3A_861, %add3A_999 : i32
        %add3A_1001 = arith.constant 1 : i32
        %add3A_1002 = arith.addi %add3A_1000, %add3A_1001 : i32
        %get3A_1003 = arith.constant 0 : i32
        %get3A_1004 = arith.index_cast %get3A_1003 : i32 to index
        %get3A_1005 = arith.index_cast %add3A_1002 : i32 to index
        %get3A_1006 = arith.constant 0 : index
        %get3A_1007 = tpu.vector_load %arg6[%get3A_1004, %get3A_1005, %get3A_1006] {strides = array<i32>} : memref<2x1600x32xf32, #tpu.memory_space<vmem>>, vector<1x1x16xf32>,
        %get3A_1008 = vector.shape_cast %get3A_1007 : vector<1x1x16xf32> to vector<16xf32>
        %add3A_1009 = arith.addf %add3A_969, %get3A_1008 : vector<16xf32>
        %add3A_1010 = arith.constant 6 : i32
        %add3A_1011 = arith.addi %add3A_861, %add3A_1010 : i32
        %add3A_1012 = arith.constant 1 : i32
        %add3A_1013 = arith.addi %add3A_1011, %add3A_1012 : i32
        %get3A_1014 = arith.constant 0 : i32
        %get3A_1015 = arith.index_cast %get3A_1014 : i32 to index
        %get3A_1016 = arith.index_cast %add3A_1013 : i32 to index
        %get3A_1017 = arith.constant 16 : index
        %get3A_1018 = tpu.vector_load %arg6[%get3A_1015, %get3A_1016, %get3A_1017] {strides = array<i32>} : memref<2x1600x32xf32, #tpu.memory_space<vmem>>, vector<1x1x16xf32>,
        %get3A_1019 = vector.shape_cast %get3A_1018 : vector<1x1x16xf32> to vector<16xf32>
        %add3A_1020 = arith.addf %add3A_980, %get3A_1019 : vector<16xf32>
        scf.yield %add3A_989, %add3A_998, %add3A_1009, %add3A_1020 : vector<16xf32>, vector<16xf32>, vector<16xf32>, vector<16xf32>
      }
      %scan3A_599 = arith.constant 25 : i32
      %mul3A_600 = arith.constant 8 : i32
      %mul3A_601 = arith.muli %mul3A_449, %mul3A_600 : i32
      %add3A_602 = arith.constant 6 : i32
      %add3A_603 = arith.addi %mul3A_601, %add3A_602 : i32
      %add3A_604 = arith.addf %scan3A_598#0, %scan3A_598#2 : vector<16xf32>
      %swap3A_605 = arith.index_cast %add3A_603 : i32 to index
      %swap3A_606 = arith.constant 0 : index
      %swap3A_607 = tpu.vector_load %arg7[%swap3A_605, %swap3A_606] {strides = array<i32>} : memref<512x32xf32, #tpu.memory_space<vmem>>, vector<1x16xf32>,
      %swap3A_608 = vector.shape_cast %swap3A_607 : vector<1x16xf32> to vector<16xf32>
      %swap3A_609 = vector.shape_cast %add3A_604 : vector<16xf32> to vector<1x16xf32>
      tpu.vector_store %arg7[%swap3A_605, %swap3A_606], %swap3A_609 {strides = array<i32>} : memref<512x32xf32, #tpu.memory_space<vmem>>, vector<1x16xf32>,
      %add3A_610 = arith.addf %scan3A_598#1, %scan3A_598#3 : vector<16xf32>
      %swap3A_611 = arith.index_cast %add3A_603 : i32 to index
      %swap3A_612 = arith.constant 16 : index
      %swap3A_613 = tpu.vector_load %arg7[%swap3A_611, %swap3A_612] {strides = array<i32>} : memref<512x32xf32, #tpu.memory_space<vmem>>, vector<1x16xf32>,
      %swap3A_614 = vector.shape_cast %swap3A_613 : vector<1x16xf32> to vector<16xf32>
      %swap3A_615 = vector.shape_cast %add3A_610 : vector<16xf32> to vector<1x16xf32>
      tpu.vector_store %arg7[%swap3A_611, %swap3A_612], %swap3A_615 {strides = array<i32>} : memref<512x32xf32, #tpu.memory_space<vmem>>, vector<1x16xf32>,
      %broadcast_in_dim3A_616 = arith.constant 0.000000e+00 : f32
      %broadcast_in_dim3A_617 = vector.broadcast %broadcast_in_dim3A_616 : f32 to vector<16xf32>
      %scan3A_618 = arith.constant 0 : i32
      %scan3A_619 = arith.constant 25 : i32
      %scan3A_620 = arith.addi %scan3A_618, %scan3A_619 : i32
      %scan3A_621 = arith.constant 1 : i32
      %scan3A_622:4 = scf.for %scan3A_853 = %scan3A_618 to %scan3A_620 step %scan3A_621 iter_args(%scan3A_854 = %broadcast_in_dim3A_617, %scan3A_855 = %broadcast_in_dim3A_617, %scan3A_856 = %broadcast_in_dim3A_617, %scan3A_857 = %broadcast_in_dim3A_617) -> (vector<16xf32>, vector<16xf32>, vector<16xf32>, vector<16xf32>)  : i32 {
        %mul3A_858 = arith.constant 8 : i32
        %mul3A_859 = arith.muli %scan3A_853, %mul3A_858 : i32
        %add3A_860 = arith.constant 1400 : i32
        %add3A_861 = arith.addi %add3A_860, %mul3A_859 : i32
        %add3A_862 = arith.constant 0 : i32
        %add3A_863 = arith.addi %add3A_861, %add3A_862 : i32
        %get3A = arith.constant 0 : i32
        %get3A_864 = arith.index_cast %get3A : i32 to index
        %get3A_865 = arith.index_cast %add3A_863 : i32 to index
        %get3A_866 = arith.constant 0 : index
        %get3A_867 = tpu.vector_load %arg6[%get3A_864, %get3A_865, %get3A_866] {strides = array<i32>} : memref<2x1600x32xf32, #tpu.memory_space<vmem>>, vector<1x1x16xf32>,
        %get3A_868 = vector.shape_cast %get3A_867 : vector<1x1x16xf32> to vector<16xf32>
        %add3A_869 = arith.addf %scan3A_854, %get3A_868 : vector<16xf32>
        %add3A_870 = arith.constant 0 : i32
        %add3A_871 = arith.addi %add3A_861, %add3A_870 : i32
        %get3A_872 = arith.constant 0 : i32
        %get3A_873 = arith.index_cast %get3A_872 : i32 to index
        %get3A_874 = arith.index_cast %add3A_871 : i32 to index
        %get3A_875 = arith.constant 16 : index
        %get3A_876 = tpu.vector_load %arg6[%get3A_873, %get3A_874, %get3A_875] {strides = array<i32>} : memref<2x1600x32xf32, #tpu.memory_space<vmem>>, vector<1x1x16xf32>,
        %get3A_877 = vector.shape_cast %get3A_876 : vector<1x1x16xf32> to vector<16xf32>
        %add3A_878 = arith.addf %scan3A_855, %get3A_877 : vector<16xf32>
        %add3A_879 = arith.constant 0 : i32
        %add3A_880 = arith.addi %add3A_861, %add3A_879 : i32
        %add3A_881 = arith.constant 1 : i32
        %add3A_882 = arith.addi %add3A_880, %add3A_881 : i32
        %get3A_883 = arith.constant 0 : i32
        %get3A_884 = arith.index_cast %get3A_883 : i32 to index
        %get3A_885 = arith.index_cast %add3A_882 : i32 to index
        %get3A_886 = arith.constant 0 : index
        %get3A_887 = tpu.vector_load %arg6[%get3A_884, %get3A_885, %get3A_886] {strides = array<i32>} : memref<2x1600x32xf32, #tpu.memory_space<vmem>>, vector<1x1x16xf32>,
        %get3A_888 = vector.shape_cast %get3A_887 : vector<1x1x16xf32> to vector<16xf32>
        %add3A_889 = arith.addf %scan3A_856, %get3A_888 : vector<16xf32>
        %add3A_890 = arith.constant 0 : i32
        %add3A_891 = arith.addi %add3A_861, %add3A_890 : i32
        %add3A_892 = arith.constant 1 : i32
        %add3A_893 = arith.addi %add3A_891, %add3A_892 : i32
        %get3A_894 = arith.constant 0 : i32
        %get3A_895 = arith.index_cast %get3A_894 : i32 to index
        %get3A_896 = arith.index_cast %add3A_893 : i32 to index
        %get3A_897 = arith.constant 16 : index
        %get3A_898 = tpu.vector_load %arg6[%get3A_895, %get3A_896, %get3A_897] {strides = array<i32>} : memref<2x1600x32xf32, #tpu.memory_space<vmem>>, vector<1x1x16xf32>,
        %get3A_899 = vector.shape_cast %get3A_898 : vector<1x1x16xf32> to vector<16xf32>
        %add3A_900 = arith.addf %scan3A_857, %get3A_899 : vector<16xf32>
        %add3A_901 = arith.constant 2 : i32
        %add3A_902 = arith.addi %add3A_861, %add3A_901 : i32
        %get3A_903 = arith.constant 0 : i32
        %get3A_904 = arith.index_cast %get3A_903 : i32 to index
        %get3A_905 = arith.index_cast %add3A_902 : i32 to index
        %get3A_906 = arith.constant 0 : index
        %get3A_907 = tpu.vector_load %arg6[%get3A_904, %get3A_905, %get3A_906] {strides = array<i32>} : memref<2x1600x32xf32, #tpu.memory_space<vmem>>, vector<1x1x16xf32>,
        %get3A_908 = vector.shape_cast %get3A_907 : vector<1x1x16xf32> to vector<16xf32>
        %add3A_909 = arith.addf %add3A_869, %get3A_908 : vector<16xf32>
        %add3A_910 = arith.constant 2 : i32
        %add3A_911 = arith.addi %add3A_861, %add3A_910 : i32
        %get3A_912 = arith.constant 0 : i32
        %get3A_913 = arith.index_cast %get3A_912 : i32 to index
        %get3A_914 = arith.index_cast %add3A_911 : i32 to index
        %get3A_915 = arith.constant 16 : index
        %get3A_916 = tpu.vector_load %arg6[%get3A_913, %get3A_914, %get3A_915] {strides = array<i32>} : memref<2x1600x32xf32, #tpu.memory_space<vmem>>, vector<1x1x16xf32>,
        %get3A_917 = vector.shape_cast %get3A_916 : vector<1x1x16xf32> to vector<16xf32>
        %add3A_918 = arith.addf %add3A_878, %get3A_917 : vector<16xf32>
        %add3A_919 = arith.constant 2 : i32
        %add3A_920 = arith.addi %add3A_861, %add3A_919 : i32
        %add3A_921 = arith.constant 1 : i32
        %add3A_922 = arith.addi %add3A_920, %add3A_921 : i32
        %get3A_923 = arith.constant 0 : i32
        %get3A_924 = arith.index_cast %get3A_923 : i32 to index
        %get3A_925 = arith.index_cast %add3A_922 : i32 to index
        %get3A_926 = arith.constant 0 : index
        %get3A_927 = tpu.vector_load %arg6[%get3A_924, %get3A_925, %get3A_926] {strides = array<i32>} : memref<2x1600x32xf32, #tpu.memory_space<vmem>>, vector<1x1x16xf32>,
        %get3A_928 = vector.shape_cast %get3A_927 : vector<1x1x16xf32> to vector<16xf32>
        %add3A_929 = arith.addf %add3A_889, %get3A_928 : vector<16xf32>
        %add3A_930 = arith.constant 2 : i32
        %add3A_931 = arith.addi %add3A_861, %add3A_930 : i32
        %add3A_932 = arith.constant 1 : i32
        %add3A_933 = arith.addi %add3A_931, %add3A_932 : i32
        %get3A_934 = arith.constant 0 : i32
        %get3A_935 = arith.index_cast %get3A_934 : i32 to index
        %get3A_936 = arith.index_cast %add3A_933 : i32 to index
        %get3A_937 = arith.constant 16 : index
        %get3A_938 = tpu.vector_load %arg6[%get3A_935, %get3A_936, %get3A_937] {strides = array<i32>} : memref<2x1600x32xf32, #tpu.memory_space<vmem>>, vector<1x1x16xf32>,
        %get3A_939 = vector.shape_cast %get3A_938 : vector<1x1x16xf32> to vector<16xf32>
        %add3A_940 = arith.addf %add3A_900, %get3A_939 : vector<16xf32>
        %add3A_941 = arith.constant 4 : i32
        %add3A_942 = arith.addi %add3A_861, %add3A_941 : i32
        %get3A_943 = arith.constant 0 : i32
        %get3A_944 = arith.index_cast %get3A_943 : i32 to index
        %get3A_945 = arith.index_cast %add3A_942 : i32 to index
        %get3A_946 = arith.constant 0 : index
        %get3A_947 = tpu.vector_load %arg6[%get3A_944, %get3A_945, %get3A_946] {strides = array<i32>} : memref<2x1600x32xf32, #tpu.memory_space<vmem>>, vector<1x1x16xf32>,
        %get3A_948 = vector.shape_cast %get3A_947 : vector<1x1x16xf32> to vector<16xf32>
        %add3A_949 = arith.addf %add3A_909, %get3A_948 : vector<16xf32>
        %add3A_950 = arith.constant 4 : i32
        %add3A_951 = arith.addi %add3A_861, %add3A_950 : i32
        %get3A_952 = arith.constant 0 : i32
        %get3A_953 = arith.index_cast %get3A_952 : i32 to index
        %get3A_954 = arith.index_cast %add3A_951 : i32 to index
        %get3A_955 = arith.constant 16 : index
        %get3A_956 = tpu.vector_load %arg6[%get3A_953, %get3A_954, %get3A_955] {strides = array<i32>} : memref<2x1600x32xf32, #tpu.memory_space<vmem>>, vector<1x1x16xf32>,
        %get3A_957 = vector.shape_cast %get3A_956 : vector<1x1x16xf32> to vector<16xf32>
        %add3A_958 = arith.addf %add3A_918, %get3A_957 : vector<16xf32>
        %add3A_959 = arith.constant 4 : i32
        %add3A_960 = arith.addi %add3A_861, %add3A_959 : i32
        %add3A_961 = arith.constant 1 : i32
        %add3A_962 = arith.addi %add3A_960, %add3A_961 : i32
        %get3A_963 = arith.constant 0 : i32
        %get3A_964 = arith.index_cast %get3A_963 : i32 to index
        %get3A_965 = arith.index_cast %add3A_962 : i32 to index
        %get3A_966 = arith.constant 0 : index
        %get3A_967 = tpu.vector_load %arg6[%get3A_964, %get3A_965, %get3A_966] {strides = array<i32>} : memref<2x1600x32xf32, #tpu.memory_space<vmem>>, vector<1x1x16xf32>,
        %get3A_968 = vector.shape_cast %get3A_967 : vector<1x1x16xf32> to vector<16xf32>
        %add3A_969 = arith.addf %add3A_929, %get3A_968 : vector<16xf32>
        %add3A_970 = arith.constant 4 : i32
        %add3A_971 = arith.addi %add3A_861, %add3A_970 : i32
        %add3A_972 = arith.constant 1 : i32
        %add3A_973 = arith.addi %add3A_971, %add3A_972 : i32
        %get3A_974 = arith.constant 0 : i32
        %get3A_975 = arith.index_cast %get3A_974 : i32 to index
        %get3A_976 = arith.index_cast %add3A_973 : i32 to index
        %get3A_977 = arith.constant 16 : index
        %get3A_978 = tpu.vector_load %arg6[%get3A_975, %get3A_976, %get3A_977] {strides = array<i32>} : memref<2x1600x32xf32, #tpu.memory_space<vmem>>, vector<1x1x16xf32>,
        %get3A_979 = vector.shape_cast %get3A_978 : vector<1x1x16xf32> to vector<16xf32>
        %add3A_980 = arith.addf %add3A_940, %get3A_979 : vector<16xf32>
        %add3A_981 = arith.constant 6 : i32
        %add3A_982 = arith.addi %add3A_861, %add3A_981 : i32
        %get3A_983 = arith.constant 0 : i32
        %get3A_984 = arith.index_cast %get3A_983 : i32 to index
        %get3A_985 = arith.index_cast %add3A_982 : i32 to index
        %get3A_986 = arith.constant 0 : index
        %get3A_987 = tpu.vector_load %arg6[%get3A_984, %get3A_985, %get3A_986] {strides = array<i32>} : memref<2x1600x32xf32, #tpu.memory_space<vmem>>, vector<1x1x16xf32>,
        %get3A_988 = vector.shape_cast %get3A_987 : vector<1x1x16xf32> to vector<16xf32>
        %add3A_989 = arith.addf %add3A_949, %get3A_988 : vector<16xf32>
        %add3A_990 = arith.constant 6 : i32
        %add3A_991 = arith.addi %add3A_861, %add3A_990 : i32
        %get3A_992 = arith.constant 0 : i32
        %get3A_993 = arith.index_cast %get3A_992 : i32 to index
        %get3A_994 = arith.index_cast %add3A_991 : i32 to index
        %get3A_995 = arith.constant 16 : index
        %get3A_996 = tpu.vector_load %arg6[%get3A_993, %get3A_994, %get3A_995] {strides = array<i32>} : memref<2x1600x32xf32, #tpu.memory_space<vmem>>, vector<1x1x16xf32>,
        %get3A_997 = vector.shape_cast %get3A_996 : vector<1x1x16xf32> to vector<16xf32>
        %add3A_998 = arith.addf %add3A_958, %get3A_997 : vector<16xf32>
        %add3A_999 = arith.constant 6 : i32
        %add3A_1000 = arith.addi %add3A_861, %add3A_999 : i32
        %add3A_1001 = arith.constant 1 : i32
        %add3A_1002 = arith.addi %add3A_1000, %add3A_1001 : i32
        %get3A_1003 = arith.constant 0 : i32
        %get3A_1004 = arith.index_cast %get3A_1003 : i32 to index
        %get3A_1005 = arith.index_cast %add3A_1002 : i32 to index
        %get3A_1006 = arith.constant 0 : index
        %get3A_1007 = tpu.vector_load %arg6[%get3A_1004, %get3A_1005, %get3A_1006] {strides = array<i32>} : memref<2x1600x32xf32, #tpu.memory_space<vmem>>, vector<1x1x16xf32>,
        %get3A_1008 = vector.shape_cast %get3A_1007 : vector<1x1x16xf32> to vector<16xf32>
        %add3A_1009 = arith.addf %add3A_969, %get3A_1008 : vector<16xf32>
        %add3A_1010 = arith.constant 6 : i32
        %add3A_1011 = arith.addi %add3A_861, %add3A_1010 : i32
        %add3A_1012 = arith.constant 1 : i32
        %add3A_1013 = arith.addi %add3A_1011, %add3A_1012 : i32
        %get3A_1014 = arith.constant 0 : i32
        %get3A_1015 = arith.index_cast %get3A_1014 : i32 to index
        %get3A_1016 = arith.index_cast %add3A_1013 : i32 to index
        %get3A_1017 = arith.constant 16 : index
        %get3A_1018 = tpu.vector_load %arg6[%get3A_1015, %get3A_1016, %get3A_1017] {strides = array<i32>} : memref<2x1600x32xf32, #tpu.memory_space<vmem>>, vector<1x1x16xf32>,
        %get3A_1019 = vector.shape_cast %get3A_1018 : vector<1x1x16xf32> to vector<16xf32>
        %add3A_1020 = arith.addf %add3A_980, %get3A_1019 : vector<16xf32>
        scf.yield %add3A_989, %add3A_998, %add3A_1009, %add3A_1020 : vector<16xf32>, vector<16xf32>, vector<16xf32>, vector<16xf32>
      }
      %scan3A_623 = arith.constant 25 : i32
      %mul3A_624 = arith.constant 8 : i32
      %mul3A_625 = arith.muli %mul3A_449, %mul3A_624 : i32
      %add3A_626 = arith.constant 7 : i32
      %add3A_627 = arith.addi %mul3A_625, %add3A_626 : i32
      %add3A_628 = arith.addf %scan3A_622#0, %scan3A_622#2 : vector<16xf32>
      %swap3A_629 = arith.index_cast %add3A_627 : i32 to index
      %swap3A_630 = arith.constant 0 : index
      %swap3A_631 = tpu.vector_load %arg7[%swap3A_629, %swap3A_630] {strides = array<i32>} : memref<512x32xf32, #tpu.memory_space<vmem>>, vector<1x16xf32>,
      %swap3A_632 = vector.shape_cast %swap3A_631 : vector<1x16xf32> to vector<16xf32>
      %swap3A_633 = vector.shape_cast %add3A_628 : vector<16xf32> to vector<1x16xf32>
      tpu.vector_store %arg7[%swap3A_629, %swap3A_630], %swap3A_633 {strides = array<i32>} : memref<512x32xf32, #tpu.memory_space<vmem>>, vector<1x16xf32>,
      %add3A_634 = arith.addf %scan3A_622#1, %scan3A_622#3 : vector<16xf32>
      %swap3A_635 = arith.index_cast %add3A_627 : i32 to index
      %swap3A_636 = arith.constant 16 : index
      %swap3A_637 = tpu.vector_load %arg7[%swap3A_635, %swap3A_636] {strides = array<i32>} : memref<512x32xf32, #tpu.memory_space<vmem>>, vector<1x16xf32>,
      %swap3A_638 = vector.shape_cast %swap3A_637 : vector<1x16xf32> to vector<16xf32>
      %swap3A_639 = vector.shape_cast %add3A_634 : vector<16xf32> to vector<1x16xf32>
      tpu.vector_store %arg7[%swap3A_635, %swap3A_636], %swap3A_639 {strides = array<i32>} : memref<512x32xf32, #tpu.memory_space<vmem>>, vector<1x16xf32>,
      %lt3A = arith.constant 31 : i32
      %lt3A_640 = arith.cmpi slt, %scan3A_217, %lt3A : i32
      %convert_element_type3A = arith.extui %lt3A_640 : i1 to i32
      %cond3A = arith.constant 0 : i32
      %cond3A_641 = arith.cmpi ne, %convert_element_type3A, %cond3A : i32
      scf.if %cond3A_641 {
        %mul3A_853 = arith.constant 2 : i32
        %mul3A_854 = arith.muli %mul3A_853, %scan3A_217 : i32
        %add3A_855 = arith.constant 2 : i32
        %add3A_856 = arith.addi %mul3A_854, %add3A_855 : i32
        %mul3A_857 = arith.constant 8 : i32
        %mul3A_858 = arith.muli %add3A_856, %mul3A_857 : i32
        %add3A_859 = arith.addi %mul3A_2, %mul3A_858 : i32
        %run_scoped3A_860 = arith.constant 0 : i32
        "tpu.region"() ({
          %run_scoped3A_1069 = tpu.sem_alloc : memref<!tpu.dma_semaphore, #tpu.memory_space<semaphore_mem>>
          %dma_start3A_1070 = arith.constant 0 : i32
          %dma_start3A_1071 = arith.constant 0 : i32
          %dma_start3A_1072 = tpu.memref_slice %arg5[%run_scoped3A_860, %dma_start3A_1070, %dma_start3A_1071] : memref<2x8x200xi32, #tpu.memory_space<vmem>> -> memref<1x8x200xi32, #tpu.memory_space<vmem>>
          %dma_start3A_1073 = tpu.memref_squeeze %dma_start3A_1072 : memref<1x8x200xi32, #tpu.memory_space<vmem>> -> memref<8x200xi32, #tpu.memory_space<vmem>>
          %dma_start3A_1074 = arith.constant 0 : i32
          %dma_start3A_1075 = tpu.memref_slice %arg2[%add3A_859, %dma_start3A_1074] : memref<16384x200xi32, #tpu.memory_space<hbm>> -> memref<8x200xi32, #tpu.memory_space<hbm>>
          %dma_start3A_1076 = arith.constant 0 : i32
          %dma_start3A_1077 = arith.constant 0 : i32
          %dma_start3A_1078 = tpu.memref_slice %arg5[%run_scoped3A_860, %dma_start3A_1076, %dma_start3A_1077] : memref<2x8x200xi32, #tpu.memory_space<vmem>> -> memref<1x8x200xi32, #tpu.memory_space<vmem>>
          %dma_start3A_1079 = tpu.memref_squeeze %dma_start3A_1078 : memref<1x8x200xi32, #tpu.memory_space<vmem>> -> memref<8x200xi32, #tpu.memory_space<vmem>>
          %dma_start3A_1080 = arith.constant 0 : i32
          %dma_start3A_1081 = tpu.memref_slice %arg2[%add3A_859, %dma_start3A_1080] : memref<16384x200xi32, #tpu.memory_space<hbm>> -> memref<8x200xi32, #tpu.memory_space<hbm>>
          tpu.enqueue_dma source(%dma_start3A_1081 : memref<8x200xi32, #tpu.memory_space<hbm>>) target(%dma_start3A_1079 : memref<8x200xi32, #tpu.memory_space<vmem>>) target_semaphore(%run_scoped3A_1069 : memref<!tpu.dma_semaphore, #tpu.memory_space<semaphore_mem>>)
          %dma_wait3A_1082 = arith.constant 0 : i32
          %dma_wait3A_1083 = arith.constant 0 : i32
          %dma_wait3A_1084 = tpu.memref_slice %arg5[%run_scoped3A_860, %dma_wait3A_1082, %dma_wait3A_1083] : memref<2x8x200xi32, #tpu.memory_space<vmem>> -> memref<1x8x200xi32, #tpu.memory_space<vmem>>
          %dma_wait3A_1085 = tpu.memref_squeeze %dma_wait3A_1084 : memref<1x8x200xi32, #tpu.memory_space<vmem>> -> memref<8x200xi32, #tpu.memory_space<vmem>>
          %dma_wait3A_1086 = arith.constant 0 : i32
          %dma_wait3A_1087 = tpu.memref_slice %arg2[%add3A_859, %dma_wait3A_1086] : memref<16384x200xi32, #tpu.memory_space<hbm>> -> memref<8x200xi32, #tpu.memory_space<hbm>>
          %dma_wait3A_1088 = arith.constant 0 : i32
          %dma_wait3A_1089 = arith.constant 0 : i32
          %dma_wait3A_1090 = tpu.memref_slice %arg5[%run_scoped3A_860, %dma_wait3A_1088, %dma_wait3A_1089] : memref<2x8x200xi32, #tpu.memory_space<vmem>> -> memref<1x8x200xi32, #tpu.memory_space<vmem>>
          %dma_wait3A_1091 = tpu.memref_squeeze %dma_wait3A_1090 : memref<1x8x200xi32, #tpu.memory_space<vmem>> -> memref<8x200xi32, #tpu.memory_space<vmem>>
          %dma_wait3A_1092 = arith.constant 0 : i32
          %dma_wait3A_1093 = tpu.memref_slice %arg2[%add3A_859, %dma_wait3A_1092] : memref<16384x200xi32, #tpu.memory_space<hbm>> -> memref<8x200xi32, #tpu.memory_space<hbm>>
          tpu.wait_dma2 semaphore(%run_scoped3A_1069 : memref<!tpu.dma_semaphore, #tpu.memory_space<semaphore_mem>>) src(%dma_wait3A_1093 : memref<8x200xi32, #tpu.memory_space<hbm>>) dst(%dma_wait3A_1091 : memref<8x200xi32, #tpu.memory_space<vmem>>)
          tpu.yield
        }) : () -> ()
        %dma_start3A_861 = arith.constant 0 : i32
        %dma_start3A_862 = arith.constant 0 : i32
        %dma_start3A_863 = arith.constant 0 : i32
        %dma_start3A_864 = arith.constant 0 : i32
        %dma_start3A_865 = arith.constant 0 : i32
        %dma_start3A_866 = tpu.memref_slice %arg6[%dma_start3A_863, %dma_start3A_864, %dma_start3A_865] : memref<2x1600x32xf32, #tpu.memory_space<vmem>> -> memref<1x128x32xf32, #tpu.memory_space<vmem>>
        %dma_start3A_867 = tpu.memref_squeeze %dma_start3A_866 : memref<1x128x32xf32, #tpu.memory_space<vmem>> -> memref<128x32xf32, #tpu.memory_space<vmem>>
        %dma_start3A_868 = arith.constant 0 : i32
        %dma_start3A_869 = tpu.memref_slice %arg5[%dma_start3A_861, %dma_start3A_862, %dma_start3A_868] : memref<2x8x200xi32, #tpu.memory_space<vmem>> -> memref<1x1x128xi32, #tpu.memory_space<vmem>>
        %dma_start3A_870 = tpu.memref_squeeze %dma_start3A_869 : memref<1x1x128xi32, #tpu.memory_space<vmem>> -> memref<128xi32, #tpu.memory_space<vmem>>
        %dma_start3A_871 = arith.constant 0 : i32
        %dma_start3A_872 = arith.constant 0 : i32
        %dma_start3A_873 = tpu.memref_slice %arg3[%dma_start3A_871, %dma_start3A_872] : memref<1000000x32xf32, #tpu.memory_space<hbm>> -> memref<1000000x32xf32, #tpu.memory_space<hbm>>
        tpu.enqueue_indirect_dma source(%dma_start3A_873 : memref<1000000x32xf32, #tpu.memory_space<hbm>>) target(%dma_start3A_867 : memref<128x32xf32, #tpu.memory_space<vmem>>) offsets(%dma_start3A_870 : memref<128xi32, #tpu.memory_space<vmem>>) semaphore(%arg8 : memref<!tpu.dma_semaphore, #tpu.memory_space<semaphore_mem>>)
        %dma_start3A_874 = arith.constant 0 : i32
        %dma_start3A_875 = arith.constant 0 : i32
        %dma_start3A_876 = arith.constant 0 : i32
        %dma_start3A_877 = arith.constant 128 : i32
        %dma_start3A_878 = arith.constant 0 : i32
        %dma_start3A_879 = tpu.memref_slice %arg6[%dma_start3A_876, %dma_start3A_877, %dma_start3A_878] : memref<2x1600x32xf32, #tpu.memory_space<vmem>> -> memref<1x72x32xf32, #tpu.memory_space<vmem>>
        %dma_start3A_880 = tpu.memref_squeeze %dma_start3A_879 : memref<1x72x32xf32, #tpu.memory_space<vmem>> -> memref<72x32xf32, #tpu.memory_space<vmem>>
        %dma_start3A_881 = arith.constant 128 : i32
        %dma_start3A_882 = tpu.memref_slice %arg5[%dma_start3A_874, %dma_start3A_875, %dma_start3A_881] : memref<2x8x200xi32, #tpu.memory_space<vmem>> -> memref<1x1x72xi32, #tpu.memory_space<vmem>>
        %dma_start3A_883 = tpu.memref_squeeze %dma_start3A_882 : memref<1x1x72xi32, #tpu.memory_space<vmem>> -> memref<72xi32, #tpu.memory_space<vmem>>
        %dma_start3A_884 = arith.constant 0 : i32
        %dma_start3A_885 = arith.constant 0 : i32
        %dma_start3A_886 = tpu.memref_slice %arg3[%dma_start3A_884, %dma_start3A_885] : memref<1000000x32xf32, #tpu.memory_space<hbm>> -> memref<1000000x32xf32, #tpu.memory_space<hbm>>
        tpu.enqueue_indirect_dma source(%dma_start3A_886 : memref<1000000x32xf32, #tpu.memory_space<hbm>>) target(%dma_start3A_880 : memref<72x32xf32, #tpu.memory_space<vmem>>) offsets(%dma_start3A_883 : memref<72xi32, #tpu.memory_space<vmem>>) semaphore(%arg8 : memref<!tpu.dma_semaphore, #tpu.memory_space<semaphore_mem>>)
        %dma_start3A_887 = arith.constant 0 : i32
        %dma_start3A_888 = arith.constant 1 : i32
        %dma_start3A_889 = arith.constant 0 : i32
        %dma_start3A_890 = arith.constant 200 : i32
        %dma_start3A_891 = arith.constant 0 : i32
        %dma_start3A_892 = tpu.memref_slice %arg6[%dma_start3A_889, %dma_start3A_890, %dma_start3A_891] : memref<2x1600x32xf32, #tpu.memory_space<vmem>> -> memref<1x128x32xf32, #tpu.memory_space<vmem>>
        %dma_start3A_893 = tpu.memref_squeeze %dma_start3A_892 : memref<1x128x32xf32, #tpu.memory_space<vmem>> -> memref<128x32xf32, #tpu.memory_space<vmem>>
        %dma_start3A_894 = arith.constant 0 : i32
        %dma_start3A_895 = tpu.memref_slice %arg5[%dma_start3A_887, %dma_start3A_888, %dma_start3A_894] : memref<2x8x200xi32, #tpu.memory_space<vmem>> -> memref<1x1x128xi32, #tpu.memory_space<vmem>>
        %dma_start3A_896 = tpu.memref_squeeze %dma_start3A_895 : memref<1x1x128xi32, #tpu.memory_space<vmem>> -> memref<128xi32, #tpu.memory_space<vmem>>
        %dma_start3A_897 = arith.constant 0 : i32
        %dma_start3A_898 = arith.constant 0 : i32
        %dma_start3A_899 = tpu.memref_slice %arg3[%dma_start3A_897, %dma_start3A_898] : memref<1000000x32xf32, #tpu.memory_space<hbm>> -> memref<1000000x32xf32, #tpu.memory_space<hbm>>
        tpu.enqueue_indirect_dma source(%dma_start3A_899 : memref<1000000x32xf32, #tpu.memory_space<hbm>>) target(%dma_start3A_893 : memref<128x32xf32, #tpu.memory_space<vmem>>) offsets(%dma_start3A_896 : memref<128xi32, #tpu.memory_space<vmem>>) semaphore(%arg8 : memref<!tpu.dma_semaphore, #tpu.memory_space<semaphore_mem>>)
        %dma_start3A_900 = arith.constant 0 : i32
        %dma_start3A_901 = arith.constant 1 : i32
        %dma_start3A_902 = arith.constant 0 : i32
        %dma_start3A_903 = arith.constant 328 : i32
        %dma_start3A_904 = arith.constant 0 : i32
        %dma_start3A_905 = tpu.memref_slice %arg6[%dma_start3A_902, %dma_start3A_903, %dma_start3A_904] : memref<2x1600x32xf32, #tpu.memory_space<vmem>> -> memref<1x72x32xf32, #tpu.memory_space<vmem>>
        %dma_start3A_906 = tpu.memref_squeeze %dma_start3A_905 : memref<1x72x32xf32, #tpu.memory_space<vmem>> -> memref<72x32xf32, #tpu.memory_space<vmem>>
        %dma_start3A_907 = arith.constant 128 : i32
        %dma_start3A_908 = tpu.memref_slice %arg5[%dma_start3A_900, %dma_start3A_901, %dma_start3A_907] : memref<2x8x200xi32, #tpu.memory_space<vmem>> -> memref<1x1x72xi32, #tpu.memory_space<vmem>>
        %dma_start3A_909 = tpu.memref_squeeze %dma_start3A_908 : memref<1x1x72xi32, #tpu.memory_space<vmem>> -> memref<72xi32, #tpu.memory_space<vmem>>
        %dma_start3A_910 = arith.constant 0 : i32
        %dma_start3A_911 = arith.constant 0 : i32
        %dma_start3A_912 = tpu.memref_slice %arg3[%dma_start3A_910, %dma_start3A_911] : memref<1000000x32xf32, #tpu.memory_space<hbm>> -> memref<1000000x32xf32, #tpu.memory_space<hbm>>
        tpu.enqueue_indirect_dma source(%dma_start3A_912 : memref<1000000x32xf32, #tpu.memory_space<hbm>>) target(%dma_start3A_906 : memref<72x32xf32, #tpu.memory_space<vmem>>) offsets(%dma_start3A_909 : memref<72xi32, #tpu.memory_space<vmem>>) semaphore(%arg8 : memref<!tpu.dma_semaphore, #tpu.memory_space<semaphore_mem>>)
        %dma_start3A_913 = arith.constant 0 : i32
        %dma_start3A_914 = arith.constant 2 : i32
        %dma_start3A_915 = arith.constant 0 : i32
        %dma_start3A_916 = arith.constant 400 : i32
        %dma_start3A_917 = arith.constant 0 : i32
        %dma_start3A_918 = tpu.memref_slice %arg6[%dma_start3A_915, %dma_start3A_916, %dma_start3A_917] : memref<2x1600x32xf32, #tpu.memory_space<vmem>> -> memref<1x128x32xf32, #tpu.memory_space<vmem>>
        %dma_start3A_919 = tpu.memref_squeeze %dma_start3A_918 : memref<1x128x32xf32, #tpu.memory_space<vmem>> -> memref<128x32xf32, #tpu.memory_space<vmem>>
        %dma_start3A_920 = arith.constant 0 : i32
        %dma_start3A_921 = tpu.memref_slice %arg5[%dma_start3A_913, %dma_start3A_914, %dma_start3A_920] : memref<2x8x200xi32, #tpu.memory_space<vmem>> -> memref<1x1x128xi32, #tpu.memory_space<vmem>>
        %dma_start3A_922 = tpu.memref_squeeze %dma_start3A_921 : memref<1x1x128xi32, #tpu.memory_space<vmem>> -> memref<128xi32, #tpu.memory_space<vmem>>
        %dma_start3A_923 = arith.constant 0 : i32
        %dma_start3A_924 = arith.constant 0 : i32
        %dma_start3A_925 = tpu.memref_slice %arg3[%dma_start3A_923, %dma_start3A_924] : memref<1000000x32xf32, #tpu.memory_space<hbm>> -> memref<1000000x32xf32, #tpu.memory_space<hbm>>
        tpu.enqueue_indirect_dma source(%dma_start3A_925 : memref<1000000x32xf32, #tpu.memory_space<hbm>>) target(%dma_start3A_919 : memref<128x32xf32, #tpu.memory_space<vmem>>) offsets(%dma_start3A_922 : memref<128xi32, #tpu.memory_space<vmem>>) semaphore(%arg8 : memref<!tpu.dma_semaphore, #tpu.memory_space<semaphore_mem>>)
        %dma_start3A_926 = arith.constant 0 : i32
        %dma_start3A_927 = arith.constant 2 : i32
        %dma_start3A_928 = arith.constant 0 : i32
        %dma_start3A_929 = arith.constant 528 : i32
        %dma_start3A_930 = arith.constant 0 : i32
        %dma_start3A_931 = tpu.memref_slice %arg6[%dma_start3A_928, %dma_start3A_929, %dma_start3A_930] : memref<2x1600x32xf32, #tpu.memory_space<vmem>> -> memref<1x72x32xf32, #tpu.memory_space<vmem>>
        %dma_start3A_932 = tpu.memref_squeeze %dma_start3A_931 : memref<1x72x32xf32, #tpu.memory_space<vmem>> -> memref<72x32xf32, #tpu.memory_space<vmem>>
        %dma_start3A_933 = arith.constant 128 : i32
        %dma_start3A_934 = tpu.memref_slice %arg5[%dma_start3A_926, %dma_start3A_927, %dma_start3A_933] : memref<2x8x200xi32, #tpu.memory_space<vmem>> -> memref<1x1x72xi32, #tpu.memory_space<vmem>>
        %dma_start3A_935 = tpu.memref_squeeze %dma_start3A_934 : memref<1x1x72xi32, #tpu.memory_space<vmem>> -> memref<72xi32, #tpu.memory_space<vmem>>
        %dma_start3A_936 = arith.constant 0 : i32
        %dma_start3A_937 = arith.constant 0 : i32
        %dma_start3A_938 = tpu.memref_slice %arg3[%dma_start3A_936, %dma_start3A_937] : memref<1000000x32xf32, #tpu.memory_space<hbm>> -> memref<1000000x32xf32, #tpu.memory_space<hbm>>
        tpu.enqueue_indirect_dma source(%dma_start3A_938 : memref<1000000x32xf32, #tpu.memory_space<hbm>>) target(%dma_start3A_932 : memref<72x32xf32, #tpu.memory_space<vmem>>) offsets(%dma_start3A_935 : memref<72xi32, #tpu.memory_space<vmem>>) semaphore(%arg8 : memref<!tpu.dma_semaphore, #tpu.memory_space<semaphore_mem>>)
        %dma_start3A_939 = arith.constant 0 : i32
        %dma_start3A_940 = arith.constant 3 : i32
        %dma_start3A_941 = arith.constant 0 : i32
        %dma_start3A_942 = arith.constant 600 : i32
        %dma_start3A_943 = arith.constant 0 : i32
        %dma_start3A_944 = tpu.memref_slice %arg6[%dma_start3A_941, %dma_start3A_942, %dma_start3A_943] : memref<2x1600x32xf32, #tpu.memory_space<vmem>> -> memref<1x128x32xf32, #tpu.memory_space<vmem>>
        %dma_start3A_945 = tpu.memref_squeeze %dma_start3A_944 : memref<1x128x32xf32, #tpu.memory_space<vmem>> -> memref<128x32xf32, #tpu.memory_space<vmem>>
        %dma_start3A_946 = arith.constant 0 : i32
        %dma_start3A_947 = tpu.memref_slice %arg5[%dma_start3A_939, %dma_start3A_940, %dma_start3A_946] : memref<2x8x200xi32, #tpu.memory_space<vmem>> -> memref<1x1x128xi32, #tpu.memory_space<vmem>>
        %dma_start3A_948 = tpu.memref_squeeze %dma_start3A_947 : memref<1x1x128xi32, #tpu.memory_space<vmem>> -> memref<128xi32, #tpu.memory_space<vmem>>
        %dma_start3A_949 = arith.constant 0 : i32
        %dma_start3A_950 = arith.constant 0 : i32
        %dma_start3A_951 = tpu.memref_slice %arg3[%dma_start3A_949, %dma_start3A_950] : memref<1000000x32xf32, #tpu.memory_space<hbm>> -> memref<1000000x32xf32, #tpu.memory_space<hbm>>
        tpu.enqueue_indirect_dma source(%dma_start3A_951 : memref<1000000x32xf32, #tpu.memory_space<hbm>>) target(%dma_start3A_945 : memref<128x32xf32, #tpu.memory_space<vmem>>) offsets(%dma_start3A_948 : memref<128xi32, #tpu.memory_space<vmem>>) semaphore(%arg8 : memref<!tpu.dma_semaphore, #tpu.memory_space<semaphore_mem>>)
        %dma_start3A_952 = arith.constant 0 : i32
        %dma_start3A_953 = arith.constant 3 : i32
        %dma_start3A_954 = arith.constant 0 : i32
        %dma_start3A_955 = arith.constant 728 : i32
        %dma_start3A_956 = arith.constant 0 : i32
        %dma_start3A_957 = tpu.memref_slice %arg6[%dma_start3A_954, %dma_start3A_955, %dma_start3A_956] : memref<2x1600x32xf32, #tpu.memory_space<vmem>> -> memref<1x72x32xf32, #tpu.memory_space<vmem>>
        %dma_start3A_958 = tpu.memref_squeeze %dma_start3A_957 : memref<1x72x32xf32, #tpu.memory_space<vmem>> -> memref<72x32xf32, #tpu.memory_space<vmem>>
        %dma_start3A_959 = arith.constant 128 : i32
        %dma_start3A_960 = tpu.memref_slice %arg5[%dma_start3A_952, %dma_start3A_953, %dma_start3A_959] : memref<2x8x200xi32, #tpu.memory_space<vmem>> -> memref<1x1x72xi32, #tpu.memory_space<vmem>>
        %dma_start3A_961 = tpu.memref_squeeze %dma_start3A_960 : memref<1x1x72xi32, #tpu.memory_space<vmem>> -> memref<72xi32, #tpu.memory_space<vmem>>
        %dma_start3A_962 = arith.constant 0 : i32
        %dma_start3A_963 = arith.constant 0 : i32
        %dma_start3A_964 = tpu.memref_slice %arg3[%dma_start3A_962, %dma_start3A_963] : memref<1000000x32xf32, #tpu.memory_space<hbm>> -> memref<1000000x32xf32, #tpu.memory_space<hbm>>
        tpu.enqueue_indirect_dma source(%dma_start3A_964 : memref<1000000x32xf32, #tpu.memory_space<hbm>>) target(%dma_start3A_958 : memref<72x32xf32, #tpu.memory_space<vmem>>) offsets(%dma_start3A_961 : memref<72xi32, #tpu.memory_space<vmem>>) semaphore(%arg8 : memref<!tpu.dma_semaphore, #tpu.memory_space<semaphore_mem>>)
        %dma_start3A_965 = arith.constant 0 : i32
        %dma_start3A_966 = arith.constant 4 : i32
        %dma_start3A_967 = arith.constant 0 : i32
        %dma_start3A_968 = arith.constant 800 : i32
        %dma_start3A_969 = arith.constant 0 : i32
        %dma_start3A_970 = tpu.memref_slice %arg6[%dma_start3A_967, %dma_start3A_968, %dma_start3A_969] : memref<2x1600x32xf32, #tpu.memory_space<vmem>> -> memref<1x128x32xf32, #tpu.memory_space<vmem>>
        %dma_start3A_971 = tpu.memref_squeeze %dma_start3A_970 : memref<1x128x32xf32, #tpu.memory_space<vmem>> -> memref<128x32xf32, #tpu.memory_space<vmem>>
        %dma_start3A_972 = arith.constant 0 : i32
        %dma_start3A_973 = tpu.memref_slice %arg5[%dma_start3A_965, %dma_start3A_966, %dma_start3A_972] : memref<2x8x200xi32, #tpu.memory_space<vmem>> -> memref<1x1x128xi32, #tpu.memory_space<vmem>>
        %dma_start3A_974 = tpu.memref_squeeze %dma_start3A_973 : memref<1x1x128xi32, #tpu.memory_space<vmem>> -> memref<128xi32, #tpu.memory_space<vmem>>
        %dma_start3A_975 = arith.constant 0 : i32
        %dma_start3A_976 = arith.constant 0 : i32
        %dma_start3A_977 = tpu.memref_slice %arg3[%dma_start3A_975, %dma_start3A_976] : memref<1000000x32xf32, #tpu.memory_space<hbm>> -> memref<1000000x32xf32, #tpu.memory_space<hbm>>
        tpu.enqueue_indirect_dma source(%dma_start3A_977 : memref<1000000x32xf32, #tpu.memory_space<hbm>>) target(%dma_start3A_971 : memref<128x32xf32, #tpu.memory_space<vmem>>) offsets(%dma_start3A_974 : memref<128xi32, #tpu.memory_space<vmem>>) semaphore(%arg8 : memref<!tpu.dma_semaphore, #tpu.memory_space<semaphore_mem>>)
        %dma_start3A_978 = arith.constant 0 : i32
        %dma_start3A_979 = arith.constant 4 : i32
        %dma_start3A_980 = arith.constant 0 : i32
        %dma_start3A_981 = arith.constant 928 : i32
        %dma_start3A_982 = arith.constant 0 : i32
        %dma_start3A_983 = tpu.memref_slice %arg6[%dma_start3A_980, %dma_start3A_981, %dma_start3A_982] : memref<2x1600x32xf32, #tpu.memory_space<vmem>> -> memref<1x72x32xf32, #tpu.memory_space<vmem>>
        %dma_start3A_984 = tpu.memref_squeeze %dma_start3A_983 : memref<1x72x32xf32, #tpu.memory_space<vmem>> -> memref<72x32xf32, #tpu.memory_space<vmem>>
        %dma_start3A_985 = arith.constant 128 : i32
        %dma_start3A_986 = tpu.memref_slice %arg5[%dma_start3A_978, %dma_start3A_979, %dma_start3A_985] : memref<2x8x200xi32, #tpu.memory_space<vmem>> -> memref<1x1x72xi32, #tpu.memory_space<vmem>>
        %dma_start3A_987 = tpu.memref_squeeze %dma_start3A_986 : memref<1x1x72xi32, #tpu.memory_space<vmem>> -> memref<72xi32, #tpu.memory_space<vmem>>
        %dma_start3A_988 = arith.constant 0 : i32
        %dma_start3A_989 = arith.constant 0 : i32
        %dma_start3A_990 = tpu.memref_slice %arg3[%dma_start3A_988, %dma_start3A_989] : memref<1000000x32xf32, #tpu.memory_space<hbm>> -> memref<1000000x32xf32, #tpu.memory_space<hbm>>
        tpu.enqueue_indirect_dma source(%dma_start3A_990 : memref<1000000x32xf32, #tpu.memory_space<hbm>>) target(%dma_start3A_984 : memref<72x32xf32, #tpu.memory_space<vmem>>) offsets(%dma_start3A_987 : memref<72xi32, #tpu.memory_space<vmem>>) semaphore(%arg8 : memref<!tpu.dma_semaphore, #tpu.memory_space<semaphore_mem>>)
        %dma_start3A_991 = arith.constant 0 : i32
        %dma_start3A_992 = arith.constant 5 : i32
        %dma_start3A_993 = arith.constant 0 : i32
        %dma_start3A_994 = arith.constant 1000 : i32
        %dma_start3A_995 = arith.constant 0 : i32
        %dma_start3A_996 = tpu.memref_slice %arg6[%dma_start3A_993, %dma_start3A_994, %dma_start3A_995] : memref<2x1600x32xf32, #tpu.memory_space<vmem>> -> memref<1x128x32xf32, #tpu.memory_space<vmem>>
        %dma_start3A_997 = tpu.memref_squeeze %dma_start3A_996 : memref<1x128x32xf32, #tpu.memory_space<vmem>> -> memref<128x32xf32, #tpu.memory_space<vmem>>
        %dma_start3A_998 = arith.constant 0 : i32
        %dma_start3A_999 = tpu.memref_slice %arg5[%dma_start3A_991, %dma_start3A_992, %dma_start3A_998] : memref<2x8x200xi32, #tpu.memory_space<vmem>> -> memref<1x1x128xi32, #tpu.memory_space<vmem>>
        %dma_start3A_1000 = tpu.memref_squeeze %dma_start3A_999 : memref<1x1x128xi32, #tpu.memory_space<vmem>> -> memref<128xi32, #tpu.memory_space<vmem>>
        %dma_start3A_1001 = arith.constant 0 : i32
        %dma_start3A_1002 = arith.constant 0 : i32
        %dma_start3A_1003 = tpu.memref_slice %arg3[%dma_start3A_1001, %dma_start3A_1002] : memref<1000000x32xf32, #tpu.memory_space<hbm>> -> memref<1000000x32xf32, #tpu.memory_space<hbm>>
        tpu.enqueue_indirect_dma source(%dma_start3A_1003 : memref<1000000x32xf32, #tpu.memory_space<hbm>>) target(%dma_start3A_997 : memref<128x32xf32, #tpu.memory_space<vmem>>) offsets(%dma_start3A_1000 : memref<128xi32, #tpu.memory_space<vmem>>) semaphore(%arg8 : memref<!tpu.dma_semaphore, #tpu.memory_space<semaphore_mem>>)
        %dma_start3A_1004 = arith.constant 0 : i32
        %dma_start3A_1005 = arith.constant 5 : i32
        %dma_start3A_1006 = arith.constant 0 : i32
        %dma_start3A_1007 = arith.constant 1128 : i32
        %dma_start3A_1008 = arith.constant 0 : i32
        %dma_start3A_1009 = tpu.memref_slice %arg6[%dma_start3A_1006, %dma_start3A_1007, %dma_start3A_1008] : memref<2x1600x32xf32, #tpu.memory_space<vmem>> -> memref<1x72x32xf32, #tpu.memory_space<vmem>>
        %dma_start3A_1010 = tpu.memref_squeeze %dma_start3A_1009 : memref<1x72x32xf32, #tpu.memory_space<vmem>> -> memref<72x32xf32, #tpu.memory_space<vmem>>
        %dma_start3A_1011 = arith.constant 128 : i32
        %dma_start3A_1012 = tpu.memref_slice %arg5[%dma_start3A_1004, %dma_start3A_1005, %dma_start3A_1011] : memref<2x8x200xi32, #tpu.memory_space<vmem>> -> memref<1x1x72xi32, #tpu.memory_space<vmem>>
        %dma_start3A_1013 = tpu.memref_squeeze %dma_start3A_1012 : memref<1x1x72xi32, #tpu.memory_space<vmem>> -> memref<72xi32, #tpu.memory_space<vmem>>
        %dma_start3A_1014 = arith.constant 0 : i32
        %dma_start3A_1015 = arith.constant 0 : i32
        %dma_start3A_1016 = tpu.memref_slice %arg3[%dma_start3A_1014, %dma_start3A_1015] : memref<1000000x32xf32, #tpu.memory_space<hbm>> -> memref<1000000x32xf32, #tpu.memory_space<hbm>>
        tpu.enqueue_indirect_dma source(%dma_start3A_1016 : memref<1000000x32xf32, #tpu.memory_space<hbm>>) target(%dma_start3A_1010 : memref<72x32xf32, #tpu.memory_space<vmem>>) offsets(%dma_start3A_1013 : memref<72xi32, #tpu.memory_space<vmem>>) semaphore(%arg8 : memref<!tpu.dma_semaphore, #tpu.memory_space<semaphore_mem>>)
        %dma_start3A_1017 = arith.constant 0 : i32
        %dma_start3A_1018 = arith.constant 6 : i32
        %dma_start3A_1019 = arith.constant 0 : i32
        %dma_start3A_1020 = arith.constant 1200 : i32
        %dma_start3A_1021 = arith.constant 0 : i32
        %dma_start3A_1022 = tpu.memref_slice %arg6[%dma_start3A_1019, %dma_start3A_1020, %dma_start3A_1021] : memref<2x1600x32xf32, #tpu.memory_space<vmem>> -> memref<1x128x32xf32, #tpu.memory_space<vmem>>
        %dma_start3A_1023 = tpu.memref_squeeze %dma_start3A_1022 : memref<1x128x32xf32, #tpu.memory_space<vmem>> -> memref<128x32xf32, #tpu.memory_space<vmem>>
        %dma_start3A_1024 = arith.constant 0 : i32
        %dma_start3A_1025 = tpu.memref_slice %arg5[%dma_start3A_1017, %dma_start3A_1018, %dma_start3A_1024] : memref<2x8x200xi32, #tpu.memory_space<vmem>> -> memref<1x1x128xi32, #tpu.memory_space<vmem>>
        %dma_start3A_1026 = tpu.memref_squeeze %dma_start3A_1025 : memref<1x1x128xi32, #tpu.memory_space<vmem>> -> memref<128xi32, #tpu.memory_space<vmem>>
        %dma_start3A_1027 = arith.constant 0 : i32
        %dma_start3A_1028 = arith.constant 0 : i32
        %dma_start3A_1029 = tpu.memref_slice %arg3[%dma_start3A_1027, %dma_start3A_1028] : memref<1000000x32xf32, #tpu.memory_space<hbm>> -> memref<1000000x32xf32, #tpu.memory_space<hbm>>
        tpu.enqueue_indirect_dma source(%dma_start3A_1029 : memref<1000000x32xf32, #tpu.memory_space<hbm>>) target(%dma_start3A_1023 : memref<128x32xf32, #tpu.memory_space<vmem>>) offsets(%dma_start3A_1026 : memref<128xi32, #tpu.memory_space<vmem>>) semaphore(%arg8 : memref<!tpu.dma_semaphore, #tpu.memory_space<semaphore_mem>>)
        %dma_start3A_1030 = arith.constant 0 : i32
        %dma_start3A_1031 = arith.constant 6 : i32
        %dma_start3A_1032 = arith.constant 0 : i32
        %dma_start3A_1033 = arith.constant 1328 : i32
        %dma_start3A_1034 = arith.constant 0 : i32
        %dma_start3A_1035 = tpu.memref_slice %arg6[%dma_start3A_1032, %dma_start3A_1033, %dma_start3A_1034] : memref<2x1600x32xf32, #tpu.memory_space<vmem>> -> memref<1x72x32xf32, #tpu.memory_space<vmem>>
        %dma_start3A_1036 = tpu.memref_squeeze %dma_start3A_1035 : memref<1x72x32xf32, #tpu.memory_space<vmem>> -> memref<72x32xf32, #tpu.memory_space<vmem>>
        %dma_start3A_1037 = arith.constant 128 : i32
        %dma_start3A_1038 = tpu.memref_slice %arg5[%dma_start3A_1030, %dma_start3A_1031, %dma_start3A_1037] : memref<2x8x200xi32, #tpu.memory_space<vmem>> -> memref<1x1x72xi32, #tpu.memory_space<vmem>>
        %dma_start3A_1039 = tpu.memref_squeeze %dma_start3A_1038 : memref<1x1x72xi32, #tpu.memory_space<vmem>> -> memref<72xi32, #tpu.memory_space<vmem>>
        %dma_start3A_1040 = arith.constant 0 : i32
        %dma_start3A_1041 = arith.constant 0 : i32
        %dma_start3A_1042 = tpu.memref_slice %arg3[%dma_start3A_1040, %dma_start3A_1041] : memref<1000000x32xf32, #tpu.memory_space<hbm>> -> memref<1000000x32xf32, #tpu.memory_space<hbm>>
        tpu.enqueue_indirect_dma source(%dma_start3A_1042 : memref<1000000x32xf32, #tpu.memory_space<hbm>>) target(%dma_start3A_1036 : memref<72x32xf32, #tpu.memory_space<vmem>>) offsets(%dma_start3A_1039 : memref<72xi32, #tpu.memory_space<vmem>>) semaphore(%arg8 : memref<!tpu.dma_semaphore, #tpu.memory_space<semaphore_mem>>)
        %dma_start3A_1043 = arith.constant 0 : i32
        %dma_start3A_1044 = arith.constant 7 : i32
        %dma_start3A_1045 = arith.constant 0 : i32
        %dma_start3A_1046 = arith.constant 1400 : i32
        %dma_start3A_1047 = arith.constant 0 : i32
        %dma_start3A_1048 = tpu.memref_slice %arg6[%dma_start3A_1045, %dma_start3A_1046, %dma_start3A_1047] : memref<2x1600x32xf32, #tpu.memory_space<vmem>> -> memref<1x128x32xf32, #tpu.memory_space<vmem>>
        %dma_start3A_1049 = tpu.memref_squeeze %dma_start3A_1048 : memref<1x128x32xf32, #tpu.memory_space<vmem>> -> memref<128x32xf32, #tpu.memory_space<vmem>>
        %dma_start3A_1050 = arith.constant 0 : i32
        %dma_start3A_1051 = tpu.memref_slice %arg5[%dma_start3A_1043, %dma_start3A_1044, %dma_start3A_1050] : memref<2x8x200xi32, #tpu.memory_space<vmem>> -> memref<1x1x128xi32, #tpu.memory_space<vmem>>
        %dma_start3A_1052 = tpu.memref_squeeze %dma_start3A_1051 : memref<1x1x128xi32, #tpu.memory_space<vmem>> -> memref<128xi32, #tpu.memory_space<vmem>>
        %dma_start3A_1053 = arith.constant 0 : i32
        %dma_start3A_1054 = arith.constant 0 : i32
        %dma_start3A_1055 = tpu.memref_slice %arg3[%dma_start3A_1053, %dma_start3A_1054] : memref<1000000x32xf32, #tpu.memory_space<hbm>> -> memref<1000000x32xf32, #tpu.memory_space<hbm>>
        tpu.enqueue_indirect_dma source(%dma_start3A_1055 : memref<1000000x32xf32, #tpu.memory_space<hbm>>) target(%dma_start3A_1049 : memref<128x32xf32, #tpu.memory_space<vmem>>) offsets(%dma_start3A_1052 : memref<128xi32, #tpu.memory_space<vmem>>) semaphore(%arg8 : memref<!tpu.dma_semaphore, #tpu.memory_space<semaphore_mem>>)
        %dma_start3A_1056 = arith.constant 0 : i32
        %dma_start3A_1057 = arith.constant 7 : i32
        %dma_start3A_1058 = arith.constant 0 : i32
        %dma_start3A_1059 = arith.constant 1528 : i32
        %dma_start3A_1060 = arith.constant 0 : i32
        %dma_start3A_1061 = tpu.memref_slice %arg6[%dma_start3A_1058, %dma_start3A_1059, %dma_start3A_1060] : memref<2x1600x32xf32, #tpu.memory_space<vmem>> -> memref<1x72x32xf32, #tpu.memory_space<vmem>>
        %dma_start3A_1062 = tpu.memref_squeeze %dma_start3A_1061 : memref<1x72x32xf32, #tpu.memory_space<vmem>> -> memref<72x32xf32, #tpu.memory_space<vmem>>
        %dma_start3A_1063 = arith.constant 128 : i32
        %dma_start3A_1064 = tpu.memref_slice %arg5[%dma_start3A_1056, %dma_start3A_1057, %dma_start3A_1063] : memref<2x8x200xi32, #tpu.memory_space<vmem>> -> memref<1x1x72xi32, #tpu.memory_space<vmem>>
        %dma_start3A_1065 = tpu.memref_squeeze %dma_start3A_1064 : memref<1x1x72xi32, #tpu.memory_space<vmem>> -> memref<72xi32, #tpu.memory_space<vmem>>
        %dma_start3A_1066 = arith.constant 0 : i32
        %dma_start3A_1067 = arith.constant 0 : i32
        %dma_start3A_1068 = tpu.memref_slice %arg3[%dma_start3A_1066, %dma_start3A_1067] : memref<1000000x32xf32, #tpu.memory_space<hbm>> -> memref<1000000x32xf32, #tpu.memory_space<hbm>>
        tpu.enqueue_indirect_dma source(%dma_start3A_1068 : memref<1000000x32xf32, #tpu.memory_space<hbm>>) target(%dma_start3A_1062 : memref<72x32xf32, #tpu.memory_space<vmem>>) offsets(%dma_start3A_1065 : memref<72xi32, #tpu.memory_space<vmem>>) semaphore(%arg8 : memref<!tpu.dma_semaphore, #tpu.memory_space<semaphore_mem>>)
      } else {
      }
      %dma_wait3A_642 = arith.constant 1 : i32
      %dma_wait3A_643 = arith.constant 0 : i32
      %dma_wait3A_644 = arith.constant 0 : i32
      %dma_wait3A_645 = tpu.memref_slice %arg6[%dma_wait3A_642, %dma_wait3A_643, %dma_wait3A_644] : memref<2x1600x32xf32, #tpu.memory_space<vmem>> -> memref<1x1600x32xf32, #tpu.memory_space<vmem>>
      %dma_wait3A_646 = tpu.memref_squeeze %dma_wait3A_645 : memref<1x1600x32xf32, #tpu.memory_space<vmem>> -> memref<1600x32xf32, #tpu.memory_space<vmem>>
      %dma_wait3A_647 = arith.constant 0 : i32
      %dma_wait3A_648 = arith.constant 0 : i32
      %dma_wait3A_649 = tpu.memref_slice %arg3[%dma_wait3A_647, %dma_wait3A_648] : memref<1000000x32xf32, #tpu.memory_space<hbm>> -> memref<1600x32xf32, #tpu.memory_space<hbm>>
      %dma_wait3A_650 = arith.constant 0 : i32
      %dma_wait3A_651 = arith.constant 0 : i32
      %dma_wait3A_652 = tpu.memref_slice %arg6[%dma_wait3A_642, %dma_wait3A_650, %dma_wait3A_651] : memref<2x1600x32xf32, #tpu.memory_space<vmem>> -> memref<1x1600x32xf32, #tpu.memory_space<vmem>>
      %dma_wait3A_653 = tpu.memref_squeeze %dma_wait3A_652 : memref<1x1600x32xf32, #tpu.memory_space<vmem>> -> memref<1600x32xf32, #tpu.memory_space<vmem>>
      %dma_wait3A_654 = arith.constant 0 : i32
      %dma_wait3A_655 = arith.constant 0 : i32
      %dma_wait3A_656 = tpu.memref_slice %arg3[%dma_wait3A_654, %dma_wait3A_655] : memref<1000000x32xf32, #tpu.memory_space<hbm>> -> memref<1600x32xf32, #tpu.memory_space<hbm>>
      tpu.wait_dma2 semaphore(%arg9 : memref<!tpu.dma_semaphore, #tpu.memory_space<semaphore_mem>>) src(%dma_wait3A_656 : memref<1600x32xf32, #tpu.memory_space<hbm>>) dst(%dma_wait3A_653 : memref<1600x32xf32, #tpu.memory_space<vmem>>)
      %mul3A_657 = arith.constant 2 : i32
      %mul3A_658 = arith.muli %mul3A_657, %scan3A_217 : i32
      %add3A_659 = arith.constant 1 : i32
      %add3A_660 = arith.addi %mul3A_658, %add3A_659 : i32
      %broadcast_in_dim3A_661 = arith.constant 0.000000e+00 : f32
      %broadcast_in_dim3A_662 = vector.broadcast %broadcast_in_dim3A_661 : f32 to vector<16xf32>
      %scan3A_663 = arith.constant 0 : i32
      %scan3A_664 = arith.constant 25 : i32
      %scan3A_665 = arith.addi %scan3A_663, %scan3A_664 : i32
      %scan3A_666 = arith.constant 1 : i32
      %scan3A_667:4 = scf.for %scan3A_853 = %scan3A_663 to %scan3A_665 step %scan3A_666 iter_args(%scan3A_854 = %broadcast_in_dim3A_662, %scan3A_855 = %broadcast_in_dim3A_662, %scan3A_856 = %broadcast_in_dim3A_662, %scan3A_857 = %broadcast_in_dim3A_662) -> (vector<16xf32>, vector<16xf32>, vector<16xf32>, vector<16xf32>)  : i32 {
        %mul3A_858 = arith.constant 8 : i32
        %mul3A_859 = arith.muli %scan3A_853, %mul3A_858 : i32
        %add3A_860 = arith.constant 0 : i32
        %add3A_861 = arith.addi %add3A_860, %mul3A_859 : i32
        %add3A_862 = arith.constant 0 : i32
        %add3A_863 = arith.addi %add3A_861, %add3A_862 : i32
        %get3A = arith.constant 1 : i32
        %get3A_864 = arith.index_cast %get3A : i32 to index
        %get3A_865 = arith.index_cast %add3A_863 : i32 to index
        %get3A_866 = arith.constant 0 : index
        %get3A_867 = tpu.vector_load %arg6[%get3A_864, %get3A_865, %get3A_866] {strides = array<i32>} : memref<2x1600x32xf32, #tpu.memory_space<vmem>>, vector<1x1x16xf32>,
        %get3A_868 = vector.shape_cast %get3A_867 : vector<1x1x16xf32> to vector<16xf32>
        %add3A_869 = arith.addf %scan3A_854, %get3A_868 : vector<16xf32>
        %add3A_870 = arith.constant 0 : i32
        %add3A_871 = arith.addi %add3A_861, %add3A_870 : i32
        %get3A_872 = arith.constant 1 : i32
        %get3A_873 = arith.index_cast %get3A_872 : i32 to index
        %get3A_874 = arith.index_cast %add3A_871 : i32 to index
        %get3A_875 = arith.constant 16 : index
        %get3A_876 = tpu.vector_load %arg6[%get3A_873, %get3A_874, %get3A_875] {strides = array<i32>} : memref<2x1600x32xf32, #tpu.memory_space<vmem>>, vector<1x1x16xf32>,
        %get3A_877 = vector.shape_cast %get3A_876 : vector<1x1x16xf32> to vector<16xf32>
        %add3A_878 = arith.addf %scan3A_855, %get3A_877 : vector<16xf32>
        %add3A_879 = arith.constant 0 : i32
        %add3A_880 = arith.addi %add3A_861, %add3A_879 : i32
        %add3A_881 = arith.constant 1 : i32
        %add3A_882 = arith.addi %add3A_880, %add3A_881 : i32
        %get3A_883 = arith.constant 1 : i32
        %get3A_884 = arith.index_cast %get3A_883 : i32 to index
        %get3A_885 = arith.index_cast %add3A_882 : i32 to index
        %get3A_886 = arith.constant 0 : index
        %get3A_887 = tpu.vector_load %arg6[%get3A_884, %get3A_885, %get3A_886] {strides = array<i32>} : memref<2x1600x32xf32, #tpu.memory_space<vmem>>, vector<1x1x16xf32>,
        %get3A_888 = vector.shape_cast %get3A_887 : vector<1x1x16xf32> to vector<16xf32>
        %add3A_889 = arith.addf %scan3A_856, %get3A_888 : vector<16xf32>
        %add3A_890 = arith.constant 0 : i32
        %add3A_891 = arith.addi %add3A_861, %add3A_890 : i32
        %add3A_892 = arith.constant 1 : i32
        %add3A_893 = arith.addi %add3A_891, %add3A_892 : i32
        %get3A_894 = arith.constant 1 : i32
        %get3A_895 = arith.index_cast %get3A_894 : i32 to index
        %get3A_896 = arith.index_cast %add3A_893 : i32 to index
        %get3A_897 = arith.constant 16 : index
        %get3A_898 = tpu.vector_load %arg6[%get3A_895, %get3A_896, %get3A_897] {strides = array<i32>} : memref<2x1600x32xf32, #tpu.memory_space<vmem>>, vector<1x1x16xf32>,
        %get3A_899 = vector.shape_cast %get3A_898 : vector<1x1x16xf32> to vector<16xf32>
        %add3A_900 = arith.addf %scan3A_857, %get3A_899 : vector<16xf32>
        %add3A_901 = arith.constant 2 : i32
        %add3A_902 = arith.addi %add3A_861, %add3A_901 : i32
        %get3A_903 = arith.constant 1 : i32
        %get3A_904 = arith.index_cast %get3A_903 : i32 to index
        %get3A_905 = arith.index_cast %add3A_902 : i32 to index
        %get3A_906 = arith.constant 0 : index
        %get3A_907 = tpu.vector_load %arg6[%get3A_904, %get3A_905, %get3A_906] {strides = array<i32>} : memref<2x1600x32xf32, #tpu.memory_space<vmem>>, vector<1x1x16xf32>,
        %get3A_908 = vector.shape_cast %get3A_907 : vector<1x1x16xf32> to vector<16xf32>
        %add3A_909 = arith.addf %add3A_869, %get3A_908 : vector<16xf32>
        %add3A_910 = arith.constant 2 : i32
        %add3A_911 = arith.addi %add3A_861, %add3A_910 : i32
        %get3A_912 = arith.constant 1 : i32
        %get3A_913 = arith.index_cast %get3A_912 : i32 to index
        %get3A_914 = arith.index_cast %add3A_911 : i32 to index
        %get3A_915 = arith.constant 16 : index
        %get3A_916 = tpu.vector_load %arg6[%get3A_913, %get3A_914, %get3A_915] {strides = array<i32>} : memref<2x1600x32xf32, #tpu.memory_space<vmem>>, vector<1x1x16xf32>,
        %get3A_917 = vector.shape_cast %get3A_916 : vector<1x1x16xf32> to vector<16xf32>
        %add3A_918 = arith.addf %add3A_878, %get3A_917 : vector<16xf32>
        %add3A_919 = arith.constant 2 : i32
        %add3A_920 = arith.addi %add3A_861, %add3A_919 : i32
        %add3A_921 = arith.constant 1 : i32
        %add3A_922 = arith.addi %add3A_920, %add3A_921 : i32
        %get3A_923 = arith.constant 1 : i32
        %get3A_924 = arith.index_cast %get3A_923 : i32 to index
        %get3A_925 = arith.index_cast %add3A_922 : i32 to index
        %get3A_926 = arith.constant 0 : index
        %get3A_927 = tpu.vector_load %arg6[%get3A_924, %get3A_925, %get3A_926] {strides = array<i32>} : memref<2x1600x32xf32, #tpu.memory_space<vmem>>, vector<1x1x16xf32>,
        %get3A_928 = vector.shape_cast %get3A_927 : vector<1x1x16xf32> to vector<16xf32>
        %add3A_929 = arith.addf %add3A_889, %get3A_928 : vector<16xf32>
        %add3A_930 = arith.constant 2 : i32
        %add3A_931 = arith.addi %add3A_861, %add3A_930 : i32
        %add3A_932 = arith.constant 1 : i32
        %add3A_933 = arith.addi %add3A_931, %add3A_932 : i32
        %get3A_934 = arith.constant 1 : i32
        %get3A_935 = arith.index_cast %get3A_934 : i32 to index
        %get3A_936 = arith.index_cast %add3A_933 : i32 to index
        %get3A_937 = arith.constant 16 : index
        %get3A_938 = tpu.vector_load %arg6[%get3A_935, %get3A_936, %get3A_937] {strides = array<i32>} : memref<2x1600x32xf32, #tpu.memory_space<vmem>>, vector<1x1x16xf32>,
        %get3A_939 = vector.shape_cast %get3A_938 : vector<1x1x16xf32> to vector<16xf32>
        %add3A_940 = arith.addf %add3A_900, %get3A_939 : vector<16xf32>
        %add3A_941 = arith.constant 4 : i32
        %add3A_942 = arith.addi %add3A_861, %add3A_941 : i32
        %get3A_943 = arith.constant 1 : i32
        %get3A_944 = arith.index_cast %get3A_943 : i32 to index
        %get3A_945 = arith.index_cast %add3A_942 : i32 to index
        %get3A_946 = arith.constant 0 : index
        %get3A_947 = tpu.vector_load %arg6[%get3A_944, %get3A_945, %get3A_946] {strides = array<i32>} : memref<2x1600x32xf32, #tpu.memory_space<vmem>>, vector<1x1x16xf32>,
        %get3A_948 = vector.shape_cast %get3A_947 : vector<1x1x16xf32> to vector<16xf32>
        %add3A_949 = arith.addf %add3A_909, %get3A_948 : vector<16xf32>
        %add3A_950 = arith.constant 4 : i32
        %add3A_951 = arith.addi %add3A_861, %add3A_950 : i32
        %get3A_952 = arith.constant 1 : i32
        %get3A_953 = arith.index_cast %get3A_952 : i32 to index
        %get3A_954 = arith.index_cast %add3A_951 : i32 to index
        %get3A_955 = arith.constant 16 : index
        %get3A_956 = tpu.vector_load %arg6[%get3A_953, %get3A_954, %get3A_955] {strides = array<i32>} : memref<2x1600x32xf32, #tpu.memory_space<vmem>>, vector<1x1x16xf32>,
        %get3A_957 = vector.shape_cast %get3A_956 : vector<1x1x16xf32> to vector<16xf32>
        %add3A_958 = arith.addf %add3A_918, %get3A_957 : vector<16xf32>
        %add3A_959 = arith.constant 4 : i32
        %add3A_960 = arith.addi %add3A_861, %add3A_959 : i32
        %add3A_961 = arith.constant 1 : i32
        %add3A_962 = arith.addi %add3A_960, %add3A_961 : i32
        %get3A_963 = arith.constant 1 : i32
        %get3A_964 = arith.index_cast %get3A_963 : i32 to index
        %get3A_965 = arith.index_cast %add3A_962 : i32 to index
        %get3A_966 = arith.constant 0 : index
        %get3A_967 = tpu.vector_load %arg6[%get3A_964, %get3A_965, %get3A_966] {strides = array<i32>} : memref<2x1600x32xf32, #tpu.memory_space<vmem>>, vector<1x1x16xf32>,
        %get3A_968 = vector.shape_cast %get3A_967 : vector<1x1x16xf32> to vector<16xf32>
        %add3A_969 = arith.addf %add3A_929, %get3A_968 : vector<16xf32>
        %add3A_970 = arith.constant 4 : i32
        %add3A_971 = arith.addi %add3A_861, %add3A_970 : i32
        %add3A_972 = arith.constant 1 : i32
        %add3A_973 = arith.addi %add3A_971, %add3A_972 : i32
        %get3A_974 = arith.constant 1 : i32
        %get3A_975 = arith.index_cast %get3A_974 : i32 to index
        %get3A_976 = arith.index_cast %add3A_973 : i32 to index
        %get3A_977 = arith.constant 16 : index
        %get3A_978 = tpu.vector_load %arg6[%get3A_975, %get3A_976, %get3A_977] {strides = array<i32>} : memref<2x1600x32xf32, #tpu.memory_space<vmem>>, vector<1x1x16xf32>,
        %get3A_979 = vector.shape_cast %get3A_978 : vector<1x1x16xf32> to vector<16xf32>
        %add3A_980 = arith.addf %add3A_940, %get3A_979 : vector<16xf32>
        %add3A_981 = arith.constant 6 : i32
        %add3A_982 = arith.addi %add3A_861, %add3A_981 : i32
        %get3A_983 = arith.constant 1 : i32
        %get3A_984 = arith.index_cast %get3A_983 : i32 to index
        %get3A_985 = arith.index_cast %add3A_982 : i32 to index
        %get3A_986 = arith.constant 0 : index
        %get3A_987 = tpu.vector_load %arg6[%get3A_984, %get3A_985, %get3A_986] {strides = array<i32>} : memref<2x1600x32xf32, #tpu.memory_space<vmem>>, vector<1x1x16xf32>,
        %get3A_988 = vector.shape_cast %get3A_987 : vector<1x1x16xf32> to vector<16xf32>
        %add3A_989 = arith.addf %add3A_949, %get3A_988 : vector<16xf32>
        %add3A_990 = arith.constant 6 : i32
        %add3A_991 = arith.addi %add3A_861, %add3A_990 : i32
        %get3A_992 = arith.constant 1 : i32
        %get3A_993 = arith.index_cast %get3A_992 : i32 to index
        %get3A_994 = arith.index_cast %add3A_991 : i32 to index
        %get3A_995 = arith.constant 16 : index
        %get3A_996 = tpu.vector_load %arg6[%get3A_993, %get3A_994, %get3A_995] {strides = array<i32>} : memref<2x1600x32xf32, #tpu.memory_space<vmem>>, vector<1x1x16xf32>,
        %get3A_997 = vector.shape_cast %get3A_996 : vector<1x1x16xf32> to vector<16xf32>
        %add3A_998 = arith.addf %add3A_958, %get3A_997 : vector<16xf32>
        %add3A_999 = arith.constant 6 : i32
        %add3A_1000 = arith.addi %add3A_861, %add3A_999 : i32
        %add3A_1001 = arith.constant 1 : i32
        %add3A_1002 = arith.addi %add3A_1000, %add3A_1001 : i32
        %get3A_1003 = arith.constant 1 : i32
        %get3A_1004 = arith.index_cast %get3A_1003 : i32 to index
        %get3A_1005 = arith.index_cast %add3A_1002 : i32 to index
        %get3A_1006 = arith.constant 0 : index
        %get3A_1007 = tpu.vector_load %arg6[%get3A_1004, %get3A_1005, %get3A_1006] {strides = array<i32>} : memref<2x1600x32xf32, #tpu.memory_space<vmem>>, vector<1x1x16xf32>,
        %get3A_1008 = vector.shape_cast %get3A_1007 : vector<1x1x16xf32> to vector<16xf32>
        %add3A_1009 = arith.addf %add3A_969, %get3A_1008 : vector<16xf32>
        %add3A_1010 = arith.constant 6 : i32
        %add3A_1011 = arith.addi %add3A_861, %add3A_1010 : i32
        %add3A_1012 = arith.constant 1 : i32
        %add3A_1013 = arith.addi %add3A_1011, %add3A_1012 : i32
        %get3A_1014 = arith.constant 1 : i32
        %get3A_1015 = arith.index_cast %get3A_1014 : i32 to index
        %get3A_1016 = arith.index_cast %add3A_1013 : i32 to index
        %get3A_1017 = arith.constant 16 : index
        %get3A_1018 = tpu.vector_load %arg6[%get3A_1015, %get3A_1016, %get3A_1017] {strides = array<i32>} : memref<2x1600x32xf32, #tpu.memory_space<vmem>>, vector<1x1x16xf32>,
        %get3A_1019 = vector.shape_cast %get3A_1018 : vector<1x1x16xf32> to vector<16xf32>
        %add3A_1020 = arith.addf %add3A_980, %get3A_1019 : vector<16xf32>
        scf.yield %add3A_989, %add3A_998, %add3A_1009, %add3A_1020 : vector<16xf32>, vector<16xf32>, vector<16xf32>, vector<16xf32>
      }
      %scan3A_668 = arith.constant 25 : i32
      %mul3A_669 = arith.constant 8 : i32
      %mul3A_670 = arith.muli %add3A_660, %mul3A_669 : i32
      %add3A_671 = arith.constant 0 : i32
      %add3A_672 = arith.addi %mul3A_670, %add3A_671 : i32
      %add3A_673 = arith.addf %scan3A_667#0, %scan3A_667#2 : vector<16xf32>
      %swap3A_674 = arith.index_cast %add3A_672 : i32 to index
      %swap3A_675 = arith.constant 0 : index
      %swap3A_676 = tpu.vector_load %arg7[%swap3A_674, %swap3A_675] {strides = array<i32>} : memref<512x32xf32, #tpu.memory_space<vmem>>, vector<1x16xf32>,
      %swap3A_677 = vector.shape_cast %swap3A_676 : vector<1x16xf32> to vector<16xf32>
      %swap3A_678 = vector.shape_cast %add3A_673 : vector<16xf32> to vector<1x16xf32>
      tpu.vector_store %arg7[%swap3A_674, %swap3A_675], %swap3A_678 {strides = array<i32>} : memref<512x32xf32, #tpu.memory_space<vmem>>, vector<1x16xf32>,
      %add3A_679 = arith.addf %scan3A_667#1, %scan3A_667#3 : vector<16xf32>
      %swap3A_680 = arith.index_cast %add3A_672 : i32 to index
      %swap3A_681 = arith.constant 16 : index
      %swap3A_682 = tpu.vector_load %arg7[%swap3A_680, %swap3A_681] {strides = array<i32>} : memref<512x32xf32, #tpu.memory_space<vmem>>, vector<1x16xf32>,
      %swap3A_683 = vector.shape_cast %swap3A_682 : vector<1x16xf32> to vector<16xf32>
      %swap3A_684 = vector.shape_cast %add3A_679 : vector<16xf32> to vector<1x16xf32>
      tpu.vector_store %arg7[%swap3A_680, %swap3A_681], %swap3A_684 {strides = array<i32>} : memref<512x32xf32, #tpu.memory_space<vmem>>, vector<1x16xf32>,
      %broadcast_in_dim3A_685 = arith.constant 0.000000e+00 : f32
      %broadcast_in_dim3A_686 = vector.broadcast %broadcast_in_dim3A_685 : f32 to vector<16xf32>
      %scan3A_687 = arith.constant 0 : i32
      %scan3A_688 = arith.constant 25 : i32
      %scan3A_689 = arith.addi %scan3A_687, %scan3A_688 : i32
      %scan3A_690 = arith.constant 1 : i32
      %scan3A_691:4 = scf.for %scan3A_853 = %scan3A_687 to %scan3A_689 step %scan3A_690 iter_args(%scan3A_854 = %broadcast_in_dim3A_686, %scan3A_855 = %broadcast_in_dim3A_686, %scan3A_856 = %broadcast_in_dim3A_686, %scan3A_857 = %broadcast_in_dim3A_686) -> (vector<16xf32>, vector<16xf32>, vector<16xf32>, vector<16xf32>)  : i32 {
        %mul3A_858 = arith.constant 8 : i32
        %mul3A_859 = arith.muli %scan3A_853, %mul3A_858 : i32
        %add3A_860 = arith.constant 200 : i32
        %add3A_861 = arith.addi %add3A_860, %mul3A_859 : i32
        %add3A_862 = arith.constant 0 : i32
        %add3A_863 = arith.addi %add3A_861, %add3A_862 : i32
        %get3A = arith.constant 1 : i32
        %get3A_864 = arith.index_cast %get3A : i32 to index
        %get3A_865 = arith.index_cast %add3A_863 : i32 to index
        %get3A_866 = arith.constant 0 : index
        %get3A_867 = tpu.vector_load %arg6[%get3A_864, %get3A_865, %get3A_866] {strides = array<i32>} : memref<2x1600x32xf32, #tpu.memory_space<vmem>>, vector<1x1x16xf32>,
        %get3A_868 = vector.shape_cast %get3A_867 : vector<1x1x16xf32> to vector<16xf32>
        %add3A_869 = arith.addf %scan3A_854, %get3A_868 : vector<16xf32>
        %add3A_870 = arith.constant 0 : i32
        %add3A_871 = arith.addi %add3A_861, %add3A_870 : i32
        %get3A_872 = arith.constant 1 : i32
        %get3A_873 = arith.index_cast %get3A_872 : i32 to index
        %get3A_874 = arith.index_cast %add3A_871 : i32 to index
        %get3A_875 = arith.constant 16 : index
        %get3A_876 = tpu.vector_load %arg6[%get3A_873, %get3A_874, %get3A_875] {strides = array<i32>} : memref<2x1600x32xf32, #tpu.memory_space<vmem>>, vector<1x1x16xf32>,
        %get3A_877 = vector.shape_cast %get3A_876 : vector<1x1x16xf32> to vector<16xf32>
        %add3A_878 = arith.addf %scan3A_855, %get3A_877 : vector<16xf32>
        %add3A_879 = arith.constant 0 : i32
        %add3A_880 = arith.addi %add3A_861, %add3A_879 : i32
        %add3A_881 = arith.constant 1 : i32
        %add3A_882 = arith.addi %add3A_880, %add3A_881 : i32
        %get3A_883 = arith.constant 1 : i32
        %get3A_884 = arith.index_cast %get3A_883 : i32 to index
        %get3A_885 = arith.index_cast %add3A_882 : i32 to index
        %get3A_886 = arith.constant 0 : index
        %get3A_887 = tpu.vector_load %arg6[%get3A_884, %get3A_885, %get3A_886] {strides = array<i32>} : memref<2x1600x32xf32, #tpu.memory_space<vmem>>, vector<1x1x16xf32>,
        %get3A_888 = vector.shape_cast %get3A_887 : vector<1x1x16xf32> to vector<16xf32>
        %add3A_889 = arith.addf %scan3A_856, %get3A_888 : vector<16xf32>
        %add3A_890 = arith.constant 0 : i32
        %add3A_891 = arith.addi %add3A_861, %add3A_890 : i32
        %add3A_892 = arith.constant 1 : i32
        %add3A_893 = arith.addi %add3A_891, %add3A_892 : i32
        %get3A_894 = arith.constant 1 : i32
        %get3A_895 = arith.index_cast %get3A_894 : i32 to index
        %get3A_896 = arith.index_cast %add3A_893 : i32 to index
        %get3A_897 = arith.constant 16 : index
        %get3A_898 = tpu.vector_load %arg6[%get3A_895, %get3A_896, %get3A_897] {strides = array<i32>} : memref<2x1600x32xf32, #tpu.memory_space<vmem>>, vector<1x1x16xf32>,
        %get3A_899 = vector.shape_cast %get3A_898 : vector<1x1x16xf32> to vector<16xf32>
        %add3A_900 = arith.addf %scan3A_857, %get3A_899 : vector<16xf32>
        %add3A_901 = arith.constant 2 : i32
        %add3A_902 = arith.addi %add3A_861, %add3A_901 : i32
        %get3A_903 = arith.constant 1 : i32
        %get3A_904 = arith.index_cast %get3A_903 : i32 to index
        %get3A_905 = arith.index_cast %add3A_902 : i32 to index
        %get3A_906 = arith.constant 0 : index
        %get3A_907 = tpu.vector_load %arg6[%get3A_904, %get3A_905, %get3A_906] {strides = array<i32>} : memref<2x1600x32xf32, #tpu.memory_space<vmem>>, vector<1x1x16xf32>,
        %get3A_908 = vector.shape_cast %get3A_907 : vector<1x1x16xf32> to vector<16xf32>
        %add3A_909 = arith.addf %add3A_869, %get3A_908 : vector<16xf32>
        %add3A_910 = arith.constant 2 : i32
        %add3A_911 = arith.addi %add3A_861, %add3A_910 : i32
        %get3A_912 = arith.constant 1 : i32
        %get3A_913 = arith.index_cast %get3A_912 : i32 to index
        %get3A_914 = arith.index_cast %add3A_911 : i32 to index
        %get3A_915 = arith.constant 16 : index
        %get3A_916 = tpu.vector_load %arg6[%get3A_913, %get3A_914, %get3A_915] {strides = array<i32>} : memref<2x1600x32xf32, #tpu.memory_space<vmem>>, vector<1x1x16xf32>,
        %get3A_917 = vector.shape_cast %get3A_916 : vector<1x1x16xf32> to vector<16xf32>
        %add3A_918 = arith.addf %add3A_878, %get3A_917 : vector<16xf32>
        %add3A_919 = arith.constant 2 : i32
        %add3A_920 = arith.addi %add3A_861, %add3A_919 : i32
        %add3A_921 = arith.constant 1 : i32
        %add3A_922 = arith.addi %add3A_920, %add3A_921 : i32
        %get3A_923 = arith.constant 1 : i32
        %get3A_924 = arith.index_cast %get3A_923 : i32 to index
        %get3A_925 = arith.index_cast %add3A_922 : i32 to index
        %get3A_926 = arith.constant 0 : index
        %get3A_927 = tpu.vector_load %arg6[%get3A_924, %get3A_925, %get3A_926] {strides = array<i32>} : memref<2x1600x32xf32, #tpu.memory_space<vmem>>, vector<1x1x16xf32>,
        %get3A_928 = vector.shape_cast %get3A_927 : vector<1x1x16xf32> to vector<16xf32>
        %add3A_929 = arith.addf %add3A_889, %get3A_928 : vector<16xf32>
        %add3A_930 = arith.constant 2 : i32
        %add3A_931 = arith.addi %add3A_861, %add3A_930 : i32
        %add3A_932 = arith.constant 1 : i32
        %add3A_933 = arith.addi %add3A_931, %add3A_932 : i32
        %get3A_934 = arith.constant 1 : i32
        %get3A_935 = arith.index_cast %get3A_934 : i32 to index
        %get3A_936 = arith.index_cast %add3A_933 : i32 to index
        %get3A_937 = arith.constant 16 : index
        %get3A_938 = tpu.vector_load %arg6[%get3A_935, %get3A_936, %get3A_937] {strides = array<i32>} : memref<2x1600x32xf32, #tpu.memory_space<vmem>>, vector<1x1x16xf32>,
        %get3A_939 = vector.shape_cast %get3A_938 : vector<1x1x16xf32> to vector<16xf32>
        %add3A_940 = arith.addf %add3A_900, %get3A_939 : vector<16xf32>
        %add3A_941 = arith.constant 4 : i32
        %add3A_942 = arith.addi %add3A_861, %add3A_941 : i32
        %get3A_943 = arith.constant 1 : i32
        %get3A_944 = arith.index_cast %get3A_943 : i32 to index
        %get3A_945 = arith.index_cast %add3A_942 : i32 to index
        %get3A_946 = arith.constant 0 : index
        %get3A_947 = tpu.vector_load %arg6[%get3A_944, %get3A_945, %get3A_946] {strides = array<i32>} : memref<2x1600x32xf32, #tpu.memory_space<vmem>>, vector<1x1x16xf32>,
        %get3A_948 = vector.shape_cast %get3A_947 : vector<1x1x16xf32> to vector<16xf32>
        %add3A_949 = arith.addf %add3A_909, %get3A_948 : vector<16xf32>
        %add3A_950 = arith.constant 4 : i32
        %add3A_951 = arith.addi %add3A_861, %add3A_950 : i32
        %get3A_952 = arith.constant 1 : i32
        %get3A_953 = arith.index_cast %get3A_952 : i32 to index
        %get3A_954 = arith.index_cast %add3A_951 : i32 to index
        %get3A_955 = arith.constant 16 : index
        %get3A_956 = tpu.vector_load %arg6[%get3A_953, %get3A_954, %get3A_955] {strides = array<i32>} : memref<2x1600x32xf32, #tpu.memory_space<vmem>>, vector<1x1x16xf32>,
        %get3A_957 = vector.shape_cast %get3A_956 : vector<1x1x16xf32> to vector<16xf32>
        %add3A_958 = arith.addf %add3A_918, %get3A_957 : vector<16xf32>
        %add3A_959 = arith.constant 4 : i32
        %add3A_960 = arith.addi %add3A_861, %add3A_959 : i32
        %add3A_961 = arith.constant 1 : i32
        %add3A_962 = arith.addi %add3A_960, %add3A_961 : i32
        %get3A_963 = arith.constant 1 : i32
        %get3A_964 = arith.index_cast %get3A_963 : i32 to index
        %get3A_965 = arith.index_cast %add3A_962 : i32 to index
        %get3A_966 = arith.constant 0 : index
        %get3A_967 = tpu.vector_load %arg6[%get3A_964, %get3A_965, %get3A_966] {strides = array<i32>} : memref<2x1600x32xf32, #tpu.memory_space<vmem>>, vector<1x1x16xf32>,
        %get3A_968 = vector.shape_cast %get3A_967 : vector<1x1x16xf32> to vector<16xf32>
        %add3A_969 = arith.addf %add3A_929, %get3A_968 : vector<16xf32>
        %add3A_970 = arith.constant 4 : i32
        %add3A_971 = arith.addi %add3A_861, %add3A_970 : i32
        %add3A_972 = arith.constant 1 : i32
        %add3A_973 = arith.addi %add3A_971, %add3A_972 : i32
        %get3A_974 = arith.constant 1 : i32
        %get3A_975 = arith.index_cast %get3A_974 : i32 to index
        %get3A_976 = arith.index_cast %add3A_973 : i32 to index
        %get3A_977 = arith.constant 16 : index
        %get3A_978 = tpu.vector_load %arg6[%get3A_975, %get3A_976, %get3A_977] {strides = array<i32>} : memref<2x1600x32xf32, #tpu.memory_space<vmem>>, vector<1x1x16xf32>,
        %get3A_979 = vector.shape_cast %get3A_978 : vector<1x1x16xf32> to vector<16xf32>
        %add3A_980 = arith.addf %add3A_940, %get3A_979 : vector<16xf32>
        %add3A_981 = arith.constant 6 : i32
        %add3A_982 = arith.addi %add3A_861, %add3A_981 : i32
        %get3A_983 = arith.constant 1 : i32
        %get3A_984 = arith.index_cast %get3A_983 : i32 to index
        %get3A_985 = arith.index_cast %add3A_982 : i32 to index
        %get3A_986 = arith.constant 0 : index
        %get3A_987 = tpu.vector_load %arg6[%get3A_984, %get3A_985, %get3A_986] {strides = array<i32>} : memref<2x1600x32xf32, #tpu.memory_space<vmem>>, vector<1x1x16xf32>,
        %get3A_988 = vector.shape_cast %get3A_987 : vector<1x1x16xf32> to vector<16xf32>
        %add3A_989 = arith.addf %add3A_949, %get3A_988 : vector<16xf32>
        %add3A_990 = arith.constant 6 : i32
        %add3A_991 = arith.addi %add3A_861, %add3A_990 : i32
        %get3A_992 = arith.constant 1 : i32
        %get3A_993 = arith.index_cast %get3A_992 : i32 to index
        %get3A_994 = arith.index_cast %add3A_991 : i32 to index
        %get3A_995 = arith.constant 16 : index
        %get3A_996 = tpu.vector_load %arg6[%get3A_993, %get3A_994, %get3A_995] {strides = array<i32>} : memref<2x1600x32xf32, #tpu.memory_space<vmem>>, vector<1x1x16xf32>,
        %get3A_997 = vector.shape_cast %get3A_996 : vector<1x1x16xf32> to vector<16xf32>
        %add3A_998 = arith.addf %add3A_958, %get3A_997 : vector<16xf32>
        %add3A_999 = arith.constant 6 : i32
        %add3A_1000 = arith.addi %add3A_861, %add3A_999 : i32
        %add3A_1001 = arith.constant 1 : i32
        %add3A_1002 = arith.addi %add3A_1000, %add3A_1001 : i32
        %get3A_1003 = arith.constant 1 : i32
        %get3A_1004 = arith.index_cast %get3A_1003 : i32 to index
        %get3A_1005 = arith.index_cast %add3A_1002 : i32 to index
        %get3A_1006 = arith.constant 0 : index
        %get3A_1007 = tpu.vector_load %arg6[%get3A_1004, %get3A_1005, %get3A_1006] {strides = array<i32>} : memref<2x1600x32xf32, #tpu.memory_space<vmem>>, vector<1x1x16xf32>,
        %get3A_1008 = vector.shape_cast %get3A_1007 : vector<1x1x16xf32> to vector<16xf32>
        %add3A_1009 = arith.addf %add3A_969, %get3A_1008 : vector<16xf32>
        %add3A_1010 = arith.constant 6 : i32
        %add3A_1011 = arith.addi %add3A_861, %add3A_1010 : i32
        %add3A_1012 = arith.constant 1 : i32
        %add3A_1013 = arith.addi %add3A_1011, %add3A_1012 : i32
        %get3A_1014 = arith.constant 1 : i32
        %get3A_1015 = arith.index_cast %get3A_1014 : i32 to index
        %get3A_1016 = arith.index_cast %add3A_1013 : i32 to index
        %get3A_1017 = arith.constant 16 : index
        %get3A_1018 = tpu.vector_load %arg6[%get3A_1015, %get3A_1016, %get3A_1017] {strides = array<i32>} : memref<2x1600x32xf32, #tpu.memory_space<vmem>>, vector<1x1x16xf32>,
        %get3A_1019 = vector.shape_cast %get3A_1018 : vector<1x1x16xf32> to vector<16xf32>
        %add3A_1020 = arith.addf %add3A_980, %get3A_1019 : vector<16xf32>
        scf.yield %add3A_989, %add3A_998, %add3A_1009, %add3A_1020 : vector<16xf32>, vector<16xf32>, vector<16xf32>, vector<16xf32>
      }
      %scan3A_692 = arith.constant 25 : i32
      %mul3A_693 = arith.constant 8 : i32
      %mul3A_694 = arith.muli %add3A_660, %mul3A_693 : i32
      %add3A_695 = arith.constant 1 : i32
      %add3A_696 = arith.addi %mul3A_694, %add3A_695 : i32
      %add3A_697 = arith.addf %scan3A_691#0, %scan3A_691#2 : vector<16xf32>
      %swap3A_698 = arith.index_cast %add3A_696 : i32 to index
      %swap3A_699 = arith.constant 0 : index
      %swap3A_700 = tpu.vector_load %arg7[%swap3A_698, %swap3A_699] {strides = array<i32>} : memref<512x32xf32, #tpu.memory_space<vmem>>, vector<1x16xf32>,
      %swap3A_701 = vector.shape_cast %swap3A_700 : vector<1x16xf32> to vector<16xf32>
      %swap3A_702 = vector.shape_cast %add3A_697 : vector<16xf32> to vector<1x16xf32>
      tpu.vector_store %arg7[%swap3A_698, %swap3A_699], %swap3A_702 {strides = array<i32>} : memref<512x32xf32, #tpu.memory_space<vmem>>, vector<1x16xf32>,
      %add3A_703 = arith.addf %scan3A_691#1, %scan3A_691#3 : vector<16xf32>
      %swap3A_704 = arith.index_cast %add3A_696 : i32 to index
      %swap3A_705 = arith.constant 16 : index
      %swap3A_706 = tpu.vector_load %arg7[%swap3A_704, %swap3A_705] {strides = array<i32>} : memref<512x32xf32, #tpu.memory_space<vmem>>, vector<1x16xf32>,
      %swap3A_707 = vector.shape_cast %swap3A_706 : vector<1x16xf32> to vector<16xf32>
      %swap3A_708 = vector.shape_cast %add3A_703 : vector<16xf32> to vector<1x16xf32>
      tpu.vector_store %arg7[%swap3A_704, %swap3A_705], %swap3A_708 {strides = array<i32>} : memref<512x32xf32, #tpu.memory_space<vmem>>, vector<1x16xf32>,
      %broadcast_in_dim3A_709 = arith.constant 0.000000e+00 : f32
      %broadcast_in_dim3A_710 = vector.broadcast %broadcast_in_dim3A_709 : f32 to vector<16xf32>
      %scan3A_711 = arith.constant 0 : i32
      %scan3A_712 = arith.constant 25 : i32
      %scan3A_713 = arith.addi %scan3A_711, %scan3A_712 : i32
      %scan3A_714 = arith.constant 1 : i32
      %scan3A_715:4 = scf.for %scan3A_853 = %scan3A_711 to %scan3A_713 step %scan3A_714 iter_args(%scan3A_854 = %broadcast_in_dim3A_710, %scan3A_855 = %broadcast_in_dim3A_710, %scan3A_856 = %broadcast_in_dim3A_710, %scan3A_857 = %broadcast_in_dim3A_710) -> (vector<16xf32>, vector<16xf32>, vector<16xf32>, vector<16xf32>)  : i32 {
        %mul3A_858 = arith.constant 8 : i32
        %mul3A_859 = arith.muli %scan3A_853, %mul3A_858 : i32
        %add3A_860 = arith.constant 400 : i32
        %add3A_861 = arith.addi %add3A_860, %mul3A_859 : i32
        %add3A_862 = arith.constant 0 : i32
        %add3A_863 = arith.addi %add3A_861, %add3A_862 : i32
        %get3A = arith.constant 1 : i32
        %get3A_864 = arith.index_cast %get3A : i32 to index
        %get3A_865 = arith.index_cast %add3A_863 : i32 to index
        %get3A_866 = arith.constant 0 : index
        %get3A_867 = tpu.vector_load %arg6[%get3A_864, %get3A_865, %get3A_866] {strides = array<i32>} : memref<2x1600x32xf32, #tpu.memory_space<vmem>>, vector<1x1x16xf32>,
        %get3A_868 = vector.shape_cast %get3A_867 : vector<1x1x16xf32> to vector<16xf32>
        %add3A_869 = arith.addf %scan3A_854, %get3A_868 : vector<16xf32>
        %add3A_870 = arith.constant 0 : i32
        %add3A_871 = arith.addi %add3A_861, %add3A_870 : i32
        %get3A_872 = arith.constant 1 : i32
        %get3A_873 = arith.index_cast %get3A_872 : i32 to index
        %get3A_874 = arith.index_cast %add3A_871 : i32 to index
        %get3A_875 = arith.constant 16 : index
        %get3A_876 = tpu.vector_load %arg6[%get3A_873, %get3A_874, %get3A_875] {strides = array<i32>} : memref<2x1600x32xf32, #tpu.memory_space<vmem>>, vector<1x1x16xf32>,
        %get3A_877 = vector.shape_cast %get3A_876 : vector<1x1x16xf32> to vector<16xf32>
        %add3A_878 = arith.addf %scan3A_855, %get3A_877 : vector<16xf32>
        %add3A_879 = arith.constant 0 : i32
        %add3A_880 = arith.addi %add3A_861, %add3A_879 : i32
        %add3A_881 = arith.constant 1 : i32
        %add3A_882 = arith.addi %add3A_880, %add3A_881 : i32
        %get3A_883 = arith.constant 1 : i32
        %get3A_884 = arith.index_cast %get3A_883 : i32 to index
        %get3A_885 = arith.index_cast %add3A_882 : i32 to index
        %get3A_886 = arith.constant 0 : index
        %get3A_887 = tpu.vector_load %arg6[%get3A_884, %get3A_885, %get3A_886] {strides = array<i32>} : memref<2x1600x32xf32, #tpu.memory_space<vmem>>, vector<1x1x16xf32>,
        %get3A_888 = vector.shape_cast %get3A_887 : vector<1x1x16xf32> to vector<16xf32>
        %add3A_889 = arith.addf %scan3A_856, %get3A_888 : vector<16xf32>
        %add3A_890 = arith.constant 0 : i32
        %add3A_891 = arith.addi %add3A_861, %add3A_890 : i32
        %add3A_892 = arith.constant 1 : i32
        %add3A_893 = arith.addi %add3A_891, %add3A_892 : i32
        %get3A_894 = arith.constant 1 : i32
        %get3A_895 = arith.index_cast %get3A_894 : i32 to index
        %get3A_896 = arith.index_cast %add3A_893 : i32 to index
        %get3A_897 = arith.constant 16 : index
        %get3A_898 = tpu.vector_load %arg6[%get3A_895, %get3A_896, %get3A_897] {strides = array<i32>} : memref<2x1600x32xf32, #tpu.memory_space<vmem>>, vector<1x1x16xf32>,
        %get3A_899 = vector.shape_cast %get3A_898 : vector<1x1x16xf32> to vector<16xf32>
        %add3A_900 = arith.addf %scan3A_857, %get3A_899 : vector<16xf32>
        %add3A_901 = arith.constant 2 : i32
        %add3A_902 = arith.addi %add3A_861, %add3A_901 : i32
        %get3A_903 = arith.constant 1 : i32
        %get3A_904 = arith.index_cast %get3A_903 : i32 to index
        %get3A_905 = arith.index_cast %add3A_902 : i32 to index
        %get3A_906 = arith.constant 0 : index
        %get3A_907 = tpu.vector_load %arg6[%get3A_904, %get3A_905, %get3A_906] {strides = array<i32>} : memref<2x1600x32xf32, #tpu.memory_space<vmem>>, vector<1x1x16xf32>,
        %get3A_908 = vector.shape_cast %get3A_907 : vector<1x1x16xf32> to vector<16xf32>
        %add3A_909 = arith.addf %add3A_869, %get3A_908 : vector<16xf32>
        %add3A_910 = arith.constant 2 : i32
        %add3A_911 = arith.addi %add3A_861, %add3A_910 : i32
        %get3A_912 = arith.constant 1 : i32
        %get3A_913 = arith.index_cast %get3A_912 : i32 to index
        %get3A_914 = arith.index_cast %add3A_911 : i32 to index
        %get3A_915 = arith.constant 16 : index
        %get3A_916 = tpu.vector_load %arg6[%get3A_913, %get3A_914, %get3A_915] {strides = array<i32>} : memref<2x1600x32xf32, #tpu.memory_space<vmem>>, vector<1x1x16xf32>,
        %get3A_917 = vector.shape_cast %get3A_916 : vector<1x1x16xf32> to vector<16xf32>
        %add3A_918 = arith.addf %add3A_878, %get3A_917 : vector<16xf32>
        %add3A_919 = arith.constant 2 : i32
        %add3A_920 = arith.addi %add3A_861, %add3A_919 : i32
        %add3A_921 = arith.constant 1 : i32
        %add3A_922 = arith.addi %add3A_920, %add3A_921 : i32
        %get3A_923 = arith.constant 1 : i32
        %get3A_924 = arith.index_cast %get3A_923 : i32 to index
        %get3A_925 = arith.index_cast %add3A_922 : i32 to index
        %get3A_926 = arith.constant 0 : index
        %get3A_927 = tpu.vector_load %arg6[%get3A_924, %get3A_925, %get3A_926] {strides = array<i32>} : memref<2x1600x32xf32, #tpu.memory_space<vmem>>, vector<1x1x16xf32>,
        %get3A_928 = vector.shape_cast %get3A_927 : vector<1x1x16xf32> to vector<16xf32>
        %add3A_929 = arith.addf %add3A_889, %get3A_928 : vector<16xf32>
        %add3A_930 = arith.constant 2 : i32
        %add3A_931 = arith.addi %add3A_861, %add3A_930 : i32
        %add3A_932 = arith.constant 1 : i32
        %add3A_933 = arith.addi %add3A_931, %add3A_932 : i32
        %get3A_934 = arith.constant 1 : i32
        %get3A_935 = arith.index_cast %get3A_934 : i32 to index
        %get3A_936 = arith.index_cast %add3A_933 : i32 to index
        %get3A_937 = arith.constant 16 : index
        %get3A_938 = tpu.vector_load %arg6[%get3A_935, %get3A_936, %get3A_937] {strides = array<i32>} : memref<2x1600x32xf32, #tpu.memory_space<vmem>>, vector<1x1x16xf32>,
        %get3A_939 = vector.shape_cast %get3A_938 : vector<1x1x16xf32> to vector<16xf32>
        %add3A_940 = arith.addf %add3A_900, %get3A_939 : vector<16xf32>
        %add3A_941 = arith.constant 4 : i32
        %add3A_942 = arith.addi %add3A_861, %add3A_941 : i32
        %get3A_943 = arith.constant 1 : i32
        %get3A_944 = arith.index_cast %get3A_943 : i32 to index
        %get3A_945 = arith.index_cast %add3A_942 : i32 to index
        %get3A_946 = arith.constant 0 : index
        %get3A_947 = tpu.vector_load %arg6[%get3A_944, %get3A_945, %get3A_946] {strides = array<i32>} : memref<2x1600x32xf32, #tpu.memory_space<vmem>>, vector<1x1x16xf32>,
        %get3A_948 = vector.shape_cast %get3A_947 : vector<1x1x16xf32> to vector<16xf32>
        %add3A_949 = arith.addf %add3A_909, %get3A_948 : vector<16xf32>
        %add3A_950 = arith.constant 4 : i32
        %add3A_951 = arith.addi %add3A_861, %add3A_950 : i32
        %get3A_952 = arith.constant 1 : i32
        %get3A_953 = arith.index_cast %get3A_952 : i32 to index
        %get3A_954 = arith.index_cast %add3A_951 : i32 to index
        %get3A_955 = arith.constant 16 : index
        %get3A_956 = tpu.vector_load %arg6[%get3A_953, %get3A_954, %get3A_955] {strides = array<i32>} : memref<2x1600x32xf32, #tpu.memory_space<vmem>>, vector<1x1x16xf32>,
        %get3A_957 = vector.shape_cast %get3A_956 : vector<1x1x16xf32> to vector<16xf32>
        %add3A_958 = arith.addf %add3A_918, %get3A_957 : vector<16xf32>
        %add3A_959 = arith.constant 4 : i32
        %add3A_960 = arith.addi %add3A_861, %add3A_959 : i32
        %add3A_961 = arith.constant 1 : i32
        %add3A_962 = arith.addi %add3A_960, %add3A_961 : i32
        %get3A_963 = arith.constant 1 : i32
        %get3A_964 = arith.index_cast %get3A_963 : i32 to index
        %get3A_965 = arith.index_cast %add3A_962 : i32 to index
        %get3A_966 = arith.constant 0 : index
        %get3A_967 = tpu.vector_load %arg6[%get3A_964, %get3A_965, %get3A_966] {strides = array<i32>} : memref<2x1600x32xf32, #tpu.memory_space<vmem>>, vector<1x1x16xf32>,
        %get3A_968 = vector.shape_cast %get3A_967 : vector<1x1x16xf32> to vector<16xf32>
        %add3A_969 = arith.addf %add3A_929, %get3A_968 : vector<16xf32>
        %add3A_970 = arith.constant 4 : i32
        %add3A_971 = arith.addi %add3A_861, %add3A_970 : i32
        %add3A_972 = arith.constant 1 : i32
        %add3A_973 = arith.addi %add3A_971, %add3A_972 : i32
        %get3A_974 = arith.constant 1 : i32
        %get3A_975 = arith.index_cast %get3A_974 : i32 to index
        %get3A_976 = arith.index_cast %add3A_973 : i32 to index
        %get3A_977 = arith.constant 16 : index
        %get3A_978 = tpu.vector_load %arg6[%get3A_975, %get3A_976, %get3A_977] {strides = array<i32>} : memref<2x1600x32xf32, #tpu.memory_space<vmem>>, vector<1x1x16xf32>,
        %get3A_979 = vector.shape_cast %get3A_978 : vector<1x1x16xf32> to vector<16xf32>
        %add3A_980 = arith.addf %add3A_940, %get3A_979 : vector<16xf32>
        %add3A_981 = arith.constant 6 : i32
        %add3A_982 = arith.addi %add3A_861, %add3A_981 : i32
        %get3A_983 = arith.constant 1 : i32
        %get3A_984 = arith.index_cast %get3A_983 : i32 to index
        %get3A_985 = arith.index_cast %add3A_982 : i32 to index
        %get3A_986 = arith.constant 0 : index
        %get3A_987 = tpu.vector_load %arg6[%get3A_984, %get3A_985, %get3A_986] {strides = array<i32>} : memref<2x1600x32xf32, #tpu.memory_space<vmem>>, vector<1x1x16xf32>,
        %get3A_988 = vector.shape_cast %get3A_987 : vector<1x1x16xf32> to vector<16xf32>
        %add3A_989 = arith.addf %add3A_949, %get3A_988 : vector<16xf32>
        %add3A_990 = arith.constant 6 : i32
        %add3A_991 = arith.addi %add3A_861, %add3A_990 : i32
        %get3A_992 = arith.constant 1 : i32
        %get3A_993 = arith.index_cast %get3A_992 : i32 to index
        %get3A_994 = arith.index_cast %add3A_991 : i32 to index
        %get3A_995 = arith.constant 16 : index
        %get3A_996 = tpu.vector_load %arg6[%get3A_993, %get3A_994, %get3A_995] {strides = array<i32>} : memref<2x1600x32xf32, #tpu.memory_space<vmem>>, vector<1x1x16xf32>,
        %get3A_997 = vector.shape_cast %get3A_996 : vector<1x1x16xf32> to vector<16xf32>
        %add3A_998 = arith.addf %add3A_958, %get3A_997 : vector<16xf32>
        %add3A_999 = arith.constant 6 : i32
        %add3A_1000 = arith.addi %add3A_861, %add3A_999 : i32
        %add3A_1001 = arith.constant 1 : i32
        %add3A_1002 = arith.addi %add3A_1000, %add3A_1001 : i32
        %get3A_1003 = arith.constant 1 : i32
        %get3A_1004 = arith.index_cast %get3A_1003 : i32 to index
        %get3A_1005 = arith.index_cast %add3A_1002 : i32 to index
        %get3A_1006 = arith.constant 0 : index
        %get3A_1007 = tpu.vector_load %arg6[%get3A_1004, %get3A_1005, %get3A_1006] {strides = array<i32>} : memref<2x1600x32xf32, #tpu.memory_space<vmem>>, vector<1x1x16xf32>,
        %get3A_1008 = vector.shape_cast %get3A_1007 : vector<1x1x16xf32> to vector<16xf32>
        %add3A_1009 = arith.addf %add3A_969, %get3A_1008 : vector<16xf32>
        %add3A_1010 = arith.constant 6 : i32
        %add3A_1011 = arith.addi %add3A_861, %add3A_1010 : i32
        %add3A_1012 = arith.constant 1 : i32
        %add3A_1013 = arith.addi %add3A_1011, %add3A_1012 : i32
        %get3A_1014 = arith.constant 1 : i32
        %get3A_1015 = arith.index_cast %get3A_1014 : i32 to index
        %get3A_1016 = arith.index_cast %add3A_1013 : i32 to index
        %get3A_1017 = arith.constant 16 : index
        %get3A_1018 = tpu.vector_load %arg6[%get3A_1015, %get3A_1016, %get3A_1017] {strides = array<i32>} : memref<2x1600x32xf32, #tpu.memory_space<vmem>>, vector<1x1x16xf32>,
        %get3A_1019 = vector.shape_cast %get3A_1018 : vector<1x1x16xf32> to vector<16xf32>
        %add3A_1020 = arith.addf %add3A_980, %get3A_1019 : vector<16xf32>
        scf.yield %add3A_989, %add3A_998, %add3A_1009, %add3A_1020 : vector<16xf32>, vector<16xf32>, vector<16xf32>, vector<16xf32>
      }
      %scan3A_716 = arith.constant 25 : i32
      %mul3A_717 = arith.constant 8 : i32
      %mul3A_718 = arith.muli %add3A_660, %mul3A_717 : i32
      %add3A_719 = arith.constant 2 : i32
      %add3A_720 = arith.addi %mul3A_718, %add3A_719 : i32
      %add3A_721 = arith.addf %scan3A_715#0, %scan3A_715#2 : vector<16xf32>
      %swap3A_722 = arith.index_cast %add3A_720 : i32 to index
      %swap3A_723 = arith.constant 0 : index
      %swap3A_724 = tpu.vector_load %arg7[%swap3A_722, %swap3A_723] {strides = array<i32>} : memref<512x32xf32, #tpu.memory_space<vmem>>, vector<1x16xf32>,
      %swap3A_725 = vector.shape_cast %swap3A_724 : vector<1x16xf32> to vector<16xf32>
      %swap3A_726 = vector.shape_cast %add3A_721 : vector<16xf32> to vector<1x16xf32>
      tpu.vector_store %arg7[%swap3A_722, %swap3A_723], %swap3A_726 {strides = array<i32>} : memref<512x32xf32, #tpu.memory_space<vmem>>, vector<1x16xf32>,
      %add3A_727 = arith.addf %scan3A_715#1, %scan3A_715#3 : vector<16xf32>
      %swap3A_728 = arith.index_cast %add3A_720 : i32 to index
      %swap3A_729 = arith.constant 16 : index
      %swap3A_730 = tpu.vector_load %arg7[%swap3A_728, %swap3A_729] {strides = array<i32>} : memref<512x32xf32, #tpu.memory_space<vmem>>, vector<1x16xf32>,
      %swap3A_731 = vector.shape_cast %swap3A_730 : vector<1x16xf32> to vector<16xf32>
      %swap3A_732 = vector.shape_cast %add3A_727 : vector<16xf32> to vector<1x16xf32>
      tpu.vector_store %arg7[%swap3A_728, %swap3A_729], %swap3A_732 {strides = array<i32>} : memref<512x32xf32, #tpu.memory_space<vmem>>, vector<1x16xf32>,
      %broadcast_in_dim3A_733 = arith.constant 0.000000e+00 : f32
      %broadcast_in_dim3A_734 = vector.broadcast %broadcast_in_dim3A_733 : f32 to vector<16xf32>
      %scan3A_735 = arith.constant 0 : i32
      %scan3A_736 = arith.constant 25 : i32
      %scan3A_737 = arith.addi %scan3A_735, %scan3A_736 : i32
      %scan3A_738 = arith.constant 1 : i32
      %scan3A_739:4 = scf.for %scan3A_853 = %scan3A_735 to %scan3A_737 step %scan3A_738 iter_args(%scan3A_854 = %broadcast_in_dim3A_734, %scan3A_855 = %broadcast_in_dim3A_734, %scan3A_856 = %broadcast_in_dim3A_734, %scan3A_857 = %broadcast_in_dim3A_734) -> (vector<16xf32>, vector<16xf32>, vector<16xf32>, vector<16xf32>)  : i32 {
        %mul3A_858 = arith.constant 8 : i32
        %mul3A_859 = arith.muli %scan3A_853, %mul3A_858 : i32
        %add3A_860 = arith.constant 600 : i32
        %add3A_861 = arith.addi %add3A_860, %mul3A_859 : i32
        %add3A_862 = arith.constant 0 : i32
        %add3A_863 = arith.addi %add3A_861, %add3A_862 : i32
        %get3A = arith.constant 1 : i32
        %get3A_864 = arith.index_cast %get3A : i32 to index
        %get3A_865 = arith.index_cast %add3A_863 : i32 to index
        %get3A_866 = arith.constant 0 : index
        %get3A_867 = tpu.vector_load %arg6[%get3A_864, %get3A_865, %get3A_866] {strides = array<i32>} : memref<2x1600x32xf32, #tpu.memory_space<vmem>>, vector<1x1x16xf32>,
        %get3A_868 = vector.shape_cast %get3A_867 : vector<1x1x16xf32> to vector<16xf32>
        %add3A_869 = arith.addf %scan3A_854, %get3A_868 : vector<16xf32>
        %add3A_870 = arith.constant 0 : i32
        %add3A_871 = arith.addi %add3A_861, %add3A_870 : i32
        %get3A_872 = arith.constant 1 : i32
        %get3A_873 = arith.index_cast %get3A_872 : i32 to index
        %get3A_874 = arith.index_cast %add3A_871 : i32 to index
        %get3A_875 = arith.constant 16 : index
        %get3A_876 = tpu.vector_load %arg6[%get3A_873, %get3A_874, %get3A_875] {strides = array<i32>} : memref<2x1600x32xf32, #tpu.memory_space<vmem>>, vector<1x1x16xf32>,
        %get3A_877 = vector.shape_cast %get3A_876 : vector<1x1x16xf32> to vector<16xf32>
        %add3A_878 = arith.addf %scan3A_855, %get3A_877 : vector<16xf32>
        %add3A_879 = arith.constant 0 : i32
        %add3A_880 = arith.addi %add3A_861, %add3A_879 : i32
        %add3A_881 = arith.constant 1 : i32
        %add3A_882 = arith.addi %add3A_880, %add3A_881 : i32
        %get3A_883 = arith.constant 1 : i32
        %get3A_884 = arith.index_cast %get3A_883 : i32 to index
        %get3A_885 = arith.index_cast %add3A_882 : i32 to index
        %get3A_886 = arith.constant 0 : index
        %get3A_887 = tpu.vector_load %arg6[%get3A_884, %get3A_885, %get3A_886] {strides = array<i32>} : memref<2x1600x32xf32, #tpu.memory_space<vmem>>, vector<1x1x16xf32>,
        %get3A_888 = vector.shape_cast %get3A_887 : vector<1x1x16xf32> to vector<16xf32>
        %add3A_889 = arith.addf %scan3A_856, %get3A_888 : vector<16xf32>
        %add3A_890 = arith.constant 0 : i32
        %add3A_891 = arith.addi %add3A_861, %add3A_890 : i32
        %add3A_892 = arith.constant 1 : i32
        %add3A_893 = arith.addi %add3A_891, %add3A_892 : i32
        %get3A_894 = arith.constant 1 : i32
        %get3A_895 = arith.index_cast %get3A_894 : i32 to index
        %get3A_896 = arith.index_cast %add3A_893 : i32 to index
        %get3A_897 = arith.constant 16 : index
        %get3A_898 = tpu.vector_load %arg6[%get3A_895, %get3A_896, %get3A_897] {strides = array<i32>} : memref<2x1600x32xf32, #tpu.memory_space<vmem>>, vector<1x1x16xf32>,
        %get3A_899 = vector.shape_cast %get3A_898 : vector<1x1x16xf32> to vector<16xf32>
        %add3A_900 = arith.addf %scan3A_857, %get3A_899 : vector<16xf32>
        %add3A_901 = arith.constant 2 : i32
        %add3A_902 = arith.addi %add3A_861, %add3A_901 : i32
        %get3A_903 = arith.constant 1 : i32
        %get3A_904 = arith.index_cast %get3A_903 : i32 to index
        %get3A_905 = arith.index_cast %add3A_902 : i32 to index
        %get3A_906 = arith.constant 0 : index
        %get3A_907 = tpu.vector_load %arg6[%get3A_904, %get3A_905, %get3A_906] {strides = array<i32>} : memref<2x1600x32xf32, #tpu.memory_space<vmem>>, vector<1x1x16xf32>,
        %get3A_908 = vector.shape_cast %get3A_907 : vector<1x1x16xf32> to vector<16xf32>
        %add3A_909 = arith.addf %add3A_869, %get3A_908 : vector<16xf32>
        %add3A_910 = arith.constant 2 : i32
        %add3A_911 = arith.addi %add3A_861, %add3A_910 : i32
        %get3A_912 = arith.constant 1 : i32
        %get3A_913 = arith.index_cast %get3A_912 : i32 to index
        %get3A_914 = arith.index_cast %add3A_911 : i32 to index
        %get3A_915 = arith.constant 16 : index
        %get3A_916 = tpu.vector_load %arg6[%get3A_913, %get3A_914, %get3A_915] {strides = array<i32>} : memref<2x1600x32xf32, #tpu.memory_space<vmem>>, vector<1x1x16xf32>,
        %get3A_917 = vector.shape_cast %get3A_916 : vector<1x1x16xf32> to vector<16xf32>
        %add3A_918 = arith.addf %add3A_878, %get3A_917 : vector<16xf32>
        %add3A_919 = arith.constant 2 : i32
        %add3A_920 = arith.addi %add3A_861, %add3A_919 : i32
        %add3A_921 = arith.constant 1 : i32
        %add3A_922 = arith.addi %add3A_920, %add3A_921 : i32
        %get3A_923 = arith.constant 1 : i32
        %get3A_924 = arith.index_cast %get3A_923 : i32 to index
        %get3A_925 = arith.index_cast %add3A_922 : i32 to index
        %get3A_926 = arith.constant 0 : index
        %get3A_927 = tpu.vector_load %arg6[%get3A_924, %get3A_925, %get3A_926] {strides = array<i32>} : memref<2x1600x32xf32, #tpu.memory_space<vmem>>, vector<1x1x16xf32>,
        %get3A_928 = vector.shape_cast %get3A_927 : vector<1x1x16xf32> to vector<16xf32>
        %add3A_929 = arith.addf %add3A_889, %get3A_928 : vector<16xf32>
        %add3A_930 = arith.constant 2 : i32
        %add3A_931 = arith.addi %add3A_861, %add3A_930 : i32
        %add3A_932 = arith.constant 1 : i32
        %add3A_933 = arith.addi %add3A_931, %add3A_932 : i32
        %get3A_934 = arith.constant 1 : i32
        %get3A_935 = arith.index_cast %get3A_934 : i32 to index
        %get3A_936 = arith.index_cast %add3A_933 : i32 to index
        %get3A_937 = arith.constant 16 : index
        %get3A_938 = tpu.vector_load %arg6[%get3A_935, %get3A_936, %get3A_937] {strides = array<i32>} : memref<2x1600x32xf32, #tpu.memory_space<vmem>>, vector<1x1x16xf32>,
        %get3A_939 = vector.shape_cast %get3A_938 : vector<1x1x16xf32> to vector<16xf32>
        %add3A_940 = arith.addf %add3A_900, %get3A_939 : vector<16xf32>
        %add3A_941 = arith.constant 4 : i32
        %add3A_942 = arith.addi %add3A_861, %add3A_941 : i32
        %get3A_943 = arith.constant 1 : i32
        %get3A_944 = arith.index_cast %get3A_943 : i32 to index
        %get3A_945 = arith.index_cast %add3A_942 : i32 to index
        %get3A_946 = arith.constant 0 : index
        %get3A_947 = tpu.vector_load %arg6[%get3A_944, %get3A_945, %get3A_946] {strides = array<i32>} : memref<2x1600x32xf32, #tpu.memory_space<vmem>>, vector<1x1x16xf32>,
        %get3A_948 = vector.shape_cast %get3A_947 : vector<1x1x16xf32> to vector<16xf32>
        %add3A_949 = arith.addf %add3A_909, %get3A_948 : vector<16xf32>
        %add3A_950 = arith.constant 4 : i32
        %add3A_951 = arith.addi %add3A_861, %add3A_950 : i32
        %get3A_952 = arith.constant 1 : i32
        %get3A_953 = arith.index_cast %get3A_952 : i32 to index
        %get3A_954 = arith.index_cast %add3A_951 : i32 to index
        %get3A_955 = arith.constant 16 : index
        %get3A_956 = tpu.vector_load %arg6[%get3A_953, %get3A_954, %get3A_955] {strides = array<i32>} : memref<2x1600x32xf32, #tpu.memory_space<vmem>>, vector<1x1x16xf32>,
        %get3A_957 = vector.shape_cast %get3A_956 : vector<1x1x16xf32> to vector<16xf32>
        %add3A_958 = arith.addf %add3A_918, %get3A_957 : vector<16xf32>
        %add3A_959 = arith.constant 4 : i32
        %add3A_960 = arith.addi %add3A_861, %add3A_959 : i32
        %add3A_961 = arith.constant 1 : i32
        %add3A_962 = arith.addi %add3A_960, %add3A_961 : i32
        %get3A_963 = arith.constant 1 : i32
        %get3A_964 = arith.index_cast %get3A_963 : i32 to index
        %get3A_965 = arith.index_cast %add3A_962 : i32 to index
        %get3A_966 = arith.constant 0 : index
        %get3A_967 = tpu.vector_load %arg6[%get3A_964, %get3A_965, %get3A_966] {strides = array<i32>} : memref<2x1600x32xf32, #tpu.memory_space<vmem>>, vector<1x1x16xf32>,
        %get3A_968 = vector.shape_cast %get3A_967 : vector<1x1x16xf32> to vector<16xf32>
        %add3A_969 = arith.addf %add3A_929, %get3A_968 : vector<16xf32>
        %add3A_970 = arith.constant 4 : i32
        %add3A_971 = arith.addi %add3A_861, %add3A_970 : i32
        %add3A_972 = arith.constant 1 : i32
        %add3A_973 = arith.addi %add3A_971, %add3A_972 : i32
        %get3A_974 = arith.constant 1 : i32
        %get3A_975 = arith.index_cast %get3A_974 : i32 to index
        %get3A_976 = arith.index_cast %add3A_973 : i32 to index
        %get3A_977 = arith.constant 16 : index
        %get3A_978 = tpu.vector_load %arg6[%get3A_975, %get3A_976, %get3A_977] {strides = array<i32>} : memref<2x1600x32xf32, #tpu.memory_space<vmem>>, vector<1x1x16xf32>,
        %get3A_979 = vector.shape_cast %get3A_978 : vector<1x1x16xf32> to vector<16xf32>
        %add3A_980 = arith.addf %add3A_940, %get3A_979 : vector<16xf32>
        %add3A_981 = arith.constant 6 : i32
        %add3A_982 = arith.addi %add3A_861, %add3A_981 : i32
        %get3A_983 = arith.constant 1 : i32
        %get3A_984 = arith.index_cast %get3A_983 : i32 to index
        %get3A_985 = arith.index_cast %add3A_982 : i32 to index
        %get3A_986 = arith.constant 0 : index
        %get3A_987 = tpu.vector_load %arg6[%get3A_984, %get3A_985, %get3A_986] {strides = array<i32>} : memref<2x1600x32xf32, #tpu.memory_space<vmem>>, vector<1x1x16xf32>,
        %get3A_988 = vector.shape_cast %get3A_987 : vector<1x1x16xf32> to vector<16xf32>
        %add3A_989 = arith.addf %add3A_949, %get3A_988 : vector<16xf32>
        %add3A_990 = arith.constant 6 : i32
        %add3A_991 = arith.addi %add3A_861, %add3A_990 : i32
        %get3A_992 = arith.constant 1 : i32
        %get3A_993 = arith.index_cast %get3A_992 : i32 to index
        %get3A_994 = arith.index_cast %add3A_991 : i32 to index
        %get3A_995 = arith.constant 16 : index
        %get3A_996 = tpu.vector_load %arg6[%get3A_993, %get3A_994, %get3A_995] {strides = array<i32>} : memref<2x1600x32xf32, #tpu.memory_space<vmem>>, vector<1x1x16xf32>,
        %get3A_997 = vector.shape_cast %get3A_996 : vector<1x1x16xf32> to vector<16xf32>
        %add3A_998 = arith.addf %add3A_958, %get3A_997 : vector<16xf32>
        %add3A_999 = arith.constant 6 : i32
        %add3A_1000 = arith.addi %add3A_861, %add3A_999 : i32
        %add3A_1001 = arith.constant 1 : i32
        %add3A_1002 = arith.addi %add3A_1000, %add3A_1001 : i32
        %get3A_1003 = arith.constant 1 : i32
        %get3A_1004 = arith.index_cast %get3A_1003 : i32 to index
        %get3A_1005 = arith.index_cast %add3A_1002 : i32 to index
        %get3A_1006 = arith.constant 0 : index
        %get3A_1007 = tpu.vector_load %arg6[%get3A_1004, %get3A_1005, %get3A_1006] {strides = array<i32>} : memref<2x1600x32xf32, #tpu.memory_space<vmem>>, vector<1x1x16xf32>,
        %get3A_1008 = vector.shape_cast %get3A_1007 : vector<1x1x16xf32> to vector<16xf32>
        %add3A_1009 = arith.addf %add3A_969, %get3A_1008 : vector<16xf32>
        %add3A_1010 = arith.constant 6 : i32
        %add3A_1011 = arith.addi %add3A_861, %add3A_1010 : i32
        %add3A_1012 = arith.constant 1 : i32
        %add3A_1013 = arith.addi %add3A_1011, %add3A_1012 : i32
        %get3A_1014 = arith.constant 1 : i32
        %get3A_1015 = arith.index_cast %get3A_1014 : i32 to index
        %get3A_1016 = arith.index_cast %add3A_1013 : i32 to index
        %get3A_1017 = arith.constant 16 : index
        %get3A_1018 = tpu.vector_load %arg6[%get3A_1015, %get3A_1016, %get3A_1017] {strides = array<i32>} : memref<2x1600x32xf32, #tpu.memory_space<vmem>>, vector<1x1x16xf32>,
        %get3A_1019 = vector.shape_cast %get3A_1018 : vector<1x1x16xf32> to vector<16xf32>
        %add3A_1020 = arith.addf %add3A_980, %get3A_1019 : vector<16xf32>
        scf.yield %add3A_989, %add3A_998, %add3A_1009, %add3A_1020 : vector<16xf32>, vector<16xf32>, vector<16xf32>, vector<16xf32>
      }
      %scan3A_740 = arith.constant 25 : i32
      %mul3A_741 = arith.constant 8 : i32
      %mul3A_742 = arith.muli %add3A_660, %mul3A_741 : i32
      %add3A_743 = arith.constant 3 : i32
      %add3A_744 = arith.addi %mul3A_742, %add3A_743 : i32
      %add3A_745 = arith.addf %scan3A_739#0, %scan3A_739#2 : vector<16xf32>
      %swap3A_746 = arith.index_cast %add3A_744 : i32 to index
      %swap3A_747 = arith.constant 0 : index
      %swap3A_748 = tpu.vector_load %arg7[%swap3A_746, %swap3A_747] {strides = array<i32>} : memref<512x32xf32, #tpu.memory_space<vmem>>, vector<1x16xf32>,
      %swap3A_749 = vector.shape_cast %swap3A_748 : vector<1x16xf32> to vector<16xf32>
      %swap3A_750 = vector.shape_cast %add3A_745 : vector<16xf32> to vector<1x16xf32>
      tpu.vector_store %arg7[%swap3A_746, %swap3A_747], %swap3A_750 {strides = array<i32>} : memref<512x32xf32, #tpu.memory_space<vmem>>, vector<1x16xf32>,
      %add3A_751 = arith.addf %scan3A_739#1, %scan3A_739#3 : vector<16xf32>
      %swap3A_752 = arith.index_cast %add3A_744 : i32 to index
      %swap3A_753 = arith.constant 16 : index
      %swap3A_754 = tpu.vector_load %arg7[%swap3A_752, %swap3A_753] {strides = array<i32>} : memref<512x32xf32, #tpu.memory_space<vmem>>, vector<1x16xf32>,
      %swap3A_755 = vector.shape_cast %swap3A_754 : vector<1x16xf32> to vector<16xf32>
      %swap3A_756 = vector.shape_cast %add3A_751 : vector<16xf32> to vector<1x16xf32>
      tpu.vector_store %arg7[%swap3A_752, %swap3A_753], %swap3A_756 {strides = array<i32>} : memref<512x32xf32, #tpu.memory_space<vmem>>, vector<1x16xf32>,
      %broadcast_in_dim3A_757 = arith.constant 0.000000e+00 : f32
      %broadcast_in_dim3A_758 = vector.broadcast %broadcast_in_dim3A_757 : f32 to vector<16xf32>
      %scan3A_759 = arith.constant 0 : i32
      %scan3A_760 = arith.constant 25 : i32
      %scan3A_761 = arith.addi %scan3A_759, %scan3A_760 : i32
      %scan3A_762 = arith.constant 1 : i32
      %scan3A_763:4 = scf.for %scan3A_853 = %scan3A_759 to %scan3A_761 step %scan3A_762 iter_args(%scan3A_854 = %broadcast_in_dim3A_758, %scan3A_855 = %broadcast_in_dim3A_758, %scan3A_856 = %broadcast_in_dim3A_758, %scan3A_857 = %broadcast_in_dim3A_758) -> (vector<16xf32>, vector<16xf32>, vector<16xf32>, vector<16xf32>)  : i32 {
        %mul3A_858 = arith.constant 8 : i32
        %mul3A_859 = arith.muli %scan3A_853, %mul3A_858 : i32
        %add3A_860 = arith.constant 800 : i32
        %add3A_861 = arith.addi %add3A_860, %mul3A_859 : i32
        %add3A_862 = arith.constant 0 : i32
        %add3A_863 = arith.addi %add3A_861, %add3A_862 : i32
        %get3A = arith.constant 1 : i32
        %get3A_864 = arith.index_cast %get3A : i32 to index
        %get3A_865 = arith.index_cast %add3A_863 : i32 to index
        %get3A_866 = arith.constant 0 : index
        %get3A_867 = tpu.vector_load %arg6[%get3A_864, %get3A_865, %get3A_866] {strides = array<i32>} : memref<2x1600x32xf32, #tpu.memory_space<vmem>>, vector<1x1x16xf32>,
        %get3A_868 = vector.shape_cast %get3A_867 : vector<1x1x16xf32> to vector<16xf32>
        %add3A_869 = arith.addf %scan3A_854, %get3A_868 : vector<16xf32>
        %add3A_870 = arith.constant 0 : i32
        %add3A_871 = arith.addi %add3A_861, %add3A_870 : i32
        %get3A_872 = arith.constant 1 : i32
        %get3A_873 = arith.index_cast %get3A_872 : i32 to index
        %get3A_874 = arith.index_cast %add3A_871 : i32 to index
        %get3A_875 = arith.constant 16 : index
        %get3A_876 = tpu.vector_load %arg6[%get3A_873, %get3A_874, %get3A_875] {strides = array<i32>} : memref<2x1600x32xf32, #tpu.memory_space<vmem>>, vector<1x1x16xf32>,
        %get3A_877 = vector.shape_cast %get3A_876 : vector<1x1x16xf32> to vector<16xf32>
        %add3A_878 = arith.addf %scan3A_855, %get3A_877 : vector<16xf32>
        %add3A_879 = arith.constant 0 : i32
        %add3A_880 = arith.addi %add3A_861, %add3A_879 : i32
        %add3A_881 = arith.constant 1 : i32
        %add3A_882 = arith.addi %add3A_880, %add3A_881 : i32
        %get3A_883 = arith.constant 1 : i32
        %get3A_884 = arith.index_cast %get3A_883 : i32 to index
        %get3A_885 = arith.index_cast %add3A_882 : i32 to index
        %get3A_886 = arith.constant 0 : index
        %get3A_887 = tpu.vector_load %arg6[%get3A_884, %get3A_885, %get3A_886] {strides = array<i32>} : memref<2x1600x32xf32, #tpu.memory_space<vmem>>, vector<1x1x16xf32>,
        %get3A_888 = vector.shape_cast %get3A_887 : vector<1x1x16xf32> to vector<16xf32>
        %add3A_889 = arith.addf %scan3A_856, %get3A_888 : vector<16xf32>
        %add3A_890 = arith.constant 0 : i32
        %add3A_891 = arith.addi %add3A_861, %add3A_890 : i32
        %add3A_892 = arith.constant 1 : i32
        %add3A_893 = arith.addi %add3A_891, %add3A_892 : i32
        %get3A_894 = arith.constant 1 : i32
        %get3A_895 = arith.index_cast %get3A_894 : i32 to index
        %get3A_896 = arith.index_cast %add3A_893 : i32 to index
        %get3A_897 = arith.constant 16 : index
        %get3A_898 = tpu.vector_load %arg6[%get3A_895, %get3A_896, %get3A_897] {strides = array<i32>} : memref<2x1600x32xf32, #tpu.memory_space<vmem>>, vector<1x1x16xf32>,
        %get3A_899 = vector.shape_cast %get3A_898 : vector<1x1x16xf32> to vector<16xf32>
        %add3A_900 = arith.addf %scan3A_857, %get3A_899 : vector<16xf32>
        %add3A_901 = arith.constant 2 : i32
        %add3A_902 = arith.addi %add3A_861, %add3A_901 : i32
        %get3A_903 = arith.constant 1 : i32
        %get3A_904 = arith.index_cast %get3A_903 : i32 to index
        %get3A_905 = arith.index_cast %add3A_902 : i32 to index
        %get3A_906 = arith.constant 0 : index
        %get3A_907 = tpu.vector_load %arg6[%get3A_904, %get3A_905, %get3A_906] {strides = array<i32>} : memref<2x1600x32xf32, #tpu.memory_space<vmem>>, vector<1x1x16xf32>,
        %get3A_908 = vector.shape_cast %get3A_907 : vector<1x1x16xf32> to vector<16xf32>
        %add3A_909 = arith.addf %add3A_869, %get3A_908 : vector<16xf32>
        %add3A_910 = arith.constant 2 : i32
        %add3A_911 = arith.addi %add3A_861, %add3A_910 : i32
        %get3A_912 = arith.constant 1 : i32
        %get3A_913 = arith.index_cast %get3A_912 : i32 to index
        %get3A_914 = arith.index_cast %add3A_911 : i32 to index
        %get3A_915 = arith.constant 16 : index
        %get3A_916 = tpu.vector_load %arg6[%get3A_913, %get3A_914, %get3A_915] {strides = array<i32>} : memref<2x1600x32xf32, #tpu.memory_space<vmem>>, vector<1x1x16xf32>,
        %get3A_917 = vector.shape_cast %get3A_916 : vector<1x1x16xf32> to vector<16xf32>
        %add3A_918 = arith.addf %add3A_878, %get3A_917 : vector<16xf32>
        %add3A_919 = arith.constant 2 : i32
        %add3A_920 = arith.addi %add3A_861, %add3A_919 : i32
        %add3A_921 = arith.constant 1 : i32
        %add3A_922 = arith.addi %add3A_920, %add3A_921 : i32
        %get3A_923 = arith.constant 1 : i32
        %get3A_924 = arith.index_cast %get3A_923 : i32 to index
        %get3A_925 = arith.index_cast %add3A_922 : i32 to index
        %get3A_926 = arith.constant 0 : index
        %get3A_927 = tpu.vector_load %arg6[%get3A_924, %get3A_925, %get3A_926] {strides = array<i32>} : memref<2x1600x32xf32, #tpu.memory_space<vmem>>, vector<1x1x16xf32>,
        %get3A_928 = vector.shape_cast %get3A_927 : vector<1x1x16xf32> to vector<16xf32>
        %add3A_929 = arith.addf %add3A_889, %get3A_928 : vector<16xf32>
        %add3A_930 = arith.constant 2 : i32
        %add3A_931 = arith.addi %add3A_861, %add3A_930 : i32
        %add3A_932 = arith.constant 1 : i32
        %add3A_933 = arith.addi %add3A_931, %add3A_932 : i32
        %get3A_934 = arith.constant 1 : i32
        %get3A_935 = arith.index_cast %get3A_934 : i32 to index
        %get3A_936 = arith.index_cast %add3A_933 : i32 to index
        %get3A_937 = arith.constant 16 : index
        %get3A_938 = tpu.vector_load %arg6[%get3A_935, %get3A_936, %get3A_937] {strides = array<i32>} : memref<2x1600x32xf32, #tpu.memory_space<vmem>>, vector<1x1x16xf32>,
        %get3A_939 = vector.shape_cast %get3A_938 : vector<1x1x16xf32> to vector<16xf32>
        %add3A_940 = arith.addf %add3A_900, %get3A_939 : vector<16xf32>
        %add3A_941 = arith.constant 4 : i32
        %add3A_942 = arith.addi %add3A_861, %add3A_941 : i32
        %get3A_943 = arith.constant 1 : i32
        %get3A_944 = arith.index_cast %get3A_943 : i32 to index
        %get3A_945 = arith.index_cast %add3A_942 : i32 to index
        %get3A_946 = arith.constant 0 : index
        %get3A_947 = tpu.vector_load %arg6[%get3A_944, %get3A_945, %get3A_946] {strides = array<i32>} : memref<2x1600x32xf32, #tpu.memory_space<vmem>>, vector<1x1x16xf32>,
        %get3A_948 = vector.shape_cast %get3A_947 : vector<1x1x16xf32> to vector<16xf32>
        %add3A_949 = arith.addf %add3A_909, %get3A_948 : vector<16xf32>
        %add3A_950 = arith.constant 4 : i32
        %add3A_951 = arith.addi %add3A_861, %add3A_950 : i32
        %get3A_952 = arith.constant 1 : i32
        %get3A_953 = arith.index_cast %get3A_952 : i32 to index
        %get3A_954 = arith.index_cast %add3A_951 : i32 to index
        %get3A_955 = arith.constant 16 : index
        %get3A_956 = tpu.vector_load %arg6[%get3A_953, %get3A_954, %get3A_955] {strides = array<i32>} : memref<2x1600x32xf32, #tpu.memory_space<vmem>>, vector<1x1x16xf32>,
        %get3A_957 = vector.shape_cast %get3A_956 : vector<1x1x16xf32> to vector<16xf32>
        %add3A_958 = arith.addf %add3A_918, %get3A_957 : vector<16xf32>
        %add3A_959 = arith.constant 4 : i32
        %add3A_960 = arith.addi %add3A_861, %add3A_959 : i32
        %add3A_961 = arith.constant 1 : i32
        %add3A_962 = arith.addi %add3A_960, %add3A_961 : i32
        %get3A_963 = arith.constant 1 : i32
        %get3A_964 = arith.index_cast %get3A_963 : i32 to index
        %get3A_965 = arith.index_cast %add3A_962 : i32 to index
        %get3A_966 = arith.constant 0 : index
        %get3A_967 = tpu.vector_load %arg6[%get3A_964, %get3A_965, %get3A_966] {strides = array<i32>} : memref<2x1600x32xf32, #tpu.memory_space<vmem>>, vector<1x1x16xf32>,
        %get3A_968 = vector.shape_cast %get3A_967 : vector<1x1x16xf32> to vector<16xf32>
        %add3A_969 = arith.addf %add3A_929, %get3A_968 : vector<16xf32>
        %add3A_970 = arith.constant 4 : i32
        %add3A_971 = arith.addi %add3A_861, %add3A_970 : i32
        %add3A_972 = arith.constant 1 : i32
        %add3A_973 = arith.addi %add3A_971, %add3A_972 : i32
        %get3A_974 = arith.constant 1 : i32
        %get3A_975 = arith.index_cast %get3A_974 : i32 to index
        %get3A_976 = arith.index_cast %add3A_973 : i32 to index
        %get3A_977 = arith.constant 16 : index
        %get3A_978 = tpu.vector_load %arg6[%get3A_975, %get3A_976, %get3A_977] {strides = array<i32>} : memref<2x1600x32xf32, #tpu.memory_space<vmem>>, vector<1x1x16xf32>,
        %get3A_979 = vector.shape_cast %get3A_978 : vector<1x1x16xf32> to vector<16xf32>
        %add3A_980 = arith.addf %add3A_940, %get3A_979 : vector<16xf32>
        %add3A_981 = arith.constant 6 : i32
        %add3A_982 = arith.addi %add3A_861, %add3A_981 : i32
        %get3A_983 = arith.constant 1 : i32
        %get3A_984 = arith.index_cast %get3A_983 : i32 to index
        %get3A_985 = arith.index_cast %add3A_982 : i32 to index
        %get3A_986 = arith.constant 0 : index
        %get3A_987 = tpu.vector_load %arg6[%get3A_984, %get3A_985, %get3A_986] {strides = array<i32>} : memref<2x1600x32xf32, #tpu.memory_space<vmem>>, vector<1x1x16xf32>,
        %get3A_988 = vector.shape_cast %get3A_987 : vector<1x1x16xf32> to vector<16xf32>
        %add3A_989 = arith.addf %add3A_949, %get3A_988 : vector<16xf32>
        %add3A_990 = arith.constant 6 : i32
        %add3A_991 = arith.addi %add3A_861, %add3A_990 : i32
        %get3A_992 = arith.constant 1 : i32
        %get3A_993 = arith.index_cast %get3A_992 : i32 to index
        %get3A_994 = arith.index_cast %add3A_991 : i32 to index
        %get3A_995 = arith.constant 16 : index
        %get3A_996 = tpu.vector_load %arg6[%get3A_993, %get3A_994, %get3A_995] {strides = array<i32>} : memref<2x1600x32xf32, #tpu.memory_space<vmem>>, vector<1x1x16xf32>,
        %get3A_997 = vector.shape_cast %get3A_996 : vector<1x1x16xf32> to vector<16xf32>
        %add3A_998 = arith.addf %add3A_958, %get3A_997 : vector<16xf32>
        %add3A_999 = arith.constant 6 : i32
        %add3A_1000 = arith.addi %add3A_861, %add3A_999 : i32
        %add3A_1001 = arith.constant 1 : i32
        %add3A_1002 = arith.addi %add3A_1000, %add3A_1001 : i32
        %get3A_1003 = arith.constant 1 : i32
        %get3A_1004 = arith.index_cast %get3A_1003 : i32 to index
        %get3A_1005 = arith.index_cast %add3A_1002 : i32 to index
        %get3A_1006 = arith.constant 0 : index
        %get3A_1007 = tpu.vector_load %arg6[%get3A_1004, %get3A_1005, %get3A_1006] {strides = array<i32>} : memref<2x1600x32xf32, #tpu.memory_space<vmem>>, vector<1x1x16xf32>,
        %get3A_1008 = vector.shape_cast %get3A_1007 : vector<1x1x16xf32> to vector<16xf32>
        %add3A_1009 = arith.addf %add3A_969, %get3A_1008 : vector<16xf32>
        %add3A_1010 = arith.constant 6 : i32
        %add3A_1011 = arith.addi %add3A_861, %add3A_1010 : i32
        %add3A_1012 = arith.constant 1 : i32
        %add3A_1013 = arith.addi %add3A_1011, %add3A_1012 : i32
        %get3A_1014 = arith.constant 1 : i32
        %get3A_1015 = arith.index_cast %get3A_1014 : i32 to index
        %get3A_1016 = arith.index_cast %add3A_1013 : i32 to index
        %get3A_1017 = arith.constant 16 : index
        %get3A_1018 = tpu.vector_load %arg6[%get3A_1015, %get3A_1016, %get3A_1017] {strides = array<i32>} : memref<2x1600x32xf32, #tpu.memory_space<vmem>>, vector<1x1x16xf32>,
        %get3A_1019 = vector.shape_cast %get3A_1018 : vector<1x1x16xf32> to vector<16xf32>
        %add3A_1020 = arith.addf %add3A_980, %get3A_1019 : vector<16xf32>
        scf.yield %add3A_989, %add3A_998, %add3A_1009, %add3A_1020 : vector<16xf32>, vector<16xf32>, vector<16xf32>, vector<16xf32>
      }
      %scan3A_764 = arith.constant 25 : i32
      %mul3A_765 = arith.constant 8 : i32
      %mul3A_766 = arith.muli %add3A_660, %mul3A_765 : i32
      %add3A_767 = arith.constant 4 : i32
      %add3A_768 = arith.addi %mul3A_766, %add3A_767 : i32
      %add3A_769 = arith.addf %scan3A_763#0, %scan3A_763#2 : vector<16xf32>
      %swap3A_770 = arith.index_cast %add3A_768 : i32 to index
      %swap3A_771 = arith.constant 0 : index
      %swap3A_772 = tpu.vector_load %arg7[%swap3A_770, %swap3A_771] {strides = array<i32>} : memref<512x32xf32, #tpu.memory_space<vmem>>, vector<1x16xf32>,
      %swap3A_773 = vector.shape_cast %swap3A_772 : vector<1x16xf32> to vector<16xf32>
      %swap3A_774 = vector.shape_cast %add3A_769 : vector<16xf32> to vector<1x16xf32>
      tpu.vector_store %arg7[%swap3A_770, %swap3A_771], %swap3A_774 {strides = array<i32>} : memref<512x32xf32, #tpu.memory_space<vmem>>, vector<1x16xf32>,
      %add3A_775 = arith.addf %scan3A_763#1, %scan3A_763#3 : vector<16xf32>
      %swap3A_776 = arith.index_cast %add3A_768 : i32 to index
      %swap3A_777 = arith.constant 16 : index
      %swap3A_778 = tpu.vector_load %arg7[%swap3A_776, %swap3A_777] {strides = array<i32>} : memref<512x32xf32, #tpu.memory_space<vmem>>, vector<1x16xf32>,
      %swap3A_779 = vector.shape_cast %swap3A_778 : vector<1x16xf32> to vector<16xf32>
      %swap3A_780 = vector.shape_cast %add3A_775 : vector<16xf32> to vector<1x16xf32>
      tpu.vector_store %arg7[%swap3A_776, %swap3A_777], %swap3A_780 {strides = array<i32>} : memref<512x32xf32, #tpu.memory_space<vmem>>, vector<1x16xf32>,
      %broadcast_in_dim3A_781 = arith.constant 0.000000e+00 : f32
      %broadcast_in_dim3A_782 = vector.broadcast %broadcast_in_dim3A_781 : f32 to vector<16xf32>
      %scan3A_783 = arith.constant 0 : i32
      %scan3A_784 = arith.constant 25 : i32
      %scan3A_785 = arith.addi %scan3A_783, %scan3A_784 : i32
      %scan3A_786 = arith.constant 1 : i32
      %scan3A_787:4 = scf.for %scan3A_853 = %scan3A_783 to %scan3A_785 step %scan3A_786 iter_args(%scan3A_854 = %broadcast_in_dim3A_782, %scan3A_855 = %broadcast_in_dim3A_782, %scan3A_856 = %broadcast_in_dim3A_782, %scan3A_857 = %broadcast_in_dim3A_782) -> (vector<16xf32>, vector<16xf32>, vector<16xf32>, vector<16xf32>)  : i32 {
        %mul3A_858 = arith.constant 8 : i32
        %mul3A_859 = arith.muli %scan3A_853, %mul3A_858 : i32
        %add3A_860 = arith.constant 1000 : i32
        %add3A_861 = arith.addi %add3A_860, %mul3A_859 : i32
        %add3A_862 = arith.constant 0 : i32
        %add3A_863 = arith.addi %add3A_861, %add3A_862 : i32
        %get3A = arith.constant 1 : i32
        %get3A_864 = arith.index_cast %get3A : i32 to index
        %get3A_865 = arith.index_cast %add3A_863 : i32 to index
        %get3A_866 = arith.constant 0 : index
        %get3A_867 = tpu.vector_load %arg6[%get3A_864, %get3A_865, %get3A_866] {strides = array<i32>} : memref<2x1600x32xf32, #tpu.memory_space<vmem>>, vector<1x1x16xf32>,
        %get3A_868 = vector.shape_cast %get3A_867 : vector<1x1x16xf32> to vector<16xf32>
        %add3A_869 = arith.addf %scan3A_854, %get3A_868 : vector<16xf32>
        %add3A_870 = arith.constant 0 : i32
        %add3A_871 = arith.addi %add3A_861, %add3A_870 : i32
        %get3A_872 = arith.constant 1 : i32
        %get3A_873 = arith.index_cast %get3A_872 : i32 to index
        %get3A_874 = arith.index_cast %add3A_871 : i32 to index
        %get3A_875 = arith.constant 16 : index
        %get3A_876 = tpu.vector_load %arg6[%get3A_873, %get3A_874, %get3A_875] {strides = array<i32>} : memref<2x1600x32xf32, #tpu.memory_space<vmem>>, vector<1x1x16xf32>,
        %get3A_877 = vector.shape_cast %get3A_876 : vector<1x1x16xf32> to vector<16xf32>
        %add3A_878 = arith.addf %scan3A_855, %get3A_877 : vector<16xf32>
        %add3A_879 = arith.constant 0 : i32
        %add3A_880 = arith.addi %add3A_861, %add3A_879 : i32
        %add3A_881 = arith.constant 1 : i32
        %add3A_882 = arith.addi %add3A_880, %add3A_881 : i32
        %get3A_883 = arith.constant 1 : i32
        %get3A_884 = arith.index_cast %get3A_883 : i32 to index
        %get3A_885 = arith.index_cast %add3A_882 : i32 to index
        %get3A_886 = arith.constant 0 : index
        %get3A_887 = tpu.vector_load %arg6[%get3A_884, %get3A_885, %get3A_886] {strides = array<i32>} : memref<2x1600x32xf32, #tpu.memory_space<vmem>>, vector<1x1x16xf32>,
        %get3A_888 = vector.shape_cast %get3A_887 : vector<1x1x16xf32> to vector<16xf32>
        %add3A_889 = arith.addf %scan3A_856, %get3A_888 : vector<16xf32>
        %add3A_890 = arith.constant 0 : i32
        %add3A_891 = arith.addi %add3A_861, %add3A_890 : i32
        %add3A_892 = arith.constant 1 : i32
        %add3A_893 = arith.addi %add3A_891, %add3A_892 : i32
        %get3A_894 = arith.constant 1 : i32
        %get3A_895 = arith.index_cast %get3A_894 : i32 to index
        %get3A_896 = arith.index_cast %add3A_893 : i32 to index
        %get3A_897 = arith.constant 16 : index
        %get3A_898 = tpu.vector_load %arg6[%get3A_895, %get3A_896, %get3A_897] {strides = array<i32>} : memref<2x1600x32xf32, #tpu.memory_space<vmem>>, vector<1x1x16xf32>,
        %get3A_899 = vector.shape_cast %get3A_898 : vector<1x1x16xf32> to vector<16xf32>
        %add3A_900 = arith.addf %scan3A_857, %get3A_899 : vector<16xf32>
        %add3A_901 = arith.constant 2 : i32
        %add3A_902 = arith.addi %add3A_861, %add3A_901 : i32
        %get3A_903 = arith.constant 1 : i32
        %get3A_904 = arith.index_cast %get3A_903 : i32 to index
        %get3A_905 = arith.index_cast %add3A_902 : i32 to index
        %get3A_906 = arith.constant 0 : index
        %get3A_907 = tpu.vector_load %arg6[%get3A_904, %get3A_905, %get3A_906] {strides = array<i32>} : memref<2x1600x32xf32, #tpu.memory_space<vmem>>, vector<1x1x16xf32>,
        %get3A_908 = vector.shape_cast %get3A_907 : vector<1x1x16xf32> to vector<16xf32>
        %add3A_909 = arith.addf %add3A_869, %get3A_908 : vector<16xf32>
        %add3A_910 = arith.constant 2 : i32
        %add3A_911 = arith.addi %add3A_861, %add3A_910 : i32
        %get3A_912 = arith.constant 1 : i32
        %get3A_913 = arith.index_cast %get3A_912 : i32 to index
        %get3A_914 = arith.index_cast %add3A_911 : i32 to index
        %get3A_915 = arith.constant 16 : index
        %get3A_916 = tpu.vector_load %arg6[%get3A_913, %get3A_914, %get3A_915] {strides = array<i32>} : memref<2x1600x32xf32, #tpu.memory_space<vmem>>, vector<1x1x16xf32>,
        %get3A_917 = vector.shape_cast %get3A_916 : vector<1x1x16xf32> to vector<16xf32>
        %add3A_918 = arith.addf %add3A_878, %get3A_917 : vector<16xf32>
        %add3A_919 = arith.constant 2 : i32
        %add3A_920 = arith.addi %add3A_861, %add3A_919 : i32
        %add3A_921 = arith.constant 1 : i32
        %add3A_922 = arith.addi %add3A_920, %add3A_921 : i32
        %get3A_923 = arith.constant 1 : i32
        %get3A_924 = arith.index_cast %get3A_923 : i32 to index
        %get3A_925 = arith.index_cast %add3A_922 : i32 to index
        %get3A_926 = arith.constant 0 : index
        %get3A_927 = tpu.vector_load %arg6[%get3A_924, %get3A_925, %get3A_926] {strides = array<i32>} : memref<2x1600x32xf32, #tpu.memory_space<vmem>>, vector<1x1x16xf32>,
        %get3A_928 = vector.shape_cast %get3A_927 : vector<1x1x16xf32> to vector<16xf32>
        %add3A_929 = arith.addf %add3A_889, %get3A_928 : vector<16xf32>
        %add3A_930 = arith.constant 2 : i32
        %add3A_931 = arith.addi %add3A_861, %add3A_930 : i32
        %add3A_932 = arith.constant 1 : i32
        %add3A_933 = arith.addi %add3A_931, %add3A_932 : i32
        %get3A_934 = arith.constant 1 : i32
        %get3A_935 = arith.index_cast %get3A_934 : i32 to index
        %get3A_936 = arith.index_cast %add3A_933 : i32 to index
        %get3A_937 = arith.constant 16 : index
        %get3A_938 = tpu.vector_load %arg6[%get3A_935, %get3A_936, %get3A_937] {strides = array<i32>} : memref<2x1600x32xf32, #tpu.memory_space<vmem>>, vector<1x1x16xf32>,
        %get3A_939 = vector.shape_cast %get3A_938 : vector<1x1x16xf32> to vector<16xf32>
        %add3A_940 = arith.addf %add3A_900, %get3A_939 : vector<16xf32>
        %add3A_941 = arith.constant 4 : i32
        %add3A_942 = arith.addi %add3A_861, %add3A_941 : i32
        %get3A_943 = arith.constant 1 : i32
        %get3A_944 = arith.index_cast %get3A_943 : i32 to index
        %get3A_945 = arith.index_cast %add3A_942 : i32 to index
        %get3A_946 = arith.constant 0 : index
        %get3A_947 = tpu.vector_load %arg6[%get3A_944, %get3A_945, %get3A_946] {strides = array<i32>} : memref<2x1600x32xf32, #tpu.memory_space<vmem>>, vector<1x1x16xf32>,
        %get3A_948 = vector.shape_cast %get3A_947 : vector<1x1x16xf32> to vector<16xf32>
        %add3A_949 = arith.addf %add3A_909, %get3A_948 : vector<16xf32>
        %add3A_950 = arith.constant 4 : i32
        %add3A_951 = arith.addi %add3A_861, %add3A_950 : i32
        %get3A_952 = arith.constant 1 : i32
        %get3A_953 = arith.index_cast %get3A_952 : i32 to index
        %get3A_954 = arith.index_cast %add3A_951 : i32 to index
        %get3A_955 = arith.constant 16 : index
        %get3A_956 = tpu.vector_load %arg6[%get3A_953, %get3A_954, %get3A_955] {strides = array<i32>} : memref<2x1600x32xf32, #tpu.memory_space<vmem>>, vector<1x1x16xf32>,
        %get3A_957 = vector.shape_cast %get3A_956 : vector<1x1x16xf32> to vector<16xf32>
        %add3A_958 = arith.addf %add3A_918, %get3A_957 : vector<16xf32>
        %add3A_959 = arith.constant 4 : i32
        %add3A_960 = arith.addi %add3A_861, %add3A_959 : i32
        %add3A_961 = arith.constant 1 : i32
        %add3A_962 = arith.addi %add3A_960, %add3A_961 : i32
        %get3A_963 = arith.constant 1 : i32
        %get3A_964 = arith.index_cast %get3A_963 : i32 to index
        %get3A_965 = arith.index_cast %add3A_962 : i32 to index
        %get3A_966 = arith.constant 0 : index
        %get3A_967 = tpu.vector_load %arg6[%get3A_964, %get3A_965, %get3A_966] {strides = array<i32>} : memref<2x1600x32xf32, #tpu.memory_space<vmem>>, vector<1x1x16xf32>,
        %get3A_968 = vector.shape_cast %get3A_967 : vector<1x1x16xf32> to vector<16xf32>
        %add3A_969 = arith.addf %add3A_929, %get3A_968 : vector<16xf32>
        %add3A_970 = arith.constant 4 : i32
        %add3A_971 = arith.addi %add3A_861, %add3A_970 : i32
        %add3A_972 = arith.constant 1 : i32
        %add3A_973 = arith.addi %add3A_971, %add3A_972 : i32
        %get3A_974 = arith.constant 1 : i32
        %get3A_975 = arith.index_cast %get3A_974 : i32 to index
        %get3A_976 = arith.index_cast %add3A_973 : i32 to index
        %get3A_977 = arith.constant 16 : index
        %get3A_978 = tpu.vector_load %arg6[%get3A_975, %get3A_976, %get3A_977] {strides = array<i32>} : memref<2x1600x32xf32, #tpu.memory_space<vmem>>, vector<1x1x16xf32>,
        %get3A_979 = vector.shape_cast %get3A_978 : vector<1x1x16xf32> to vector<16xf32>
        %add3A_980 = arith.addf %add3A_940, %get3A_979 : vector<16xf32>
        %add3A_981 = arith.constant 6 : i32
        %add3A_982 = arith.addi %add3A_861, %add3A_981 : i32
        %get3A_983 = arith.constant 1 : i32
        %get3A_984 = arith.index_cast %get3A_983 : i32 to index
        %get3A_985 = arith.index_cast %add3A_982 : i32 to index
        %get3A_986 = arith.constant 0 : index
        %get3A_987 = tpu.vector_load %arg6[%get3A_984, %get3A_985, %get3A_986] {strides = array<i32>} : memref<2x1600x32xf32, #tpu.memory_space<vmem>>, vector<1x1x16xf32>,
        %get3A_988 = vector.shape_cast %get3A_987 : vector<1x1x16xf32> to vector<16xf32>
        %add3A_989 = arith.addf %add3A_949, %get3A_988 : vector<16xf32>
        %add3A_990 = arith.constant 6 : i32
        %add3A_991 = arith.addi %add3A_861, %add3A_990 : i32
        %get3A_992 = arith.constant 1 : i32
        %get3A_993 = arith.index_cast %get3A_992 : i32 to index
        %get3A_994 = arith.index_cast %add3A_991 : i32 to index
        %get3A_995 = arith.constant 16 : index
        %get3A_996 = tpu.vector_load %arg6[%get3A_993, %get3A_994, %get3A_995] {strides = array<i32>} : memref<2x1600x32xf32, #tpu.memory_space<vmem>>, vector<1x1x16xf32>,
        %get3A_997 = vector.shape_cast %get3A_996 : vector<1x1x16xf32> to vector<16xf32>
        %add3A_998 = arith.addf %add3A_958, %get3A_997 : vector<16xf32>
        %add3A_999 = arith.constant 6 : i32
        %add3A_1000 = arith.addi %add3A_861, %add3A_999 : i32
        %add3A_1001 = arith.constant 1 : i32
        %add3A_1002 = arith.addi %add3A_1000, %add3A_1001 : i32
        %get3A_1003 = arith.constant 1 : i32
        %get3A_1004 = arith.index_cast %get3A_1003 : i32 to index
        %get3A_1005 = arith.index_cast %add3A_1002 : i32 to index
        %get3A_1006 = arith.constant 0 : index
        %get3A_1007 = tpu.vector_load %arg6[%get3A_1004, %get3A_1005, %get3A_1006] {strides = array<i32>} : memref<2x1600x32xf32, #tpu.memory_space<vmem>>, vector<1x1x16xf32>,
        %get3A_1008 = vector.shape_cast %get3A_1007 : vector<1x1x16xf32> to vector<16xf32>
        %add3A_1009 = arith.addf %add3A_969, %get3A_1008 : vector<16xf32>
        %add3A_1010 = arith.constant 6 : i32
        %add3A_1011 = arith.addi %add3A_861, %add3A_1010 : i32
        %add3A_1012 = arith.constant 1 : i32
        %add3A_1013 = arith.addi %add3A_1011, %add3A_1012 : i32
        %get3A_1014 = arith.constant 1 : i32
        %get3A_1015 = arith.index_cast %get3A_1014 : i32 to index
        %get3A_1016 = arith.index_cast %add3A_1013 : i32 to index
        %get3A_1017 = arith.constant 16 : index
        %get3A_1018 = tpu.vector_load %arg6[%get3A_1015, %get3A_1016, %get3A_1017] {strides = array<i32>} : memref<2x1600x32xf32, #tpu.memory_space<vmem>>, vector<1x1x16xf32>,
        %get3A_1019 = vector.shape_cast %get3A_1018 : vector<1x1x16xf32> to vector<16xf32>
        %add3A_1020 = arith.addf %add3A_980, %get3A_1019 : vector<16xf32>
        scf.yield %add3A_989, %add3A_998, %add3A_1009, %add3A_1020 : vector<16xf32>, vector<16xf32>, vector<16xf32>, vector<16xf32>
      }
      %scan3A_788 = arith.constant 25 : i32
      %mul3A_789 = arith.constant 8 : i32
      %mul3A_790 = arith.muli %add3A_660, %mul3A_789 : i32
      %add3A_791 = arith.constant 5 : i32
      %add3A_792 = arith.addi %mul3A_790, %add3A_791 : i32
      %add3A_793 = arith.addf %scan3A_787#0, %scan3A_787#2 : vector<16xf32>
      %swap3A_794 = arith.index_cast %add3A_792 : i32 to index
      %swap3A_795 = arith.constant 0 : index
      %swap3A_796 = tpu.vector_load %arg7[%swap3A_794, %swap3A_795] {strides = array<i32>} : memref<512x32xf32, #tpu.memory_space<vmem>>, vector<1x16xf32>,
      %swap3A_797 = vector.shape_cast %swap3A_796 : vector<1x16xf32> to vector<16xf32>
      %swap3A_798 = vector.shape_cast %add3A_793 : vector<16xf32> to vector<1x16xf32>
      tpu.vector_store %arg7[%swap3A_794, %swap3A_795], %swap3A_798 {strides = array<i32>} : memref<512x32xf32, #tpu.memory_space<vmem>>, vector<1x16xf32>,
      %add3A_799 = arith.addf %scan3A_787#1, %scan3A_787#3 : vector<16xf32>
      %swap3A_800 = arith.index_cast %add3A_792 : i32 to index
      %swap3A_801 = arith.constant 16 : index
      %swap3A_802 = tpu.vector_load %arg7[%swap3A_800, %swap3A_801] {strides = array<i32>} : memref<512x32xf32, #tpu.memory_space<vmem>>, vector<1x16xf32>,
      %swap3A_803 = vector.shape_cast %swap3A_802 : vector<1x16xf32> to vector<16xf32>
      %swap3A_804 = vector.shape_cast %add3A_799 : vector<16xf32> to vector<1x16xf32>
      tpu.vector_store %arg7[%swap3A_800, %swap3A_801], %swap3A_804 {strides = array<i32>} : memref<512x32xf32, #tpu.memory_space<vmem>>, vector<1x16xf32>,
      %broadcast_in_dim3A_805 = arith.constant 0.000000e+00 : f32
      %broadcast_in_dim3A_806 = vector.broadcast %broadcast_in_dim3A_805 : f32 to vector<16xf32>
      %scan3A_807 = arith.constant 0 : i32
      %scan3A_808 = arith.constant 25 : i32
      %scan3A_809 = arith.addi %scan3A_807, %scan3A_808 : i32
      %scan3A_810 = arith.constant 1 : i32
      %scan3A_811:4 = scf.for %scan3A_853 = %scan3A_807 to %scan3A_809 step %scan3A_810 iter_args(%scan3A_854 = %broadcast_in_dim3A_806, %scan3A_855 = %broadcast_in_dim3A_806, %scan3A_856 = %broadcast_in_dim3A_806, %scan3A_857 = %broadcast_in_dim3A_806) -> (vector<16xf32>, vector<16xf32>, vector<16xf32>, vector<16xf32>)  : i32 {
        %mul3A_858 = arith.constant 8 : i32
        %mul3A_859 = arith.muli %scan3A_853, %mul3A_858 : i32
        %add3A_860 = arith.constant 1200 : i32
        %add3A_861 = arith.addi %add3A_860, %mul3A_859 : i32
        %add3A_862 = arith.constant 0 : i32
        %add3A_863 = arith.addi %add3A_861, %add3A_862 : i32
        %get3A = arith.constant 1 : i32
        %get3A_864 = arith.index_cast %get3A : i32 to index
        %get3A_865 = arith.index_cast %add3A_863 : i32 to index
        %get3A_866 = arith.constant 0 : index
        %get3A_867 = tpu.vector_load %arg6[%get3A_864, %get3A_865, %get3A_866] {strides = array<i32>} : memref<2x1600x32xf32, #tpu.memory_space<vmem>>, vector<1x1x16xf32>,
        %get3A_868 = vector.shape_cast %get3A_867 : vector<1x1x16xf32> to vector<16xf32>
        %add3A_869 = arith.addf %scan3A_854, %get3A_868 : vector<16xf32>
        %add3A_870 = arith.constant 0 : i32
        %add3A_871 = arith.addi %add3A_861, %add3A_870 : i32
        %get3A_872 = arith.constant 1 : i32
        %get3A_873 = arith.index_cast %get3A_872 : i32 to index
        %get3A_874 = arith.index_cast %add3A_871 : i32 to index
        %get3A_875 = arith.constant 16 : index
        %get3A_876 = tpu.vector_load %arg6[%get3A_873, %get3A_874, %get3A_875] {strides = array<i32>} : memref<2x1600x32xf32, #tpu.memory_space<vmem>>, vector<1x1x16xf32>,
        %get3A_877 = vector.shape_cast %get3A_876 : vector<1x1x16xf32> to vector<16xf32>
        %add3A_878 = arith.addf %scan3A_855, %get3A_877 : vector<16xf32>
        %add3A_879 = arith.constant 0 : i32
        %add3A_880 = arith.addi %add3A_861, %add3A_879 : i32
        %add3A_881 = arith.constant 1 : i32
        %add3A_882 = arith.addi %add3A_880, %add3A_881 : i32
        %get3A_883 = arith.constant 1 : i32
        %get3A_884 = arith.index_cast %get3A_883 : i32 to index
        %get3A_885 = arith.index_cast %add3A_882 : i32 to index
        %get3A_886 = arith.constant 0 : index
        %get3A_887 = tpu.vector_load %arg6[%get3A_884, %get3A_885, %get3A_886] {strides = array<i32>} : memref<2x1600x32xf32, #tpu.memory_space<vmem>>, vector<1x1x16xf32>,
        %get3A_888 = vector.shape_cast %get3A_887 : vector<1x1x16xf32> to vector<16xf32>
        %add3A_889 = arith.addf %scan3A_856, %get3A_888 : vector<16xf32>
        %add3A_890 = arith.constant 0 : i32
        %add3A_891 = arith.addi %add3A_861, %add3A_890 : i32
        %add3A_892 = arith.constant 1 : i32
        %add3A_893 = arith.addi %add3A_891, %add3A_892 : i32
        %get3A_894 = arith.constant 1 : i32
        %get3A_895 = arith.index_cast %get3A_894 : i32 to index
        %get3A_896 = arith.index_cast %add3A_893 : i32 to index
        %get3A_897 = arith.constant 16 : index
        %get3A_898 = tpu.vector_load %arg6[%get3A_895, %get3A_896, %get3A_897] {strides = array<i32>} : memref<2x1600x32xf32, #tpu.memory_space<vmem>>, vector<1x1x16xf32>,
        %get3A_899 = vector.shape_cast %get3A_898 : vector<1x1x16xf32> to vector<16xf32>
        %add3A_900 = arith.addf %scan3A_857, %get3A_899 : vector<16xf32>
        %add3A_901 = arith.constant 2 : i32
        %add3A_902 = arith.addi %add3A_861, %add3A_901 : i32
        %get3A_903 = arith.constant 1 : i32
        %get3A_904 = arith.index_cast %get3A_903 : i32 to index
        %get3A_905 = arith.index_cast %add3A_902 : i32 to index
        %get3A_906 = arith.constant 0 : index
        %get3A_907 = tpu.vector_load %arg6[%get3A_904, %get3A_905, %get3A_906] {strides = array<i32>} : memref<2x1600x32xf32, #tpu.memory_space<vmem>>, vector<1x1x16xf32>,
        %get3A_908 = vector.shape_cast %get3A_907 : vector<1x1x16xf32> to vector<16xf32>
        %add3A_909 = arith.addf %add3A_869, %get3A_908 : vector<16xf32>
        %add3A_910 = arith.constant 2 : i32
        %add3A_911 = arith.addi %add3A_861, %add3A_910 : i32
        %get3A_912 = arith.constant 1 : i32
        %get3A_913 = arith.index_cast %get3A_912 : i32 to index
        %get3A_914 = arith.index_cast %add3A_911 : i32 to index
        %get3A_915 = arith.constant 16 : index
        %get3A_916 = tpu.vector_load %arg6[%get3A_913, %get3A_914, %get3A_915] {strides = array<i32>} : memref<2x1600x32xf32, #tpu.memory_space<vmem>>, vector<1x1x16xf32>,
        %get3A_917 = vector.shape_cast %get3A_916 : vector<1x1x16xf32> to vector<16xf32>
        %add3A_918 = arith.addf %add3A_878, %get3A_917 : vector<16xf32>
        %add3A_919 = arith.constant 2 : i32
        %add3A_920 = arith.addi %add3A_861, %add3A_919 : i32
        %add3A_921 = arith.constant 1 : i32
        %add3A_922 = arith.addi %add3A_920, %add3A_921 : i32
        %get3A_923 = arith.constant 1 : i32
        %get3A_924 = arith.index_cast %get3A_923 : i32 to index
        %get3A_925 = arith.index_cast %add3A_922 : i32 to index
        %get3A_926 = arith.constant 0 : index
        %get3A_927 = tpu.vector_load %arg6[%get3A_924, %get3A_925, %get3A_926] {strides = array<i32>} : memref<2x1600x32xf32, #tpu.memory_space<vmem>>, vector<1x1x16xf32>,
        %get3A_928 = vector.shape_cast %get3A_927 : vector<1x1x16xf32> to vector<16xf32>
        %add3A_929 = arith.addf %add3A_889, %get3A_928 : vector<16xf32>
        %add3A_930 = arith.constant 2 : i32
        %add3A_931 = arith.addi %add3A_861, %add3A_930 : i32
        %add3A_932 = arith.constant 1 : i32
        %add3A_933 = arith.addi %add3A_931, %add3A_932 : i32
        %get3A_934 = arith.constant 1 : i32
        %get3A_935 = arith.index_cast %get3A_934 : i32 to index
        %get3A_936 = arith.index_cast %add3A_933 : i32 to index
        %get3A_937 = arith.constant 16 : index
        %get3A_938 = tpu.vector_load %arg6[%get3A_935, %get3A_936, %get3A_937] {strides = array<i32>} : memref<2x1600x32xf32, #tpu.memory_space<vmem>>, vector<1x1x16xf32>,
        %get3A_939 = vector.shape_cast %get3A_938 : vector<1x1x16xf32> to vector<16xf32>
        %add3A_940 = arith.addf %add3A_900, %get3A_939 : vector<16xf32>
        %add3A_941 = arith.constant 4 : i32
        %add3A_942 = arith.addi %add3A_861, %add3A_941 : i32
        %get3A_943 = arith.constant 1 : i32
        %get3A_944 = arith.index_cast %get3A_943 : i32 to index
        %get3A_945 = arith.index_cast %add3A_942 : i32 to index
        %get3A_946 = arith.constant 0 : index
        %get3A_947 = tpu.vector_load %arg6[%get3A_944, %get3A_945, %get3A_946] {strides = array<i32>} : memref<2x1600x32xf32, #tpu.memory_space<vmem>>, vector<1x1x16xf32>,
        %get3A_948 = vector.shape_cast %get3A_947 : vector<1x1x16xf32> to vector<16xf32>
        %add3A_949 = arith.addf %add3A_909, %get3A_948 : vector<16xf32>
        %add3A_950 = arith.constant 4 : i32
        %add3A_951 = arith.addi %add3A_861, %add3A_950 : i32
        %get3A_952 = arith.constant 1 : i32
        %get3A_953 = arith.index_cast %get3A_952 : i32 to index
        %get3A_954 = arith.index_cast %add3A_951 : i32 to index
        %get3A_955 = arith.constant 16 : index
        %get3A_956 = tpu.vector_load %arg6[%get3A_953, %get3A_954, %get3A_955] {strides = array<i32>} : memref<2x1600x32xf32, #tpu.memory_space<vmem>>, vector<1x1x16xf32>,
        %get3A_957 = vector.shape_cast %get3A_956 : vector<1x1x16xf32> to vector<16xf32>
        %add3A_958 = arith.addf %add3A_918, %get3A_957 : vector<16xf32>
        %add3A_959 = arith.constant 4 : i32
        %add3A_960 = arith.addi %add3A_861, %add3A_959 : i32
        %add3A_961 = arith.constant 1 : i32
        %add3A_962 = arith.addi %add3A_960, %add3A_961 : i32
        %get3A_963 = arith.constant 1 : i32
        %get3A_964 = arith.index_cast %get3A_963 : i32 to index
        %get3A_965 = arith.index_cast %add3A_962 : i32 to index
        %get3A_966 = arith.constant 0 : index
        %get3A_967 = tpu.vector_load %arg6[%get3A_964, %get3A_965, %get3A_966] {strides = array<i32>} : memref<2x1600x32xf32, #tpu.memory_space<vmem>>, vector<1x1x16xf32>,
        %get3A_968 = vector.shape_cast %get3A_967 : vector<1x1x16xf32> to vector<16xf32>
        %add3A_969 = arith.addf %add3A_929, %get3A_968 : vector<16xf32>
        %add3A_970 = arith.constant 4 : i32
        %add3A_971 = arith.addi %add3A_861, %add3A_970 : i32
        %add3A_972 = arith.constant 1 : i32
        %add3A_973 = arith.addi %add3A_971, %add3A_972 : i32
        %get3A_974 = arith.constant 1 : i32
        %get3A_975 = arith.index_cast %get3A_974 : i32 to index
        %get3A_976 = arith.index_cast %add3A_973 : i32 to index
        %get3A_977 = arith.constant 16 : index
        %get3A_978 = tpu.vector_load %arg6[%get3A_975, %get3A_976, %get3A_977] {strides = array<i32>} : memref<2x1600x32xf32, #tpu.memory_space<vmem>>, vector<1x1x16xf32>,
        %get3A_979 = vector.shape_cast %get3A_978 : vector<1x1x16xf32> to vector<16xf32>
        %add3A_980 = arith.addf %add3A_940, %get3A_979 : vector<16xf32>
        %add3A_981 = arith.constant 6 : i32
        %add3A_982 = arith.addi %add3A_861, %add3A_981 : i32
        %get3A_983 = arith.constant 1 : i32
        %get3A_984 = arith.index_cast %get3A_983 : i32 to index
        %get3A_985 = arith.index_cast %add3A_982 : i32 to index
        %get3A_986 = arith.constant 0 : index
        %get3A_987 = tpu.vector_load %arg6[%get3A_984, %get3A_985, %get3A_986] {strides = array<i32>} : memref<2x1600x32xf32, #tpu.memory_space<vmem>>, vector<1x1x16xf32>,
        %get3A_988 = vector.shape_cast %get3A_987 : vector<1x1x16xf32> to vector<16xf32>
        %add3A_989 = arith.addf %add3A_949, %get3A_988 : vector<16xf32>
        %add3A_990 = arith.constant 6 : i32
        %add3A_991 = arith.addi %add3A_861, %add3A_990 : i32
        %get3A_992 = arith.constant 1 : i32
        %get3A_993 = arith.index_cast %get3A_992 : i32 to index
        %get3A_994 = arith.index_cast %add3A_991 : i32 to index
        %get3A_995 = arith.constant 16 : index
        %get3A_996 = tpu.vector_load %arg6[%get3A_993, %get3A_994, %get3A_995] {strides = array<i32>} : memref<2x1600x32xf32, #tpu.memory_space<vmem>>, vector<1x1x16xf32>,
        %get3A_997 = vector.shape_cast %get3A_996 : vector<1x1x16xf32> to vector<16xf32>
        %add3A_998 = arith.addf %add3A_958, %get3A_997 : vector<16xf32>
        %add3A_999 = arith.constant 6 : i32
        %add3A_1000 = arith.addi %add3A_861, %add3A_999 : i32
        %add3A_1001 = arith.constant 1 : i32
        %add3A_1002 = arith.addi %add3A_1000, %add3A_1001 : i32
        %get3A_1003 = arith.constant 1 : i32
        %get3A_1004 = arith.index_cast %get3A_1003 : i32 to index
        %get3A_1005 = arith.index_cast %add3A_1002 : i32 to index
        %get3A_1006 = arith.constant 0 : index
        %get3A_1007 = tpu.vector_load %arg6[%get3A_1004, %get3A_1005, %get3A_1006] {strides = array<i32>} : memref<2x1600x32xf32, #tpu.memory_space<vmem>>, vector<1x1x16xf32>,
        %get3A_1008 = vector.shape_cast %get3A_1007 : vector<1x1x16xf32> to vector<16xf32>
        %add3A_1009 = arith.addf %add3A_969, %get3A_1008 : vector<16xf32>
        %add3A_1010 = arith.constant 6 : i32
        %add3A_1011 = arith.addi %add3A_861, %add3A_1010 : i32
        %add3A_1012 = arith.constant 1 : i32
        %add3A_1013 = arith.addi %add3A_1011, %add3A_1012 : i32
        %get3A_1014 = arith.constant 1 : i32
        %get3A_1015 = arith.index_cast %get3A_1014 : i32 to index
        %get3A_1016 = arith.index_cast %add3A_1013 : i32 to index
        %get3A_1017 = arith.constant 16 : index
        %get3A_1018 = tpu.vector_load %arg6[%get3A_1015, %get3A_1016, %get3A_1017] {strides = array<i32>} : memref<2x1600x32xf32, #tpu.memory_space<vmem>>, vector<1x1x16xf32>,
        %get3A_1019 = vector.shape_cast %get3A_1018 : vector<1x1x16xf32> to vector<16xf32>
        %add3A_1020 = arith.addf %add3A_980, %get3A_1019 : vector<16xf32>
        scf.yield %add3A_989, %add3A_998, %add3A_1009, %add3A_1020 : vector<16xf32>, vector<16xf32>, vector<16xf32>, vector<16xf32>
      }
      %scan3A_812 = arith.constant 25 : i32
      %mul3A_813 = arith.constant 8 : i32
      %mul3A_814 = arith.muli %add3A_660, %mul3A_813 : i32
      %add3A_815 = arith.constant 6 : i32
      %add3A_816 = arith.addi %mul3A_814, %add3A_815 : i32
      %add3A_817 = arith.addf %scan3A_811#0, %scan3A_811#2 : vector<16xf32>
      %swap3A_818 = arith.index_cast %add3A_816 : i32 to index
      %swap3A_819 = arith.constant 0 : index
      %swap3A_820 = tpu.vector_load %arg7[%swap3A_818, %swap3A_819] {strides = array<i32>} : memref<512x32xf32, #tpu.memory_space<vmem>>, vector<1x16xf32>,
      %swap3A_821 = vector.shape_cast %swap3A_820 : vector<1x16xf32> to vector<16xf32>
      %swap3A_822 = vector.shape_cast %add3A_817 : vector<16xf32> to vector<1x16xf32>
      tpu.vector_store %arg7[%swap3A_818, %swap3A_819], %swap3A_822 {strides = array<i32>} : memref<512x32xf32, #tpu.memory_space<vmem>>, vector<1x16xf32>,
      %add3A_823 = arith.addf %scan3A_811#1, %scan3A_811#3 : vector<16xf32>
      %swap3A_824 = arith.index_cast %add3A_816 : i32 to index
      %swap3A_825 = arith.constant 16 : index
      %swap3A_826 = tpu.vector_load %arg7[%swap3A_824, %swap3A_825] {strides = array<i32>} : memref<512x32xf32, #tpu.memory_space<vmem>>, vector<1x16xf32>,
      %swap3A_827 = vector.shape_cast %swap3A_826 : vector<1x16xf32> to vector<16xf32>
      %swap3A_828 = vector.shape_cast %add3A_823 : vector<16xf32> to vector<1x16xf32>
      tpu.vector_store %arg7[%swap3A_824, %swap3A_825], %swap3A_828 {strides = array<i32>} : memref<512x32xf32, #tpu.memory_space<vmem>>, vector<1x16xf32>,
      %broadcast_in_dim3A_829 = arith.constant 0.000000e+00 : f32
      %broadcast_in_dim3A_830 = vector.broadcast %broadcast_in_dim3A_829 : f32 to vector<16xf32>
      %scan3A_831 = arith.constant 0 : i32
      %scan3A_832 = arith.constant 25 : i32
      %scan3A_833 = arith.addi %scan3A_831, %scan3A_832 : i32
      %scan3A_834 = arith.constant 1 : i32
      %scan3A_835:4 = scf.for %scan3A_853 = %scan3A_831 to %scan3A_833 step %scan3A_834 iter_args(%scan3A_854 = %broadcast_in_dim3A_830, %scan3A_855 = %broadcast_in_dim3A_830, %scan3A_856 = %broadcast_in_dim3A_830, %scan3A_857 = %broadcast_in_dim3A_830) -> (vector<16xf32>, vector<16xf32>, vector<16xf32>, vector<16xf32>)  : i32 {
        %mul3A_858 = arith.constant 8 : i32
        %mul3A_859 = arith.muli %scan3A_853, %mul3A_858 : i32
        %add3A_860 = arith.constant 1400 : i32
        %add3A_861 = arith.addi %add3A_860, %mul3A_859 : i32
        %add3A_862 = arith.constant 0 : i32
        %add3A_863 = arith.addi %add3A_861, %add3A_862 : i32
        %get3A = arith.constant 1 : i32
        %get3A_864 = arith.index_cast %get3A : i32 to index
        %get3A_865 = arith.index_cast %add3A_863 : i32 to index
        %get3A_866 = arith.constant 0 : index
        %get3A_867 = tpu.vector_load %arg6[%get3A_864, %get3A_865, %get3A_866] {strides = array<i32>} : memref<2x1600x32xf32, #tpu.memory_space<vmem>>, vector<1x1x16xf32>,
        %get3A_868 = vector.shape_cast %get3A_867 : vector<1x1x16xf32> to vector<16xf32>
        %add3A_869 = arith.addf %scan3A_854, %get3A_868 : vector<16xf32>
        %add3A_870 = arith.constant 0 : i32
        %add3A_871 = arith.addi %add3A_861, %add3A_870 : i32
        %get3A_872 = arith.constant 1 : i32
        %get3A_873 = arith.index_cast %get3A_872 : i32 to index
        %get3A_874 = arith.index_cast %add3A_871 : i32 to index
        %get3A_875 = arith.constant 16 : index
        %get3A_876 = tpu.vector_load %arg6[%get3A_873, %get3A_874, %get3A_875] {strides = array<i32>} : memref<2x1600x32xf32, #tpu.memory_space<vmem>>, vector<1x1x16xf32>,
        %get3A_877 = vector.shape_cast %get3A_876 : vector<1x1x16xf32> to vector<16xf32>
        %add3A_878 = arith.addf %scan3A_855, %get3A_877 : vector<16xf32>
        %add3A_879 = arith.constant 0 : i32
        %add3A_880 = arith.addi %add3A_861, %add3A_879 : i32
        %add3A_881 = arith.constant 1 : i32
        %add3A_882 = arith.addi %add3A_880, %add3A_881 : i32
        %get3A_883 = arith.constant 1 : i32
        %get3A_884 = arith.index_cast %get3A_883 : i32 to index
        %get3A_885 = arith.index_cast %add3A_882 : i32 to index
        %get3A_886 = arith.constant 0 : index
        %get3A_887 = tpu.vector_load %arg6[%get3A_884, %get3A_885, %get3A_886] {strides = array<i32>} : memref<2x1600x32xf32, #tpu.memory_space<vmem>>, vector<1x1x16xf32>,
        %get3A_888 = vector.shape_cast %get3A_887 : vector<1x1x16xf32> to vector<16xf32>
        %add3A_889 = arith.addf %scan3A_856, %get3A_888 : vector<16xf32>
        %add3A_890 = arith.constant 0 : i32
        %add3A_891 = arith.addi %add3A_861, %add3A_890 : i32
        %add3A_892 = arith.constant 1 : i32
        %add3A_893 = arith.addi %add3A_891, %add3A_892 : i32
        %get3A_894 = arith.constant 1 : i32
        %get3A_895 = arith.index_cast %get3A_894 : i32 to index
        %get3A_896 = arith.index_cast %add3A_893 : i32 to index
        %get3A_897 = arith.constant 16 : index
        %get3A_898 = tpu.vector_load %arg6[%get3A_895, %get3A_896, %get3A_897] {strides = array<i32>} : memref<2x1600x32xf32, #tpu.memory_space<vmem>>, vector<1x1x16xf32>,
        %get3A_899 = vector.shape_cast %get3A_898 : vector<1x1x16xf32> to vector<16xf32>
        %add3A_900 = arith.addf %scan3A_857, %get3A_899 : vector<16xf32>
        %add3A_901 = arith.constant 2 : i32
        %add3A_902 = arith.addi %add3A_861, %add3A_901 : i32
        %get3A_903 = arith.constant 1 : i32
        %get3A_904 = arith.index_cast %get3A_903 : i32 to index
        %get3A_905 = arith.index_cast %add3A_902 : i32 to index
        %get3A_906 = arith.constant 0 : index
        %get3A_907 = tpu.vector_load %arg6[%get3A_904, %get3A_905, %get3A_906] {strides = array<i32>} : memref<2x1600x32xf32, #tpu.memory_space<vmem>>, vector<1x1x16xf32>,
        %get3A_908 = vector.shape_cast %get3A_907 : vector<1x1x16xf32> to vector<16xf32>
        %add3A_909 = arith.addf %add3A_869, %get3A_908 : vector<16xf32>
        %add3A_910 = arith.constant 2 : i32
        %add3A_911 = arith.addi %add3A_861, %add3A_910 : i32
        %get3A_912 = arith.constant 1 : i32
        %get3A_913 = arith.index_cast %get3A_912 : i32 to index
        %get3A_914 = arith.index_cast %add3A_911 : i32 to index
        %get3A_915 = arith.constant 16 : index
        %get3A_916 = tpu.vector_load %arg6[%get3A_913, %get3A_914, %get3A_915] {strides = array<i32>} : memref<2x1600x32xf32, #tpu.memory_space<vmem>>, vector<1x1x16xf32>,
        %get3A_917 = vector.shape_cast %get3A_916 : vector<1x1x16xf32> to vector<16xf32>
        %add3A_918 = arith.addf %add3A_878, %get3A_917 : vector<16xf32>
        %add3A_919 = arith.constant 2 : i32
        %add3A_920 = arith.addi %add3A_861, %add3A_919 : i32
        %add3A_921 = arith.constant 1 : i32
        %add3A_922 = arith.addi %add3A_920, %add3A_921 : i32
        %get3A_923 = arith.constant 1 : i32
        %get3A_924 = arith.index_cast %get3A_923 : i32 to index
        %get3A_925 = arith.index_cast %add3A_922 : i32 to index
        %get3A_926 = arith.constant 0 : index
        %get3A_927 = tpu.vector_load %arg6[%get3A_924, %get3A_925, %get3A_926] {strides = array<i32>} : memref<2x1600x32xf32, #tpu.memory_space<vmem>>, vector<1x1x16xf32>,
        %get3A_928 = vector.shape_cast %get3A_927 : vector<1x1x16xf32> to vector<16xf32>
        %add3A_929 = arith.addf %add3A_889, %get3A_928 : vector<16xf32>
        %add3A_930 = arith.constant 2 : i32
        %add3A_931 = arith.addi %add3A_861, %add3A_930 : i32
        %add3A_932 = arith.constant 1 : i32
        %add3A_933 = arith.addi %add3A_931, %add3A_932 : i32
        %get3A_934 = arith.constant 1 : i32
        %get3A_935 = arith.index_cast %get3A_934 : i32 to index
        %get3A_936 = arith.index_cast %add3A_933 : i32 to index
        %get3A_937 = arith.constant 16 : index
        %get3A_938 = tpu.vector_load %arg6[%get3A_935, %get3A_936, %get3A_937] {strides = array<i32>} : memref<2x1600x32xf32, #tpu.memory_space<vmem>>, vector<1x1x16xf32>,
        %get3A_939 = vector.shape_cast %get3A_938 : vector<1x1x16xf32> to vector<16xf32>
        %add3A_940 = arith.addf %add3A_900, %get3A_939 : vector<16xf32>
        %add3A_941 = arith.constant 4 : i32
        %add3A_942 = arith.addi %add3A_861, %add3A_941 : i32
        %get3A_943 = arith.constant 1 : i32
        %get3A_944 = arith.index_cast %get3A_943 : i32 to index
        %get3A_945 = arith.index_cast %add3A_942 : i32 to index
        %get3A_946 = arith.constant 0 : index
        %get3A_947 = tpu.vector_load %arg6[%get3A_944, %get3A_945, %get3A_946] {strides = array<i32>} : memref<2x1600x32xf32, #tpu.memory_space<vmem>>, vector<1x1x16xf32>,
        %get3A_948 = vector.shape_cast %get3A_947 : vector<1x1x16xf32> to vector<16xf32>
        %add3A_949 = arith.addf %add3A_909, %get3A_948 : vector<16xf32>
        %add3A_950 = arith.constant 4 : i32
        %add3A_951 = arith.addi %add3A_861, %add3A_950 : i32
        %get3A_952 = arith.constant 1 : i32
        %get3A_953 = arith.index_cast %get3A_952 : i32 to index
        %get3A_954 = arith.index_cast %add3A_951 : i32 to index
        %get3A_955 = arith.constant 16 : index
        %get3A_956 = tpu.vector_load %arg6[%get3A_953, %get3A_954, %get3A_955] {strides = array<i32>} : memref<2x1600x32xf32, #tpu.memory_space<vmem>>, vector<1x1x16xf32>,
        %get3A_957 = vector.shape_cast %get3A_956 : vector<1x1x16xf32> to vector<16xf32>
        %add3A_958 = arith.addf %add3A_918, %get3A_957 : vector<16xf32>
        %add3A_959 = arith.constant 4 : i32
        %add3A_960 = arith.addi %add3A_861, %add3A_959 : i32
        %add3A_961 = arith.constant 1 : i32
        %add3A_962 = arith.addi %add3A_960, %add3A_961 : i32
        %get3A_963 = arith.constant 1 : i32
        %get3A_964 = arith.index_cast %get3A_963 : i32 to index
        %get3A_965 = arith.index_cast %add3A_962 : i32 to index
        %get3A_966 = arith.constant 0 : index
        %get3A_967 = tpu.vector_load %arg6[%get3A_964, %get3A_965, %get3A_966] {strides = array<i32>} : memref<2x1600x32xf32, #tpu.memory_space<vmem>>, vector<1x1x16xf32>,
        %get3A_968 = vector.shape_cast %get3A_967 : vector<1x1x16xf32> to vector<16xf32>
        %add3A_969 = arith.addf %add3A_929, %get3A_968 : vector<16xf32>
        %add3A_970 = arith.constant 4 : i32
        %add3A_971 = arith.addi %add3A_861, %add3A_970 : i32
        %add3A_972 = arith.constant 1 : i32
        %add3A_973 = arith.addi %add3A_971, %add3A_972 : i32
        %get3A_974 = arith.constant 1 : i32
        %get3A_975 = arith.index_cast %get3A_974 : i32 to index
        %get3A_976 = arith.index_cast %add3A_973 : i32 to index
        %get3A_977 = arith.constant 16 : index
        %get3A_978 = tpu.vector_load %arg6[%get3A_975, %get3A_976, %get3A_977] {strides = array<i32>} : memref<2x1600x32xf32, #tpu.memory_space<vmem>>, vector<1x1x16xf32>,
        %get3A_979 = vector.shape_cast %get3A_978 : vector<1x1x16xf32> to vector<16xf32>
        %add3A_980 = arith.addf %add3A_940, %get3A_979 : vector<16xf32>
        %add3A_981 = arith.constant 6 : i32
        %add3A_982 = arith.addi %add3A_861, %add3A_981 : i32
        %get3A_983 = arith.constant 1 : i32
        %get3A_984 = arith.index_cast %get3A_983 : i32 to index
        %get3A_985 = arith.index_cast %add3A_982 : i32 to index
        %get3A_986 = arith.constant 0 : index
        %get3A_987 = tpu.vector_load %arg6[%get3A_984, %get3A_985, %get3A_986] {strides = array<i32>} : memref<2x1600x32xf32, #tpu.memory_space<vmem>>, vector<1x1x16xf32>,
        %get3A_988 = vector.shape_cast %get3A_987 : vector<1x1x16xf32> to vector<16xf32>
        %add3A_989 = arith.addf %add3A_949, %get3A_988 : vector<16xf32>
        %add3A_990 = arith.constant 6 : i32
        %add3A_991 = arith.addi %add3A_861, %add3A_990 : i32
        %get3A_992 = arith.constant 1 : i32
        %get3A_993 = arith.index_cast %get3A_992 : i32 to index
        %get3A_994 = arith.index_cast %add3A_991 : i32 to index
        %get3A_995 = arith.constant 16 : index
        %get3A_996 = tpu.vector_load %arg6[%get3A_993, %get3A_994, %get3A_995] {strides = array<i32>} : memref<2x1600x32xf32, #tpu.memory_space<vmem>>, vector<1x1x16xf32>,
        %get3A_997 = vector.shape_cast %get3A_996 : vector<1x1x16xf32> to vector<16xf32>
        %add3A_998 = arith.addf %add3A_958, %get3A_997 : vector<16xf32>
        %add3A_999 = arith.constant 6 : i32
        %add3A_1000 = arith.addi %add3A_861, %add3A_999 : i32
        %add3A_1001 = arith.constant 1 : i32
        %add3A_1002 = arith.addi %add3A_1000, %add3A_1001 : i32
        %get3A_1003 = arith.constant 1 : i32
        %get3A_1004 = arith.index_cast %get3A_1003 : i32 to index
        %get3A_1005 = arith.index_cast %add3A_1002 : i32 to index
        %get3A_1006 = arith.constant 0 : index
        %get3A_1007 = tpu.vector_load %arg6[%get3A_1004, %get3A_1005, %get3A_1006] {strides = array<i32>} : memref<2x1600x32xf32, #tpu.memory_space<vmem>>, vector<1x1x16xf32>,
        %get3A_1008 = vector.shape_cast %get3A_1007 : vector<1x1x16xf32> to vector<16xf32>
        %add3A_1009 = arith.addf %add3A_969, %get3A_1008 : vector<16xf32>
        %add3A_1010 = arith.constant 6 : i32
        %add3A_1011 = arith.addi %add3A_861, %add3A_1010 : i32
        %add3A_1012 = arith.constant 1 : i32
        %add3A_1013 = arith.addi %add3A_1011, %add3A_1012 : i32
        %get3A_1014 = arith.constant 1 : i32
        %get3A_1015 = arith.index_cast %get3A_1014 : i32 to index
        %get3A_1016 = arith.index_cast %add3A_1013 : i32 to index
        %get3A_1017 = arith.constant 16 : index
        %get3A_1018 = tpu.vector_load %arg6[%get3A_1015, %get3A_1016, %get3A_1017] {strides = array<i32>} : memref<2x1600x32xf32, #tpu.memory_space<vmem>>, vector<1x1x16xf32>,
        %get3A_1019 = vector.shape_cast %get3A_1018 : vector<1x1x16xf32> to vector<16xf32>
        %add3A_1020 = arith.addf %add3A_980, %get3A_1019 : vector<16xf32>
        scf.yield %add3A_989, %add3A_998, %add3A_1009, %add3A_1020 : vector<16xf32>, vector<16xf32>, vector<16xf32>, vector<16xf32>
      }
      %scan3A_836 = arith.constant 25 : i32
      %mul3A_837 = arith.constant 8 : i32
      %mul3A_838 = arith.muli %add3A_660, %mul3A_837 : i32
      %add3A_839 = arith.constant 7 : i32
      %add3A_840 = arith.addi %mul3A_838, %add3A_839 : i32
      %add3A_841 = arith.addf %scan3A_835#0, %scan3A_835#2 : vector<16xf32>
      %swap3A_842 = arith.index_cast %add3A_840 : i32 to index
      %swap3A_843 = arith.constant 0 : index
      %swap3A_844 = tpu.vector_load %arg7[%swap3A_842, %swap3A_843] {strides = array<i32>} : memref<512x32xf32, #tpu.memory_space<vmem>>, vector<1x16xf32>,
      %swap3A_845 = vector.shape_cast %swap3A_844 : vector<1x16xf32> to vector<16xf32>
      %swap3A_846 = vector.shape_cast %add3A_841 : vector<16xf32> to vector<1x16xf32>
      tpu.vector_store %arg7[%swap3A_842, %swap3A_843], %swap3A_846 {strides = array<i32>} : memref<512x32xf32, #tpu.memory_space<vmem>>, vector<1x16xf32>,
      %add3A_847 = arith.addf %scan3A_835#1, %scan3A_835#3 : vector<16xf32>
      %swap3A_848 = arith.index_cast %add3A_840 : i32 to index
      %swap3A_849 = arith.constant 16 : index
      %swap3A_850 = tpu.vector_load %arg7[%swap3A_848, %swap3A_849] {strides = array<i32>} : memref<512x32xf32, #tpu.memory_space<vmem>>, vector<1x16xf32>,
      %swap3A_851 = vector.shape_cast %swap3A_850 : vector<1x16xf32> to vector<16xf32>
      %swap3A_852 = vector.shape_cast %add3A_847 : vector<16xf32> to vector<1x16xf32>
      tpu.vector_store %arg7[%swap3A_848, %swap3A_849], %swap3A_852 {strides = array<i32>} : memref<512x32xf32, #tpu.memory_space<vmem>>, vector<1x16xf32>,
    }
    %scan3A_216 = arith.constant 32 : i32
    "tpu.region"() ({
      %run_scoped3A_217 = tpu.sem_alloc : memref<!tpu.dma_semaphore, #tpu.memory_space<semaphore_mem>>
      %dma_start3A_218 = arith.constant 0 : i32
      %dma_start3A_219 = tpu.memref_slice %arg4[%mul3A_2, %dma_start3A_218] : memref<16384x32xf32, #tpu.memory_space<hbm>> -> memref<512x32xf32, #tpu.memory_space<hbm>>
      %dma_start3A_220 = arith.constant 0 : i32
      %dma_start3A_221 = tpu.memref_slice %arg4[%mul3A_2, %dma_start3A_220] : memref<16384x32xf32, #tpu.memory_space<hbm>> -> memref<512x32xf32, #tpu.memory_space<hbm>>
      tpu.enqueue_dma source(%arg7 : memref<512x32xf32, #tpu.memory_space<vmem>>) target(%dma_start3A_221 : memref<512x32xf32, #tpu.memory_space<hbm>>) target_semaphore(%run_scoped3A_217 : memref<!tpu.dma_semaphore, #tpu.memory_space<semaphore_mem>>)
      %dma_wait3A = arith.constant 0 : i32
      %dma_wait3A_222 = tpu.memref_slice %arg4[%mul3A_2, %dma_wait3A] : memref<16384x32xf32, #tpu.memory_space<hbm>> -> memref<512x32xf32, #tpu.memory_space<hbm>>
      %dma_wait3A_223 = arith.constant 0 : i32
      %dma_wait3A_224 = tpu.memref_slice %arg4[%mul3A_2, %dma_wait3A_223] : memref<16384x32xf32, #tpu.memory_space<hbm>> -> memref<512x32xf32, #tpu.memory_space<hbm>>
      tpu.wait_dma2 semaphore(%run_scoped3A_217 : memref<!tpu.dma_semaphore, #tpu.memory_space<semaphore_mem>>) src(%arg7 : memref<512x32xf32, #tpu.memory_space<vmem>>) dst(%dma_wait3A_224 : memref<512x32xf32, #tpu.memory_space<hbm>>)
      tpu.yield
    }) : () -> ()
    return
  }
}

module attributes {stable_mosaic.version = 14 : i64} {
  func.func @_mlp_body(%arg0: memref<16384x32xf32, #tpu.memory_space<vmem>>, %arg1: memref<32x64xf32, #tpu.memory_space<vmem>>, %arg2: memref<1x64xf32, #tpu.memory_space<vmem>>, %arg3: memref<64x1xf32, #tpu.memory_space<vmem>>, %arg4: memref<1x1xf32, #tpu.memory_space<vmem>>, %arg5: memref<16384x1xf32, #tpu.memory_space<vmem>>) attributes {dimension_semantics = [], scalar_prefetch = 0 : i64, scratch_operands = 0 : i64, tpu.core_type = #tpu.core_type<tc>} {
    %get3A = arith.constant 0 : index
    %get3A_0 = arith.constant 0 : index
    %get3A_1 = vector.load %arg0[%get3A, %get3A_0] : memref<16384x32xf32, #tpu.memory_space<vmem>>, vector<16384x32xf32>
    %mul3A = arith.constant 5.000000e-03 : f32
    %mul3A_2 = vector.broadcast %mul3A : f32 to vector<16384x32xf32>
    %mul3A_3 = arith.mulf %get3A_1, %mul3A_2 : vector<16384x32xf32>
    %get3A_4 = arith.constant 0 : index
    %get3A_5 = arith.constant 0 : index
    %get3A_6 = vector.load %arg1[%get3A_4, %get3A_5] : memref<32x64xf32, #tpu.memory_space<vmem>>, vector<32x64xf32>
    %dot_general3A = arith.constant dense<0.000000e+00> : vector<16384x64xf32>
    %dot_general3A_7 = tpu.matmul %mul3A_3, %get3A_6, %dot_general3A {dimension_numbers = #tpu.dot_dimension_numbers<[1], [0], [0], [1], [0, 0, 1, 1], [], []>, transpose_lhs_hint = false} : vector<16384x32xf32>, vector<32x64xf32>, vector<16384x64xf32> -> vector<16384x64xf32>
    %get3A_8 = arith.constant 0 : index
    %get3A_9 = arith.constant 0 : index
    %get3A_10 = vector.load %arg2[%get3A_8, %get3A_9] : memref<1x64xf32, #tpu.memory_space<vmem>>, vector<1x64xf32>
    %add3A = vector.broadcast %get3A_10 : vector<1x64xf32> to vector<16384x64xf32>
    %add3A_11 = arith.addf %dot_general3A_7, %add3A : vector<16384x64xf32>
    %max3A = arith.constant 0.000000e+00 : f32
    %max3A_12 = vector.broadcast %max3A : f32 to vector<16384x64xf32>
    %max3A_13 = arith.maximumf %add3A_11, %max3A_12 : vector<16384x64xf32>
    %get3A_14 = arith.constant 0 : index
    %get3A_15 = arith.constant 0 : index
    %get3A_16 = vector.load %arg3[%get3A_14, %get3A_15] : memref<64x1xf32, #tpu.memory_space<vmem>>, vector<64x1xf32>
    %dot_general3A_17 = arith.constant dense<0.000000e+00> : vector<16384x1xf32>
    %dot_general3A_18 = tpu.matmul %max3A_13, %get3A_16, %dot_general3A_17 {dimension_numbers = #tpu.dot_dimension_numbers<[1], [0], [0], [1], [0, 0, 1, 1], [], []>, transpose_lhs_hint = false} : vector<16384x64xf32>, vector<64x1xf32>, vector<16384x1xf32> -> vector<16384x1xf32>
    %get3A_19 = arith.constant 0 : index
    %get3A_20 = arith.constant 0 : index
    %get3A_21 = vector.load %arg4[%get3A_19, %get3A_20] : memref<1x1xf32, #tpu.memory_space<vmem>>, vector<1x1xf32>
    %add3A_22 = vector.broadcast %get3A_21 : vector<1x1xf32> to vector<16384x1xf32>
    %add3A_23 = arith.addf %dot_general3A_18, %add3A_22 : vector<16384x1xf32>
    %swap3A = arith.constant 0 : index
    %swap3A_24 = arith.constant 0 : index
    %swap3A_25 = vector.load %arg5[%swap3A, %swap3A_24] : memref<16384x1xf32, #tpu.memory_space<vmem>>, vector<16384x1xf32>
    tpu.vector_store %arg5[%swap3A, %swap3A_24], %add3A_23 {strides = array<i32>} : memref<16384x1xf32, #tpu.memory_space<vmem>>, vector<16384x1xf32>,
    return
  }
}

</mosaic_0001>

<sc_bundles>
// kernel: sc_embed_pool.3.cloned.1.call-start
scs
__scs_entry_jumppad:
0x0: {  	(pc) =	sbr.rel $0x88, $3  }
0x1: {  	(tag) =	ssettag $0x0;
	lr =	simm.s32 $0x1  }
0x2: {  	[smem:$0x3F9B] =	sst lr;
	_ =	strace $0xD0000000  }
0x3: {  	_ = 	snop  }
0x4: {  	_ = 	snop  }
0x5: {  	_ = 	snop  }
0x6: {  	_ = 	snop  }
0x7: {  	_ = 	snop  }
__scs_overlays_trampoline_lowered:
0x8: {  	[smem:$0x3FAA] =	sst s0  }
0x9: {  	[smem:$0x3FAB] =	sst s1  }
0xa: {  	[smem:$0x3FAC] =	sst s2  }
0xb: {  	[smem:$0x3FAD] =	sst s3  }
0xc: {  	[smem:$0x3FAE] =	sst s4  }
0xd: {  	[smem:$0x3FAF] =	sst s5  }
0xe: {  	[smem:$0x3FB0] =	sst s6  }
0xf: {  	[smem:$0x3FB1] =	sst s7  }
0x10: {  	[smem:$0x3FB2] =	sst s8  }
0x11: {  	[smem:$0x3FB3] =	sst s9;
	s0 =	simm.s32 @!p0 $0x0  }
0x12: {  	s1 =	sld [smem:$0x3F99];
	s0 =	simm.s32 @p0 $0x1  }
0x13: {  	[smem:$0x3FB4] =	sst s0;
	s0 =	simm.s32 @!p1 $0x0  }
0x14: {  	s2 =	sld [smem:$0x3F98];
	s0 =	simm.s32 @p1 $0x1  }
0x15: {  	[smem:$0x3FB5] =	sst s0;
	s0 =	simm.s32 @!p2 $0x0  }
0x16: {  	s3 =	sld [smem:$0x3FDB];
	s0 =	simm.s32 @p2 $0x1  }
0x17: {  	s4 =	simm.s32 $0x1BF5;
	[smem:$0x3FB7] =	sst s0  }
0x18: {  	s0 =	sld [smem:$0x3F9A];
	_ =	swait.ge [sflag:s4], $0x0  }
0x19: {  	s7 =	sld [smem:$0x3F9B]  }
0x1a: {  	s8 =	sadd.s32 $0xFFFFE003, lr  }
0x1b: {  	s9 =	sadd.s32 $0xFFFFFEF7, lr;
	s5 =	simm.s32 $0xFFFFFFFF;
	p2 =	slt.u32 s8, $0xFFFFF086  }
0x1c: {  	p1 =	slt.u32 s9, $0xF7A;
	s5 =	simm.s32 @!p2 $0x0  }
0x1d: {  	s5 =	simm.s32 @p1 $0x1;
	p0 =	seq.s32 s7, s2  }
0x1e: {  	s7 =	smul.u32 @!p0 $0xF7A, s2;
	p2 =	seq.s32 @!p0 s5, $0x0  }
0x1f: {  	s9 =	smul.u32 $0xF7A, s1;
	s8 =	simm.s32 @!p0 $0x1BF5;
	p2 =	por !p2, p0  }
0x20: {  	[sflag:s8] =	ssyncset.s32 @!p0 $0xFFFFF086;
	s6 =	sadd.s32 @!p0 s3, s7;
	s7 =	simm.s32 @!p0 $0x108  }
0x21: {  	s3 =	sadd.s32 s3, s9;
	s6 =	sadd.s32 @!p0 $0x88, s6;
	s7 =	simm.s32 @p2 $0x1082  }
0x22: {  	[simem:s7], [sflag:s8] =	dma.local @!p0 [hbm:s6], $0xF7A  }
0x23: {  	s9 =	sor.u32 $0xD0000000, s2;
	s6 =	simm.s32 $0x108;
	_ =	swait.ge @!p0 [sflag:s8], $0x0  }
0x24: {  	s3 =	sadd.s32 $0x88, s3;
	s6 =	simm.s32 @!p1 $0x1082;
	[sflag:s4] =	ssyncset.s32 $0xFFFFF086  }
0x25: {  	[simem:s6], [sflag:s4] =	dma.local [hbm:s3], $0xF7A  }
0x26: {  	[smem:$0x3F9B] =	sst s1;
	(tag) =	ssettag s2;
	_ =	strace s9  }
0x27: {  	s1 =	sld [smem:$0x3FAB]  }
0x28: {  	s2 =	sld [smem:$0x3FAC]  }
0x29: {  	s4 =	sld [smem:$0x3FAE]  }
0x2a: {  	p0 =	seq.s32 s5, $0x0;
	s5 =	sld [smem:$0x3FAF]  }
0x2b: {  	s6 =	sld [smem:$0x3FB0]  }
0x2c: {  	s7 =	sld [smem:$0x3FB1]  }
0x2d: {  	s3 =	simm.s32 $0x108;
	s8 =	sld [smem:$0x3FB2]  }
0x2e: {  	s3 =	simm.s32 @!p0 $0x1082;
	s9 =	sld [smem:$0x3FB3]  }
0x2f: {  	lr =	sadd.s32 s0, s3;
	s0 =	sld [smem:$0x3FAA]  }
0x30: {  	s3 =	sld [smem:$0x3FAD]  }
0x31: {  	[smem:$0x3FB6] =	sst s10  }
0x32: {  	s10 =	sld [smem:$0x3FB4];
	_ =	sdelay $0x3  }
0x33: {  	p0 =	seq.s32 s10, $0x1;
	s10 =	sld [smem:$0x3FB6];
	_ =	sdelay $0x3  }
0x34: {  	[smem:$0x3FB6] =	sst s10  }
0x35: {  	s10 =	sld [smem:$0x3FB5];
	_ =	sdelay $0x3  }
0x36: {  	p1 =	seq.s32 s10, $0x1;
	s10 =	sld [smem:$0x3FB6];
	_ =	sdelay $0x3  }
0x37: {  	[smem:$0x3FB6] =	sst s10  }
0x38: {  	s10 =	sld [smem:$0x3FB7]  }
0x39: {  	_ = 	snop;
	(pc) =	sbr.ind lr, $3  }
0x3a: {  	_ = 	snop  }
0x3b: {  	_ = 	snop  }
0x3c: {  	p2 =	seq.s32 s10, $0x1;
	s10 =	sld [smem:$0x3FB6]  }
0x3d: {  	_ =	shalt  }
0x3e: {  	_ =	shalt  }
0x3f: {  	_ =	shalt  }
0x40: {  	_ =	shalt  }
0x41: {  	_ =	shalt  }
0x42: {  	_ =	shalt  }
0x43: {  	_ =	shalt  }
0x44: {  	_ =	shalt  }
0x45: {  	_ =	shalt  }
0x46: {  	_ =	shalt  }
0x47: {  	_ =	shalt  }
0x48: {  	_ =	shalt  }
0x49: {  	_ =	shalt  }
0x4a: {  	_ =	shalt  }
0x4b: {  	_ =	shalt  }
0x4c: {  	_ =	shalt  }
0x4d: {  	_ =	shalt  }
0x4e: {  	_ =	shalt  }
0x4f: {  	_ =	shalt  }
0x50: {  	_ =	shalt  }
0x51: {  	_ =	shalt  }
0x52: {  	_ =	shalt  }
0x53: {  	_ =	shalt  }
0x54: {  	_ =	shalt  }
0x55: {  	_ =	shalt  }
0x56: {  	_ =	shalt  }
0x57: {  	_ =	shalt  }
0x58: {  	_ =	shalt  }
0x59: {  	_ =	shalt  }
0x5a: {  	_ =	shalt  }
0x5b: {  	_ =	shalt  }
0x5c: {  	_ =	shalt  }
0x5d: {  	_ =	shalt  }
0x5e: {  	_ =	shalt  }
0x5f: {  	_ =	shalt  }
0x60: {  	_ =	shalt  }
0x61: {  	_ =	shalt  }
0x62: {  	_ =	shalt  }
0x63: {  	_ =	shalt  }
0x64: {  	_ =	shalt  }
0x65: {  	_ =	shalt  }
0x66: {  	_ =	shalt  }
0x67: {  	_ =	shalt  }
0x68: {  	_ =	shalt  }
0x69: {  	_ =	shalt  }
0x6a: {  	_ =	shalt  }
0x6b: {  	_ =	shalt  }
0x6c: {  	_ =	shalt  }
0x6d: {  	_ =	shalt  }
0x6e: {  	_ =	shalt  }
0x6f: {  	_ =	shalt  }
0x70: {  	_ =	shalt  }
0x71: {  	_ =	shalt  }
0x72: {  	_ =	shalt  }
0x73: {  	_ =	shalt  }
0x74: {  	_ =	shalt  }
0x75: {  	_ =	shalt  }
0x76: {  	_ =	shalt  }
0x77: {  	_ =	shalt  }
0x78: {  	_ =	shalt  }
0x79: {  	_ =	shalt  }
0x7a: {  	_ =	shalt  }
0x7b: {  	_ =	shalt  }
0x7c: {  	_ =	shalt  }
0x7d: {  	_ =	shalt  }
0x7e: {  	_ =	shalt  }
0x7f: {  	_ =	shalt  }
0x80: {  	_ =	shalt  }
0x81: {  	_ =	shalt  }
0x82: {  	_ =	shalt  }
0x83: {  	_ =	shalt  }
0x84: {  	_ =	shalt  }
0x85: {  	_ =	shalt  }
0x86: {  	_ =	shalt  }
0x87: {  	_ =	shalt  }
.Lfunc_end0:
.L_simem_size_0:
called_computation_lowered:
.L_overlay_start_0:
0x88: {  	s2 =	sld [smem:$0x3FD9]  }
0x89: {  	s3 =	sld [smem:$0x3FFE];
	_ =	sdelay $0x1  }
0x8a: {  	s1 =	srdreg.scid  }
0x8b: {  	s0 =	sand.u32 $0x1, s1  }
0x8c: {  	s16 =	sshll.u32 s0, $0xA;
	s2 =	sadd.s32 s3, s2  }
0x8d: {  	s2 =	sadd.s32 s2, s16  }
0x8e: {  	[smem:$0x3FC2] =	sst s2  }
0x8f: {  	_ = 	snop  }
0x90: {  	(tm) =	ssettm $0x1  }
0x91: {  	s17 =	sld [smem:$0x3FFB];
	_ =	sdelay $0x3  }
0x92: {  	_ =	strace s17  }
0x93: {  	s2 =	sld [smem:$0x3FFC];
	_ =	sdelay $0x3  }
0x94: {  	_ =	strace s2  }
0x95: {  	s2 =	sld [smem:$0x3FFD];
	_ =	sdelay $0x3  }
0x96: {  	_ =	strace s2  }
0x97: {  	_ =	strace $0x8FFFFFFF  }
0x98: {  	s18 =	sld [smem:$0x3FDB];
	_ =	sdelay $0x1  }
0x99: {  	s19 =	simm.s32 $_scs_section_size  }
0x9a: {  	s4 =	simm.s32 $_size__tile_overlayer_lowered;
	s5 =	simm.s32 $_tile_overlayer_lowered  }
0x9b: {  	s22 =	simm.s32 $0x1BFF;
	s21 =	sshll.u32 s5, $0x1;
	s2 =	sadd.s32 s19, s18  }
0x9c: {  	s6 =	simm.s32 $0x0;
	s20 =	sshll.u32 s4, $0x1;
	s4 =	sadd.s32 s21, s2  }
0x9d: {  	[timem:s6], [sflag:s22] =	dma.local [hbm:s4], s20  }
0x9e: {  	_ =	swait.ge [sflag:s22], s20  }
0x9f: {  	s3 =	ssub.s32 $0x0, s20;
	[sflag:s22] =	ssyncset.done $0x0  }
0xa0: {  	[sflag:s22] =	ssyncadd.s32 s3;
	_ =	sdelay $0x1  }
0xa1: {  	s23 =	simm.s32 $0x1B8B  }
0xa2: {  	_ =	swait.ge [sflag:s23], $0x1  }
0xa3: {  	[sflag:s23] =	ssyncset.done $0x0  }
0xa4: {  	s25 =	simm.s32 $0x1B8E;
	s24 =	sld [smem:$0x3FFE];
	[sflag:s23] =	ssyncadd.s32 $0xFFFFFFFF  }
0xa5: {  	s26 =	simm.s32 $execute0_lowered;
	[smem:$0x3FD2] =	sst s25  }
0xa6: {  	s4 =	sshll.u32 s26, $0x1;
	_ =	strace $0x80000046;
	[dreg:$0x1] =	wrdreg $0xFFFFFFFF  }
0xa7: {  	s28 =	simm.s32 $_size_execute0_lowered;
	s2 =	sadd.s32 s2, s4;
	[dreg:$0x0] =	wrdreg $0x0  }
0xa8: {  	s4 =	sshll.u32 s28, $0x1;
	[dreg:$0x2] =	wrdreg s2  }
0xa9: {  	[dreg:$0x3] =	wrdreg s4  }
0xaa: {  	[dreg:$0x4] =	wrdreg $0xC0  }
0xab: {  	_ =	task [dreg:s6], $0x5FFFF  }
0xac: {  	[dreg:$0x1] =	wrdreg $0xFFFFFFFF  }
0xad: {  	[dreg:$0x0] =	wrdreg $0x60  }
0xae: {  	[dreg:$0x2] =	wrdreg s24  }
0xaf: {  	[dreg:$0x3] =	wrdreg $0x9  }
0xb0: {  	_ =	task.clear_ibuf [dreg:s6], $0x4FFFF;
	_ =	strace $0x90000046  }
0xb1: {  	s29 =	simm.s32 $0x9;
	_ =	strace $0x80000048  }
0xb2: {  	_ =	swait.ge [sflag:s29], $0x1  }
0xb3: {  	[sflag:s29] =	ssyncadd.s32 $0xFFFFFFFF  }
0xb4: {  	_ =	strace $0x90000048  }
0xb5: {  	_ =	sfence  }
0xb6: {  	s30 =	sld [smem:$0x0];
	_ =	sdelay $0x2  }
0xb7: {  	s31 =	sshll.u32 s1, $0xD;
	s1 =	sshrl.u32 s1, $0x2  }
0xb8: {  	s3 =	sand.u32 $0x4000, s31;
	s1 =	sadd.s32 s1, s30  }
0xb9: {  	s0 =	sor.u32 s3, s0;
	s1 =	sshll.u32 s1, $0x11  }
0xba: {  	s0 =	sor.u32 s1, s0  }
0xbb: {  	s0 =	sadd.s32 $0x8F2B, s0  }
0xbc: {  	[sflag:s0] =	ssyncadd.remote.s32 $0x1  }
0xbd: {  	_ =	sfence.sel $0xFFFF  }
0xbe: {  	[dreg:$0x0] =	wrdreg $0xFFFFFFFF;
	(pc) =	sbr.abs _section_cstart, $3  }
0xbf: {  	[dreg:$0x1] =	wrdreg $0xFFFFFFFF  }
0xc0: {  	_ =	task.clear_ibuf [dreg:s6], $0x2FFFF;
	_ =	strace $0x9FFFFFFF  }
0xc1: {  	(tm) =	ssettm $0x7FFFFFFF  }
tec
execute0_lowered:
.L_overlay_start_1:
0x0: {  	(tag) =	ssettag $0x1  }
0x1: {  	s0 =	rddreg [dreg:$0x0]  }
0x2: {  	s1 =	srdreg.scid;
	s14 =	simm.s32 $0x0;
	s2 =	stileid.u32  }
0x3: {  	s10 =	simm.s32 $0x3;
	s11 =	simm.s32 $0x80;
	s13 =	simm.s32 $0x48  }
0x4: {  	s23 =	simm.s32 $0x640;
	s21 =	simm.s32 $0x9E0;
	s22 =	simm.s32 $0x14880  }
0x5: {  	s8 =	simm.s32 $0x15180;
	s9 =	simm.s32 $0xAA8;
	s24 =	simm.s32 $0xAF0  }
0x6: {  	s25 =	simm.s32 $0x16A80;
	s28 =	simm.s32 $0x17A80;
	s29 =	simm.s32 $0xBB8  }
0x7: {  	s30 =	simm.s32 $0x18380;
	s31 =	simm.s32 $0xC38;
	s12 =	simm.s32 $0x2  }
0x8: {  	s16 =	simm.s32 $0x0;
	s1 =	sand.u32 $0x1, s1;
	[smem:$0x7FF] =	sst s14  }
0x9: {  	s2 =	sshll.u32 s2, $0xA;
	s4 =	sadd.s32 $0xC00, s0;
	s3 =	sshll.u32 s1, $0x9  }
0xa: {  	s5 =	sadd.s32 $0xF43000, s0;
	s1 =	ssub.s32 $0x2, s1;
	s3 =	sor.u32 s3, s2  }
0xb: {  	_ =	strace $0x80000047;
	s7 =	sshrl.u32 s1, $0x1;
	s2 =	smul.u32 $0x19, s3  }
0xc: {  	s6 =	sshll.u32 s3, $0x2;
	s1 =	ssub.s32 s1, s7;
	s7 =	sor.u32 $0x10, s3  }
0xd: {  	s0 =	sadd.s32 s6, s0;
	s26 =	smax.u32 s1, $0x1;
	s6 =	simm.s32 $0xA28  }
0xe: {  	s1 =	simm.s32 $0x1;
	s2 =	sadd.s32 s4, s2;
	[dreg:$0x4] =	wrdreg s26  }
0xf: {  	s0 =	sadd.s32 $0x64C00, s0;
	s26 =	simm.s32 $0xB70;
	[dreg:$0x2] =	wrdreg s2  }
0x10: {  	[dreg:$0x3] =	wrdreg s0;
	s2 =	simm.s32 $0x16180;
	s0 =	simm.s32 $0x19380  }
.LBB2_1:
0x11: {  	[dreg:$0x5] =	wrdreg s16  }
0x12: {  	s15 =	rddreg [dreg:$0x2]  }
0x13: {  	[tilespmem:s14], [sflag:$0x3] =	stream.linear.gather [hbm4b:s15+s14], $0x640, $0x38;
	[tilespmem:$0x1DC80] =	vst v63  }
0x14: {  	_ =	swait.ge [sflag:s10], $0x640  }
0x15: {  	[sflag:s10] =	ssyncset.done $0x0  }
0x16: {  	s20 =	simm.s32 $0xC80;
	[sflag:s10] =	ssyncadd.s32 $0xFFFFF9C0  }
0x17: {  	[tilespmem:s20], [sflag:$0x1] =	stream.indirect.gather [hbm4b:s5+s11], $0x20, s14, s11, $0xb8;
	[tilespmem:$0x1DC80] =	vst v63  }
0x18: {  	s16 =	simm.s32 $0x1C80  }
0x19: {  	[tilespmem:s16], [sflag:$0x1] =	stream.indirect.gather [hbm4b:s5+s13], $0x20, s11, s13, $0xb8;
	[tilespmem:$0x1DC80] =	vst v63  }
0x1a: {  	s17 =	simm.s32 $0xC8;
	s18 =	simm.s32 $0x2580  }
0x1b: {  	[tilespmem:s18], [sflag:$0x1] =	stream.indirect.gather [hbm4b:s5+s11], $0x20, s17, s11, $0xb8;
	[tilespmem:$0x1DC80] =	vst v63  }
0x1c: {  	s19 =	simm.s32 $0x148;
	s20 =	simm.s32 $0x3580  }
0x1d: {  	[tilespmem:s20], [sflag:$0x1] =	stream.indirect.gather [hbm4b:s5+s13], $0x20, s19, s13, $0xb8;
	[tilespmem:$0x1DC80] =	vst v63  }
0x1e: {  	s15 =	simm.s32 $0x190;
	s16 =	simm.s32 $0x3E80  }
0x1f: {  	[tilespmem:s16], [sflag:$0x1] =	stream.indirect.gather [hbm4b:s5+s11], $0x20, s15, s11, $0xb8;
	[tilespmem:$0x1DC80] =	vst v63  }
0x20: {  	s17 =	simm.s32 $0x210;
	s18 =	simm.s32 $0x4E80  }
0x21: {  	[tilespmem:s18], [sflag:$0x1] =	stream.indirect.gather [hbm4b:s5+s13], $0x20, s17, s13, $0xb8;
	[tilespmem:$0x1DC80] =	vst v63  }
0x22: {  	s19 =	simm.s32 $0x258;
	s20 =	simm.s32 $0x5780  }
0x23: {  	[tilespmem:s20], [sflag:$0x1] =	stream.indirect.gather [hbm4b:s5+s11], $0x20, s19, s11, $0xb8;
	[tilespmem:$0x1DC80] =	vst v63  }
0x24: {  	s15 =	simm.s32 $0x2D8;
	s16 =	simm.s32 $0x6780  }
0x25: {  	[tilespmem:s16], [sflag:$0x1] =	stream.indirect.gather [hbm4b:s5+s13], $0x20, s15, s13, $0xb8;
	[tilespmem:$0x1DC80] =	vst v63  }
0x26: {  	s17 =	simm.s32 $0x320;
	s18 =	simm.s32 $0x7080  }
0x27: {  	[tilespmem:s18], [sflag:$0x1] =	stream.indirect.gather [hbm4b:s5+s11], $0x20, s17, s11, $0xb8;
	[tilespmem:$0x1DC80] =	vst v63  }
0x28: {  	s19 =	simm.s32 $0x3A0;
	s20 =	simm.s32 $0x8080  }
0x29: {  	[tilespmem:s20], [sflag:$0x1] =	stream.indirect.gather [hbm4b:s5+s13], $0x20, s19, s13, $0xb8;
	[tilespmem:$0x1DC80] =	vst v63  }
0x2a: {  	s15 =	simm.s32 $0x3E8;
	s16 =	simm.s32 $0x8980  }
0x2b: {  	[tilespmem:s16], [sflag:$0x1] =	stream.indirect.gather [hbm4b:s5+s11], $0x20, s15, s11, $0xb8;
	[tilespmem:$0x1DC80] =	vst v63  }
0x2c: {  	s17 =	simm.s32 $0x468;
	s18 =	simm.s32 $0x9980  }
0x2d: {  	[tilespmem:s18], [sflag:$0x1] =	stream.indirect.gather [hbm4b:s5+s13], $0x20, s17, s13, $0xb8;
	[tilespmem:$0x1DC80] =	vst v63  }
0x2e: {  	s19 =	simm.s32 $0x4B0;
	s20 =	simm.s32 $0xA280  }
0x2f: {  	[tilespmem:s20], [sflag:$0x1] =	stream.indirect.gather [hbm4b:s5+s11], $0x20, s19, s11, $0xb8;
	[tilespmem:$0x1DC80] =	vst v63  }
0x30: {  	s15 =	simm.s32 $0x530;
	s16 =	simm.s32 $0xB280  }
0x31: {  	[tilespmem:s16], [sflag:$0x1] =	stream.indirect.gather [hbm4b:s5+s13], $0x20, s15, s13, $0xb8;
	[tilespmem:$0x1DC80] =	vst v63  }
0x32: {  	s17 =	simm.s32 $0x578;
	s18 =	simm.s32 $0xBB80  }
0x33: {  	[tilespmem:s18], [sflag:$0x1] =	stream.indirect.gather [hbm4b:s5+s11], $0x20, s17, s11, $0xb8;
	[tilespmem:$0x1DC80] =	vst v63  }
0x34: {  	s14 =	simm.s32 $0x0;
	s19 =	simm.s32 $0x5F8;
	s20 =	simm.s32 $0xCB80  }
0x35: {  	[tilespmem:s20], [sflag:$0x1] =	stream.indirect.gather [hbm4b:s5+s13], $0x20, s19, s13, $0xb8;
	[tilespmem:$0x1DC80] =	vst v63  }
.LBB2_2:
0x36: {  	s17 =	sshll.u32 s14, $0x4  }
0x37: {  	s16 =	sor.u32 $0x8, s17  }
0x38: {  	s15 =	sadd.s32 s3, s16  }
0x39: {  	s15 =	smul.u32 $0x19, s15;
	_ =	sdelay $0x1  }
0x3a: {  	s18 =	simm.s32 $0x0;
	s15 =	sadd.s32 s4, s15  }
0x3b: {  	[tilespmem:s23], [sflag:$0x3] =	stream.linear.gather [hbm4b:s15+s18], $0x640, $0x38;
	[tilespmem:$0x1DC80] =	vst v63  }
0x3c: {  	_ =	swait.ge [sflag:s10], $0x640  }
0x3d: {  	[sflag:s10] =	ssyncset.done $0x0  }
0x3e: {  	s18 =	simm.s32 $0xD480;
	[sflag:s10] =	ssyncadd.s32 $0xFFFFF9C0  }
0x3f: {  	[tilespmem:s18], [sflag:$0x2] =	stream.indirect.gather [hbm4b:s5+s11], $0x20, s23, s11, $0xb8;
	[tilespmem:$0x1DC80] =	vst v63  }
0x40: {  	s19 =	simm.s32 $0x6C0;
	s20 =	simm.s32 $0xE480  }
0x41: {  	[tilespmem:s20], [sflag:$0x2] =	stream.indirect.gather [hbm4b:s5+s13], $0x20, s19, s13, $0xb8;
	[tilespmem:$0x1DC80] =	vst v63  }
0x42: {  	s19 =	simm.s32 $0x708;
	s20 =	simm.s32 $0xED80  }
0x43: {  	[tilespmem:s20], [sflag:$0x2] =	stream.indirect.gather [hbm4b:s5+s11], $0x20, s19, s11, $0xb8;
	[tilespmem:$0x1DC80] =	vst v63  }
0x44: {  	s19 =	simm.s32 $0x788;
	s20 =	simm.s32 $0xFD80  }
0x45: {  	[tilespmem:s20], [sflag:$0x2] =	stream.indirect.gather [hbm4b:s5+s13], $0x20, s19, s13, $0xb8;
	[tilespmem:$0x1DC80] =	vst v63  }
0x46: {  	s19 =	simm.s32 $0x7D0;
	s20 =	simm.s32 $0x10680  }
0x47: {  	[tilespmem:s20], [sflag:$0x2] =	stream.indirect.gather [hbm4b:s5+s11], $0x20, s19, s11, $0xb8;
	[tilespmem:$0x1DC80] =	vst v63  }
0x48: {  	s19 =	simm.s32 $0x850;
	s20 =	simm.s32 $0x11680  }
0x49: {  	[tilespmem:s20], [sflag:$0x2] =	stream.indirect.gather [hbm4b:s5+s13], $0x20, s19, s13, $0xb8;
	[tilespmem:$0x1DC80] =	vst v63  }
0x4a: {  	s19 =	simm.s32 $0x898;
	s20 =	simm.s32 $0x11F80  }
0x4b: {  	[tilespmem:s20], [sflag:$0x2] =	stream.indirect.gather [hbm4b:s5+s11], $0x20, s19, s11, $0xb8;
	[tilespmem:$0x1DC80] =	vst v63  }
0x4c: {  	s19 =	simm.s32 $0x918;
	s20 =	simm.s32 $0x12F80  }
0x4d: {  	[tilespmem:s20], [sflag:$0x2] =	stream.indirect.gather [hbm4b:s5+s13], $0x20, s19, s13, $0xb8;
	[tilespmem:$0x1DC80] =	vst v63  }
0x4e: {  	s19 =	simm.s32 $0x960;
	s20 =	simm.s32 $0x13880  }
0x4f: {  	[tilespmem:s20], [sflag:$0x2] =	stream.indirect.gather [hbm4b:s5+s11], $0x20, s19, s11, $0xb8;
	[tilespmem:$0x1DC80] =	vst v63  }
0x50: {  	_ = 	snop  }
0x51: {  	[tilespmem:s22], [sflag:$0x2] =	stream.indirect.gather [hbm4b:s5+s13], $0x20, s21, s13, $0xb8;
	[tilespmem:$0x1DC80] =	vst v63  }
0x52: {  	_ = 	snop  }
0x53: {  	[tilespmem:s8], [sflag:$0x2] =	stream.indirect.gather [hbm4b:s5+s11], $0x20, s6, s11, $0xb8;
	[tilespmem:$0x1DC80] =	vst v63  }
0x54: {  	_ = 	snop  }
0x55: {  	[tilespmem:s2], [sflag:$0x2] =	stream.indirect.gather [hbm4b:s5+s13], $0x20, s9, s13, $0xb8;
	[tilespmem:$0x1DC80] =	vst v63  }
0x56: {  	_ = 	snop  }
0x57: {  	[tilespmem:s25], [sflag:$0x2] =	stream.indirect.gather [hbm4b:s5+s11], $0x20, s24, s11, $0xb8;
	[tilespmem:$0x1DC80] =	vst v63  }
0x58: {  	_ = 	snop  }
0x59: {  	[tilespmem:s28], [sflag:$0x2] =	stream.indirect.gather [hbm4b:s5+s13], $0x20, s26, s13, $0xb8;
	[tilespmem:$0x1DC80] =	vst v63  }
0x5a: {  	_ = 	snop  }
0x5b: {  	[tilespmem:s30], [sflag:$0x2] =	stream.indirect.gather [hbm4b:s5+s11], $0x20, s29, s11, $0xb8;
	[tilespmem:$0x1DC80] =	vst v63  }
0x5c: {  	_ = 	snop  }
0x5d: {  	[tilespmem:s0], [sflag:$0x2] =	stream.indirect.gather [hbm4b:s5+s13], $0x20, s31, s13, $0xb8;
	[tilespmem:$0x1DC80] =	vst v63  }
0x5e: {  	_ =	swait.ge [sflag:s1], $0xC800  }
0x5f: {  	[sflag:s1] =	ssyncset.done $0x0  }
0x60: {  	s15 =	simm.s32 $0x0;
	[sflag:s1] =	ssyncadd.s32 $0xFFFF3800  }
0x61: {  	v0 =	vld [tilespmem:s15+$0xD40]  }
0x62: {  	v1 =	vld [tilespmem:s15+$0xD50]  }
0x63: {  	v2 =	vld [tilespmem:s15+$0xD00]  }
0x64: {  	v3 =	vld [tilespmem:s15+$0xD10]  }
0x65: {  	v4 =	vld [tilespmem:s15+$0xCC0]  }
0x66: {  	v5 =	vld [tilespmem:s15+$0xCD0]  }
0x67: {  	v10 =	vld [tilespmem:s15+$0xC80]  }
0x68: {  	v6 =	vimm.f32 $0.0e+00;
	v11 =	vld [tilespmem:s15+$0xC90]  }
0x69: {  	v7 =	vimm.f32 $0.0e+00;
	v9 =	vimm.f32 $0.0e+00;
	v8 =	vimm.f32 $0.0e+00;
	s18 =	simm.s32 $0x400;
	v12 =	vld [tilespmem:s15+$0xCA0]  }
.LBB2_3:
0x6a: {  	p0 =	sne.s32 s18, $0x6000;
	v13 =	vld [tilespmem:s15+$0xCB0]  }
0x6b: {  	v14 =	vld [tilespmem:s15+$0xCE0]  }
0x6c: {  	v15 =	vld [tilespmem:s15+$0xCF0]  }
0x6d: {  	v16 =	vld [tilespmem:s15+$0xD20]  }
0x6e: {  	v6 =	vadd.f32 v10, v6;
	v7 =	vadd.f32 v11, v7;
	v10 =	vld [tilespmem:s15+$0xD30]  }
0x6f: {  	v9 =	vadd.f32 v12, v9;
	v8 =	vadd.f32 v13, v8;
	v11 =	vld [tilespmem:s15+$0xD60]  }
0x70: {  	v4 =	vadd.f32 v4, v6;
	v5 =	vadd.f32 v5, v7;
	v12 =	vld [tilespmem:s15+$0xD70];
	s15 =	sshra.s32 s18, $0x2  }
0x71: {  	v6 =	vadd.f32 v14, v9;
	v13 =	vld [tilespmem:s15+$0xD40];
	v7 =	vadd.f32 v15, v8  }
0x72: {  	v4 =	vadd.f32 v2, v4;
	v5 =	vadd.f32 v3, v5;
	v14 =	vld [tilespmem:s15+$0xD50]  }
0x73: {  	v8 =	vadd.f32 v16, v6;
	v2 =	vld [tilespmem:s15+$0xD00];
	v10 =	vadd.f32 v10, v7  }
0x74: {  	v6 =	vadd.f32 v0, v4;
	v7 =	vadd.f32 v1, v5;
	v3 =	vld [tilespmem:s15+$0xD10]  }
.Ltmp0:
0x75: {  	v9 =	vadd.f32 v11, v8;
	v4 =	vld [tilespmem:s15+$0xCC0];
	v8 =	vadd.f32 v12, v10;
	(pc) =	sbr.rel @p0 .LBB2_3-.Ltmp0, $4  }
0x76: {  	v5 =	vld [tilespmem:s15+$0xCD0];
	v0 =	vmov v13  }
0x77: {  	v10 =	vld [tilespmem:s15+$0xC80];
	v1 =	vmov v14  }
0x78: {  	v11 =	vld [tilespmem:s15+$0xC90]  }
0x79: {  	s18 =	sadd.s32 $0x400, s18;
	v12 =	vld [tilespmem:s15+$0xCA0]  }
0x7a: {  	v13 =	vld [tilespmem:s15+$0xCB0]  }
0x7b: {  	v14 =	vld [tilespmem:s15+$0xCE0]  }
0x7c: {  	v15 =	vld [tilespmem:s15+$0xCF0]  }
0x7d: {  	v16 =	vld [tilespmem:s15+$0xD20]  }
0x7e: {  	v6 =	vadd.f32 v10, v6;
	v10 =	vld [tilespmem:s15+$0xD30];
	v9 =	vadd.f32 v12, v9  }
0x7f: {  	v7 =	vadd.f32 v11, v7;
	v11 =	vld [tilespmem:s15+$0xD60];
	v8 =	vadd.f32 v13, v8  }
0x80: {  	v4 =	vadd.f32 v4, v6;
	v6 =	vld [tilespmem:s15+$0xD70];
	v9 =	vadd.f32 v14, v9  }
0x81: {  	v5 =	vadd.f32 v5, v7;
	v7 =	vadd.f32 v15, v8  }
0x82: {  	v2 =	vadd.f32 v2, v4;
	v4 =	vadd.f32 v16, v9  }
0x83: {  	v3 =	vadd.f32 v3, v5;
	v5 =	vadd.f32 v10, v7  }
0x84: {  	v0 =	vadd.f32 v0, v2;
	v2 =	vadd.f32 v11, v4  }
0x85: {  	v1 =	vadd.f32 v1, v3;
	v3 =	vadd.f32 v6, v5  }
0x86: {  	s20 =	sshll.u32 s14, $0x9;
	v0 =	vadd.f32 v2, v0  }
0x87: {  	s15 =	sand.u32 $0x3FFFFE00, s20;
	v1 =	vadd.f32 v3, v1  }
0x88: {  	[tilespmem:s15+$0x19C80] =	vst v0  }
0x89: {  	s18 =	simm.s32 $0x0;
	[tilespmem:s15+$0x19C90] =	vst v1  }
0x8a: {  	v0 =	vld [tilespmem:s18+$0x2640]  }
0x8b: {  	v1 =	vld [tilespmem:s18+$0x2650]  }
0x8c: {  	v2 =	vld [tilespmem:s18+$0x2600]  }
0x8d: {  	v3 =	vld [tilespmem:s18+$0x2610]  }
0x8e: {  	v4 =	vld [tilespmem:s18+$0x25C0]  }
0x8f: {  	v5 =	vld [tilespmem:s18+$0x25D0]  }
0x90: {  	v10 =	vld [tilespmem:s18+$0x2580]  }
0x91: {  	v8 =	vimm.f32 $0.0e+00;
	v11 =	vld [tilespmem:s18+$0x2590]  }
0x92: {  	s19 =	simm.s32 $0x400;
	v9 =	vimm.f32 $0.0e+00;
	v7 =	vimm.f32 $0.0e+00;
	v6 =	vimm.f32 $0.0e+00;
	v12 =	vld [tilespmem:s18+$0x25A0]  }
.LBB2_5:
0x93: {  	p0 =	sne.s32 s19, $0x6000;
	v13 =	vld [tilespmem:s18+$0x25B0]  }
0x94: {  	v14 =	vld [tilespmem:s18+$0x25E0]  }
0x95: {  	v15 =	vld [tilespmem:s18+$0x25F0]  }
0x96: {  	v16 =	vld [tilespmem:s18+$0x2620]  }
0x97: {  	v6 =	vadd.f32 v10, v6;
	v7 =	vadd.f32 v11, v7;
	v10 =	vld [tilespmem:s18+$0x2630]  }
0x98: {  	v9 =	vadd.f32 v12, v9;
	v8 =	vadd.f32 v13, v8;
	v11 =	vld [tilespmem:s18+$0x2660]  }
0x99: {  	v4 =	vadd.f32 v4, v6;
	v5 =	vadd.f32 v5, v7;
	v12 =	vld [tilespmem:s18+$0x2670];
	s18 =	sshra.s32 s19, $0x2  }
0x9a: {  	v6 =	vadd.f32 v14, v9;
	v13 =	vld [tilespmem:s18+$0x2640];
	v7 =	vadd.f32 v15, v8  }
0x9b: {  	v4 =	vadd.f32 v2, v4;
	v5 =	vadd.f32 v3, v5;
	v14 =	vld [tilespmem:s18+$0x2650]  }
0x9c: {  	v8 =	vadd.f32 v16, v6;
	v2 =	vld [tilespmem:s18+$0x2600];
	v10 =	vadd.f32 v10, v7  }
0x9d: {  	v6 =	vadd.f32 v0, v4;
	v7 =	vadd.f32 v1, v5;
	v3 =	vld [tilespmem:s18+$0x2610]  }
.Ltmp1:
0x9e: {  	v9 =	vadd.f32 v11, v8;
	v4 =	vld [tilespmem:s18+$0x25C0];
	v8 =	vadd.f32 v12, v10;
	(pc) =	sbr.rel @p0 .LBB2_5-.Ltmp1, $4  }
0x9f: {  	v5 =	vld [tilespmem:s18+$0x25D0];
	v0 =	vmov v13  }
0xa0: {  	v10 =	vld [tilespmem:s18+$0x2580];
	v1 =	vmov v14  }
0xa1: {  	v11 =	vld [tilespmem:s18+$0x2590]  }
0xa2: {  	s19 =	sadd.s32 $0x400, s19;
	v12 =	vld [tilespmem:s18+$0x25A0]  }
0xa3: {  	v13 =	vld [tilespmem:s18+$0x25B0]  }
0xa4: {  	v14 =	vld [tilespmem:s18+$0x25E0]  }
0xa5: {  	v15 =	vld [tilespmem:s18+$0x25F0]  }
0xa6: {  	v16 =	vld [tilespmem:s18+$0x2620]  }
0xa7: {  	v6 =	vadd.f32 v10, v6;
	v10 =	vld [tilespmem:s18+$0x2630];
	v9 =	vadd.f32 v12, v9  }
0xa8: {  	v7 =	vadd.f32 v11, v7;
	v11 =	vld [tilespmem:s18+$0x2660];
	v8 =	vadd.f32 v13, v8  }
0xa9: {  	v4 =	vadd.f32 v4, v6;
	v6 =	vld [tilespmem:s18+$0x2670];
	v9 =	vadd.f32 v14, v9  }
0xaa: {  	v5 =	vadd.f32 v5, v7;
	v7 =	vadd.f32 v15, v8  }
0xab: {  	v2 =	vadd.f32 v2, v4;
	v4 =	vadd.f32 v16, v9  }
0xac: {  	v3 =	vadd.f32 v3, v5;
	v5 =	vadd.f32 v10, v7  }
0xad: {  	v0 =	vadd.f32 v0, v2;
	v2 =	vadd.f32 v11, v4  }
0xae: {  	v1 =	vadd.f32 v1, v3;
	v3 =	vadd.f32 v6, v5  }
0xaf: {  	v0 =	vadd.f32 v2, v0  }
0xb0: {  	v1 =	vadd.f32 v3, v1  }
0xb1: {  	[tilespmem:s15+$0x19CA0] =	vst v0  }
0xb2: {  	s18 =	simm.s32 $0x0;
	[tilespmem:s15+$0x19CB0] =	vst v1  }
0xb3: {  	v0 =	vld [tilespmem:s18+$0x3F40]  }
0xb4: {  	v1 =	vld [tilespmem:s18+$0x3F50]  }
0xb5: {  	v2 =	vld [tilespmem:s18+$0x3F00]  }
0xb6: {  	v3 =	vld [tilespmem:s18+$0x3F10]  }
0xb7: {  	v4 =	vld [tilespmem:s18+$0x3EC0]  }
0xb8: {  	v5 =	vld [tilespmem:s18+$0x3ED0]  }
0xb9: {  	v10 =	vld [tilespmem:s18+$0x3E80]  }
0xba: {  	v8 =	vimm.f32 $0.0e+00;
	v11 =	vld [tilespmem:s18+$0x3E90]  }
0xbb: {  	s19 =	simm.s32 $0x400;
	v9 =	vimm.f32 $0.0e+00;
	v7 =	vimm.f32 $0.0e+00;
	v6 =	vimm.f32 $0.0e+00;
	v12 =	vld [tilespmem:s18+$0x3EA0]  }
.LBB2_7:
0xbc: {  	p0 =	sne.s32 s19, $0x6000;
	v13 =	vld [tilespmem:s18+$0x3EB0]  }
0xbd: {  	v14 =	vld [tilespmem:s18+$0x3EE0]  }
0xbe: {  	v15 =	vld [tilespmem:s18+$0x3EF0]  }
0xbf: {  	v16 =	vld [tilespmem:s18+$0x3F20]  }
0xc0: {  	v6 =	vadd.f32 v10, v6;
	v7 =	vadd.f32 v11, v7;
	v10 =	vld [tilespmem:s18+$0x3F30]  }
0xc1: {  	v9 =	vadd.f32 v12, v9;
	v8 =	vadd.f32 v13, v8;
	v11 =	vld [tilespmem:s18+$0x3F60]  }
0xc2: {  	v4 =	vadd.f32 v4, v6;
	v5 =	vadd.f32 v5, v7;
	v12 =	vld [tilespmem:s18+$0x3F70];
	s18 =	sshra.s32 s19, $0x2  }
0xc3: {  	v6 =	vadd.f32 v14, v9;
	v13 =	vld [tilespmem:s18+$0x3F40];
	v7 =	vadd.f32 v15, v8  }
0xc4: {  	v4 =	vadd.f32 v2, v4;
	v5 =	vadd.f32 v3, v5;
	v14 =	vld [tilespmem:s18+$0x3F50]  }
0xc5: {  	v8 =	vadd.f32 v16, v6;
	v2 =	vld [tilespmem:s18+$0x3F00];
	v10 =	vadd.f32 v10, v7  }
0xc6: {  	v6 =	vadd.f32 v0, v4;
	v7 =	vadd.f32 v1, v5;
	v3 =	vld [tilespmem:s18+$0x3F10]  }
.Ltmp2:
0xc7: {  	v9 =	vadd.f32 v11, v8;
	v4 =	vld [tilespmem:s18+$0x3EC0];
	v8 =	vadd.f32 v12, v10;
	(pc) =	sbr.rel @p0 .LBB2_7-.Ltmp2, $4  }
0xc8: {  	v5 =	vld [tilespmem:s18+$0x3ED0];
	v0 =	vmov v13  }
0xc9: {  	v10 =	vld [tilespmem:s18+$0x3E80];
	v1 =	vmov v14  }
0xca: {  	v11 =	vld [tilespmem:s18+$0x3E90]  }
0xcb: {  	s19 =	sadd.s32 $0x400, s19;
	v12 =	vld [tilespmem:s18+$0x3EA0]  }
0xcc: {  	v13 =	vld [tilespmem:s18+$0x3EB0]  }
0xcd: {  	v14 =	vld [tilespmem:s18+$0x3EE0]  }
0xce: {  	v15 =	vld [tilespmem:s18+$0x3EF0]  }
0xcf: {  	v16 =	vld [tilespmem:s18+$0x3F20]  }
0xd0: {  	v6 =	vadd.f32 v10, v6;
	v10 =	vld [tilespmem:s18+$0x3F30];
	v9 =	vadd.f32 v12, v9  }
0xd1: {  	v7 =	vadd.f32 v11, v7;
	v11 =	vld [tilespmem:s18+$0x3F60];
	v8 =	vadd.f32 v13, v8  }
0xd2: {  	v4 =	vadd.f32 v4, v6;
	v6 =	vld [tilespmem:s18+$0x3F70];
	v9 =	vadd.f32 v14, v9  }
0xd3: {  	v5 =	vadd.f32 v5, v7;
	v7 =	vadd.f32 v15, v8  }
0xd4: {  	v2 =	vadd.f32 v2, v4;
	v4 =	vadd.f32 v16, v9  }
0xd5: {  	v3 =	vadd.f32 v3, v5;
	v5 =	vadd.f32 v10, v7  }
0xd6: {  	v0 =	vadd.f32 v0, v2;
	v2 =	vadd.f32 v11, v4  }
0xd7: {  	v1 =	vadd.f32 v1, v3;
	v3 =	vadd.f32 v6, v5  }
0xd8: {  	v0 =	vadd.f32 v2, v0  }
0xd9: {  	v1 =	vadd.f32 v3, v1  }
0xda: {  	[tilespmem:s15+$0x19CC0] =	vst v0  }
0xdb: {  	s18 =	simm.s32 $0x0;
	[tilespmem:s15+$0x19CD0] =	vst v1  }
0xdc: {  	v0 =	vld [tilespmem:s18+$0x5840]  }
0xdd: {  	v1 =	vld [tilespmem:s18+$0x5850]  }
0xde: {  	v2 =	vld [tilespmem:s18+$0x5800]  }
0xdf: {  	v3 =	vld [tilespmem:s18+$0x5810]  }
0xe0: {  	v4 =	vld [tilespmem:s18+$0x57C0]  }
0xe1: {  	v5 =	vld [tilespmem:s18+$0x57D0]  }
0xe2: {  	v10 =	vld [tilespmem:s18+$0x5780]  }
0xe3: {  	v8 =	vimm.f32 $0.0e+00;
	v11 =	vld [tilespmem:s18+$0x5790]  }
0xe4: {  	s19 =	simm.s32 $0x400;
	v9 =	vimm.f32 $0.0e+00;
	v7 =	vimm.f32 $0.0e+00;
	v6 =	vimm.f32 $0.0e+00;
	v12 =	vld [tilespmem:s18+$0x57A0]  }
.LBB2_9:
0xe5: {  	p0 =	sne.s32 s19, $0x6000;
	v13 =	vld [tilespmem:s18+$0x57B0]  }
0xe6: {  	v14 =	vld [tilespmem:s18+$0x57E0]  }
0xe7: {  	v15 =	vld [tilespmem:s18+$0x57F0]  }
0xe8: {  	v16 =	vld [tilespmem:s18+$0x5820]  }
0xe9: {  	v6 =	vadd.f32 v10, v6;
	v7 =	vadd.f32 v11, v7;
	v10 =	vld [tilespmem:s18+$0x5830]  }
0xea: {  	v9 =	vadd.f32 v12, v9;
	v8 =	vadd.f32 v13, v8;
	v11 =	vld [tilespmem:s18+$0x5860]  }
0xeb: {  	v4 =	vadd.f32 v4, v6;
	v5 =	vadd.f32 v5, v7;
	v12 =	vld [tilespmem:s18+$0x5870];
	s18 =	sshra.s32 s19, $0x2  }
0xec: {  	v6 =	vadd.f32 v14, v9;
	v13 =	vld [tilespmem:s18+$0x5840];
	v7 =	vadd.f32 v15, v8  }
0xed: {  	v4 =	vadd.f32 v2, v4;
	v5 =	vadd.f32 v3, v5;
	v14 =	vld [tilespmem:s18+$0x5850]  }
0xee: {  	v8 =	vadd.f32 v16, v6;
	v2 =	vld [tilespmem:s18+$0x5800];
	v10 =	vadd.f32 v10, v7  }
0xef: {  	v6 =	vadd.f32 v0, v4;
	v7 =	vadd.f32 v1, v5;
	v3 =	vld [tilespmem:s18+$0x5810]  }
.Ltmp3:
0xf0: {  	v9 =	vadd.f32 v11, v8;
	v4 =	vld [tilespmem:s18+$0x57C0];
	v8 =	vadd.f32 v12, v10;
	(pc) =	sbr.rel @p0 .LBB2_9-.Ltmp3, $4  }
0xf1: {  	v5 =	vld [tilespmem:s18+$0x57D0];
	v0 =	vmov v13  }
0xf2: {  	v10 =	vld [tilespmem:s18+$0x5780];
	v1 =	vmov v14  }
0xf3: {  	v11 =	vld [tilespmem:s18+$0x5790]  }
0xf4: {  	s19 =	sadd.s32 $0x400, s19;
	v12 =	vld [tilespmem:s18+$0x57A0]  }
0xf5: {  	v13 =	vld [tilespmem:s18+$0x57B0]  }
0xf6: {  	v14 =	vld [tilespmem:s18+$0x57E0]  }
0xf7: {  	v15 =	vld [tilespmem:s18+$0x57F0]  }
0xf8: {  	v16 =	vld [tilespmem:s18+$0x5820]  }
0xf9: {  	v6 =	vadd.f32 v10, v6;
	v10 =	vld [tilespmem:s18+$0x5830];
	v9 =	vadd.f32 v12, v9  }
0xfa: {  	v7 =	vadd.f32 v11, v7;
	v11 =	vld [tilespmem:s18+$0x5860];
	v8 =	vadd.f32 v13, v8  }
0xfb: {  	v4 =	vadd.f32 v4, v6;
	v6 =	vld [tilespmem:s18+$0x5870];
	v9 =	vadd.f32 v14, v9  }
0xfc: {  	v5 =	vadd.f32 v5, v7;
	v7 =	vadd.f32 v15, v8  }
0xfd: {  	v2 =	vadd.f32 v2, v4;
	v4 =	vadd.f32 v16, v9  }
0xfe: {  	v3 =	vadd.f32 v3, v5;
	v5 =	vadd.f32 v10, v7  }
0xff: {  	v0 =	vadd.f32 v0, v2;
	v2 =	vadd.f32 v11, v4  }
0x100: {  	v1 =	vadd.f32 v1, v3;
	v3 =	vadd.f32 v6, v5  }
0x101: {  	v0 =	vadd.f32 v2, v0  }
0x102: {  	v1 =	vadd.f32 v3, v1  }
0x103: {  	[tilespmem:s15+$0x19CE0] =	vst v0  }
0x104: {  	s18 =	simm.s32 $0x0;
	[tilespmem:s15+$0x19CF0] =	vst v1  }
0x105: {  	v0 =	vld [tilespmem:s18+$0x7140]  }
0x106: {  	v1 =	vld [tilespmem:s18+$0x7150]  }
0x107: {  	v2 =	vld [tilespmem:s18+$0x7100]  }
0x108: {  	v3 =	vld [tilespmem:s18+$0x7110]  }
0x109: {  	v4 =	vld [tilespmem:s18+$0x70C0]  }
0x10a: {  	v5 =	vld [tilespmem:s18+$0x70D0]  }
0x10b: {  	v10 =	vld [tilespmem:s18+$0x7080]  }
0x10c: {  	v8 =	vimm.f32 $0.0e+00;
	v11 =	vld [tilespmem:s18+$0x7090]  }
0x10d: {  	s19 =	simm.s32 $0x400;
	v9 =	vimm.f32 $0.0e+00;
	v7 =	vimm.f32 $0.0e+00;
	v6 =	vimm.f32 $0.0e+00;
	v12 =	vld [tilespmem:s18+$0x70A0]  }
.LBB2_11:
0x10e: {  	p0 =	sne.s32 s19, $0x6000;
	v13 =	vld [tilespmem:s18+$0x70B0]  }
0x10f: {  	v14 =	vld [tilespmem:s18+$0x70E0]  }
0x110: {  	v15 =	vld [tilespmem:s18+$0x70F0]  }
0x111: {  	v16 =	vld [tilespmem:s18+$0x7120]  }
0x112: {  	v6 =	vadd.f32 v10, v6;
	v7 =	vadd.f32 v11, v7;
	v10 =	vld [tilespmem:s18+$0x7130]  }
0x113: {  	v9 =	vadd.f32 v12, v9;
	v8 =	vadd.f32 v13, v8;
	v11 =	vld [tilespmem:s18+$0x7160]  }
0x114: {  	v4 =	vadd.f32 v4, v6;
	v5 =	vadd.f32 v5, v7;
	v12 =	vld [tilespmem:s18+$0x7170];
	s18 =	sshra.s32 s19, $0x2  }
0x115: {  	v6 =	vadd.f32 v14, v9;
	v13 =	vld [tilespmem:s18+$0x7140];
	v7 =	vadd.f32 v15, v8  }
0x116: {  	v4 =	vadd.f32 v2, v4;
	v5 =	vadd.f32 v3, v5;
	v14 =	vld [tilespmem:s18+$0x7150]  }
0x117: {  	v8 =	vadd.f32 v16, v6;
	v2 =	vld [tilespmem:s18+$0x7100];
	v10 =	vadd.f32 v10, v7  }
0x118: {  	v6 =	vadd.f32 v0, v4;
	v7 =	vadd.f32 v1, v5;
	v3 =	vld [tilespmem:s18+$0x7110]  }
.Ltmp4:
0x119: {  	v9 =	vadd.f32 v11, v8;
	v4 =	vld [tilespmem:s18+$0x70C0];
	v8 =	vadd.f32 v12, v10;
	(pc) =	sbr.rel @p0 .LBB2_11-.Ltmp4, $4  }
0x11a: {  	v5 =	vld [tilespmem:s18+$0x70D0];
	v0 =	vmov v13  }
0x11b: {  	v10 =	vld [tilespmem:s18+$0x7080];
	v1 =	vmov v14  }
0x11c: {  	v11 =	vld [tilespmem:s18+$0x7090]  }
0x11d: {  	s19 =	sadd.s32 $0x400, s19;
	v12 =	vld [tilespmem:s18+$0x70A0]  }
0x11e: {  	v13 =	vld [tilespmem:s18+$0x70B0]  }
0x11f: {  	v14 =	vld [tilespmem:s18+$0x70E0]  }
0x120: {  	v15 =	vld [tilespmem:s18+$0x70F0]  }
0x121: {  	v16 =	vld [tilespmem:s18+$0x7120]  }
0x122: {  	v6 =	vadd.f32 v10, v6;
	v10 =	vld [tilespmem:s18+$0x7130];
	v9 =	vadd.f32 v12, v9  }
0x123: {  	v7 =	vadd.f32 v11, v7;
	v11 =	vld [tilespmem:s18+$0x7160];
	v8 =	vadd.f32 v13, v8  }
0x124: {  	v4 =	vadd.f32 v4, v6;
	v6 =	vld [tilespmem:s18+$0x7170];
	v9 =	vadd.f32 v14, v9  }
0x125: {  	v5 =	vadd.f32 v5, v7;
	v7 =	vadd.f32 v15, v8  }
0x126: {  	v2 =	vadd.f32 v2, v4;
	v4 =	vadd.f32 v16, v9  }
0x127: {  	v3 =	vadd.f32 v3, v5;
	v5 =	vadd.f32 v10, v7  }
0x128: {  	v0 =	vadd.f32 v0, v2;
	v2 =	vadd.f32 v11, v4  }
0x129: {  	v1 =	vadd.f32 v1, v3;
	v3 =	vadd.f32 v6, v5  }
0x12a: {  	v0 =	vadd.f32 v2, v0  }
0x12b: {  	v1 =	vadd.f32 v3, v1  }
0x12c: {  	[tilespmem:s15+$0x19D00] =	vst v0  }
0x12d: {  	s18 =	simm.s32 $0x0;
	[tilespmem:s15+$0x19D10] =	vst v1  }
0x12e: {  	v0 =	vld [tilespmem:s18+$0x8A40]  }
0x12f: {  	v1 =	vld [tilespmem:s18+$0x8A50]  }
0x130: {  	v2 =	vld [tilespmem:s18+$0x8A00]  }
0x131: {  	v3 =	vld [tilespmem:s18+$0x8A10]  }
0x132: {  	v4 =	vld [tilespmem:s18+$0x89C0]  }
0x133: {  	v5 =	vld [tilespmem:s18+$0x89D0]  }
0x134: {  	v10 =	vld [tilespmem:s18+$0x8980]  }
0x135: {  	v8 =	vimm.f32 $0.0e+00;
	v11 =	vld [tilespmem:s18+$0x8990]  }
0x136: {  	s19 =	simm.s32 $0x400;
	v9 =	vimm.f32 $0.0e+00;
	v7 =	vimm.f32 $0.0e+00;
	v6 =	vimm.f32 $0.0e+00;
	v12 =	vld [tilespmem:s18+$0x89A0]  }
.LBB2_13:
0x137: {  	p0 =	sne.s32 s19, $0x6000;
	v13 =	vld [tilespmem:s18+$0x89B0]  }
0x138: {  	v14 =	vld [tilespmem:s18+$0x89E0]  }
0x139: {  	v15 =	vld [tilespmem:s18+$0x89F0]  }
0x13a: {  	v16 =	vld [tilespmem:s18+$0x8A20]  }
0x13b: {  	v6 =	vadd.f32 v10, v6;
	v7 =	vadd.f32 v11, v7;
	v10 =	vld [tilespmem:s18+$0x8A30]  }
0x13c: {  	v9 =	vadd.f32 v12, v9;
	v8 =	vadd.f32 v13, v8;
	v11 =	vld [tilespmem:s18+$0x8A60]  }
0x13d: {  	v4 =	vadd.f32 v4, v6;
	v5 =	vadd.f32 v5, v7;
	v12 =	vld [tilespmem:s18+$0x8A70];
	s18 =	sshra.s32 s19, $0x2  }
0x13e: {  	v6 =	vadd.f32 v14, v9;
	v13 =	vld [tilespmem:s18+$0x8A40];
	v7 =	vadd.f32 v15, v8  }
0x13f: {  	v4 =	vadd.f32 v2, v4;
	v5 =	vadd.f32 v3, v5;
	v14 =	vld [tilespmem:s18+$0x8A50]  }
0x140: {  	v8 =	vadd.f32 v16, v6;
	v2 =	vld [tilespmem:s18+$0x8A00];
	v10 =	vadd.f32 v10, v7  }
0x141: {  	v6 =	vadd.f32 v0, v4;
	v7 =	vadd.f32 v1, v5;
	v3 =	vld [tilespmem:s18+$0x8A10]  }
.Ltmp5:
0x142: {  	v9 =	vadd.f32 v11, v8;
	v4 =	vld [tilespmem:s18+$0x89C0];
	v8 =	vadd.f32 v12, v10;
	(pc) =	sbr.rel @p0 .LBB2_13-.Ltmp5, $4  }
0x143: {  	v5 =	vld [tilespmem:s18+$0x89D0];
	v0 =	vmov v13  }
0x144: {  	v10 =	vld [tilespmem:s18+$0x8980];
	v1 =	vmov v14  }
0x145: {  	v11 =	vld [tilespmem:s18+$0x8990]  }
0x146: {  	s19 =	sadd.s32 $0x400, s19;
	v12 =	vld [tilespmem:s18+$0x89A0]  }
0x147: {  	v13 =	vld [tilespmem:s18+$0x89B0]  }
0x148: {  	v14 =	vld [tilespmem:s18+$0x89E0]  }
0x149: {  	v15 =	vld [tilespmem:s18+$0x89F0]  }
0x14a: {  	v16 =	vld [tilespmem:s18+$0x8A20]  }
0x14b: {  	v6 =	vadd.f32 v10, v6;
	v10 =	vld [tilespmem:s18+$0x8A30];
	v9 =	vadd.f32 v12, v9  }
0x14c: {  	v7 =	vadd.f32 v11, v7;
	v11 =	vld [tilespmem:s18+$0x8A60];
	v8 =	vadd.f32 v13, v8  }
0x14d: {  	v4 =	vadd.f32 v4, v6;
	v6 =	vld [tilespmem:s18+$0x8A70];
	v9 =	vadd.f32 v14, v9  }
0x14e: {  	v5 =	vadd.f32 v5, v7;
	v7 =	vadd.f32 v15, v8  }
0x14f: {  	v2 =	vadd.f32 v2, v4;
	v4 =	vadd.f32 v16, v9  }
0x150: {  	v3 =	vadd.f32 v3, v5;
	v5 =	vadd.f32 v10, v7  }
0x151: {  	v0 =	vadd.f32 v0, v2;
	v2 =	vadd.f32 v11, v4  }
0x152: {  	v1 =	vadd.f32 v1, v3;
	v3 =	vadd.f32 v6, v5  }
0x153: {  	v0 =	vadd.f32 v2, v0  }
0x154: {  	v1 =	vadd.f32 v3, v1  }
0x155: {  	[tilespmem:s15+$0x19D20] =	vst v0  }
0x156: {  	s18 =	simm.s32 $0x0;
	[tilespmem:s15+$0x19D30] =	vst v1  }
0x157: {  	v0 =	vld [tilespmem:s18+$0xA340]  }
0x158: {  	v1 =	vld [tilespmem:s18+$0xA350]  }
0x159: {  	v2 =	vld [tilespmem:s18+$0xA300]  }
0x15a: {  	v3 =	vld [tilespmem:s18+$0xA310]  }
0x15b: {  	v4 =	vld [tilespmem:s18+$0xA2C0]  }
0x15c: {  	v5 =	vld [tilespmem:s18+$0xA2D0]  }
0x15d: {  	v10 =	vld [tilespmem:s18+$0xA280]  }
0x15e: {  	v8 =	vimm.f32 $0.0e+00;
	v11 =	vld [tilespmem:s18+$0xA290]  }
0x15f: {  	s19 =	simm.s32 $0x400;
	v9 =	vimm.f32 $0.0e+00;
	v7 =	vimm.f32 $0.0e+00;
	v6 =	vimm.f32 $0.0e+00;
	v12 =	vld [tilespmem:s18+$0xA2A0]  }
.LBB2_15:
0x160: {  	p0 =	sne.s32 s19, $0x6000;
	v13 =	vld [tilespmem:s18+$0xA2B0]  }
0x161: {  	v14 =	vld [tilespmem:s18+$0xA2E0]  }
0x162: {  	v15 =	vld [tilespmem:s18+$0xA2F0]  }
0x163: {  	v16 =	vld [tilespmem:s18+$0xA320]  }
0x164: {  	v6 =	vadd.f32 v10, v6;
	v7 =	vadd.f32 v11, v7;
	v10 =	vld [tilespmem:s18+$0xA330]  }
0x165: {  	v9 =	vadd.f32 v12, v9;
	v8 =	vadd.f32 v13, v8;
	v11 =	vld [tilespmem:s18+$0xA360]  }
0x166: {  	v4 =	vadd.f32 v4, v6;
	v5 =	vadd.f32 v5, v7;
	v12 =	vld [tilespmem:s18+$0xA370];
	s18 =	sshra.s32 s19, $0x2  }
0x167: {  	v6 =	vadd.f32 v14, v9;
	v13 =	vld [tilespmem:s18+$0xA340];
	v7 =	vadd.f32 v15, v8  }
0x168: {  	v4 =	vadd.f32 v2, v4;
	v5 =	vadd.f32 v3, v5;
	v14 =	vld [tilespmem:s18+$0xA350]  }
0x169: {  	v8 =	vadd.f32 v16, v6;
	v2 =	vld [tilespmem:s18+$0xA300];
	v10 =	vadd.f32 v10, v7  }
0x16a: {  	v6 =	vadd.f32 v0, v4;
	v7 =	vadd.f32 v1, v5;
	v3 =	vld [tilespmem:s18+$0xA310]  }
.Ltmp6:
0x16b: {  	v9 =	vadd.f32 v11, v8;
	v4 =	vld [tilespmem:s18+$0xA2C0];
	v8 =	vadd.f32 v12, v10;
	(pc) =	sbr.rel @p0 .LBB2_15-.Ltmp6, $4  }
0x16c: {  	v5 =	vld [tilespmem:s18+$0xA2D0];
	v0 =	vmov v13  }
0x16d: {  	v10 =	vld [tilespmem:s18+$0xA280];
	v1 =	vmov v14  }
0x16e: {  	v11 =	vld [tilespmem:s18+$0xA290]  }
0x16f: {  	s19 =	sadd.s32 $0x400, s19;
	v12 =	vld [tilespmem:s18+$0xA2A0]  }
0x170: {  	v13 =	vld [tilespmem:s18+$0xA2B0]  }
0x171: {  	v14 =	vld [tilespmem:s18+$0xA2E0]  }
0x172: {  	v15 =	vld [tilespmem:s18+$0xA2F0]  }
0x173: {  	v16 =	vld [tilespmem:s18+$0xA320]  }
0x174: {  	v6 =	vadd.f32 v10, v6;
	v10 =	vld [tilespmem:s18+$0xA330];
	v9 =	vadd.f32 v12, v9  }
0x175: {  	v7 =	vadd.f32 v11, v7;
	v11 =	vld [tilespmem:s18+$0xA360];
	v8 =	vadd.f32 v13, v8  }
0x176: {  	v4 =	vadd.f32 v4, v6;
	v6 =	vld [tilespmem:s18+$0xA370];
	v9 =	vadd.f32 v14, v9  }
0x177: {  	v5 =	vadd.f32 v5, v7;
	v7 =	vadd.f32 v15, v8  }
0x178: {  	v2 =	vadd.f32 v2, v4;
	v4 =	vadd.f32 v16, v9  }
0x179: {  	v3 =	vadd.f32 v3, v5;
	v5 =	vadd.f32 v10, v7  }
0x17a: {  	v0 =	vadd.f32 v0, v2;
	v2 =	vadd.f32 v11, v4  }
0x17b: {  	v1 =	vadd.f32 v1, v3;
	v3 =	vadd.f32 v6, v5  }
0x17c: {  	v0 =	vadd.f32 v2, v0  }
0x17d: {  	v1 =	vadd.f32 v3, v1  }
0x17e: {  	[tilespmem:s15+$0x19D40] =	vst v0  }
0x17f: {  	s18 =	simm.s32 $0x0;
	[tilespmem:s15+$0x19D50] =	vst v1  }
0x180: {  	v0 =	vld [tilespmem:s18+$0xBC40]  }
0x181: {  	v1 =	vld [tilespmem:s18+$0xBC50]  }
0x182: {  	v2 =	vld [tilespmem:s18+$0xBC00]  }
0x183: {  	v3 =	vld [tilespmem:s18+$0xBC10]  }
0x184: {  	v4 =	vld [tilespmem:s18+$0xBBC0]  }
0x185: {  	v5 =	vld [tilespmem:s18+$0xBBD0]  }
0x186: {  	v10 =	vld [tilespmem:s18+$0xBB80]  }
0x187: {  	v8 =	vimm.f32 $0.0e+00;
	v11 =	vld [tilespmem:s18+$0xBB90]  }
0x188: {  	s19 =	simm.s32 $0x400;
	v9 =	vimm.f32 $0.0e+00;
	v7 =	vimm.f32 $0.0e+00;
	v6 =	vimm.f32 $0.0e+00;
	v12 =	vld [tilespmem:s18+$0xBBA0]  }
.LBB2_17:
0x189: {  	p0 =	sne.s32 s19, $0x6000;
	v13 =	vld [tilespmem:s18+$0xBBB0]  }
0x18a: {  	v14 =	vld [tilespmem:s18+$0xBBE0]  }
0x18b: {  	v15 =	vld [tilespmem:s18+$0xBBF0]  }
0x18c: {  	v16 =	vld [tilespmem:s18+$0xBC20]  }
0x18d: {  	v6 =	vadd.f32 v10, v6;
	v7 =	vadd.f32 v11, v7;
	v10 =	vld [tilespmem:s18+$0xBC30]  }
0x18e: {  	v9 =	vadd.f32 v12, v9;
	v8 =	vadd.f32 v13, v8;
	v11 =	vld [tilespmem:s18+$0xBC60]  }
0x18f: {  	v4 =	vadd.f32 v4, v6;
	v5 =	vadd.f32 v5, v7;
	v12 =	vld [tilespmem:s18+$0xBC70];
	s18 =	sshra.s32 s19, $0x2  }
0x190: {  	v6 =	vadd.f32 v14, v9;
	v13 =	vld [tilespmem:s18+$0xBC40];
	v7 =	vadd.f32 v15, v8  }
0x191: {  	v4 =	vadd.f32 v2, v4;
	v5 =	vadd.f32 v3, v5;
	v14 =	vld [tilespmem:s18+$0xBC50]  }
0x192: {  	v8 =	vadd.f32 v16, v6;
	v2 =	vld [tilespmem:s18+$0xBC00];
	v10 =	vadd.f32 v10, v7  }
0x193: {  	v6 =	vadd.f32 v0, v4;
	v7 =	vadd.f32 v1, v5;
	v3 =	vld [tilespmem:s18+$0xBC10]  }
.Ltmp7:
0x194: {  	v9 =	vadd.f32 v11, v8;
	v4 =	vld [tilespmem:s18+$0xBBC0];
	v8 =	vadd.f32 v12, v10;
	(pc) =	sbr.rel @p0 .LBB2_17-.Ltmp7, $4  }
0x195: {  	v5 =	vld [tilespmem:s18+$0xBBD0];
	v0 =	vmov v13  }
0x196: {  	v10 =	vld [tilespmem:s18+$0xBB80];
	v1 =	vmov v14  }
0x197: {  	v11 =	vld [tilespmem:s18+$0xBB90]  }
0x198: {  	s19 =	sadd.s32 $0x400, s19;
	v12 =	vld [tilespmem:s18+$0xBBA0]  }
0x199: {  	v13 =	vld [tilespmem:s18+$0xBBB0]  }
0x19a: {  	v14 =	vld [tilespmem:s18+$0xBBE0]  }
0x19b: {  	v15 =	vld [tilespmem:s18+$0xBBF0]  }
0x19c: {  	v16 =	vld [tilespmem:s18+$0xBC20]  }
0x19d: {  	v6 =	vadd.f32 v10, v6;
	v10 =	vld [tilespmem:s18+$0xBC30];
	v9 =	vadd.f32 v12, v9  }
0x19e: {  	v7 =	vadd.f32 v11, v7;
	v11 =	vld [tilespmem:s18+$0xBC60];
	v8 =	vadd.f32 v13, v8  }
0x19f: {  	v4 =	vadd.f32 v4, v6;
	v6 =	vld [tilespmem:s18+$0xBC70];
	v9 =	vadd.f32 v14, v9  }
0x1a0: {  	v5 =	vadd.f32 v5, v7;
	v7 =	vadd.f32 v15, v8  }
0x1a1: {  	v2 =	vadd.f32 v2, v4;
	v4 =	vadd.f32 v16, v9  }
0x1a2: {  	v3 =	vadd.f32 v3, v5;
	v5 =	vadd.f32 v10, v7  }
0x1a3: {  	v0 =	vadd.f32 v0, v2;
	v2 =	vadd.f32 v11, v4  }
0x1a4: {  	p0 =	seq.s32 s14, $0x1F;
	v1 =	vadd.f32 v1, v3;
	v3 =	vadd.f32 v6, v5  }
0x1a5: {  	s17 =	sadd.s32 @!p0 s17, s7;
	v0 =	vadd.f32 v2, v0  }
0x1a6: {  	s17 =	smul.u32 @!p0 $0x19, s17;
	v1 =	vadd.f32 v3, v1  }
0x1a7: {  	[tilespmem:s15+$0x19D60] =	vst v0  }
0x1a8: {  	s17 =	sadd.s32 @!p0 s4, s17;
	s18 =	simm.s32 @!p0 $0x0;
	[tilespmem:s15+$0x19D70] =	vst v1  }
0x1a9: {  	[tilespmem:s18], [sflag:$0x3] =	stream.linear.gather @!p0 [hbm4b:s17+s18], $0x640, $0x38;
	[tilespmem:$0x1DC80] =	vst v63  }
0x1aa: {  	s17 =	simm.s32 @!p0 $0x3  }
0x1ab: {  	_ =	swait.ge @!p0 [sflag:s17], $0x640  }
0x1ac: {  	[sflag:s17] =	ssyncset.done @!p0 $0x0  }
0x1ad: {  	s19 =	simm.s32 @!p0 $0xC80;
	[sflag:s17] =	ssyncadd.s32 @!p0 $0xFFFFF9C0;
	s17 =	simm.s32 @!p0 $0x80  }
0x1ae: {  	[tilespmem:s19], [sflag:$0x1] =	stream.indirect.gather @!p0 [hbm4b:s5+s17], $0x20, s18, s17, $0xb8;
	[tilespmem:$0x1DC80] =	vst v63  }
0x1af: {  	s18 =	simm.s32 @!p0 $0x48;
	s19 =	simm.s32 @!p0 $0x1C80  }
0x1b0: {  	[tilespmem:s19], [sflag:$0x1] =	stream.indirect.gather @!p0 [hbm4b:s5+s18], $0x20, s17, s18, $0xb8;
	[tilespmem:$0x1DC80] =	vst v63  }
0x1b1: {  	s20 =	simm.s32 @!p0 $0x2580;
	s19 =	simm.s32 @!p0 $0xC8  }
0x1b2: {  	[tilespmem:s20], [sflag:$0x1] =	stream.indirect.gather @!p0 [hbm4b:s5+s17], $0x20, s19, s17, $0xb8;
	[tilespmem:$0x1DC80] =	vst v63  }
0x1b3: {  	s19 =	simm.s32 @!p0 $0x148;
	s20 =	simm.s32 @!p0 $0x3580  }
0x1b4: {  	[tilespmem:s20], [sflag:$0x1] =	stream.indirect.gather @!p0 [hbm4b:s5+s18], $0x20, s19, s18, $0xb8;
	[tilespmem:$0x1DC80] =	vst v63  }
0x1b5: {  	s19 =	simm.s32 @!p0 $0x190;
	s20 =	simm.s32 @!p0 $0x3E80  }
0x1b6: {  	[tilespmem:s20], [sflag:$0x1] =	stream.indirect.gather @!p0 [hbm4b:s5+s17], $0x20, s19, s17, $0xb8;
	[tilespmem:$0x1DC80] =	vst v63  }
0x1b7: {  	s19 =	simm.s32 @!p0 $0x210;
	s20 =	simm.s32 @!p0 $0x4E80  }
0x1b8: {  	[tilespmem:s20], [sflag:$0x1] =	stream.indirect.gather @!p0 [hbm4b:s5+s18], $0x20, s19, s18, $0xb8;
	[tilespmem:$0x1DC80] =	vst v63  }
0x1b9: {  	s19 =	simm.s32 @!p0 $0x258;
	s20 =	simm.s32 @!p0 $0x5780  }
0x1ba: {  	[tilespmem:s20], [sflag:$0x1] =	stream.indirect.gather @!p0 [hbm4b:s5+s17], $0x20, s19, s17, $0xb8;
	[tilespmem:$0x1DC80] =	vst v63  }
0x1bb: {  	s19 =	simm.s32 @!p0 $0x2D8;
	s20 =	simm.s32 @!p0 $0x6780  }
0x1bc: {  	[tilespmem:s20], [sflag:$0x1] =	stream.indirect.gather @!p0 [hbm4b:s5+s18], $0x20, s19, s18, $0xb8;
	[tilespmem:$0x1DC80] =	vst v63  }
0x1bd: {  	s19 =	simm.s32 @!p0 $0x320;
	s20 =	simm.s32 @!p0 $0x7080  }
0x1be: {  	[tilespmem:s20], [sflag:$0x1] =	stream.indirect.gather @!p0 [hbm4b:s5+s17], $0x20, s19, s17, $0xb8;
	[tilespmem:$0x1DC80] =	vst v63  }
0x1bf: {  	s19 =	simm.s32 @!p0 $0x3A0;
	s20 =	simm.s32 @!p0 $0x8080  }
0x1c0: {  	[tilespmem:s20], [sflag:$0x1] =	stream.indirect.gather @!p0 [hbm4b:s5+s18], $0x20, s19, s18, $0xb8;
	[tilespmem:$0x1DC80] =	vst v63  }
0x1c1: {  	s19 =	simm.s32 @!p0 $0x3E8;
	s20 =	simm.s32 @!p0 $0x8980  }
0x1c2: {  	[tilespmem:s20], [sflag:$0x1] =	stream.indirect.gather @!p0 [hbm4b:s5+s17], $0x20, s19, s17, $0xb8;
	[tilespmem:$0x1DC80] =	vst v63  }
0x1c3: {  	s19 =	simm.s32 @!p0 $0x468;
	s20 =	simm.s32 @!p0 $0x9980  }
0x1c4: {  	[tilespmem:s20], [sflag:$0x1] =	stream.indirect.gather @!p0 [hbm4b:s5+s18], $0x20, s19, s18, $0xb8;
	[tilespmem:$0x1DC80] =	vst v63  }
0x1c5: {  	s19 =	simm.s32 @!p0 $0x4B0;
	s20 =	simm.s32 @!p0 $0xA280  }
0x1c6: {  	[tilespmem:s20], [sflag:$0x1] =	stream.indirect.gather @!p0 [hbm4b:s5+s17], $0x20, s19, s17, $0xb8;
	[tilespmem:$0x1DC80] =	vst v63  }
0x1c7: {  	s19 =	simm.s32 @!p0 $0x530;
	s20 =	simm.s32 @!p0 $0xB280  }
0x1c8: {  	[tilespmem:s20], [sflag:$0x1] =	stream.indirect.gather @!p0 [hbm4b:s5+s18], $0x20, s19, s18, $0xb8;
	[tilespmem:$0x1DC80] =	vst v63  }
0x1c9: {  	s19 =	simm.s32 @!p0 $0x578;
	s20 =	simm.s32 @!p0 $0xBB80  }
0x1ca: {  	[tilespmem:s20], [sflag:$0x1] =	stream.indirect.gather @!p0 [hbm4b:s5+s17], $0x20, s19, s17, $0xb8;
	[tilespmem:$0x1DC80] =	vst v63  }
0x1cb: {  	s17 =	simm.s32 @!p0 $0x5F8;
	s19 =	simm.s32 @!p0 $0xCB80  }
0x1cc: {  	[tilespmem:s19], [sflag:$0x1] =	stream.indirect.gather @!p0 [hbm4b:s5+s18], $0x20, s17, s18, $0xb8;
	[tilespmem:$0x1DC80] =	vst v63  }
0x1cd: {  	_ =	swait.ge [sflag:s12], $0xC800  }
0x1ce: {  	[sflag:s12] =	ssyncset.done $0x0  }
0x1cf: {  	s17 =	simm.s32 $0x0;
	[sflag:s12] =	ssyncadd.s32 $0xFFFF3800  }
0x1d0: {  	v0 =	vld [tilespmem:s17+$0xD540]  }
0x1d1: {  	v1 =	vld [tilespmem:s17+$0xD550]  }
0x1d2: {  	v2 =	vld [tilespmem:s17+$0xD500]  }
0x1d3: {  	v3 =	vld [tilespmem:s17+$0xD510]  }
0x1d4: {  	v4 =	vld [tilespmem:s17+$0xD4C0]  }
0x1d5: {  	v5 =	vld [tilespmem:s17+$0xD4D0]  }
0x1d6: {  	v10 =	vld [tilespmem:s17+$0xD480]  }
0x1d7: {  	v8 =	vimm.f32 $0.0e+00;
	v11 =	vld [tilespmem:s17+$0xD490]  }
0x1d8: {  	v9 =	vimm.f32 $0.0e+00;
	v7 =	vimm.f32 $0.0e+00;
	v6 =	vimm.f32 $0.0e+00;
	s18 =	simm.s32 $0x400;
	v12 =	vld [tilespmem:s17+$0xD4A0]  }
.LBB2_19:
0x1d9: {  	p0 =	sne.s32 s18, $0x6000;
	v13 =	vld [tilespmem:s17+$0xD4B0]  }
0x1da: {  	v14 =	vld [tilespmem:s17+$0xD4E0]  }
0x1db: {  	v15 =	vld [tilespmem:s17+$0xD4F0]  }
0x1dc: {  	v16 =	vld [tilespmem:s17+$0xD520]  }
0x1dd: {  	v6 =	vadd.f32 v10, v6;
	v7 =	vadd.f32 v11, v7;
	v10 =	vld [tilespmem:s17+$0xD530]  }
0x1de: {  	v9 =	vadd.f32 v12, v9;
	v8 =	vadd.f32 v13, v8;
	v11 =	vld [tilespmem:s17+$0xD560]  }
0x1df: {  	v4 =	vadd.f32 v4, v6;
	v5 =	vadd.f32 v5, v7;
	v12 =	vld [tilespmem:s17+$0xD570];
	s17 =	sshra.s32 s18, $0x2  }
0x1e0: {  	v6 =	vadd.f32 v14, v9;
	v13 =	vld [tilespmem:s17+$0xD540];
	v7 =	vadd.f32 v15, v8  }
0x1e1: {  	v4 =	vadd.f32 v2, v4;
	v5 =	vadd.f32 v3, v5;
	v14 =	vld [tilespmem:s17+$0xD550]  }
0x1e2: {  	v8 =	vadd.f32 v16, v6;
	v2 =	vld [tilespmem:s17+$0xD500];
	v10 =	vadd.f32 v10, v7  }
0x1e3: {  	v6 =	vadd.f32 v0, v4;
	v7 =	vadd.f32 v1, v5;
	v3 =	vld [tilespmem:s17+$0xD510]  }
.Ltmp8:
0x1e4: {  	v9 =	vadd.f32 v11, v8;
	v4 =	vld [tilespmem:s17+$0xD4C0];
	v8 =	vadd.f32 v12, v10;
	(pc) =	sbr.rel @p0 .LBB2_19-.Ltmp8, $4  }
0x1e5: {  	v5 =	vld [tilespmem:s17+$0xD4D0];
	v0 =	vmov v13  }
0x1e6: {  	v10 =	vld [tilespmem:s17+$0xD480];
	v1 =	vmov v14  }
0x1e7: {  	v11 =	vld [tilespmem:s17+$0xD490]  }
0x1e8: {  	s18 =	sadd.s32 $0x400, s18;
	v12 =	vld [tilespmem:s17+$0xD4A0]  }
0x1e9: {  	v13 =	vld [tilespmem:s17+$0xD4B0]  }
0x1ea: {  	v14 =	vld [tilespmem:s17+$0xD4E0]  }
0x1eb: {  	v15 =	vld [tilespmem:s17+$0xD4F0]  }
0x1ec: {  	v16 =	vld [tilespmem:s17+$0xD520]  }
0x1ed: {  	v6 =	vadd.f32 v10, v6;
	v10 =	vld [tilespmem:s17+$0xD530];
	v9 =	vadd.f32 v12, v9  }
0x1ee: {  	v7 =	vadd.f32 v11, v7;
	v11 =	vld [tilespmem:s17+$0xD560];
	v8 =	vadd.f32 v13, v8  }
0x1ef: {  	v4 =	vadd.f32 v4, v6;
	v6 =	vld [tilespmem:s17+$0xD570];
	v9 =	vadd.f32 v14, v9  }
0x1f0: {  	v5 =	vadd.f32 v5, v7;
	v7 =	vadd.f32 v15, v8  }
0x1f1: {  	v2 =	vadd.f32 v2, v4;
	v4 =	vadd.f32 v16, v9  }
0x1f2: {  	v3 =	vadd.f32 v3, v5;
	v5 =	vadd.f32 v10, v7  }
0x1f3: {  	v0 =	vadd.f32 v0, v2;
	v2 =	vadd.f32 v11, v4  }
0x1f4: {  	v1 =	vadd.f32 v1, v3;
	v3 =	vadd.f32 v6, v5  }
0x1f5: {  	s16 =	sshll.u32 s16, $0x5;
	v0 =	vadd.f32 v2, v0  }
0x1f6: {  	s16 =	sand.u32 $0x3FFFFFE0, s16;
	v1 =	vadd.f32 v3, v1  }
0x1f7: {  	[tilespmem:s16+$0x19C80] =	vst v0  }
0x1f8: {  	[tilespmem:s16+$0x19C90] =	vst v1;
	s16 =	simm.s32 $0x0  }
0x1f9: {  	v0 =	vld [tilespmem:s16+$0xEE40]  }
0x1fa: {  	v1 =	vld [tilespmem:s16+$0xEE50]  }
0x1fb: {  	v2 =	vld [tilespmem:s16+$0xEE00]  }
0x1fc: {  	v3 =	vld [tilespmem:s16+$0xEE10]  }
0x1fd: {  	v4 =	vld [tilespmem:s16+$0xEDC0]  }
0x1fe: {  	v5 =	vld [tilespmem:s16+$0xEDD0]  }
0x1ff: {  	v10 =	vld [tilespmem:s16+$0xED80]  }
0x200: {  	v8 =	vimm.f32 $0.0e+00;
	v11 =	vld [tilespmem:s16+$0xED90]  }
0x201: {  	s17 =	simm.s32 $0x400;
	v9 =	vimm.f32 $0.0e+00;
	v7 =	vimm.f32 $0.0e+00;
	v6 =	vimm.f32 $0.0e+00;
	v12 =	vld [tilespmem:s16+$0xEDA0]  }
.LBB2_21:
0x202: {  	p0 =	sne.s32 s17, $0x6000;
	v13 =	vld [tilespmem:s16+$0xEDB0]  }
0x203: {  	v14 =	vld [tilespmem:s16+$0xEDE0]  }
0x204: {  	v15 =	vld [tilespmem:s16+$0xEDF0]  }
0x205: {  	v16 =	vld [tilespmem:s16+$0xEE20]  }
0x206: {  	v6 =	vadd.f32 v10, v6;
	v7 =	vadd.f32 v11, v7;
	v10 =	vld [tilespmem:s16+$0xEE30]  }
0x207: {  	v9 =	vadd.f32 v12, v9;
	v8 =	vadd.f32 v13, v8;
	v11 =	vld [tilespmem:s16+$0xEE60]  }
0x208: {  	v4 =	vadd.f32 v4, v6;
	v5 =	vadd.f32 v5, v7;
	v12 =	vld [tilespmem:s16+$0xEE70];
	s16 =	sshra.s32 s17, $0x2  }
0x209: {  	v6 =	vadd.f32 v14, v9;
	v13 =	vld [tilespmem:s16+$0xEE40];
	v7 =	vadd.f32 v15, v8  }
0x20a: {  	v4 =	vadd.f32 v2, v4;
	v5 =	vadd.f32 v3, v5;
	v14 =	vld [tilespmem:s16+$0xEE50]  }
0x20b: {  	v8 =	vadd.f32 v16, v6;
	v2 =	vld [tilespmem:s16+$0xEE00];
	v10 =	vadd.f32 v10, v7  }
0x20c: {  	v6 =	vadd.f32 v0, v4;
	v7 =	vadd.f32 v1, v5;
	v3 =	vld [tilespmem:s16+$0xEE10]  }
.Ltmp9:
0x20d: {  	v9 =	vadd.f32 v11, v8;
	v4 =	vld [tilespmem:s16+$0xEDC0];
	v8 =	vadd.f32 v12, v10;
	(pc) =	sbr.rel @p0 .LBB2_21-.Ltmp9, $4  }
0x20e: {  	v5 =	vld [tilespmem:s16+$0xEDD0];
	v0 =	vmov v13  }
0x20f: {  	v10 =	vld [tilespmem:s16+$0xED80];
	v1 =	vmov v14  }
0x210: {  	v11 =	vld [tilespmem:s16+$0xED90]  }
0x211: {  	s17 =	sadd.s32 $0x400, s17;
	v12 =	vld [tilespmem:s16+$0xEDA0]  }
0x212: {  	v13 =	vld [tilespmem:s16+$0xEDB0]  }
0x213: {  	v14 =	vld [tilespmem:s16+$0xEDE0]  }
0x214: {  	v15 =	vld [tilespmem:s16+$0xEDF0]  }
0x215: {  	v16 =	vld [tilespmem:s16+$0xEE20]  }
0x216: {  	v6 =	vadd.f32 v10, v6;
	v10 =	vld [tilespmem:s16+$0xEE30];
	v9 =	vadd.f32 v12, v9  }
0x217: {  	v7 =	vadd.f32 v11, v7;
	v11 =	vld [tilespmem:s16+$0xEE60];
	v8 =	vadd.f32 v13, v8  }
0x218: {  	v4 =	vadd.f32 v4, v6;
	v6 =	vld [tilespmem:s16+$0xEE70];
	v9 =	vadd.f32 v14, v9  }
0x219: {  	v5 =	vadd.f32 v5, v7;
	v7 =	vadd.f32 v15, v8  }
0x21a: {  	v2 =	vadd.f32 v2, v4;
	v4 =	vadd.f32 v16, v9  }
0x21b: {  	v3 =	vadd.f32 v3, v5;
	v5 =	vadd.f32 v10, v7  }
0x21c: {  	v0 =	vadd.f32 v0, v2;
	v2 =	vadd.f32 v11, v4  }
0x21d: {  	v1 =	vadd.f32 v1, v3;
	v3 =	vadd.f32 v6, v5  }
0x21e: {  	v0 =	vadd.f32 v2, v0  }
0x21f: {  	v1 =	vadd.f32 v3, v1  }
0x220: {  	[tilespmem:s15+$0x19DA0] =	vst v0  }
0x221: {  	s16 =	simm.s32 $0x0;
	[tilespmem:s15+$0x19DB0] =	vst v1  }
0x222: {  	v0 =	vld [tilespmem:s16+$0x10740]  }
0x223: {  	v1 =	vld [tilespmem:s16+$0x10750]  }
0x224: {  	v2 =	vld [tilespmem:s16+$0x10700]  }
0x225: {  	v3 =	vld [tilespmem:s16+$0x10710]  }
0x226: {  	v4 =	vld [tilespmem:s16+$0x106C0]  }
0x227: {  	v5 =	vld [tilespmem:s16+$0x106D0]  }
0x228: {  	v10 =	vld [tilespmem:s16+$0x10680]  }
0x229: {  	v8 =	vimm.f32 $0.0e+00;
	v11 =	vld [tilespmem:s16+$0x10690]  }
0x22a: {  	s17 =	simm.s32 $0x400;
	v9 =	vimm.f32 $0.0e+00;
	v7 =	vimm.f32 $0.0e+00;
	v6 =	vimm.f32 $0.0e+00;
	v12 =	vld [tilespmem:s16+$0x106A0]  }
.LBB2_23:
0x22b: {  	p0 =	sne.s32 s17, $0x6000;
	v13 =	vld [tilespmem:s16+$0x106B0]  }
0x22c: {  	v14 =	vld [tilespmem:s16+$0x106E0]  }
0x22d: {  	v15 =	vld [tilespmem:s16+$0x106F0]  }
0x22e: {  	v16 =	vld [tilespmem:s16+$0x10720]  }
0x22f: {  	v6 =	vadd.f32 v10, v6;
	v7 =	vadd.f32 v11, v7;
	v10 =	vld [tilespmem:s16+$0x10730]  }
0x230: {  	v9 =	vadd.f32 v12, v9;
	v8 =	vadd.f32 v13, v8;
	v11 =	vld [tilespmem:s16+$0x10760]  }
0x231: {  	v4 =	vadd.f32 v4, v6;
	v5 =	vadd.f32 v5, v7;
	v12 =	vld [tilespmem:s16+$0x10770];
	s16 =	sshra.s32 s17, $0x2  }
0x232: {  	v6 =	vadd.f32 v14, v9;
	v13 =	vld [tilespmem:s16+$0x10740];
	v7 =	vadd.f32 v15, v8  }
0x233: {  	v4 =	vadd.f32 v2, v4;
	v5 =	vadd.f32 v3, v5;
	v14 =	vld [tilespmem:s16+$0x10750]  }
0x234: {  	v8 =	vadd.f32 v16, v6;
	v2 =	vld [tilespmem:s16+$0x10700];
	v10 =	vadd.f32 v10, v7  }
0x235: {  	v6 =	vadd.f32 v0, v4;
	v7 =	vadd.f32 v1, v5;
	v3 =	vld [tilespmem:s16+$0x10710]  }
.Ltmp10:
0x236: {  	v9 =	vadd.f32 v11, v8;
	v4 =	vld [tilespmem:s16+$0x106C0];
	v8 =	vadd.f32 v12, v10;
	(pc) =	sbr.rel @p0 .LBB2_23-.Ltmp10, $4  }
0x237: {  	v5 =	vld [tilespmem:s16+$0x106D0];
	v0 =	vmov v13  }
0x238: {  	v10 =	vld [tilespmem:s16+$0x10680];
	v1 =	vmov v14  }
0x239: {  	v11 =	vld [tilespmem:s16+$0x10690]  }
0x23a: {  	s17 =	sadd.s32 $0x400, s17;
	v12 =	vld [tilespmem:s16+$0x106A0]  }
0x23b: {  	v13 =	vld [tilespmem:s16+$0x106B0]  }
0x23c: {  	v14 =	vld [tilespmem:s16+$0x106E0]  }
0x23d: {  	v15 =	vld [tilespmem:s16+$0x106F0]  }
0x23e: {  	v16 =	vld [tilespmem:s16+$0x10720]  }
0x23f: {  	v6 =	vadd.f32 v10, v6;
	v10 =	vld [tilespmem:s16+$0x10730];
	v9 =	vadd.f32 v12, v9  }
0x240: {  	v7 =	vadd.f32 v11, v7;
	v11 =	vld [tilespmem:s16+$0x10760];
	v8 =	vadd.f32 v13, v8  }
0x241: {  	v4 =	vadd.f32 v4, v6;
	v6 =	vld [tilespmem:s16+$0x10770];
	v9 =	vadd.f32 v14, v9  }
0x242: {  	v5 =	vadd.f32 v5, v7;
	v7 =	vadd.f32 v15, v8  }
0x243: {  	v2 =	vadd.f32 v2, v4;
	v4 =	vadd.f32 v16, v9  }
0x244: {  	v3 =	vadd.f32 v3, v5;
	v5 =	vadd.f32 v10, v7  }
0x245: {  	v0 =	vadd.f32 v0, v2;
	v2 =	vadd.f32 v11, v4  }
0x246: {  	v1 =	vadd.f32 v1, v3;
	v3 =	vadd.f32 v6, v5  }
0x247: {  	v0 =	vadd.f32 v2, v0  }
0x248: {  	v1 =	vadd.f32 v3, v1  }
0x249: {  	[tilespmem:s15+$0x19DC0] =	vst v0  }
0x24a: {  	s16 =	simm.s32 $0x0;
	[tilespmem:s15+$0x19DD0] =	vst v1  }
0x24b: {  	v0 =	vld [tilespmem:s16+$0x12040]  }
0x24c: {  	v1 =	vld [tilespmem:s16+$0x12050]  }
0x24d: {  	v2 =	vld [tilespmem:s16+$0x12000]  }
0x24e: {  	v3 =	vld [tilespmem:s16+$0x12010]  }
0x24f: {  	v4 =	vld [tilespmem:s16+$0x11FC0]  }
0x250: {  	v5 =	vld [tilespmem:s16+$0x11FD0]  }
0x251: {  	v10 =	vld [tilespmem:s16+$0x11F80]  }
0x252: {  	v8 =	vimm.f32 $0.0e+00;
	v11 =	vld [tilespmem:s16+$0x11F90]  }
0x253: {  	s17 =	simm.s32 $0x400;
	v9 =	vimm.f32 $0.0e+00;
	v7 =	vimm.f32 $0.0e+00;
	v6 =	vimm.f32 $0.0e+00;
	v12 =	vld [tilespmem:s16+$0x11FA0]  }
.LBB2_25:
0x254: {  	p0 =	sne.s32 s17, $0x6000;
	v13 =	vld [tilespmem:s16+$0x11FB0]  }
0x255: {  	v14 =	vld [tilespmem:s16+$0x11FE0]  }
0x256: {  	v15 =	vld [tilespmem:s16+$0x11FF0]  }
0x257: {  	v16 =	vld [tilespmem:s16+$0x12020]  }
0x258: {  	v6 =	vadd.f32 v10, v6;
	v7 =	vadd.f32 v11, v7;
	v10 =	vld [tilespmem:s16+$0x12030]  }
0x259: {  	v9 =	vadd.f32 v12, v9;
	v8 =	vadd.f32 v13, v8;
	v11 =	vld [tilespmem:s16+$0x12060]  }
0x25a: {  	v4 =	vadd.f32 v4, v6;
	v5 =	vadd.f32 v5, v7;
	v12 =	vld [tilespmem:s16+$0x12070];
	s16 =	sshra.s32 s17, $0x2  }
0x25b: {  	v6 =	vadd.f32 v14, v9;
	v13 =	vld [tilespmem:s16+$0x12040];
	v7 =	vadd.f32 v15, v8  }
0x25c: {  	v4 =	vadd.f32 v2, v4;
	v5 =	vadd.f32 v3, v5;
	v14 =	vld [tilespmem:s16+$0x12050]  }
0x25d: {  	v8 =	vadd.f32 v16, v6;
	v2 =	vld [tilespmem:s16+$0x12000];
	v10 =	vadd.f32 v10, v7  }
0x25e: {  	v6 =	vadd.f32 v0, v4;
	v7 =	vadd.f32 v1, v5;
	v3 =	vld [tilespmem:s16+$0x12010]  }
.Ltmp11:
0x25f: {  	v9 =	vadd.f32 v11, v8;
	v4 =	vld [tilespmem:s16+$0x11FC0];
	v8 =	vadd.f32 v12, v10;
	(pc) =	sbr.rel @p0 .LBB2_25-.Ltmp11, $4  }
0x260: {  	v5 =	vld [tilespmem:s16+$0x11FD0];
	v0 =	vmov v13  }
0x261: {  	v10 =	vld [tilespmem:s16+$0x11F80];
	v1 =	vmov v14  }
0x262: {  	v11 =	vld [tilespmem:s16+$0x11F90]  }
0x263: {  	s17 =	sadd.s32 $0x400, s17;
	v12 =	vld [tilespmem:s16+$0x11FA0]  }
0x264: {  	v13 =	vld [tilespmem:s16+$0x11FB0]  }
0x265: {  	v14 =	vld [tilespmem:s16+$0x11FE0]  }
0x266: {  	v15 =	vld [tilespmem:s16+$0x11FF0]  }
0x267: {  	v16 =	vld [tilespmem:s16+$0x12020]  }
0x268: {  	v6 =	vadd.f32 v10, v6;
	v10 =	vld [tilespmem:s16+$0x12030];
	v9 =	vadd.f32 v12, v9  }
0x269: {  	v7 =	vadd.f32 v11, v7;
	v11 =	vld [tilespmem:s16+$0x12060];
	v8 =	vadd.f32 v13, v8  }
0x26a: {  	v4 =	vadd.f32 v4, v6;
	v6 =	vld [tilespmem:s16+$0x12070];
	v9 =	vadd.f32 v14, v9  }
0x26b: {  	v5 =	vadd.f32 v5, v7;
	v7 =	vadd.f32 v15, v8  }
0x26c: {  	v2 =	vadd.f32 v2, v4;
	v4 =	vadd.f32 v16, v9  }
0x26d: {  	v3 =	vadd.f32 v3, v5;
	v5 =	vadd.f32 v10, v7  }
0x26e: {  	v0 =	vadd.f32 v0, v2;
	v2 =	vadd.f32 v11, v4  }
0x26f: {  	v1 =	vadd.f32 v1, v3;
	v3 =	vadd.f32 v6, v5  }
0x270: {  	v0 =	vadd.f32 v2, v0  }
0x271: {  	v1 =	vadd.f32 v3, v1  }
0x272: {  	[tilespmem:s15+$0x19DE0] =	vst v0  }
0x273: {  	s16 =	simm.s32 $0x0;
	[tilespmem:s15+$0x19DF0] =	vst v1  }
0x274: {  	v0 =	vld [tilespmem:s16+$0x13940]  }
0x275: {  	v1 =	vld [tilespmem:s16+$0x13950]  }
0x276: {  	v2 =	vld [tilespmem:s16+$0x13900]  }
0x277: {  	v3 =	vld [tilespmem:s16+$0x13910]  }
0x278: {  	v4 =	vld [tilespmem:s16+$0x138C0]  }
0x279: {  	v5 =	vld [tilespmem:s16+$0x138D0]  }
0x27a: {  	v10 =	vld [tilespmem:s16+$0x13880]  }
0x27b: {  	v8 =	vimm.f32 $0.0e+00;
	v11 =	vld [tilespmem:s16+$0x13890]  }
0x27c: {  	s17 =	simm.s32 $0x400;
	v9 =	vimm.f32 $0.0e+00;
	v7 =	vimm.f32 $0.0e+00;
	v6 =	vimm.f32 $0.0e+00;
	v12 =	vld [tilespmem:s16+$0x138A0]  }
.LBB2_27:
0x27d: {  	p0 =	sne.s32 s17, $0x6000;
	v13 =	vld [tilespmem:s16+$0x138B0]  }
0x27e: {  	v14 =	vld [tilespmem:s16+$0x138E0]  }
0x27f: {  	v15 =	vld [tilespmem:s16+$0x138F0]  }
0x280: {  	v16 =	vld [tilespmem:s16+$0x13920]  }
0x281: {  	v6 =	vadd.f32 v10, v6;
	v7 =	vadd.f32 v11, v7;
	v10 =	vld [tilespmem:s16+$0x13930]  }
0x282: {  	v9 =	vadd.f32 v12, v9;
	v8 =	vadd.f32 v13, v8;
	v11 =	vld [tilespmem:s16+$0x13960]  }
0x283: {  	v4 =	vadd.f32 v4, v6;
	v5 =	vadd.f32 v5, v7;
	v12 =	vld [tilespmem:s16+$0x13970];
	s16 =	sshra.s32 s17, $0x2  }
0x284: {  	v6 =	vadd.f32 v14, v9;
	v13 =	vld [tilespmem:s16+$0x13940];
	v7 =	vadd.f32 v15, v8  }
0x285: {  	v4 =	vadd.f32 v2, v4;
	v5 =	vadd.f32 v3, v5;
	v14 =	vld [tilespmem:s16+$0x13950]  }
0x286: {  	v8 =	vadd.f32 v16, v6;
	v2 =	vld [tilespmem:s16+$0x13900];
	v10 =	vadd.f32 v10, v7  }
0x287: {  	v6 =	vadd.f32 v0, v4;
	v7 =	vadd.f32 v1, v5;
	v3 =	vld [tilespmem:s16+$0x13910]  }
.Ltmp12:
0x288: {  	v9 =	vadd.f32 v11, v8;
	v4 =	vld [tilespmem:s16+$0x138C0];
	v8 =	vadd.f32 v12, v10;
	(pc) =	sbr.rel @p0 .LBB2_27-.Ltmp12, $4  }
0x289: {  	v5 =	vld [tilespmem:s16+$0x138D0];
	v0 =	vmov v13  }
0x28a: {  	v10 =	vld [tilespmem:s16+$0x13880];
	v1 =	vmov v14  }
0x28b: {  	v11 =	vld [tilespmem:s16+$0x13890]  }
0x28c: {  	s17 =	sadd.s32 $0x400, s17;
	v12 =	vld [tilespmem:s16+$0x138A0]  }
0x28d: {  	v13 =	vld [tilespmem:s16+$0x138B0]  }
0x28e: {  	v14 =	vld [tilespmem:s16+$0x138E0]  }
0x28f: {  	v15 =	vld [tilespmem:s16+$0x138F0]  }
0x290: {  	v16 =	vld [tilespmem:s16+$0x13920]  }
0x291: {  	v6 =	vadd.f32 v10, v6;
	v10 =	vld [tilespmem:s16+$0x13930];
	v9 =	vadd.f32 v12, v9  }
0x292: {  	v7 =	vadd.f32 v11, v7;
	v11 =	vld [tilespmem:s16+$0x13960];
	v8 =	vadd.f32 v13, v8  }
0x293: {  	v4 =	vadd.f32 v4, v6;
	v6 =	vld [tilespmem:s16+$0x13970];
	v9 =	vadd.f32 v14, v9  }
0x294: {  	v5 =	vadd.f32 v5, v7;
	v7 =	vadd.f32 v15, v8  }
0x295: {  	v2 =	vadd.f32 v2, v4;
	v4 =	vadd.f32 v16, v9  }
0x296: {  	v3 =	vadd.f32 v3, v5;
	v5 =	vadd.f32 v10, v7  }
0x297: {  	v0 =	vadd.f32 v0, v2;
	v2 =	vadd.f32 v11, v4  }
0x298: {  	v1 =	vadd.f32 v1, v3;
	v3 =	vadd.f32 v6, v5  }
0x299: {  	v0 =	vadd.f32 v2, v0  }
0x29a: {  	v1 =	vadd.f32 v3, v1  }
0x29b: {  	[tilespmem:s15+$0x19E00] =	vst v0  }
0x29c: {  	s16 =	simm.s32 $0x0;
	[tilespmem:s15+$0x19E10] =	vst v1  }
0x29d: {  	v0 =	vld [tilespmem:s16+$0x15240]  }
0x29e: {  	v1 =	vld [tilespmem:s16+$0x15250]  }
0x29f: {  	v2 =	vld [tilespmem:s16+$0x15200]  }
0x2a0: {  	v3 =	vld [tilespmem:s16+$0x15210]  }
0x2a1: {  	v4 =	vld [tilespmem:s16+$0x151C0]  }
0x2a2: {  	v5 =	vld [tilespmem:s16+$0x151D0]  }
0x2a3: {  	v10 =	vld [tilespmem:s16+$0x15180]  }
0x2a4: {  	v8 =	vimm.f32 $0.0e+00;
	v11 =	vld [tilespmem:s16+$0x15190]  }
0x2a5: {  	s17 =	simm.s32 $0x400;
	v9 =	vimm.f32 $0.0e+00;
	v7 =	vimm.f32 $0.0e+00;
	v6 =	vimm.f32 $0.0e+00;
	v12 =	vld [tilespmem:s16+$0x151A0]  }
.LBB2_29:
0x2a6: {  	p0 =	sne.s32 s17, $0x6000;
	v13 =	vld [tilespmem:s16+$0x151B0]  }
0x2a7: {  	v14 =	vld [tilespmem:s16+$0x151E0]  }
0x2a8: {  	v15 =	vld [tilespmem:s16+$0x151F0]  }
0x2a9: {  	v16 =	vld [tilespmem:s16+$0x15220]  }
0x2aa: {  	v6 =	vadd.f32 v10, v6;
	v7 =	vadd.f32 v11, v7;
	v10 =	vld [tilespmem:s16+$0x15230]  }
0x2ab: {  	v9 =	vadd.f32 v12, v9;
	v8 =	vadd.f32 v13, v8;
	v11 =	vld [tilespmem:s16+$0x15260]  }
0x2ac: {  	v4 =	vadd.f32 v4, v6;
	v5 =	vadd.f32 v5, v7;
	v12 =	vld [tilespmem:s16+$0x15270];
	s16 =	sshra.s32 s17, $0x2  }
0x2ad: {  	v6 =	vadd.f32 v14, v9;
	v13 =	vld [tilespmem:s16+$0x15240];
	v7 =	vadd.f32 v15, v8  }
0x2ae: {  	v4 =	vadd.f32 v2, v4;
	v5 =	vadd.f32 v3, v5;
	v14 =	vld [tilespmem:s16+$0x15250]  }
0x2af: {  	v8 =	vadd.f32 v16, v6;
	v2 =	vld [tilespmem:s16+$0x15200];
	v10 =	vadd.f32 v10, v7  }
0x2b0: {  	v6 =	vadd.f32 v0, v4;
	v7 =	vadd.f32 v1, v5;
	v3 =	vld [tilespmem:s16+$0x15210]  }
.Ltmp13:
0x2b1: {  	v9 =	vadd.f32 v11, v8;
	v4 =	vld [tilespmem:s16+$0x151C0];
	v8 =	vadd.f32 v12, v10;
	(pc) =	sbr.rel @p0 .LBB2_29-.Ltmp13, $4  }
0x2b2: {  	v5 =	vld [tilespmem:s16+$0x151D0];
	v0 =	vmov v13  }
0x2b3: {  	v10 =	vld [tilespmem:s16+$0x15180];
	v1 =	vmov v14  }
0x2b4: {  	v11 =	vld [tilespmem:s16+$0x15190]  }
0x2b5: {  	s17 =	sadd.s32 $0x400, s17;
	v12 =	vld [tilespmem:s16+$0x151A0]  }
0x2b6: {  	v13 =	vld [tilespmem:s16+$0x151B0]  }
0x2b7: {  	v14 =	vld [tilespmem:s16+$0x151E0]  }
0x2b8: {  	v15 =	vld [tilespmem:s16+$0x151F0]  }
0x2b9: {  	v16 =	vld [tilespmem:s16+$0x15220]  }
0x2ba: {  	v6 =	vadd.f32 v10, v6;
	v10 =	vld [tilespmem:s16+$0x15230];
	v9 =	vadd.f32 v12, v9  }
0x2bb: {  	v7 =	vadd.f32 v11, v7;
	v11 =	vld [tilespmem:s16+$0x15260];
	v8 =	vadd.f32 v13, v8  }
0x2bc: {  	v4 =	vadd.f32 v4, v6;
	v6 =	vld [tilespmem:s16+$0x15270];
	v9 =	vadd.f32 v14, v9  }
0x2bd: {  	v5 =	vadd.f32 v5, v7;
	v7 =	vadd.f32 v15, v8  }
0x2be: {  	v2 =	vadd.f32 v2, v4;
	v4 =	vadd.f32 v16, v9  }
0x2bf: {  	v3 =	vadd.f32 v3, v5;
	v5 =	vadd.f32 v10, v7  }
0x2c0: {  	v0 =	vadd.f32 v0, v2;
	v2 =	vadd.f32 v11, v4  }
0x2c1: {  	v1 =	vadd.f32 v1, v3;
	v3 =	vadd.f32 v6, v5  }
0x2c2: {  	v0 =	vadd.f32 v2, v0  }
0x2c3: {  	v1 =	vadd.f32 v3, v1  }
0x2c4: {  	[tilespmem:s15+$0x19E20] =	vst v0  }
0x2c5: {  	s16 =	simm.s32 $0x0;
	[tilespmem:s15+$0x19E30] =	vst v1  }
0x2c6: {  	v0 =	vld [tilespmem:s16+$0x16B40]  }
0x2c7: {  	v1 =	vld [tilespmem:s16+$0x16B50]  }
0x2c8: {  	v2 =	vld [tilespmem:s16+$0x16B00]  }
0x2c9: {  	v3 =	vld [tilespmem:s16+$0x16B10]  }
0x2ca: {  	v4 =	vld [tilespmem:s16+$0x16AC0]  }
0x2cb: {  	v5 =	vld [tilespmem:s16+$0x16AD0]  }
0x2cc: {  	v10 =	vld [tilespmem:s16+$0x16A80]  }
0x2cd: {  	v8 =	vimm.f32 $0.0e+00;
	v11 =	vld [tilespmem:s16+$0x16A90]  }
0x2ce: {  	s17 =	simm.s32 $0x400;
	v9 =	vimm.f32 $0.0e+00;
	v7 =	vimm.f32 $0.0e+00;
	v6 =	vimm.f32 $0.0e+00;
	v12 =	vld [tilespmem:s16+$0x16AA0]  }
.LBB2_31:
0x2cf: {  	p0 =	sne.s32 s17, $0x6000;
	v13 =	vld [tilespmem:s16+$0x16AB0]  }
0x2d0: {  	v14 =	vld [tilespmem:s16+$0x16AE0]  }
0x2d1: {  	v15 =	vld [tilespmem:s16+$0x16AF0]  }
0x2d2: {  	v16 =	vld [tilespmem:s16+$0x16B20]  }
0x2d3: {  	v6 =	vadd.f32 v10, v6;
	v7 =	vadd.f32 v11, v7;
	v10 =	vld [tilespmem:s16+$0x16B30]  }
0x2d4: {  	v9 =	vadd.f32 v12, v9;
	v8 =	vadd.f32 v13, v8;
	v11 =	vld [tilespmem:s16+$0x16B60]  }
0x2d5: {  	v4 =	vadd.f32 v4, v6;
	v5 =	vadd.f32 v5, v7;
	v12 =	vld [tilespmem:s16+$0x16B70];
	s16 =	sshra.s32 s17, $0x2  }
0x2d6: {  	v6 =	vadd.f32 v14, v9;
	v13 =	vld [tilespmem:s16+$0x16B40];
	v7 =	vadd.f32 v15, v8  }
0x2d7: {  	v4 =	vadd.f32 v2, v4;
	v5 =	vadd.f32 v3, v5;
	v14 =	vld [tilespmem:s16+$0x16B50]  }
0x2d8: {  	v8 =	vadd.f32 v16, v6;
	v2 =	vld [tilespmem:s16+$0x16B00];
	v10 =	vadd.f32 v10, v7  }
0x2d9: {  	v6 =	vadd.f32 v0, v4;
	v7 =	vadd.f32 v1, v5;
	v3 =	vld [tilespmem:s16+$0x16B10]  }
.Ltmp14:
0x2da: {  	v9 =	vadd.f32 v11, v8;
	v4 =	vld [tilespmem:s16+$0x16AC0];
	v8 =	vadd.f32 v12, v10;
	(pc) =	sbr.rel @p0 .LBB2_31-.Ltmp14, $4  }
0x2db: {  	v5 =	vld [tilespmem:s16+$0x16AD0];
	v0 =	vmov v13  }
0x2dc: {  	v10 =	vld [tilespmem:s16+$0x16A80];
	v1 =	vmov v14  }
0x2dd: {  	v11 =	vld [tilespmem:s16+$0x16A90]  }
0x2de: {  	s17 =	sadd.s32 $0x400, s17;
	v12 =	vld [tilespmem:s16+$0x16AA0]  }
0x2df: {  	v13 =	vld [tilespmem:s16+$0x16AB0]  }
0x2e0: {  	v14 =	vld [tilespmem:s16+$0x16AE0]  }
0x2e1: {  	v15 =	vld [tilespmem:s16+$0x16AF0]  }
0x2e2: {  	v16 =	vld [tilespmem:s16+$0x16B20]  }
0x2e3: {  	v6 =	vadd.f32 v10, v6;
	v10 =	vld [tilespmem:s16+$0x16B30];
	v9 =	vadd.f32 v12, v9  }
0x2e4: {  	v7 =	vadd.f32 v11, v7;
	v11 =	vld [tilespmem:s16+$0x16B60];
	v8 =	vadd.f32 v13, v8  }
0x2e5: {  	v4 =	vadd.f32 v4, v6;
	v6 =	vld [tilespmem:s16+$0x16B70];
	v9 =	vadd.f32 v14, v9  }
0x2e6: {  	v5 =	vadd.f32 v5, v7;
	v7 =	vadd.f32 v15, v8  }
0x2e7: {  	v2 =	vadd.f32 v2, v4;
	v4 =	vadd.f32 v16, v9  }
0x2e8: {  	v3 =	vadd.f32 v3, v5;
	v5 =	vadd.f32 v10, v7  }
0x2e9: {  	v0 =	vadd.f32 v0, v2;
	v2 =	vadd.f32 v11, v4  }
0x2ea: {  	v1 =	vadd.f32 v1, v3;
	v3 =	vadd.f32 v6, v5  }
0x2eb: {  	v0 =	vadd.f32 v2, v0  }
0x2ec: {  	v1 =	vadd.f32 v3, v1  }
0x2ed: {  	[tilespmem:s15+$0x19E40] =	vst v0  }
0x2ee: {  	s16 =	simm.s32 $0x0;
	[tilespmem:s15+$0x19E50] =	vst v1  }
0x2ef: {  	v0 =	vld [tilespmem:s16+$0x18440]  }
0x2f0: {  	v1 =	vld [tilespmem:s16+$0x18450]  }
0x2f1: {  	v2 =	vld [tilespmem:s16+$0x18400]  }
0x2f2: {  	v3 =	vld [tilespmem:s16+$0x18410]  }
0x2f3: {  	v4 =	vld [tilespmem:s16+$0x183C0]  }
0x2f4: {  	v5 =	vld [tilespmem:s16+$0x183D0]  }
0x2f5: {  	v10 =	vld [tilespmem:s16+$0x18380]  }
0x2f6: {  	v8 =	vimm.f32 $0.0e+00;
	v11 =	vld [tilespmem:s16+$0x18390]  }
0x2f7: {  	s17 =	simm.s32 $0x400;
	v9 =	vimm.f32 $0.0e+00;
	v7 =	vimm.f32 $0.0e+00;
	v6 =	vimm.f32 $0.0e+00;
	v12 =	vld [tilespmem:s16+$0x183A0]  }
.LBB2_33:
0x2f8: {  	p0 =	sne.s32 s17, $0x6000;
	v13 =	vld [tilespmem:s16+$0x183B0]  }
0x2f9: {  	v14 =	vld [tilespmem:s16+$0x183E0]  }
0x2fa: {  	v15 =	vld [tilespmem:s16+$0x183F0]  }
0x2fb: {  	v16 =	vld [tilespmem:s16+$0x18420]  }
0x2fc: {  	v6 =	vadd.f32 v10, v6;
	v7 =	vadd.f32 v11, v7;
	v10 =	vld [tilespmem:s16+$0x18430]  }
0x2fd: {  	v9 =	vadd.f32 v12, v9;
	v8 =	vadd.f32 v13, v8;
	v11 =	vld [tilespmem:s16+$0x18460]  }
0x2fe: {  	v4 =	vadd.f32 v4, v6;
	v5 =	vadd.f32 v5, v7;
	v12 =	vld [tilespmem:s16+$0x18470];
	s16 =	sshra.s32 s17, $0x2  }
0x2ff: {  	v6 =	vadd.f32 v14, v9;
	v13 =	vld [tilespmem:s16+$0x18440];
	v7 =	vadd.f32 v15, v8  }
0x300: {  	v4 =	vadd.f32 v2, v4;
	v5 =	vadd.f32 v3, v5;
	v14 =	vld [tilespmem:s16+$0x18450]  }
0x301: {  	v8 =	vadd.f32 v16, v6;
	v2 =	vld [tilespmem:s16+$0x18400];
	v10 =	vadd.f32 v10, v7  }
0x302: {  	v6 =	vadd.f32 v0, v4;
	v7 =	vadd.f32 v1, v5;
	v3 =	vld [tilespmem:s16+$0x18410]  }
.Ltmp15:
0x303: {  	v9 =	vadd.f32 v11, v8;
	v4 =	vld [tilespmem:s16+$0x183C0];
	v8 =	vadd.f32 v12, v10;
	(pc) =	sbr.rel @p0 .LBB2_33-.Ltmp15, $4  }
0x304: {  	v5 =	vld [tilespmem:s16+$0x183D0];
	v0 =	vmov v13  }
0x305: {  	v10 =	vld [tilespmem:s16+$0x18380];
	v1 =	vmov v14  }
0x306: {  	v11 =	vld [tilespmem:s16+$0x18390]  }
0x307: {  	s17 =	sadd.s32 $0x400, s17;
	v12 =	vld [tilespmem:s16+$0x183A0]  }
0x308: {  	v13 =	vld [tilespmem:s16+$0x183B0]  }
0x309: {  	v14 =	vld [tilespmem:s16+$0x183E0]  }
0x30a: {  	v15 =	vld [tilespmem:s16+$0x183F0]  }
0x30b: {  	v16 =	vld [tilespmem:s16+$0x18420]  }
0x30c: {  	v56 =	vld [tilespmem:s16+$0x18430];
	v6 =	vadd.f32 v10, v6;
	v9 =	vadd.f32 v12, v9  }
0x30d: {  	v57 =	vld [tilespmem:s16+$0x18460];
	v7 =	vadd.f32 v11, v7;
	v8 =	vadd.f32 v13, v8  }
0x30e: {  	v58 =	vld [tilespmem:s16+$0x18470];
	v4 =	vadd.f32 v4, v6;
	v9 =	vadd.f32 v14, v9  }
0x30f: {  	v5 =	vadd.f32 v5, v7;
	v59 =	vadd.f32 v15, v8  }
0x310: {  	v2 =	vadd.f32 v2, v4;
	v60 =	vadd.f32 v16, v9  }
0x311: {  	s14 =	sadd.s32 $0x1, s14;
	v3 =	vadd.f32 v3, v5;
	v61 =	vadd.f32 v56, v59  }
0x312: {  	p0 =	sne.s32 s14, $0x20;
	v0 =	vadd.f32 v0, v2;
	v62 =	vadd.f32 v57, v60  }
.Ltmp16:
0x313: {  	v1 =	vadd.f32 v1, v3;
	v63 =	vadd.f32 v58, v61;
	(pc) =	sbr.rel @p0 .LBB2_2-.Ltmp16, $4  }
0x314: {  	v0 =	vadd.f32 v62, v0  }
0x315: {  	v1 =	vadd.f32 v63, v1  }
0x316: {  	[tilespmem:s15+$0x19E60] =	vst v0  }
0x317: {  	[tilespmem:s15+$0x19E70] =	vst v1  }
0x318: {  	s14 =	simm.s32 $0x0;
	s15 =	rddreg [dreg:$0x3];
	s16 =	simm.s32 $0x19C80  }
0x319: {  	[hbm4b:s15+s14] =	stream.linear.scatter [tilespmem:s16], [sflag:$0x3], $0x4000, $0x38;
	[tilespmem:$0x1DC80] =	vst v63  }
0x31a: {  	_ =	swait.ge [sflag:s10], $0x4000  }
0x31b: {  	s19 =	rddreg [dreg:$0x5]  }
0x31c: {  	s20 =	rddreg [dreg:$0x4];
	s16 =	sadd.s32 $0x1, s19  }
0x31d: {  	p0 =	sne.s32 s16, s20  }
.Ltmp17:
0x31e: {  	_ = 	snop;
	(pc) =	sbr.rel @p0 .LBB2_1-.Ltmp17, $3  }
0x31f: {  	_ =	sdelay $0x1  }
0x320: {  	[sflag:s10] =	ssyncset.done $0x0  }
0x321: {  	[sflag:s10] =	ssyncadd.s32 $0xFFFFC000  }
0x322: {  	_ =	sfence.sel $0x180000  }
0x323: {  	[bflag:$0x0] =	sbarrier.arrive $0xFFFF  }
0x324: {  	_ =	strace $0x90000047  }
0x325: {  	s0 =	stileid.u32;
	[bflag:$0x2] =	sbarrier.arrive $0xFFFF  }
0x326: {  	p0 =	sne.s32 s0, $0x0;
	s0 =	rddreg [dreg:$0x1]  }
0x327: {  	s0 =	sadd.s32 @!p0 $0x100000, s0  }
0x328: {  	[sflag:s0] =	ssyncadd.tile.s32 @!p0 $0x1;
	_ =	shalt  }
.Lfunc_end2:
_tile_overlayer_lowered:
.L_overlay_start_2:
0x329: {  	(tag) =	ssettag $0x2  }
0x32a: {  	s0 =	rddreg [dreg:$0x0];
	s2 =	stileid.u32  }
0x32b: {  	s1 =	rddreg [dreg:$0x1];
	p0 =	sne.s32 s2, $0x0  }
0x32c: {  	s3 =	rddreg [dreg:$0x2];
	[bflag:$0x3] =	sbarrier.arrive $0xFFFF;
	s2 =	simm.s32 @!p0 $0x1C03  }
0x32d: {  	[timem:s3], [sflag:s2] =	dma.local @!p0 [hbm:s0], s1  }
0x32e: {  	s0 =	simm.s32 @!p0 $0x3  }
0x32f: {  	_ =	swait.ge @!p0 [sflag:s0], s1  }
0x330: {  	s1 =	ssub.s32 @!p0 $0x0, s1;
	[sflag:s0] =	ssyncset.done @!p0 $0x0  }
0x331: {  	[sflag:s0] =	ssyncadd.s32 @!p0 s1  }
0x332: {  	[bflag:$0x3] =	sbarrier.arrive $0xFFFF  }
0x333: {  	_ =	shalt  }

</sc_bundles>
